<compile_context>
chip_gen: v7x
topology: tpu7x:2x2x1
jax: 0.10.2.dev20260603
libtpu: 0.0.44.dev20260713+nightly
codegen_flags: <defaults>
</compile_context>

<pallas_src>
import functools

import jax
import jax.numpy as jnp
from jax import lax
from jax.experimental import pallas as pl
from jax.experimental.pallas import tpu as pltpu
from jax.experimental.pallas import tpu_sc as plsc

DIM = 64
LANES = 16
CH = 256
NW = 32
SEQ = 200
NTOK = 4096 * SEQ
TPW = NTOK // NW
NCH = TPW // CH
IDROWS = TPW // 128


def _sc_embed_ln(ids_hbm, tok_hbm, comb_hbm, gam_hbm, bet_hbm, out_hbm,
                 ids_v, rows0, rows1, ybuf,
                 comb_v, gam_v, bet_v, mn_v, rs_v, gsem0, gsem1, osem):
    wid = lax.axis_index("s") * 2 + lax.axis_index("c")
    base_tok = wid * TPW

    pltpu.sync_copy(ids_hbm.at[pl.ds(wid * IDROWS, IDROWS)], ids_v)
    pltpu.sync_copy(comb_hbm, comb_v)
    pltpu.sync_copy(gam_hbm, gam_v)
    pltpu.sync_copy(bet_hbm, bet_v)

    iota = lax.iota(jnp.int32, LANES)

    def fire_gather(c, rows, sem):
        for j in range(CH // 128):
            pltpu.async_copy(tok_hbm.at[ids_v.at[c * (CH // 128) + j]],
                             rows.at[pl.ds(j * 128, 128)], sem)

    def wait_gather(rows, sem):
        pltpu.make_async_copy(tok_hbm.at[pl.ds(0, CH)], rows, sem).wait()

    def fire_store(c, sem):
        pltpu.async_copy(
            ybuf, out_hbm.at[pl.ds(base_tok + c * CH, CH), pl.ds(0, DIM)],
            sem)

    def wait_store(sem):
        pltpu.make_async_copy(
            ybuf, out_hbm.at[pl.ds(0, CH), pl.ds(0, DIM)], sem).wait()

    def lane_gather(vec, lidx):
        return lax.gather(
            vec, lidx[:, None],
            lax.GatherDimensionNumbers(offset_dims=(),
                                       collapsed_slice_dims=(0,),
                                       start_index_map=(0,)),
            (1,), mode=lax.GatherScatterMode.PROMISE_IN_BOUNDS)

    half = jnp.float32(0.5)
    threehalf = jnp.float32(1.5)
    inv_dim = jnp.float32(1.0 / DIM)
    zf = jnp.zeros((LANES,), jnp.float32)

    def pass1(c, rows):
        def group_body(g, _):
            row16 = g * LANES + iota
            loc = c * CH + row16
            ids16 = plsc.load_gather(ids_v, [loc // 128, loc % 128])
            flat = base_tok + loc
            l16 = flat % SEQ
            pos16 = jnp.where(ids16 == 0, 0, l16 + 1)

            U = 8

            def dbody(i, carry):
                ss = carry[:U]
                qs = carry[U:2 * U]
                dcol = carry[2 * U]
                cols = [dcol] + [(dcol + j) & (DIM - 1) for j in range(1, U)]
                toks = [plsc.load_gather(rows, [row16, col])
                        for col in cols]
                combs = [plsc.load_gather(comb_v, [pos16, col])
                         for col in cols]
                vs = [t + cm for t, cm in zip(toks, combs)]
                for col, v in zip(cols, vs):
                    plsc.store_scatter(rows, [row16, col], v)
                ss = tuple(s + v for s, v in zip(ss, vs))
                qs = tuple(q + v * v for q, v in zip(qs, vs))
                return ss + qs + ((dcol + U) & (DIM - 1),)

            carry = lax.fori_loop(0, DIM // U, dbody,
                                  (zf,) * (2 * U) + (iota,))
            ss = carry[:U]
            qs = carry[U:2 * U]
            s = ((ss[0] + ss[1]) + (ss[2] + ss[3])) + \
                ((ss[4] + ss[5]) + (ss[6] + ss[7]))
            q = ((qs[0] + qs[1]) + (qs[2] + qs[3])) + \
                ((qs[4] + qs[5]) + (qs[6] + qs[7]))
            mean = s * inv_dim
            var = q * inv_dim - mean * mean
            x = var + jnp.float32(1e-12)
            i = lax.bitcast_convert_type(x, jnp.int32)
            i = jnp.int32(0x5F3759DF) - (i >> 1)
            y = lax.bitcast_convert_type(i, jnp.float32)
            y = y * (threehalf - half * x * y * y)
            y = y * (threehalf - half * x * y * y)
            mn_v[pl.ds(g * LANES, LANES)] = mean
            rs_v[pl.ds(g * LANES, LANES)] = y
            return 0

        lax.fori_loop(0, CH // LANES, group_body, 0)

    def pass2(rows):
        gk = [gam_v[pl.ds(k * LANES, LANES)] for k in range(DIM // LANES)]
        bk = [bet_v[pl.ds(k * LANES, LANES)] for k in range(DIM // LANES)]

        def group_body(g, _):
            mean = mn_v[pl.ds(g * LANES, LANES)]
            rstd = rs_v[pl.ds(g * LANES, LANES)]
            t0 = g * LANES
            TB = 8
            for l in range(0, LANES, TB):
                bms = [lane_gather(mean, jnp.full((LANES,), l + j,
                                                  dtype=jnp.int32))
                       for j in range(TB)]
                brs = [lane_gather(rstd, jnp.full((LANES,), l + j,
                                                  dtype=jnp.int32))
                       for j in range(TB)]
                for k in range(DIM // LANES):
                    xs = [rows[t0 + l + j, pl.ds(k * LANES, LANES)]
                          for j in range(TB)]
                    ys = [((x - bm) * br) * gk[k] + bk[k]
                          for x, bm, br in zip(xs, bms, brs)]
                    for j in range(TB):
                        ybuf[t0 + l + j, pl.ds(k * LANES, LANES)] = ys[j]
            return 0

        lax.fori_loop(0, CH // LANES, group_body, 0)

    fire_gather(0, rows0, gsem0)

    def pair_body(p, _):
        c0 = p * 2
        c1 = c0 + 1
        wait_gather(rows0, gsem0)
        fire_gather(c1, rows1, gsem1)
        pass1(c0, rows0)

        @pl.when(p > 0)
        def _():
            wait_store(osem)

        pass2(rows0)
        fire_store(c0, osem)

        wait_gather(rows1, gsem1)

        @pl.when(p < NCH // 2 - 1)
        def _():
            fire_gather(c0 + 2, rows0, gsem0)

        pass1(c1, rows1)
        wait_store(osem)
        pass2(rows1)
        fire_store(c1, osem)
        return 0

    lax.fori_loop(0, NCH // 2, pair_body, 0)
    wait_store(osem)


@functools.partial(
    pl.kernel,
    mesh=plsc.VectorSubcoreMesh(core_axis_name="c", subcore_axis_name="s"),
    out_type=jax.ShapeDtypeStruct((NTOK, 128), jnp.float32),
    compiler_params=pltpu.CompilerParams(use_tc_tiling_on_sc=False,
                                        needs_layout_passes=False),
    scratch_types=[
        pltpu.VMEM((IDROWS, 128), jnp.int32),
        pltpu.VMEM((CH, 128), jnp.float32),
        pltpu.VMEM((CH, 128), jnp.float32),
        pltpu.VMEM((CH, DIM), jnp.float32),
        pltpu.VMEM((SEQ + 1, DIM), jnp.float32),
        pltpu.VMEM((DIM,), jnp.float32),
        pltpu.VMEM((DIM,), jnp.float32),
        pltpu.VMEM((CH,), jnp.float32),
        pltpu.VMEM((CH,), jnp.float32),
        pltpu.SemaphoreType.DMA,
        pltpu.SemaphoreType.DMA,
        pltpu.SemaphoreType.DMA,
    ],
)
def _sc_call(ids_hbm, tok_hbm, comb_hbm, gam_hbm, bet_hbm, out_hbm,
             ids_v, rows0, rows1, ybuf,
             comb_v, gam_v, bet_v, mn_v, rs_v, gsem0, gsem1, osem):
    _sc_embed_ln(ids_hbm, tok_hbm, comb_hbm, gam_hbm, bet_hbm, out_hbm,
                 ids_v, rows0, rows1, ybuf,
                 comb_v, gam_v, bet_v, mn_v, rs_v, gsem0, gsem1, osem)


def kernel(input_ids, tok_table, pos_table, type_table, gamma, beta):
    b, seq = input_ids.shape
    ids2d = input_ids.reshape(-1).reshape(NTOK // 128, 128)
    combined = jnp.concatenate(
        [(pos_table[0] + type_table[0])[None, :],
         pos_table[1:1 + seq] + type_table[1][None, :]], axis=0)
    tokp = jnp.pad(tok_table, ((0, 0), (0, 64)))
    out = _sc_call(ids2d, tokp, combined, gamma, beta)
    return out[:, :DIM].reshape(b, seq, DIM)

# --- scband reference (transcript-rebuilt; emitter-appended) ---
"""Pipeline reference for scband-embedding-23218593202678 (READ-ONLY COPY).

The authoritative reference and input builder live on the scoring server;
editing this copy changes nothing except your own understanding.
"""

import jax, jax.numpy as jnp
import numpy as np

VOCAB = 1000000
DIM = 64
MAXPOS = 512
NTYPES = 2
B = 4096
L = 200
PAD_IDX = 0
PAD_POS = 0
PAD_TYPE = 0
EPS = 1e-12


def _xavier_uniform(key, shape):
    fan_in, fan_out = shape[0], shape[1]
    limit = float(np.sqrt(6.0 / (fan_in + fan_out)))
    return jax.random.uniform(key, shape, dtype=jnp.float32, minval=-limit, maxval=limit)


def setup_inputs(seed: int = 0) -> dict:
    key = jax.random.key(seed)
    k1, k2, k3, k4 = jax.random.split(key, 4)
    input_ids = jax.random.randint(k1, (B, L), 0, VOCAB, dtype=jnp.int32)
    tok_table = _xavier_uniform(k2, (VOCAB, DIM))
    # module zeroes the padding row(s) of tok_emb (pad_idx == pad_position == pad_token_type == 0)
    tok_table = tok_table.at[PAD_IDX].set(0.0)
    pos_table = _xavier_uniform(k3, (MAXPOS, DIM))
    type_table = _xavier_uniform(k4, (NTYPES, DIM))
    gamma = jnp.ones((DIM,), dtype=jnp.float32)
    beta = jnp.zeros((DIM,), dtype=jnp.float32)
    return {"input_ids": input_ids, "tok_table": tok_table, "pos_table": pos_table,
            "type_table": type_table, "gamma": gamma, "beta": beta}


def reference(input_ids, tok_table, pos_table, type_table, gamma, beta):
    max_length = input_ids.shape[1]
    padding_mask = jnp.where(input_ids == PAD_IDX, 0, 1)
    position_ids = jnp.arange(max_length, dtype=jnp.int32) + 1
    position_ids = jnp.broadcast_to(position_ids[None, :], input_ids.shape)
    position_ids = jnp.where(padding_mask == 0, PAD_POS, position_ids)
    token_type_ids = jnp.ones_like(input_ids)
    token_type_ids = jnp.where(padding_mask == 0, PAD_TYPE, token_type_ids)
    tok_e = jnp.take(tok_table, input_ids, axis=0)
    pos_e = jnp.take(pos_table, position_ids, axis=0)
    typ_e = jnp.take(type_table, token_type_ids, axis=0)
    x = tok_e + pos_e + typ_e
    mean = jnp.mean(x, axis=-1, keepdims=True)
    var = jnp.mean(jnp.square(x - mean), axis=-1, keepdims=True)
    y = (x - mean) / jnp.sqrt(var + EPS)
    # dropout is identity in eval mode
    return y * gamma + beta

if __name__ == "__main__":
    import jax
    _d = setup_inputs()
    print(jax.jit(kernel)(*tuple(_d.values())))

</pallas_src>

<mosaic_0001>
#map = affine_map<(d0, d1) -> (0, 0)>
#map1 = affine_map<(d0, d1) -> (0)>
module attributes {stable_mosaic.version = 14 : i64} {
  func.func @_sc_call(%arg0: i32, %arg1: i32, %arg2: memref<6400x128xi32, #tpu.memory_space<hbm>>, %arg3: memref<1000000x128xf32, #tpu.memory_space<hbm>>, %arg4: memref<201x64xf32, #tpu.memory_space<hbm>>, %arg5: memref<64xf32, #tpu.memory_space<hbm>>, %arg6: memref<64xf32, #tpu.memory_space<hbm>>, %arg7: memref<819200x128xf32, #tpu.memory_space<hbm>>, %arg8: memref<200x128xi32, #tpu.memory_space<vmem>>, %arg9: memref<256x128xf32, #tpu.memory_space<vmem>>, %arg10: memref<256x128xf32, #tpu.memory_space<vmem>>, %arg11: memref<256x64xf32, #tpu.memory_space<vmem>>, %arg12: memref<201x64xf32, #tpu.memory_space<vmem>>, %arg13: memref<64xf32, #tpu.memory_space<vmem>>, %arg14: memref<64xf32, #tpu.memory_space<vmem>>, %arg15: memref<256xf32, #tpu.memory_space<vmem>>, %arg16: memref<256xf32, #tpu.memory_space<vmem>>, %arg17: memref<!tpu.dma_semaphore, #tpu.memory_space<semaphore_mem>>, %arg18: memref<!tpu.dma_semaphore, #tpu.memory_space<semaphore_mem>>, %arg19: memref<!tpu.dma_semaphore, #tpu.memory_space<semaphore_mem>>) attributes {dimension_semantics = [#tpu.dimension_semantics<core_parallel>, #tpu.dimension_semantics<subcore_parallel>], iteration_bounds = array<i64: 2, 16>, scalar_prefetch = 0 : i64, scratch_operands = 12 : i64, tpu.core_type = #tpu.core_type<sc_vector_subcore>, window_params = [{transform_indices = #map}, {transform_indices = #map}, {transform_indices = #map}, {transform_indices = #map1}, {transform_indices = #map1}, {transform_indices = #map}]} {
    %mul3A = arith.constant 2 : i32
    %mul3A_0 = arith.muli %arg1, %mul3A : i32
    %add3A = arith.addi %mul3A_0, %arg0 : i32
    %mul3A_1 = arith.constant 25600 : i32
    %mul3A_2 = arith.muli %add3A, %mul3A_1 : i32
    %mul3A_3 = arith.constant 200 : i32
    %mul3A_4 = arith.muli %add3A, %mul3A_3 : i32
    "tpu.region"() ({
      %run_scoped3A = tpu.sem_alloc : memref<!tpu.dma_semaphore, #tpu.memory_space<semaphore_mem>>
      %dma_start3A_39 = arith.constant 0 : i32
      %dma_start3A_40 = tpu.memref_slice %arg2[%mul3A_4, %dma_start3A_39] : memref<6400x128xi32, #tpu.memory_space<hbm>> -> memref<200x128xi32, #tpu.memory_space<hbm>>
      %dma_start3A_41 = arith.constant 0 : i32
      %dma_start3A_42 = tpu.memref_slice %arg2[%mul3A_4, %dma_start3A_41] : memref<6400x128xi32, #tpu.memory_space<hbm>> -> memref<200x128xi32, #tpu.memory_space<hbm>>
      tpu.enqueue_dma source(%dma_start3A_42 : memref<200x128xi32, #tpu.memory_space<hbm>>) target(%arg8 : memref<200x128xi32, #tpu.memory_space<vmem>>) target_semaphore(%run_scoped3A : memref<!tpu.dma_semaphore, #tpu.memory_space<semaphore_mem>>)
      %dma_wait3A_43 = arith.constant 0 : i32
      %dma_wait3A_44 = tpu.memref_slice %arg2[%mul3A_4, %dma_wait3A_43] : memref<6400x128xi32, #tpu.memory_space<hbm>> -> memref<200x128xi32, #tpu.memory_space<hbm>>
      %dma_wait3A_45 = arith.constant 0 : i32
      %dma_wait3A_46 = tpu.memref_slice %arg2[%mul3A_4, %dma_wait3A_45] : memref<6400x128xi32, #tpu.memory_space<hbm>> -> memref<200x128xi32, #tpu.memory_space<hbm>>
      tpu.wait_dma2 semaphore(%run_scoped3A : memref<!tpu.dma_semaphore, #tpu.memory_space<semaphore_mem>>) src(%dma_wait3A_46 : memref<200x128xi32, #tpu.memory_space<hbm>>) dst(%arg8 : memref<200x128xi32, #tpu.memory_space<vmem>>)
      tpu.yield
    }) : () -> ()
    "tpu.region"() ({
      %run_scoped3A = tpu.sem_alloc : memref<!tpu.dma_semaphore, #tpu.memory_space<semaphore_mem>>
      tpu.enqueue_dma source(%arg4 : memref<201x64xf32, #tpu.memory_space<hbm>>) target(%arg12 : memref<201x64xf32, #tpu.memory_space<vmem>>) target_semaphore(%run_scoped3A : memref<!tpu.dma_semaphore, #tpu.memory_space<semaphore_mem>>)
      tpu.wait_dma2 semaphore(%run_scoped3A : memref<!tpu.dma_semaphore, #tpu.memory_space<semaphore_mem>>) src(%arg4 : memref<201x64xf32, #tpu.memory_space<hbm>>) dst(%arg12 : memref<201x64xf32, #tpu.memory_space<vmem>>)
      tpu.yield
    }) : () -> ()
    "tpu.region"() ({
      %run_scoped3A = tpu.sem_alloc : memref<!tpu.dma_semaphore, #tpu.memory_space<semaphore_mem>>
      tpu.enqueue_dma source(%arg5 : memref<64xf32, #tpu.memory_space<hbm>>) target(%arg13 : memref<64xf32, #tpu.memory_space<vmem>>) target_semaphore(%run_scoped3A : memref<!tpu.dma_semaphore, #tpu.memory_space<semaphore_mem>>)
      tpu.wait_dma2 semaphore(%run_scoped3A : memref<!tpu.dma_semaphore, #tpu.memory_space<semaphore_mem>>) src(%arg5 : memref<64xf32, #tpu.memory_space<hbm>>) dst(%arg13 : memref<64xf32, #tpu.memory_space<vmem>>)
      tpu.yield
    }) : () -> ()
    "tpu.region"() ({
      %run_scoped3A = tpu.sem_alloc : memref<!tpu.dma_semaphore, #tpu.memory_space<semaphore_mem>>
      tpu.enqueue_dma source(%arg6 : memref<64xf32, #tpu.memory_space<hbm>>) target(%arg14 : memref<64xf32, #tpu.memory_space<vmem>>) target_semaphore(%run_scoped3A : memref<!tpu.dma_semaphore, #tpu.memory_space<semaphore_mem>>)
      tpu.wait_dma2 semaphore(%run_scoped3A : memref<!tpu.dma_semaphore, #tpu.memory_space<semaphore_mem>>) src(%arg6 : memref<64xf32, #tpu.memory_space<hbm>>) dst(%arg14 : memref<64xf32, #tpu.memory_space<vmem>>)
      tpu.yield
    }) : () -> ()
    %iota3A = tpu.iota {dimensions = array<i32: 0>} : vector<16xi32>
    %broadcast_in_dim3A = arith.constant 0.000000e+00 : f32
    %broadcast_in_dim3A_5 = vector.broadcast %broadcast_in_dim3A : f32 to vector<16xf32>
    %dma_start3A = arith.constant 0 : i32
    %dma_start3A_6 = arith.constant 0 : i32
    %dma_start3A_7 = arith.constant 0 : i32
    %dma_start3A_8 = tpu.memref_slice %arg9[%dma_start3A_6, %dma_start3A_7] : memref<256x128xf32, #tpu.memory_space<vmem>> -> memref<128x128xf32, #tpu.memory_space<vmem>>
    %dma_start3A_9 = arith.constant 0 : i32
    %dma_start3A_10 = tpu.memref_slice %arg8[%dma_start3A, %dma_start3A_9] : memref<200x128xi32, #tpu.memory_space<vmem>> -> memref<1x128xi32, #tpu.memory_space<vmem>>
    %dma_start3A_11 = tpu.memref_squeeze %dma_start3A_10 : memref<1x128xi32, #tpu.memory_space<vmem>> -> memref<128xi32, #tpu.memory_space<vmem>>
    %dma_start3A_12 = arith.constant 0 : i32
    %dma_start3A_13 = arith.constant 0 : i32
    %dma_start3A_14 = tpu.memref_slice %arg3[%dma_start3A_12, %dma_start3A_13] : memref<1000000x128xf32, #tpu.memory_space<hbm>> -> memref<1000000x128xf32, #tpu.memory_space<hbm>>
    tpu.enqueue_indirect_dma source(%dma_start3A_14 : memref<1000000x128xf32, #tpu.memory_space<hbm>>) target(%dma_start3A_8 : memref<128x128xf32, #tpu.memory_space<vmem>>) offsets(%dma_start3A_11 : memref<128xi32, #tpu.memory_space<vmem>>) semaphore(%arg17 : memref<!tpu.dma_semaphore, #tpu.memory_space<semaphore_mem>>)
    %dma_start3A_15 = arith.constant 1 : i32
    %dma_start3A_16 = arith.constant 128 : i32
    %dma_start3A_17 = arith.constant 0 : i32
    %dma_start3A_18 = tpu.memref_slice %arg9[%dma_start3A_16, %dma_start3A_17] : memref<256x128xf32, #tpu.memory_space<vmem>> -> memref<128x128xf32, #tpu.memory_space<vmem>>
    %dma_start3A_19 = arith.constant 0 : i32
    %dma_start3A_20 = tpu.memref_slice %arg8[%dma_start3A_15, %dma_start3A_19] : memref<200x128xi32, #tpu.memory_space<vmem>> -> memref<1x128xi32, #tpu.memory_space<vmem>>
    %dma_start3A_21 = tpu.memref_squeeze %dma_start3A_20 : memref<1x128xi32, #tpu.memory_space<vmem>> -> memref<128xi32, #tpu.memory_space<vmem>>
    %dma_start3A_22 = arith.constant 0 : i32
    %dma_start3A_23 = arith.constant 0 : i32
    %dma_start3A_24 = tpu.memref_slice %arg3[%dma_start3A_22, %dma_start3A_23] : memref<1000000x128xf32, #tpu.memory_space<hbm>> -> memref<1000000x128xf32, #tpu.memory_space<hbm>>
    tpu.enqueue_indirect_dma source(%dma_start3A_24 : memref<1000000x128xf32, #tpu.memory_space<hbm>>) target(%dma_start3A_18 : memref<128x128xf32, #tpu.memory_space<vmem>>) offsets(%dma_start3A_21 : memref<128xi32, #tpu.memory_space<vmem>>) semaphore(%arg17 : memref<!tpu.dma_semaphore, #tpu.memory_space<semaphore_mem>>)
    %scan3A = arith.constant 1.562500e-02 : f32
    %scan3A_25 = arith.constant 5.000000e-01 : f32
    %scan3A_26 = arith.constant 1.500000e+00 : f32
    %scan3A_27 = arith.constant 0 : i32
    %scan3A_28 = arith.constant 0 : i32
    %scan3A_29 = arith.constant 50 : i32
    %scan3A_30 = arith.addi %scan3A_28, %scan3A_29 : i32
    %scan3A_31 = arith.constant 1 : i32
    %scan3A_32 = scf.for %scan3A_39 = %scan3A_28 to %scan3A_30 step %scan3A_31 iter_args(%scan3A_40 = %scan3A_27) -> (i32)  : i32 {
      %mul3A_41 = arith.constant 2 : i32
      %mul3A_42 = arith.muli %scan3A_39, %mul3A_41 : i32
      %add3A_43 = arith.constant 1 : i32
      %add3A_44 = arith.addi %mul3A_42, %add3A_43 : i32
      %dma_wait3A_45 = arith.constant 0 : i32
      %dma_wait3A_46 = arith.constant 0 : i32
      %dma_wait3A_47 = tpu.memref_slice %arg3[%dma_wait3A_45, %dma_wait3A_46] : memref<1000000x128xf32, #tpu.memory_space<hbm>> -> memref<256x128xf32, #tpu.memory_space<hbm>>
      %dma_wait3A_48 = arith.constant 0 : i32
      %dma_wait3A_49 = arith.constant 0 : i32
      %dma_wait3A_50 = tpu.memref_slice %arg3[%dma_wait3A_48, %dma_wait3A_49] : memref<1000000x128xf32, #tpu.memory_space<hbm>> -> memref<256x128xf32, #tpu.memory_space<hbm>>
      tpu.wait_dma2 semaphore(%arg17 : memref<!tpu.dma_semaphore, #tpu.memory_space<semaphore_mem>>) src(%dma_wait3A_50 : memref<256x128xf32, #tpu.memory_space<hbm>>) dst(%arg9 : memref<256x128xf32, #tpu.memory_space<vmem>>)
      %mul3A_51 = arith.constant 2 : i32
      %mul3A_52 = arith.muli %add3A_44, %mul3A_51 : i32
      %add3A_53 = arith.constant 0 : i32
      %add3A_54 = arith.addi %mul3A_52, %add3A_53 : i32
      %dma_start3A_55 = arith.constant 0 : i32
      %dma_start3A_56 = arith.constant 0 : i32
      %dma_start3A_57 = tpu.memref_slice %arg10[%dma_start3A_55, %dma_start3A_56] : memref<256x128xf32, #tpu.memory_space<vmem>> -> memref<128x128xf32, #tpu.memory_space<vmem>>
      %dma_start3A_58 = arith.constant 0 : i32
      %dma_start3A_59 = tpu.memref_slice %arg8[%add3A_54, %dma_start3A_58] : memref<200x128xi32, #tpu.memory_space<vmem>> -> memref<1x128xi32, #tpu.memory_space<vmem>>
      %dma_start3A_60 = tpu.memref_squeeze %dma_start3A_59 : memref<1x128xi32, #tpu.memory_space<vmem>> -> memref<128xi32, #tpu.memory_space<vmem>>
      %dma_start3A_61 = arith.constant 0 : i32
      %dma_start3A_62 = arith.constant 0 : i32
      %dma_start3A_63 = tpu.memref_slice %arg3[%dma_start3A_61, %dma_start3A_62] : memref<1000000x128xf32, #tpu.memory_space<hbm>> -> memref<1000000x128xf32, #tpu.memory_space<hbm>>
      tpu.enqueue_indirect_dma source(%dma_start3A_63 : memref<1000000x128xf32, #tpu.memory_space<hbm>>) target(%dma_start3A_57 : memref<128x128xf32, #tpu.memory_space<vmem>>) offsets(%dma_start3A_60 : memref<128xi32, #tpu.memory_space<vmem>>) semaphore(%arg18 : memref<!tpu.dma_semaphore, #tpu.memory_space<semaphore_mem>>)
      %mul3A_64 = arith.constant 2 : i32
      %mul3A_65 = arith.muli %add3A_44, %mul3A_64 : i32
      %add3A_66 = arith.constant 1 : i32
      %add3A_67 = arith.addi %mul3A_65, %add3A_66 : i32
      %dma_start3A_68 = arith.constant 128 : i32
      %dma_start3A_69 = arith.constant 0 : i32
      %dma_start3A_70 = tpu.memref_slice %arg10[%dma_start3A_68, %dma_start3A_69] : memref<256x128xf32, #tpu.memory_space<vmem>> -> memref<128x128xf32, #tpu.memory_space<vmem>>
      %dma_start3A_71 = arith.constant 0 : i32
      %dma_start3A_72 = tpu.memref_slice %arg8[%add3A_67, %dma_start3A_71] : memref<200x128xi32, #tpu.memory_space<vmem>> -> memref<1x128xi32, #tpu.memory_space<vmem>>
      %dma_start3A_73 = tpu.memref_squeeze %dma_start3A_72 : memref<1x128xi32, #tpu.memory_space<vmem>> -> memref<128xi32, #tpu.memory_space<vmem>>
      %dma_start3A_74 = arith.constant 0 : i32
      %dma_start3A_75 = arith.constant 0 : i32
      %dma_start3A_76 = tpu.memref_slice %arg3[%dma_start3A_74, %dma_start3A_75] : memref<1000000x128xf32, #tpu.memory_space<hbm>> -> memref<1000000x128xf32, #tpu.memory_space<hbm>>
      tpu.enqueue_indirect_dma source(%dma_start3A_76 : memref<1000000x128xf32, #tpu.memory_space<hbm>>) target(%dma_start3A_70 : memref<128x128xf32, #tpu.memory_space<vmem>>) offsets(%dma_start3A_73 : memref<128xi32, #tpu.memory_space<vmem>>) semaphore(%arg18 : memref<!tpu.dma_semaphore, #tpu.memory_space<semaphore_mem>>)
      %scan3A_77 = arith.constant 0 : i32
      %scan3A_78 = arith.constant 0 : i32
      %scan3A_79 = arith.constant 16 : i32
      %scan3A_80 = arith.addi %scan3A_78, %scan3A_79 : i32
      %scan3A_81 = arith.constant 1 : i32
      %scan3A_82 = scf.for %scan3A_169 = %scan3A_78 to %scan3A_80 step %scan3A_81 iter_args(%scan3A_170 = %scan3A_77) -> (i32)  : i32 {
        %mul3A_171 = arith.constant 16 : i32
        %mul3A_172 = arith.muli %scan3A_169, %mul3A_171 : i32
        %add3A_173 = vector.broadcast %mul3A_172 : i32 to vector<16xi32>
        %add3A_174 = arith.addi %add3A_173, %iota3A : vector<16xi32>
        %mul3A_175 = arith.constant 256 : i32
        %mul3A_176 = arith.muli %mul3A_42, %mul3A_175 : i32
        %add3A_177 = vector.broadcast %mul3A_176 : i32 to vector<16xi32>
        %add3A_178 = arith.addi %add3A_177, %add3A_174 : vector<16xi32>
        %jit3A = arith.constant 128 : i32
        %div3A = vector.broadcast %jit3A : i32 to vector<16xi32>
        %div3A_179 = arith.divsi %add3A_178, %div3A : vector<16xi32>
        %sign3A = arith.constant 0 : i32
        %sign3A_180 = vector.broadcast %sign3A : i32 to vector<16xi32>
        %sign3A_181 = arith.cmpi sgt, %add3A_178, %sign3A_180 : vector<16xi32>
        %sign3A_182 = arith.extui %sign3A_181 : vector<16xi1> to vector<16xi32>
        %sign3A_183 = arith.constant 0 : i32
        %sign3A_184 = vector.broadcast %sign3A_183 : i32 to vector<16xi32>
        %sign3A_185 = arith.cmpi slt, %add3A_178, %sign3A_184 : vector<16xi32>
        %sign3A_186 = arith.extui %sign3A_185 : vector<16xi1> to vector<16xi32>
        %sign3A_187 = arith.subi %sign3A_182, %sign3A_186 : vector<16xi32>
        %sign3A_188 = arith.constant 0 : i32
        %sign3A_189 = arith.cmpi sgt, %jit3A, %sign3A_188 : i32
        %sign3A_190 = arith.extui %sign3A_189 : i1 to i32
        %sign3A_191 = arith.constant 0 : i32
        %sign3A_192 = arith.cmpi slt, %jit3A, %sign3A_191 : i32
        %sign3A_193 = arith.extui %sign3A_192 : i1 to i32
        %sign3A_194 = arith.subi %sign3A_190, %sign3A_193 : i32
        %ne3A = vector.broadcast %sign3A_194 : i32 to vector<16xi32>
        %ne3A_195 = arith.cmpi ne, %sign3A_187, %ne3A : vector<16xi32>
        %rem3A = vector.broadcast %jit3A : i32 to vector<16xi32>
        %rem3A_196 = arith.remsi %add3A_178, %rem3A : vector<16xi32>
        %ne3A_197 = arith.constant 0 : i32
        %ne3A_198 = vector.broadcast %ne3A_197 : i32 to vector<16xi32>
        %ne3A_199 = arith.cmpi ne, %rem3A_196, %ne3A_198 : vector<16xi32>
        %and3A = arith.andi %ne3A_195, %ne3A_199 : vector<16xi1>
        %sub3A = arith.constant 1 : i32
        %sub3A_200 = vector.broadcast %sub3A : i32 to vector<16xi32>
        %sub3A_201 = arith.subi %div3A_179, %sub3A_200 : vector<16xi32>
        %select_n3A = arith.select %and3A, %sub3A_201, %div3A_179 : vector<16xi1>, vector<16xi32>
        %jit3A_202 = arith.constant 128 : i32
        %eq3A = arith.constant 0 : i32
        %eq3A_203 = arith.cmpi eq, %jit3A_202, %eq3A : i32
        %jit3A_204 = arith.constant 1 : i32
        %select_n3A_205 = arith.select %eq3A_203, %jit3A_204, %jit3A_202 : i32
        %rem3A_206 = vector.broadcast %select_n3A_205 : i32 to vector<16xi32>
        %rem3A_207 = arith.remsi %add3A_178, %rem3A_206 : vector<16xi32>
        %ne3A_208 = arith.constant 0 : i32
        %ne3A_209 = vector.broadcast %ne3A_208 : i32 to vector<16xi32>
        %ne3A_210 = arith.cmpi ne, %rem3A_207, %ne3A_209 : vector<16xi32>
        %lt3A_211 = arith.constant 0 : i32
        %lt3A_212 = vector.broadcast %lt3A_211 : i32 to vector<16xi32>
        %lt3A_213 = arith.cmpi slt, %rem3A_207, %lt3A_212 : vector<16xi32>
        %lt3A_214 = arith.constant 0 : i32
        %lt3A_215 = arith.cmpi slt, %select_n3A_205, %lt3A_214 : i32
        %ne3A_216 = vector.broadcast %lt3A_215 : i1 to vector<16xi1>
        %ne3A_217 = vector.broadcast %ne3A_216 : vector<16xi1> to vector<16xi1>
        %ne3A_218 = arith.xori %lt3A_213, %ne3A_217 : vector<16xi1>
        %and3A_219 = arith.andi %ne3A_218, %ne3A_210 : vector<16xi1>
        %add3A_220 = vector.broadcast %select_n3A_205 : i32 to vector<16xi32>
        %add3A_221 = arith.addi %rem3A_207, %add3A_220 : vector<16xi32>
        %select_n3A_222 = arith.select %and3A_219, %add3A_221, %rem3A_207 : vector<16xi1>, vector<16xi32>
        %gather3A = tpu.vector_load_idx %arg8[%select_n3A, %select_n3A_222] : memref<200x128xi32, #tpu.memory_space<vmem>>[vector<16xi32>, vector<16xi32>], vector<16xi32>,
        %add3A_223 = vector.broadcast %mul3A_2 : i32 to vector<16xi32>
        %add3A_224 = arith.addi %add3A_223, %add3A_178 : vector<16xi32>
        %jit3A_225 = arith.constant 200 : i32
        %eq3A_226 = arith.constant 0 : i32
        %eq3A_227 = arith.cmpi eq, %jit3A_225, %eq3A_226 : i32
        %jit3A_228 = arith.constant 1 : i32
        %select_n3A_229 = arith.select %eq3A_227, %jit3A_228, %jit3A_225 : i32
        %rem3A_230 = vector.broadcast %select_n3A_229 : i32 to vector<16xi32>
        %rem3A_231 = arith.remsi %add3A_224, %rem3A_230 : vector<16xi32>
        %ne3A_232 = arith.constant 0 : i32
        %ne3A_233 = vector.broadcast %ne3A_232 : i32 to vector<16xi32>
        %ne3A_234 = arith.cmpi ne, %rem3A_231, %ne3A_233 : vector<16xi32>
        %lt3A_235 = arith.constant 0 : i32
        %lt3A_236 = vector.broadcast %lt3A_235 : i32 to vector<16xi32>
        %lt3A_237 = arith.cmpi slt, %rem3A_231, %lt3A_236 : vector<16xi32>
        %lt3A_238 = arith.constant 0 : i32
        %lt3A_239 = arith.cmpi slt, %select_n3A_229, %lt3A_238 : i32
        %ne3A_240 = vector.broadcast %lt3A_239 : i1 to vector<16xi1>
        %ne3A_241 = vector.broadcast %ne3A_240 : vector<16xi1> to vector<16xi1>
        %ne3A_242 = arith.xori %lt3A_237, %ne3A_241 : vector<16xi1>
        %and3A_243 = arith.andi %ne3A_242, %ne3A_234 : vector<16xi1>
        %add3A_244 = vector.broadcast %select_n3A_229 : i32 to vector<16xi32>
        %add3A_245 = arith.addi %rem3A_231, %add3A_244 : vector<16xi32>
        %select_n3A_246 = arith.select %and3A_243, %add3A_245, %rem3A_231 : vector<16xi1>, vector<16xi32>
        %eq3A_247 = arith.constant 0 : i32
        %eq3A_248 = vector.broadcast %eq3A_247 : i32 to vector<16xi32>
        %eq3A_249 = arith.cmpi eq, %gather3A, %eq3A_248 : vector<16xi32>
        %add3A_250 = arith.constant 1 : i32
        %add3A_251 = vector.broadcast %add3A_250 : i32 to vector<16xi32>
        %add3A_252 = arith.addi %select_n3A_246, %add3A_251 : vector<16xi32>
        %jit3A_253 = arith.constant 0 : i32
        %broadcast_in_dim3A_254 = vector.broadcast %jit3A_253 : i32 to vector<16xi32>
        %select_n3A_255 = arith.select %eq3A_249, %broadcast_in_dim3A_254, %add3A_252 : vector<16xi1>, vector<16xi32>
        %scan3A_256 = arith.constant 0 : i32
        %scan3A_257 = arith.constant 8 : i32
        %scan3A_258 = arith.addi %scan3A_256, %scan3A_257 : i32
        %scan3A_259 = arith.constant 1 : i32
        %scan3A_260:17 = scf.for %scan3A_313 = %scan3A_256 to %scan3A_258 step %scan3A_259 iter_args(%scan3A_314 = %broadcast_in_dim3A_5, %scan3A_315 = %broadcast_in_dim3A_5, %scan3A_316 = %broadcast_in_dim3A_5, %scan3A_317 = %broadcast_in_dim3A_5, %scan3A_318 = %broadcast_in_dim3A_5, %scan3A_319 = %broadcast_in_dim3A_5, %scan3A_320 = %broadcast_in_dim3A_5, %scan3A_321 = %broadcast_in_dim3A_5, %scan3A_322 = %broadcast_in_dim3A_5, %scan3A_323 = %broadcast_in_dim3A_5, %scan3A_324 = %broadcast_in_dim3A_5, %scan3A_325 = %broadcast_in_dim3A_5, %scan3A_326 = %broadcast_in_dim3A_5, %scan3A_327 = %broadcast_in_dim3A_5, %scan3A_328 = %broadcast_in_dim3A_5, %scan3A_329 = %broadcast_in_dim3A_5, %scan3A_330 = %iota3A) -> (vector<16xf32>, vector<16xf32>, vector<16xf32>, vector<16xf32>, vector<16xf32>, vector<16xf32>, vector<16xf32>, vector<16xf32>, vector<16xf32>, vector<16xf32>, vector<16xf32>, vector<16xf32>, vector<16xf32>, vector<16xf32>, vector<16xf32>, vector<16xf32>, vector<16xi32>)  : i32 {
          %add3A_331 = arith.constant 1 : i32
          %add3A_332 = vector.broadcast %add3A_331 : i32 to vector<16xi32>
          %add3A_333 = arith.addi %scan3A_330, %add3A_332 : vector<16xi32>
          %and3A_334 = arith.constant 63 : i32
          %and3A_335 = vector.broadcast %and3A_334 : i32 to vector<16xi32>
          %and3A_336 = arith.andi %add3A_333, %and3A_335 : vector<16xi32>
          %add3A_337 = arith.constant 2 : i32
          %add3A_338 = vector.broadcast %add3A_337 : i32 to vector<16xi32>
          %add3A_339 = arith.addi %scan3A_330, %add3A_338 : vector<16xi32>
          %and3A_340 = arith.constant 63 : i32
          %and3A_341 = vector.broadcast %and3A_340 : i32 to vector<16xi32>
          %and3A_342 = arith.andi %add3A_339, %and3A_341 : vector<16xi32>
          %add3A_343 = arith.constant 3 : i32
          %add3A_344 = vector.broadcast %add3A_343 : i32 to vector<16xi32>
          %add3A_345 = arith.addi %scan3A_330, %add3A_344 : vector<16xi32>
          %and3A_346 = arith.constant 63 : i32
          %and3A_347 = vector.broadcast %and3A_346 : i32 to vector<16xi32>
          %and3A_348 = arith.andi %add3A_345, %and3A_347 : vector<16xi32>
          %add3A_349 = arith.constant 4 : i32
          %add3A_350 = vector.broadcast %add3A_349 : i32 to vector<16xi32>
          %add3A_351 = arith.addi %scan3A_330, %add3A_350 : vector<16xi32>
          %and3A_352 = arith.constant 63 : i32
          %and3A_353 = vector.broadcast %and3A_352 : i32 to vector<16xi32>
          %and3A_354 = arith.andi %add3A_351, %and3A_353 : vector<16xi32>
          %add3A_355 = arith.constant 5 : i32
          %add3A_356 = vector.broadcast %add3A_355 : i32 to vector<16xi32>
          %add3A_357 = arith.addi %scan3A_330, %add3A_356 : vector<16xi32>
          %and3A_358 = arith.constant 63 : i32
          %and3A_359 = vector.broadcast %and3A_358 : i32 to vector<16xi32>
          %and3A_360 = arith.andi %add3A_357, %and3A_359 : vector<16xi32>
          %add3A_361 = arith.constant 6 : i32
          %add3A_362 = vector.broadcast %add3A_361 : i32 to vector<16xi32>
          %add3A_363 = arith.addi %scan3A_330, %add3A_362 : vector<16xi32>
          %and3A_364 = arith.constant 63 : i32
          %and3A_365 = vector.broadcast %and3A_364 : i32 to vector<16xi32>
          %and3A_366 = arith.andi %add3A_363, %and3A_365 : vector<16xi32>
          %add3A_367 = arith.constant 7 : i32
          %add3A_368 = vector.broadcast %add3A_367 : i32 to vector<16xi32>
          %add3A_369 = arith.addi %scan3A_330, %add3A_368 : vector<16xi32>
          %and3A_370 = arith.constant 63 : i32
          %and3A_371 = vector.broadcast %and3A_370 : i32 to vector<16xi32>
          %and3A_372 = arith.andi %add3A_369, %and3A_371 : vector<16xi32>
          %gather3A_373 = tpu.vector_load_idx %arg9[%add3A_174, %scan3A_330] : memref<256x128xf32, #tpu.memory_space<vmem>>[vector<16xi32>, vector<16xi32>], vector<16xf32>,
          %gather3A_374 = tpu.vector_load_idx %arg9[%add3A_174, %and3A_336] : memref<256x128xf32, #tpu.memory_space<vmem>>[vector<16xi32>, vector<16xi32>], vector<16xf32>,
          %gather3A_375 = tpu.vector_load_idx %arg9[%add3A_174, %and3A_342] : memref<256x128xf32, #tpu.memory_space<vmem>>[vector<16xi32>, vector<16xi32>], vector<16xf32>,
          %gather3A_376 = tpu.vector_load_idx %arg9[%add3A_174, %and3A_348] : memref<256x128xf32, #tpu.memory_space<vmem>>[vector<16xi32>, vector<16xi32>], vector<16xf32>,
          %gather3A_377 = tpu.vector_load_idx %arg9[%add3A_174, %and3A_354] : memref<256x128xf32, #tpu.memory_space<vmem>>[vector<16xi32>, vector<16xi32>], vector<16xf32>,
          %gather3A_378 = tpu.vector_load_idx %arg9[%add3A_174, %and3A_360] : memref<256x128xf32, #tpu.memory_space<vmem>>[vector<16xi32>, vector<16xi32>], vector<16xf32>,
          %gather3A_379 = tpu.vector_load_idx %arg9[%add3A_174, %and3A_366] : memref<256x128xf32, #tpu.memory_space<vmem>>[vector<16xi32>, vector<16xi32>], vector<16xf32>,
          %gather3A_380 = tpu.vector_load_idx %arg9[%add3A_174, %and3A_372] : memref<256x128xf32, #tpu.memory_space<vmem>>[vector<16xi32>, vector<16xi32>], vector<16xf32>,
          %gather3A_381 = tpu.vector_load_idx %arg12[%select_n3A_255, %scan3A_330] : memref<201x64xf32, #tpu.memory_space<vmem>>[vector<16xi32>, vector<16xi32>], vector<16xf32>,
          %gather3A_382 = tpu.vector_load_idx %arg12[%select_n3A_255, %and3A_336] : memref<201x64xf32, #tpu.memory_space<vmem>>[vector<16xi32>, vector<16xi32>], vector<16xf32>,
          %gather3A_383 = tpu.vector_load_idx %arg12[%select_n3A_255, %and3A_342] : memref<201x64xf32, #tpu.memory_space<vmem>>[vector<16xi32>, vector<16xi32>], vector<16xf32>,
          %gather3A_384 = tpu.vector_load_idx %arg12[%select_n3A_255, %and3A_348] : memref<201x64xf32, #tpu.memory_space<vmem>>[vector<16xi32>, vector<16xi32>], vector<16xf32>,
          %gather3A_385 = tpu.vector_load_idx %arg12[%select_n3A_255, %and3A_354] : memref<201x64xf32, #tpu.memory_space<vmem>>[vector<16xi32>, vector<16xi32>], vector<16xf32>,
          %gather3A_386 = tpu.vector_load_idx %arg12[%select_n3A_255, %and3A_360] : memref<201x64xf32, #tpu.memory_space<vmem>>[vector<16xi32>, vector<16xi32>], vector<16xf32>,
          %gather3A_387 = tpu.vector_load_idx %arg12[%select_n3A_255, %and3A_366] : memref<201x64xf32, #tpu.memory_space<vmem>>[vector<16xi32>, vector<16xi32>], vector<16xf32>,
          %gather3A_388 = tpu.vector_load_idx %arg12[%select_n3A_255, %and3A_372] : memref<201x64xf32, #tpu.memory_space<vmem>>[vector<16xi32>, vector<16xi32>], vector<16xf32>,
          %add3A_389 = arith.addf %gather3A_373, %gather3A_381 : vector<16xf32>
          %add3A_390 = arith.addf %gather3A_374, %gather3A_382 : vector<16xf32>
          %add3A_391 = arith.addf %gather3A_375, %gather3A_383 : vector<16xf32>
          %add3A_392 = arith.addf %gather3A_376, %gather3A_384 : vector<16xf32>
          %add3A_393 = arith.addf %gather3A_377, %gather3A_385 : vector<16xf32>
          %add3A_394 = arith.addf %gather3A_378, %gather3A_386 : vector<16xf32>
          %add3A_395 = arith.addf %gather3A_379, %gather3A_387 : vector<16xf32>
          %add3A_396 = arith.addf %gather3A_380, %gather3A_388 : vector<16xf32>
          tpu.vector_store_idx %arg9[%add3A_174, %scan3A_330], %add3A_389 : memref<256x128xf32, #tpu.memory_space<vmem>>[vector<16xi32>, vector<16xi32>], vector<16xf32>,
          tpu.vector_store_idx %arg9[%add3A_174, %and3A_336], %add3A_390 : memref<256x128xf32, #tpu.memory_space<vmem>>[vector<16xi32>, vector<16xi32>], vector<16xf32>,
          tpu.vector_store_idx %arg9[%add3A_174, %and3A_342], %add3A_391 : memref<256x128xf32, #tpu.memory_space<vmem>>[vector<16xi32>, vector<16xi32>], vector<16xf32>,
          tpu.vector_store_idx %arg9[%add3A_174, %and3A_348], %add3A_392 : memref<256x128xf32, #tpu.memory_space<vmem>>[vector<16xi32>, vector<16xi32>], vector<16xf32>,
          tpu.vector_store_idx %arg9[%add3A_174, %and3A_354], %add3A_393 : memref<256x128xf32, #tpu.memory_space<vmem>>[vector<16xi32>, vector<16xi32>], vector<16xf32>,
          tpu.vector_store_idx %arg9[%add3A_174, %and3A_360], %add3A_394 : memref<256x128xf32, #tpu.memory_space<vmem>>[vector<16xi32>, vector<16xi32>], vector<16xf32>,
          tpu.vector_store_idx %arg9[%add3A_174, %and3A_366], %add3A_395 : memref<256x128xf32, #tpu.memory_space<vmem>>[vector<16xi32>, vector<16xi32>], vector<16xf32>,
          tpu.vector_store_idx %arg9[%add3A_174, %and3A_372], %add3A_396 : memref<256x128xf32, #tpu.memory_space<vmem>>[vector<16xi32>, vector<16xi32>], vector<16xf32>,
          %add3A_397 = arith.addf %scan3A_314, %add3A_389 : vector<16xf32>
          %add3A_398 = arith.addf %scan3A_315, %add3A_390 : vector<16xf32>
          %add3A_399 = arith.addf %scan3A_316, %add3A_391 : vector<16xf32>
          %add3A_400 = arith.addf %scan3A_317, %add3A_392 : vector<16xf32>
          %add3A_401 = arith.addf %scan3A_318, %add3A_393 : vector<16xf32>
          %add3A_402 = arith.addf %scan3A_319, %add3A_394 : vector<16xf32>
          %add3A_403 = arith.addf %scan3A_320, %add3A_395 : vector<16xf32>
          %add3A_404 = arith.addf %scan3A_321, %add3A_396 : vector<16xf32>
          %mul3A_405 = arith.mulf %add3A_389, %add3A_389 : vector<16xf32>
          %add3A_406 = arith.addf %scan3A_322, %mul3A_405 : vector<16xf32>
          %mul3A_407 = arith.mulf %add3A_390, %add3A_390 : vector<16xf32>
          %add3A_408 = arith.addf %scan3A_323, %mul3A_407 : vector<16xf32>
          %mul3A_409 = arith.mulf %add3A_391, %add3A_391 : vector<16xf32>
          %add3A_410 = arith.addf %scan3A_324, %mul3A_409 : vector<16xf32>
          %mul3A_411 = arith.mulf %add3A_392, %add3A_392 : vector<16xf32>
          %add3A_412 = arith.addf %scan3A_325, %mul3A_411 : vector<16xf32>
          %mul3A_413 = arith.mulf %add3A_393, %add3A_393 : vector<16xf32>
          %add3A_414 = arith.addf %scan3A_326, %mul3A_413 : vector<16xf32>
          %mul3A_415 = arith.mulf %add3A_394, %add3A_394 : vector<16xf32>
          %add3A_416 = arith.addf %scan3A_327, %mul3A_415 : vector<16xf32>
          %mul3A_417 = arith.mulf %add3A_395, %add3A_395 : vector<16xf32>
          %add3A_418 = arith.addf %scan3A_328, %mul3A_417 : vector<16xf32>
          %mul3A_419 = arith.mulf %add3A_396, %add3A_396 : vector<16xf32>
          %add3A_420 = arith.addf %scan3A_329, %mul3A_419 : vector<16xf32>
          %add3A_421 = arith.constant 8 : i32
          %add3A_422 = vector.broadcast %add3A_421 : i32 to vector<16xi32>
          %add3A_423 = arith.addi %scan3A_330, %add3A_422 : vector<16xi32>
          %and3A_424 = arith.constant 63 : i32
          %and3A_425 = vector.broadcast %and3A_424 : i32 to vector<16xi32>
          %and3A_426 = arith.andi %add3A_423, %and3A_425 : vector<16xi32>
          scf.yield %add3A_397, %add3A_398, %add3A_399, %add3A_400, %add3A_401, %add3A_402, %add3A_403, %add3A_404, %add3A_406, %add3A_408, %add3A_410, %add3A_412, %add3A_414, %add3A_416, %add3A_418, %add3A_420, %and3A_426 : vector<16xf32>, vector<16xf32>, vector<16xf32>, vector<16xf32>, vector<16xf32>, vector<16xf32>, vector<16xf32>, vector<16xf32>, vector<16xf32>, vector<16xf32>, vector<16xf32>, vector<16xf32>, vector<16xf32>, vector<16xf32>, vector<16xf32>, vector<16xf32>, vector<16xi32>
        }
        %scan3A_261 = arith.constant 8 : i32
        %add3A_262 = arith.addf %scan3A_260#0, %scan3A_260#1 : vector<16xf32>
        %add3A_263 = arith.addf %scan3A_260#2, %scan3A_260#3 : vector<16xf32>
        %add3A_264 = arith.addf %add3A_262, %add3A_263 : vector<16xf32>
        %add3A_265 = arith.addf %scan3A_260#4, %scan3A_260#5 : vector<16xf32>
        %add3A_266 = arith.addf %scan3A_260#6, %scan3A_260#7 : vector<16xf32>
        %add3A_267 = arith.addf %add3A_265, %add3A_266 : vector<16xf32>
        %add3A_268 = arith.addf %add3A_264, %add3A_267 : vector<16xf32>
        %add3A_269 = arith.addf %scan3A_260#8, %scan3A_260#9 : vector<16xf32>
        %add3A_270 = arith.addf %scan3A_260#10, %scan3A_260#11 : vector<16xf32>
        %add3A_271 = arith.addf %add3A_269, %add3A_270 : vector<16xf32>
        %add3A_272 = arith.addf %scan3A_260#12, %scan3A_260#13 : vector<16xf32>
        %add3A_273 = arith.addf %scan3A_260#14, %scan3A_260#15 : vector<16xf32>
        %add3A_274 = arith.addf %add3A_272, %add3A_273 : vector<16xf32>
        %add3A_275 = arith.addf %add3A_271, %add3A_274 : vector<16xf32>
        %mul3A_276 = vector.broadcast %scan3A : f32 to vector<16xf32>
        %mul3A_277 = arith.mulf %add3A_268, %mul3A_276 : vector<16xf32>
        %mul3A_278 = vector.broadcast %scan3A : f32 to vector<16xf32>
        %mul3A_279 = arith.mulf %add3A_275, %mul3A_278 : vector<16xf32>
        %mul3A_280 = arith.mulf %mul3A_277, %mul3A_277 : vector<16xf32>
        %sub3A_281 = arith.subf %mul3A_279, %mul3A_280 : vector<16xf32>
        %add3A_282 = arith.constant 9.99999996E-13 : f32
        %add3A_283 = vector.broadcast %add3A_282 : f32 to vector<16xf32>
        %add3A_284 = arith.addf %sub3A_281, %add3A_283 : vector<16xf32>
        %bitcast_convert_type3A = tpu.bitcast %add3A_284 : vector<16xf32> -> vector<16xi32>
        %shift_right_arithmetic3A = arith.constant 1 : i32
        %shift_right_arithmetic3A_285 = vector.broadcast %shift_right_arithmetic3A : i32 to vector<16xi32>
        %shift_right_arithmetic3A_286 = arith.shrsi %bitcast_convert_type3A, %shift_right_arithmetic3A_285 : vector<16xi32>
        %sub3A_287 = arith.constant 1597463007 : i32
        %sub3A_288 = vector.broadcast %sub3A_287 : i32 to vector<16xi32>
        %sub3A_289 = arith.subi %sub3A_288, %shift_right_arithmetic3A_286 : vector<16xi32>
        %bitcast_convert_type3A_290 = tpu.bitcast %sub3A_289 : vector<16xi32> -> vector<16xf32>
        %mul3A_291 = vector.broadcast %scan3A_25 : f32 to vector<16xf32>
        %mul3A_292 = arith.mulf %mul3A_291, %add3A_284 : vector<16xf32>
        %mul3A_293 = arith.mulf %mul3A_292, %bitcast_convert_type3A_290 : vector<16xf32>
        %mul3A_294 = arith.mulf %mul3A_293, %bitcast_convert_type3A_290 : vector<16xf32>
        %sub3A_295 = vector.broadcast %scan3A_26 : f32 to vector<16xf32>
        %sub3A_296 = arith.subf %sub3A_295, %mul3A_294 : vector<16xf32>
        %mul3A_297 = arith.mulf %bitcast_convert_type3A_290, %sub3A_296 : vector<16xf32>
        %mul3A_298 = vector.broadcast %scan3A_25 : f32 to vector<16xf32>
        %mul3A_299 = arith.mulf %mul3A_298, %add3A_284 : vector<16xf32>
        %mul3A_300 = arith.mulf %mul3A_299, %mul3A_297 : vector<16xf32>
        %mul3A_301 = arith.mulf %mul3A_300, %mul3A_297 : vector<16xf32>
        %sub3A_302 = vector.broadcast %scan3A_26 : f32 to vector<16xf32>
        %sub3A_303 = arith.subf %sub3A_302, %mul3A_301 : vector<16xf32>
        %mul3A_304 = arith.mulf %mul3A_297, %sub3A_303 : vector<16xf32>
        %mul3A_305 = arith.constant 16 : i32
        %mul3A_306 = arith.muli %scan3A_169, %mul3A_305 : i32
        %swap3A = arith.index_cast %mul3A_306 : i32 to index
        %swap3A_307 = tpu.vector_load %arg15[%swap3A] {strides = array<i32>} : memref<256xf32, #tpu.memory_space<vmem>>, vector<16xf32>,
        tpu.vector_store %arg15[%swap3A], %mul3A_277 {strides = array<i32>} : memref<256xf32, #tpu.memory_space<vmem>>, vector<16xf32>,
        %mul3A_308 = arith.constant 16 : i32
        %mul3A_309 = arith.muli %scan3A_169, %mul3A_308 : i32
        %swap3A_310 = arith.index_cast %mul3A_309 : i32 to index
        %swap3A_311 = tpu.vector_load %arg16[%swap3A_310] {strides = array<i32>} : memref<256xf32, #tpu.memory_space<vmem>>, vector<16xf32>,
        tpu.vector_store %arg16[%swap3A_310], %mul3A_304 {strides = array<i32>} : memref<256xf32, #tpu.memory_space<vmem>>, vector<16xf32>,
        %scan3A_312 = arith.constant 0 : i32
        scf.yield %scan3A_312 : i32
      }
      %scan3A_83 = arith.constant 16 : i32
      %gt3A = arith.constant 0 : i32
      %gt3A_84 = arith.cmpi sgt, %scan3A_39, %gt3A : i32
      %convert_element_type3A = arith.extui %gt3A_84 : i1 to i32
      %cond3A = arith.constant 0 : i32
      %cond3A_85 = arith.cmpi ne, %convert_element_type3A, %cond3A : i32
      scf.if %cond3A_85 {
        %dma_wait3A_169 = arith.constant 0 : i32
        %dma_wait3A_170 = arith.constant 0 : i32
        %dma_wait3A_171 = tpu.memref_slice %arg7[%dma_wait3A_169, %dma_wait3A_170] : memref<819200x128xf32, #tpu.memory_space<hbm>> -> memref<256x64xf32, #tpu.memory_space<hbm>>
        %dma_wait3A_172 = arith.constant 0 : i32
        %dma_wait3A_173 = arith.constant 0 : i32
        %dma_wait3A_174 = tpu.memref_slice %arg7[%dma_wait3A_172, %dma_wait3A_173] : memref<819200x128xf32, #tpu.memory_space<hbm>> -> memref<256x64xf32, #tpu.memory_space<hbm>>
        tpu.wait_dma2 semaphore(%arg19 : memref<!tpu.dma_semaphore, #tpu.memory_space<semaphore_mem>>) src(%arg11 : memref<256x64xf32, #tpu.memory_space<vmem>>) dst(%dma_wait3A_174 : memref<256x64xf32, #tpu.memory_space<hbm>>)
      } else {
      }
      %get3A = arith.constant 0 : index
      %get3A_86 = tpu.vector_load %arg13[%get3A] {strides = array<i32>} : memref<64xf32, #tpu.memory_space<vmem>>, vector<16xf32>,
      %get3A_87 = arith.constant 16 : index
      %get3A_88 = tpu.vector_load %arg13[%get3A_87] {strides = array<i32>} : memref<64xf32, #tpu.memory_space<vmem>>, vector<16xf32>,
      %get3A_89 = arith.constant 32 : index
      %get3A_90 = tpu.vector_load %arg13[%get3A_89] {strides = array<i32>} : memref<64xf32, #tpu.memory_space<vmem>>, vector<16xf32>,
      %get3A_91 = arith.constant 48 : index
      %get3A_92 = tpu.vector_load %arg13[%get3A_91] {strides = array<i32>} : memref<64xf32, #tpu.memory_space<vmem>>, vector<16xf32>,
      %get3A_93 = arith.constant 0 : index
      %get3A_94 = tpu.vector_load %arg14[%get3A_93] {strides = array<i32>} : memref<64xf32, #tpu.memory_space<vmem>>, vector<16xf32>,
      %get3A_95 = arith.constant 16 : index
      %get3A_96 = tpu.vector_load %arg14[%get3A_95] {strides = array<i32>} : memref<64xf32, #tpu.memory_space<vmem>>, vector<16xf32>,
      %get3A_97 = arith.constant 32 : index
      %get3A_98 = tpu.vector_load %arg14[%get3A_97] {strides = array<i32>} : memref<64xf32, #tpu.memory_space<vmem>>, vector<16xf32>,
      %get3A_99 = arith.constant 48 : index
      %get3A_100 = tpu.vector_load %arg14[%get3A_99] {strides = array<i32>} : memref<64xf32, #tpu.memory_space<vmem>>, vector<16xf32>,
      %scan3A_101 = arith.constant 0 : i32
      %scan3A_102 = arith.constant 0 : i32
      %scan3A_103 = arith.constant 16 : i32
      %scan3A_104 = arith.addi %scan3A_102, %scan3A_103 : i32
      %scan3A_105 = arith.constant 1 : i32
      %scan3A_106 = scf.for %scan3A_169 = %scan3A_102 to %scan3A_104 step %scan3A_105 iter_args(%scan3A_170 = %scan3A_101) -> (i32)  : i32 {
        %mul3A_171 = arith.constant 16 : i32
        %mul3A_172 = arith.muli %scan3A_169, %mul3A_171 : i32
        %get3A_173 = arith.index_cast %mul3A_172 : i32 to index
        %get3A_174 = tpu.vector_load %arg15[%get3A_173] {strides = array<i32>} : memref<256xf32, #tpu.memory_space<vmem>>, vector<16xf32>,
        %mul3A_175 = arith.constant 16 : i32
        %mul3A_176 = arith.muli %scan3A_169, %mul3A_175 : i32
        %get3A_177 = arith.index_cast %mul3A_176 : i32 to index
        %get3A_178 = tpu.vector_load %arg16[%get3A_177] {strides = array<i32>} : memref<256xf32, #tpu.memory_space<vmem>>, vector<16xf32>,
        %mul3A_179 = arith.constant 16 : i32
        %mul3A_180 = arith.muli %scan3A_169, %mul3A_179 : i32
        %broadcast_in_dim3A_181 = arith.constant 0 : i32
        %broadcast_in_dim3A_182 = vector.broadcast %broadcast_in_dim3A_181 : i32 to vector<16xi32>
        %broadcast_in_dim3A_183 = vector.shape_cast %broadcast_in_dim3A_182 : vector<16xi32> to vector<16x1xi32>
        %gather3A = vector.shape_cast %broadcast_in_dim3A_183 : vector<16x1xi32> to vector<16xi32>
        %gather3A_184 = tpu.dynamic_gather %get3A_174[%gather3A] in [0] : vector<16xf32>, vector<16xi32> -> vector<16xf32>
        %broadcast_in_dim3A_185 = arith.constant 1 : i32
        %broadcast_in_dim3A_186 = vector.broadcast %broadcast_in_dim3A_185 : i32 to vector<16xi32>
        %broadcast_in_dim3A_187 = vector.shape_cast %broadcast_in_dim3A_186 : vector<16xi32> to vector<16x1xi32>
        %gather3A_188 = vector.shape_cast %broadcast_in_dim3A_187 : vector<16x1xi32> to vector<16xi32>
        %gather3A_189 = tpu.dynamic_gather %get3A_174[%gather3A_188] in [0] : vector<16xf32>, vector<16xi32> -> vector<16xf32>
        %broadcast_in_dim3A_190 = arith.constant 2 : i32
        %broadcast_in_dim3A_191 = vector.broadcast %broadcast_in_dim3A_190 : i32 to vector<16xi32>
        %broadcast_in_dim3A_192 = vector.shape_cast %broadcast_in_dim3A_191 : vector<16xi32> to vector<16x1xi32>
        %gather3A_193 = vector.shape_cast %broadcast_in_dim3A_192 : vector<16x1xi32> to vector<16xi32>
        %gather3A_194 = tpu.dynamic_gather %get3A_174[%gather3A_193] in [0] : vector<16xf32>, vector<16xi32> -> vector<16xf32>
        %broadcast_in_dim3A_195 = arith.constant 3 : i32
        %broadcast_in_dim3A_196 = vector.broadcast %broadcast_in_dim3A_195 : i32 to vector<16xi32>
        %broadcast_in_dim3A_197 = vector.shape_cast %broadcast_in_dim3A_196 : vector<16xi32> to vector<16x1xi32>
        %gather3A_198 = vector.shape_cast %broadcast_in_dim3A_197 : vector<16x1xi32> to vector<16xi32>
        %gather3A_199 = tpu.dynamic_gather %get3A_174[%gather3A_198] in [0] : vector<16xf32>, vector<16xi32> -> vector<16xf32>
        %broadcast_in_dim3A_200 = arith.constant 4 : i32
        %broadcast_in_dim3A_201 = vector.broadcast %broadcast_in_dim3A_200 : i32 to vector<16xi32>
        %broadcast_in_dim3A_202 = vector.shape_cast %broadcast_in_dim3A_201 : vector<16xi32> to vector<16x1xi32>
        %gather3A_203 = vector.shape_cast %broadcast_in_dim3A_202 : vector<16x1xi32> to vector<16xi32>
        %gather3A_204 = tpu.dynamic_gather %get3A_174[%gather3A_203] in [0] : vector<16xf32>, vector<16xi32> -> vector<16xf32>
        %broadcast_in_dim3A_205 = arith.constant 5 : i32
        %broadcast_in_dim3A_206 = vector.broadcast %broadcast_in_dim3A_205 : i32 to vector<16xi32>
        %broadcast_in_dim3A_207 = vector.shape_cast %broadcast_in_dim3A_206 : vector<16xi32> to vector<16x1xi32>
        %gather3A_208 = vector.shape_cast %broadcast_in_dim3A_207 : vector<16x1xi32> to vector<16xi32>
        %gather3A_209 = tpu.dynamic_gather %get3A_174[%gather3A_208] in [0] : vector<16xf32>, vector<16xi32> -> vector<16xf32>
        %broadcast_in_dim3A_210 = arith.constant 6 : i32
        %broadcast_in_dim3A_211 = vector.broadcast %broadcast_in_dim3A_210 : i32 to vector<16xi32>
        %broadcast_in_dim3A_212 = vector.shape_cast %broadcast_in_dim3A_211 : vector<16xi32> to vector<16x1xi32>
        %gather3A_213 = vector.shape_cast %broadcast_in_dim3A_212 : vector<16x1xi32> to vector<16xi32>
        %gather3A_214 = tpu.dynamic_gather %get3A_174[%gather3A_213] in [0] : vector<16xf32>, vector<16xi32> -> vector<16xf32>
        %broadcast_in_dim3A_215 = arith.constant 7 : i32
        %broadcast_in_dim3A_216 = vector.broadcast %broadcast_in_dim3A_215 : i32 to vector<16xi32>
        %broadcast_in_dim3A_217 = vector.shape_cast %broadcast_in_dim3A_216 : vector<16xi32> to vector<16x1xi32>
        %gather3A_218 = vector.shape_cast %broadcast_in_dim3A_217 : vector<16x1xi32> to vector<16xi32>
        %gather3A_219 = tpu.dynamic_gather %get3A_174[%gather3A_218] in [0] : vector<16xf32>, vector<16xi32> -> vector<16xf32>
        %broadcast_in_dim3A_220 = arith.constant 0 : i32
        %broadcast_in_dim3A_221 = vector.broadcast %broadcast_in_dim3A_220 : i32 to vector<16xi32>
        %broadcast_in_dim3A_222 = vector.shape_cast %broadcast_in_dim3A_221 : vector<16xi32> to vector<16x1xi32>
        %gather3A_223 = vector.shape_cast %broadcast_in_dim3A_222 : vector<16x1xi32> to vector<16xi32>
        %gather3A_224 = tpu.dynamic_gather %get3A_178[%gather3A_223] in [0] : vector<16xf32>, vector<16xi32> -> vector<16xf32>
        %broadcast_in_dim3A_225 = arith.constant 1 : i32
        %broadcast_in_dim3A_226 = vector.broadcast %broadcast_in_dim3A_225 : i32 to vector<16xi32>
        %broadcast_in_dim3A_227 = vector.shape_cast %broadcast_in_dim3A_226 : vector<16xi32> to vector<16x1xi32>
        %gather3A_228 = vector.shape_cast %broadcast_in_dim3A_227 : vector<16x1xi32> to vector<16xi32>
        %gather3A_229 = tpu.dynamic_gather %get3A_178[%gather3A_228] in [0] : vector<16xf32>, vector<16xi32> -> vector<16xf32>
        %broadcast_in_dim3A_230 = arith.constant 2 : i32
        %broadcast_in_dim3A_231 = vector.broadcast %broadcast_in_dim3A_230 : i32 to vector<16xi32>
        %broadcast_in_dim3A_232 = vector.shape_cast %broadcast_in_dim3A_231 : vector<16xi32> to vector<16x1xi32>
        %gather3A_233 = vector.shape_cast %broadcast_in_dim3A_232 : vector<16x1xi32> to vector<16xi32>
        %gather3A_234 = tpu.dynamic_gather %get3A_178[%gather3A_233] in [0] : vector<16xf32>, vector<16xi32> -> vector<16xf32>
        %broadcast_in_dim3A_235 = arith.constant 3 : i32
        %broadcast_in_dim3A_236 = vector.broadcast %broadcast_in_dim3A_235 : i32 to vector<16xi32>
        %broadcast_in_dim3A_237 = vector.shape_cast %broadcast_in_dim3A_236 : vector<16xi32> to vector<16x1xi32>
        %gather3A_238 = vector.shape_cast %broadcast_in_dim3A_237 : vector<16x1xi32> to vector<16xi32>
        %gather3A_239 = tpu.dynamic_gather %get3A_178[%gather3A_238] in [0] : vector<16xf32>, vector<16xi32> -> vector<16xf32>
        %broadcast_in_dim3A_240 = arith.constant 4 : i32
        %broadcast_in_dim3A_241 = vector.broadcast %broadcast_in_dim3A_240 : i32 to vector<16xi32>
        %broadcast_in_dim3A_242 = vector.shape_cast %broadcast_in_dim3A_241 : vector<16xi32> to vector<16x1xi32>
        %gather3A_243 = vector.shape_cast %broadcast_in_dim3A_242 : vector<16x1xi32> to vector<16xi32>
        %gather3A_244 = tpu.dynamic_gather %get3A_178[%gather3A_243] in [0] : vector<16xf32>, vector<16xi32> -> vector<16xf32>
        %broadcast_in_dim3A_245 = arith.constant 5 : i32
        %broadcast_in_dim3A_246 = vector.broadcast %broadcast_in_dim3A_245 : i32 to vector<16xi32>
        %broadcast_in_dim3A_247 = vector.shape_cast %broadcast_in_dim3A_246 : vector<16xi32> to vector<16x1xi32>
        %gather3A_248 = vector.shape_cast %broadcast_in_dim3A_247 : vector<16x1xi32> to vector<16xi32>
        %gather3A_249 = tpu.dynamic_gather %get3A_178[%gather3A_248] in [0] : vector<16xf32>, vector<16xi32> -> vector<16xf32>
        %broadcast_in_dim3A_250 = arith.constant 6 : i32
        %broadcast_in_dim3A_251 = vector.broadcast %broadcast_in_dim3A_250 : i32 to vector<16xi32>
        %broadcast_in_dim3A_252 = vector.shape_cast %broadcast_in_dim3A_251 : vector<16xi32> to vector<16x1xi32>
        %gather3A_253 = vector.shape_cast %broadcast_in_dim3A_252 : vector<16x1xi32> to vector<16xi32>
        %gather3A_254 = tpu.dynamic_gather %get3A_178[%gather3A_253] in [0] : vector<16xf32>, vector<16xi32> -> vector<16xf32>
        %broadcast_in_dim3A_255 = arith.constant 7 : i32
        %broadcast_in_dim3A_256 = vector.broadcast %broadcast_in_dim3A_255 : i32 to vector<16xi32>
        %broadcast_in_dim3A_257 = vector.shape_cast %broadcast_in_dim3A_256 : vector<16xi32> to vector<16x1xi32>
        %gather3A_258 = vector.shape_cast %broadcast_in_dim3A_257 : vector<16x1xi32> to vector<16xi32>
        %gather3A_259 = tpu.dynamic_gather %get3A_178[%gather3A_258] in [0] : vector<16xf32>, vector<16xi32> -> vector<16xf32>
        %add3A_260 = arith.constant 0 : i32
        %add3A_261 = arith.addi %mul3A_180, %add3A_260 : i32
        %add3A_262 = arith.constant 0 : i32
        %add3A_263 = arith.addi %add3A_261, %add3A_262 : i32
        %get3A_264 = arith.index_cast %add3A_263 : i32 to index
        %get3A_265 = arith.constant 0 : index
        %get3A_266 = tpu.vector_load %arg9[%get3A_264, %get3A_265] {strides = array<i32>} : memref<256x128xf32, #tpu.memory_space<vmem>>, vector<16xf32>,
        %add3A_267 = arith.constant 0 : i32
        %add3A_268 = arith.addi %mul3A_180, %add3A_267 : i32
        %add3A_269 = arith.constant 1 : i32
        %add3A_270 = arith.addi %add3A_268, %add3A_269 : i32
        %get3A_271 = arith.index_cast %add3A_270 : i32 to index
        %get3A_272 = arith.constant 0 : index
        %get3A_273 = tpu.vector_load %arg9[%get3A_271, %get3A_272] {strides = array<i32>} : memref<256x128xf32, #tpu.memory_space<vmem>>, vector<16xf32>,
        %add3A_274 = arith.constant 0 : i32
        %add3A_275 = arith.addi %mul3A_180, %add3A_274 : i32
        %add3A_276 = arith.constant 2 : i32
        %add3A_277 = arith.addi %add3A_275, %add3A_276 : i32
        %get3A_278 = arith.index_cast %add3A_277 : i32 to index
        %get3A_279 = arith.constant 0 : index
        %get3A_280 = tpu.vector_load %arg9[%get3A_278, %get3A_279] {strides = array<i32>} : memref<256x128xf32, #tpu.memory_space<vmem>>, vector<16xf32>,
        %add3A_281 = arith.constant 0 : i32
        %add3A_282 = arith.addi %mul3A_180, %add3A_281 : i32
        %add3A_283 = arith.constant 3 : i32
        %add3A_284 = arith.addi %add3A_282, %add3A_283 : i32
        %get3A_285 = arith.index_cast %add3A_284 : i32 to index
        %get3A_286 = arith.constant 0 : index
        %get3A_287 = tpu.vector_load %arg9[%get3A_285, %get3A_286] {strides = array<i32>} : memref<256x128xf32, #tpu.memory_space<vmem>>, vector<16xf32>,
        %add3A_288 = arith.constant 0 : i32
        %add3A_289 = arith.addi %mul3A_180, %add3A_288 : i32
        %add3A_290 = arith.constant 4 : i32
        %add3A_291 = arith.addi %add3A_289, %add3A_290 : i32
        %get3A_292 = arith.index_cast %add3A_291 : i32 to index
        %get3A_293 = arith.constant 0 : index
        %get3A_294 = tpu.vector_load %arg9[%get3A_292, %get3A_293] {strides = array<i32>} : memref<256x128xf32, #tpu.memory_space<vmem>>, vector<16xf32>,
        %add3A_295 = arith.constant 0 : i32
        %add3A_296 = arith.addi %mul3A_180, %add3A_295 : i32
        %add3A_297 = arith.constant 5 : i32
        %add3A_298 = arith.addi %add3A_296, %add3A_297 : i32
        %get3A_299 = arith.index_cast %add3A_298 : i32 to index
        %get3A_300 = arith.constant 0 : index
        %get3A_301 = tpu.vector_load %arg9[%get3A_299, %get3A_300] {strides = array<i32>} : memref<256x128xf32, #tpu.memory_space<vmem>>, vector<16xf32>,
        %add3A_302 = arith.constant 0 : i32
        %add3A_303 = arith.addi %mul3A_180, %add3A_302 : i32
        %add3A_304 = arith.constant 6 : i32
        %add3A_305 = arith.addi %add3A_303, %add3A_304 : i32
        %get3A_306 = arith.index_cast %add3A_305 : i32 to index
        %get3A_307 = arith.constant 0 : index
        %get3A_308 = tpu.vector_load %arg9[%get3A_306, %get3A_307] {strides = array<i32>} : memref<256x128xf32, #tpu.memory_space<vmem>>, vector<16xf32>,
        %add3A_309 = arith.constant 0 : i32
        %add3A_310 = arith.addi %mul3A_180, %add3A_309 : i32
        %add3A_311 = arith.constant 7 : i32
        %add3A_312 = arith.addi %add3A_310, %add3A_311 : i32
        %get3A_313 = arith.index_cast %add3A_312 : i32 to index
        %get3A_314 = arith.constant 0 : index
        %get3A_315 = tpu.vector_load %arg9[%get3A_313, %get3A_314] {strides = array<i32>} : memref<256x128xf32, #tpu.memory_space<vmem>>, vector<16xf32>,
        %sub3A = arith.subf %get3A_266, %gather3A_184 : vector<16xf32>
        %mul3A_316 = arith.mulf %sub3A, %gather3A_224 : vector<16xf32>
        %mul3A_317 = arith.mulf %mul3A_316, %get3A_86 : vector<16xf32>
        %add3A_318 = arith.addf %mul3A_317, %get3A_94 : vector<16xf32>
        %sub3A_319 = arith.subf %get3A_273, %gather3A_189 : vector<16xf32>
        %mul3A_320 = arith.mulf %sub3A_319, %gather3A_229 : vector<16xf32>
        %mul3A_321 = arith.mulf %mul3A_320, %get3A_86 : vector<16xf32>
        %add3A_322 = arith.addf %mul3A_321, %get3A_94 : vector<16xf32>
        %sub3A_323 = arith.subf %get3A_280, %gather3A_194 : vector<16xf32>
        %mul3A_324 = arith.mulf %sub3A_323, %gather3A_234 : vector<16xf32>
        %mul3A_325 = arith.mulf %mul3A_324, %get3A_86 : vector<16xf32>
        %add3A_326 = arith.addf %mul3A_325, %get3A_94 : vector<16xf32>
        %sub3A_327 = arith.subf %get3A_287, %gather3A_199 : vector<16xf32>
        %mul3A_328 = arith.mulf %sub3A_327, %gather3A_239 : vector<16xf32>
        %mul3A_329 = arith.mulf %mul3A_328, %get3A_86 : vector<16xf32>
        %add3A_330 = arith.addf %mul3A_329, %get3A_94 : vector<16xf32>
        %sub3A_331 = arith.subf %get3A_294, %gather3A_204 : vector<16xf32>
        %mul3A_332 = arith.mulf %sub3A_331, %gather3A_244 : vector<16xf32>
        %mul3A_333 = arith.mulf %mul3A_332, %get3A_86 : vector<16xf32>
        %add3A_334 = arith.addf %mul3A_333, %get3A_94 : vector<16xf32>
        %sub3A_335 = arith.subf %get3A_301, %gather3A_209 : vector<16xf32>
        %mul3A_336 = arith.mulf %sub3A_335, %gather3A_249 : vector<16xf32>
        %mul3A_337 = arith.mulf %mul3A_336, %get3A_86 : vector<16xf32>
        %add3A_338 = arith.addf %mul3A_337, %get3A_94 : vector<16xf32>
        %sub3A_339 = arith.subf %get3A_308, %gather3A_214 : vector<16xf32>
        %mul3A_340 = arith.mulf %sub3A_339, %gather3A_254 : vector<16xf32>
        %mul3A_341 = arith.mulf %mul3A_340, %get3A_86 : vector<16xf32>
        %add3A_342 = arith.addf %mul3A_341, %get3A_94 : vector<16xf32>
        %sub3A_343 = arith.subf %get3A_315, %gather3A_219 : vector<16xf32>
        %mul3A_344 = arith.mulf %sub3A_343, %gather3A_259 : vector<16xf32>
        %mul3A_345 = arith.mulf %mul3A_344, %get3A_86 : vector<16xf32>
        %add3A_346 = arith.addf %mul3A_345, %get3A_94 : vector<16xf32>
        %add3A_347 = arith.constant 0 : i32
        %add3A_348 = arith.addi %mul3A_180, %add3A_347 : i32
        %add3A_349 = arith.constant 0 : i32
        %add3A_350 = arith.addi %add3A_348, %add3A_349 : i32
        %swap3A = arith.index_cast %add3A_350 : i32 to index
        %swap3A_351 = arith.constant 0 : index
        %swap3A_352 = tpu.vector_load %arg11[%swap3A, %swap3A_351] {strides = array<i32>} : memref<256x64xf32, #tpu.memory_space<vmem>>, vector<16xf32>,
        tpu.vector_store %arg11[%swap3A, %swap3A_351], %add3A_318 {strides = array<i32>} : memref<256x64xf32, #tpu.memory_space<vmem>>, vector<16xf32>,
        %add3A_353 = arith.constant 0 : i32
        %add3A_354 = arith.addi %mul3A_180, %add3A_353 : i32
        %add3A_355 = arith.constant 1 : i32
        %add3A_356 = arith.addi %add3A_354, %add3A_355 : i32
        %swap3A_357 = arith.index_cast %add3A_356 : i32 to index
        %swap3A_358 = arith.constant 0 : index
        %swap3A_359 = tpu.vector_load %arg11[%swap3A_357, %swap3A_358] {strides = array<i32>} : memref<256x64xf32, #tpu.memory_space<vmem>>, vector<16xf32>,
        tpu.vector_store %arg11[%swap3A_357, %swap3A_358], %add3A_322 {strides = array<i32>} : memref<256x64xf32, #tpu.memory_space<vmem>>, vector<16xf32>,
        %add3A_360 = arith.constant 0 : i32
        %add3A_361 = arith.addi %mul3A_180, %add3A_360 : i32
        %add3A_362 = arith.constant 2 : i32
        %add3A_363 = arith.addi %add3A_361, %add3A_362 : i32
        %swap3A_364 = arith.index_cast %add3A_363 : i32 to index
        %swap3A_365 = arith.constant 0 : index
        %swap3A_366 = tpu.vector_load %arg11[%swap3A_364, %swap3A_365] {strides = array<i32>} : memref<256x64xf32, #tpu.memory_space<vmem>>, vector<16xf32>,
        tpu.vector_store %arg11[%swap3A_364, %swap3A_365], %add3A_326 {strides = array<i32>} : memref<256x64xf32, #tpu.memory_space<vmem>>, vector<16xf32>,
        %add3A_367 = arith.constant 0 : i32
        %add3A_368 = arith.addi %mul3A_180, %add3A_367 : i32
        %add3A_369 = arith.constant 3 : i32
        %add3A_370 = arith.addi %add3A_368, %add3A_369 : i32
        %swap3A_371 = arith.index_cast %add3A_370 : i32 to index
        %swap3A_372 = arith.constant 0 : index
        %swap3A_373 = tpu.vector_load %arg11[%swap3A_371, %swap3A_372] {strides = array<i32>} : memref<256x64xf32, #tpu.memory_space<vmem>>, vector<16xf32>,
        tpu.vector_store %arg11[%swap3A_371, %swap3A_372], %add3A_330 {strides = array<i32>} : memref<256x64xf32, #tpu.memory_space<vmem>>, vector<16xf32>,
        %add3A_374 = arith.constant 0 : i32
        %add3A_375 = arith.addi %mul3A_180, %add3A_374 : i32
        %add3A_376 = arith.constant 4 : i32
        %add3A_377 = arith.addi %add3A_375, %add3A_376 : i32
        %swap3A_378 = arith.index_cast %add3A_377 : i32 to index
        %swap3A_379 = arith.constant 0 : index
        %swap3A_380 = tpu.vector_load %arg11[%swap3A_378, %swap3A_379] {strides = array<i32>} : memref<256x64xf32, #tpu.memory_space<vmem>>, vector<16xf32>,
        tpu.vector_store %arg11[%swap3A_378, %swap3A_379], %add3A_334 {strides = array<i32>} : memref<256x64xf32, #tpu.memory_space<vmem>>, vector<16xf32>,
        %add3A_381 = arith.constant 0 : i32
        %add3A_382 = arith.addi %mul3A_180, %add3A_381 : i32
        %add3A_383 = arith.constant 5 : i32
        %add3A_384 = arith.addi %add3A_382, %add3A_383 : i32
        %swap3A_385 = arith.index_cast %add3A_384 : i32 to index
        %swap3A_386 = arith.constant 0 : index
        %swap3A_387 = tpu.vector_load %arg11[%swap3A_385, %swap3A_386] {strides = array<i32>} : memref<256x64xf32, #tpu.memory_space<vmem>>, vector<16xf32>,
        tpu.vector_store %arg11[%swap3A_385, %swap3A_386], %add3A_338 {strides = array<i32>} : memref<256x64xf32, #tpu.memory_space<vmem>>, vector<16xf32>,
        %add3A_388 = arith.constant 0 : i32
        %add3A_389 = arith.addi %mul3A_180, %add3A_388 : i32
        %add3A_390 = arith.constant 6 : i32
        %add3A_391 = arith.addi %add3A_389, %add3A_390 : i32
        %swap3A_392 = arith.index_cast %add3A_391 : i32 to index
        %swap3A_393 = arith.constant 0 : index
        %swap3A_394 = tpu.vector_load %arg11[%swap3A_392, %swap3A_393] {strides = array<i32>} : memref<256x64xf32, #tpu.memory_space<vmem>>, vector<16xf32>,
        tpu.vector_store %arg11[%swap3A_392, %swap3A_393], %add3A_342 {strides = array<i32>} : memref<256x64xf32, #tpu.memory_space<vmem>>, vector<16xf32>,
        %add3A_395 = arith.constant 0 : i32
        %add3A_396 = arith.addi %mul3A_180, %add3A_395 : i32
        %add3A_397 = arith.constant 7 : i32
        %add3A_398 = arith.addi %add3A_396, %add3A_397 : i32
        %swap3A_399 = arith.index_cast %add3A_398 : i32 to index
        %swap3A_400 = arith.constant 0 : index
        %swap3A_401 = tpu.vector_load %arg11[%swap3A_399, %swap3A_400] {strides = array<i32>} : memref<256x64xf32, #tpu.memory_space<vmem>>, vector<16xf32>,
        tpu.vector_store %arg11[%swap3A_399, %swap3A_400], %add3A_346 {strides = array<i32>} : memref<256x64xf32, #tpu.memory_space<vmem>>, vector<16xf32>,
        %add3A_402 = arith.constant 0 : i32
        %add3A_403 = arith.addi %mul3A_180, %add3A_402 : i32
        %add3A_404 = arith.constant 0 : i32
        %add3A_405 = arith.addi %add3A_403, %add3A_404 : i32
        %get3A_406 = arith.index_cast %add3A_405 : i32 to index
        %get3A_407 = arith.constant 16 : index
        %get3A_408 = tpu.vector_load %arg9[%get3A_406, %get3A_407] {strides = array<i32>} : memref<256x128xf32, #tpu.memory_space<vmem>>, vector<16xf32>,
        %add3A_409 = arith.constant 0 : i32
        %add3A_410 = arith.addi %mul3A_180, %add3A_409 : i32
        %add3A_411 = arith.constant 1 : i32
        %add3A_412 = arith.addi %add3A_410, %add3A_411 : i32
        %get3A_413 = arith.index_cast %add3A_412 : i32 to index
        %get3A_414 = arith.constant 16 : index
        %get3A_415 = tpu.vector_load %arg9[%get3A_413, %get3A_414] {strides = array<i32>} : memref<256x128xf32, #tpu.memory_space<vmem>>, vector<16xf32>,
        %add3A_416 = arith.constant 0 : i32
        %add3A_417 = arith.addi %mul3A_180, %add3A_416 : i32
        %add3A_418 = arith.constant 2 : i32
        %add3A_419 = arith.addi %add3A_417, %add3A_418 : i32
        %get3A_420 = arith.index_cast %add3A_419 : i32 to index
        %get3A_421 = arith.constant 16 : index
        %get3A_422 = tpu.vector_load %arg9[%get3A_420, %get3A_421] {strides = array<i32>} : memref<256x128xf32, #tpu.memory_space<vmem>>, vector<16xf32>,
        %add3A_423 = arith.constant 0 : i32
        %add3A_424 = arith.addi %mul3A_180, %add3A_423 : i32
        %add3A_425 = arith.constant 3 : i32
        %add3A_426 = arith.addi %add3A_424, %add3A_425 : i32
        %get3A_427 = arith.index_cast %add3A_426 : i32 to index
        %get3A_428 = arith.constant 16 : index
        %get3A_429 = tpu.vector_load %arg9[%get3A_427, %get3A_428] {strides = array<i32>} : memref<256x128xf32, #tpu.memory_space<vmem>>, vector<16xf32>,
        %add3A_430 = arith.constant 0 : i32
        %add3A_431 = arith.addi %mul3A_180, %add3A_430 : i32
        %add3A_432 = arith.constant 4 : i32
        %add3A_433 = arith.addi %add3A_431, %add3A_432 : i32
        %get3A_434 = arith.index_cast %add3A_433 : i32 to index
        %get3A_435 = arith.constant 16 : index
        %get3A_436 = tpu.vector_load %arg9[%get3A_434, %get3A_435] {strides = array<i32>} : memref<256x128xf32, #tpu.memory_space<vmem>>, vector<16xf32>,
        %add3A_437 = arith.constant 0 : i32
        %add3A_438 = arith.addi %mul3A_180, %add3A_437 : i32
        %add3A_439 = arith.constant 5 : i32
        %add3A_440 = arith.addi %add3A_438, %add3A_439 : i32
        %get3A_441 = arith.index_cast %add3A_440 : i32 to index
        %get3A_442 = arith.constant 16 : index
        %get3A_443 = tpu.vector_load %arg9[%get3A_441, %get3A_442] {strides = array<i32>} : memref<256x128xf32, #tpu.memory_space<vmem>>, vector<16xf32>,
        %add3A_444 = arith.constant 0 : i32
        %add3A_445 = arith.addi %mul3A_180, %add3A_444 : i32
        %add3A_446 = arith.constant 6 : i32
        %add3A_447 = arith.addi %add3A_445, %add3A_446 : i32
        %get3A_448 = arith.index_cast %add3A_447 : i32 to index
        %get3A_449 = arith.constant 16 : index
        %get3A_450 = tpu.vector_load %arg9[%get3A_448, %get3A_449] {strides = array<i32>} : memref<256x128xf32, #tpu.memory_space<vmem>>, vector<16xf32>,
        %add3A_451 = arith.constant 0 : i32
        %add3A_452 = arith.addi %mul3A_180, %add3A_451 : i32
        %add3A_453 = arith.constant 7 : i32
        %add3A_454 = arith.addi %add3A_452, %add3A_453 : i32
        %get3A_455 = arith.index_cast %add3A_454 : i32 to index
        %get3A_456 = arith.constant 16 : index
        %get3A_457 = tpu.vector_load %arg9[%get3A_455, %get3A_456] {strides = array<i32>} : memref<256x128xf32, #tpu.memory_space<vmem>>, vector<16xf32>,
        %sub3A_458 = arith.subf %get3A_408, %gather3A_184 : vector<16xf32>
        %mul3A_459 = arith.mulf %sub3A_458, %gather3A_224 : vector<16xf32>
        %mul3A_460 = arith.mulf %mul3A_459, %get3A_88 : vector<16xf32>
        %add3A_461 = arith.addf %mul3A_460, %get3A_96 : vector<16xf32>
        %sub3A_462 = arith.subf %get3A_415, %gather3A_189 : vector<16xf32>
        %mul3A_463 = arith.mulf %sub3A_462, %gather3A_229 : vector<16xf32>
        %mul3A_464 = arith.mulf %mul3A_463, %get3A_88 : vector<16xf32>
        %add3A_465 = arith.addf %mul3A_464, %get3A_96 : vector<16xf32>
        %sub3A_466 = arith.subf %get3A_422, %gather3A_194 : vector<16xf32>
        %mul3A_467 = arith.mulf %sub3A_466, %gather3A_234 : vector<16xf32>
        %mul3A_468 = arith.mulf %mul3A_467, %get3A_88 : vector<16xf32>
        %add3A_469 = arith.addf %mul3A_468, %get3A_96 : vector<16xf32>
        %sub3A_470 = arith.subf %get3A_429, %gather3A_199 : vector<16xf32>
        %mul3A_471 = arith.mulf %sub3A_470, %gather3A_239 : vector<16xf32>
        %mul3A_472 = arith.mulf %mul3A_471, %get3A_88 : vector<16xf32>
        %add3A_473 = arith.addf %mul3A_472, %get3A_96 : vector<16xf32>
        %sub3A_474 = arith.subf %get3A_436, %gather3A_204 : vector<16xf32>
        %mul3A_475 = arith.mulf %sub3A_474, %gather3A_244 : vector<16xf32>
        %mul3A_476 = arith.mulf %mul3A_475, %get3A_88 : vector<16xf32>
        %add3A_477 = arith.addf %mul3A_476, %get3A_96 : vector<16xf32>
        %sub3A_478 = arith.subf %get3A_443, %gather3A_209 : vector<16xf32>
        %mul3A_479 = arith.mulf %sub3A_478, %gather3A_249 : vector<16xf32>
        %mul3A_480 = arith.mulf %mul3A_479, %get3A_88 : vector<16xf32>
        %add3A_481 = arith.addf %mul3A_480, %get3A_96 : vector<16xf32>
        %sub3A_482 = arith.subf %get3A_450, %gather3A_214 : vector<16xf32>
        %mul3A_483 = arith.mulf %sub3A_482, %gather3A_254 : vector<16xf32>
        %mul3A_484 = arith.mulf %mul3A_483, %get3A_88 : vector<16xf32>
        %add3A_485 = arith.addf %mul3A_484, %get3A_96 : vector<16xf32>
        %sub3A_486 = arith.subf %get3A_457, %gather3A_219 : vector<16xf32>
        %mul3A_487 = arith.mulf %sub3A_486, %gather3A_259 : vector<16xf32>
        %mul3A_488 = arith.mulf %mul3A_487, %get3A_88 : vector<16xf32>
        %add3A_489 = arith.addf %mul3A_488, %get3A_96 : vector<16xf32>
        %add3A_490 = arith.constant 0 : i32
        %add3A_491 = arith.addi %mul3A_180, %add3A_490 : i32
        %add3A_492 = arith.constant 0 : i32
        %add3A_493 = arith.addi %add3A_491, %add3A_492 : i32
        %swap3A_494 = arith.index_cast %add3A_493 : i32 to index
        %swap3A_495 = arith.constant 16 : index
        %swap3A_496 = tpu.vector_load %arg11[%swap3A_494, %swap3A_495] {strides = array<i32>} : memref<256x64xf32, #tpu.memory_space<vmem>>, vector<16xf32>,
        tpu.vector_store %arg11[%swap3A_494, %swap3A_495], %add3A_461 {strides = array<i32>} : memref<256x64xf32, #tpu.memory_space<vmem>>, vector<16xf32>,
        %add3A_497 = arith.constant 0 : i32
        %add3A_498 = arith.addi %mul3A_180, %add3A_497 : i32
        %add3A_499 = arith.constant 1 : i32
        %add3A_500 = arith.addi %add3A_498, %add3A_499 : i32
        %swap3A_501 = arith.index_cast %add3A_500 : i32 to index
        %swap3A_502 = arith.constant 16 : index
        %swap3A_503 = tpu.vector_load %arg11[%swap3A_501, %swap3A_502] {strides = array<i32>} : memref<256x64xf32, #tpu.memory_space<vmem>>, vector<16xf32>,
        tpu.vector_store %arg11[%swap3A_501, %swap3A_502], %add3A_465 {strides = array<i32>} : memref<256x64xf32, #tpu.memory_space<vmem>>, vector<16xf32>,
        %add3A_504 = arith.constant 0 : i32
        %add3A_505 = arith.addi %mul3A_180, %add3A_504 : i32
        %add3A_506 = arith.constant 2 : i32
        %add3A_507 = arith.addi %add3A_505, %add3A_506 : i32
        %swap3A_508 = arith.index_cast %add3A_507 : i32 to index
        %swap3A_509 = arith.constant 16 : index
        %swap3A_510 = tpu.vector_load %arg11[%swap3A_508, %swap3A_509] {strides = array<i32>} : memref<256x64xf32, #tpu.memory_space<vmem>>, vector<16xf32>,
        tpu.vector_store %arg11[%swap3A_508, %swap3A_509], %add3A_469 {strides = array<i32>} : memref<256x64xf32, #tpu.memory_space<vmem>>, vector<16xf32>,
        %add3A_511 = arith.constant 0 : i32
        %add3A_512 = arith.addi %mul3A_180, %add3A_511 : i32
        %add3A_513 = arith.constant 3 : i32
        %add3A_514 = arith.addi %add3A_512, %add3A_513 : i32
        %swap3A_515 = arith.index_cast %add3A_514 : i32 to index
        %swap3A_516 = arith.constant 16 : index
        %swap3A_517 = tpu.vector_load %arg11[%swap3A_515, %swap3A_516] {strides = array<i32>} : memref<256x64xf32, #tpu.memory_space<vmem>>, vector<16xf32>,
        tpu.vector_store %arg11[%swap3A_515, %swap3A_516], %add3A_473 {strides = array<i32>} : memref<256x64xf32, #tpu.memory_space<vmem>>, vector<16xf32>,
        %add3A_518 = arith.constant 0 : i32
        %add3A_519 = arith.addi %mul3A_180, %add3A_518 : i32
        %add3A_520 = arith.constant 4 : i32
        %add3A_521 = arith.addi %add3A_519, %add3A_520 : i32
        %swap3A_522 = arith.index_cast %add3A_521 : i32 to index
        %swap3A_523 = arith.constant 16 : index
        %swap3A_524 = tpu.vector_load %arg11[%swap3A_522, %swap3A_523] {strides = array<i32>} : memref<256x64xf32, #tpu.memory_space<vmem>>, vector<16xf32>,
        tpu.vector_store %arg11[%swap3A_522, %swap3A_523], %add3A_477 {strides = array<i32>} : memref<256x64xf32, #tpu.memory_space<vmem>>, vector<16xf32>,
        %add3A_525 = arith.constant 0 : i32
        %add3A_526 = arith.addi %mul3A_180, %add3A_525 : i32
        %add3A_527 = arith.constant 5 : i32
        %add3A_528 = arith.addi %add3A_526, %add3A_527 : i32
        %swap3A_529 = arith.index_cast %add3A_528 : i32 to index
        %swap3A_530 = arith.constant 16 : index
        %swap3A_531 = tpu.vector_load %arg11[%swap3A_529, %swap3A_530] {strides = array<i32>} : memref<256x64xf32, #tpu.memory_space<vmem>>, vector<16xf32>,
        tpu.vector_store %arg11[%swap3A_529, %swap3A_530], %add3A_481 {strides = array<i32>} : memref<256x64xf32, #tpu.memory_space<vmem>>, vector<16xf32>,
        %add3A_532 = arith.constant 0 : i32
        %add3A_533 = arith.addi %mul3A_180, %add3A_532 : i32
        %add3A_534 = arith.constant 6 : i32
        %add3A_535 = arith.addi %add3A_533, %add3A_534 : i32
        %swap3A_536 = arith.index_cast %add3A_535 : i32 to index
        %swap3A_537 = arith.constant 16 : index
        %swap3A_538 = tpu.vector_load %arg11[%swap3A_536, %swap3A_537] {strides = array<i32>} : memref<256x64xf32, #tpu.memory_space<vmem>>, vector<16xf32>,
        tpu.vector_store %arg11[%swap3A_536, %swap3A_537], %add3A_485 {strides = array<i32>} : memref<256x64xf32, #tpu.memory_space<vmem>>, vector<16xf32>,
        %add3A_539 = arith.constant 0 : i32
        %add3A_540 = arith.addi %mul3A_180, %add3A_539 : i32
        %add3A_541 = arith.constant 7 : i32
        %add3A_542 = arith.addi %add3A_540, %add3A_541 : i32
        %swap3A_543 = arith.index_cast %add3A_542 : i32 to index
        %swap3A_544 = arith.constant 16 : index
        %swap3A_545 = tpu.vector_load %arg11[%swap3A_543, %swap3A_544] {strides = array<i32>} : memref<256x64xf32, #tpu.memory_space<vmem>>, vector<16xf32>,
        tpu.vector_store %arg11[%swap3A_543, %swap3A_544], %add3A_489 {strides = array<i32>} : memref<256x64xf32, #tpu.memory_space<vmem>>, vector<16xf32>,
        %add3A_546 = arith.constant 0 : i32
        %add3A_547 = arith.addi %mul3A_180, %add3A_546 : i32
        %add3A_548 = arith.constant 0 : i32
        %add3A_549 = arith.addi %add3A_547, %add3A_548 : i32
        %get3A_550 = arith.index_cast %add3A_549 : i32 to index
        %get3A_551 = arith.constant 32 : index
        %get3A_552 = tpu.vector_load %arg9[%get3A_550, %get3A_551] {strides = array<i32>} : memref<256x128xf32, #tpu.memory_space<vmem>>, vector<16xf32>,
        %add3A_553 = arith.constant 0 : i32
        %add3A_554 = arith.addi %mul3A_180, %add3A_553 : i32
        %add3A_555 = arith.constant 1 : i32
        %add3A_556 = arith.addi %add3A_554, %add3A_555 : i32
        %get3A_557 = arith.index_cast %add3A_556 : i32 to index
        %get3A_558 = arith.constant 32 : index
        %get3A_559 = tpu.vector_load %arg9[%get3A_557, %get3A_558] {strides = array<i32>} : memref<256x128xf32, #tpu.memory_space<vmem>>, vector<16xf32>,
        %add3A_560 = arith.constant 0 : i32
        %add3A_561 = arith.addi %mul3A_180, %add3A_560 : i32
        %add3A_562 = arith.constant 2 : i32
        %add3A_563 = arith.addi %add3A_561, %add3A_562 : i32
        %get3A_564 = arith.index_cast %add3A_563 : i32 to index
        %get3A_565 = arith.constant 32 : index
        %get3A_566 = tpu.vector_load %arg9[%get3A_564, %get3A_565] {strides = array<i32>} : memref<256x128xf32, #tpu.memory_space<vmem>>, vector<16xf32>,
        %add3A_567 = arith.constant 0 : i32
        %add3A_568 = arith.addi %mul3A_180, %add3A_567 : i32
        %add3A_569 = arith.constant 3 : i32
        %add3A_570 = arith.addi %add3A_568, %add3A_569 : i32
        %get3A_571 = arith.index_cast %add3A_570 : i32 to index
        %get3A_572 = arith.constant 32 : index
        %get3A_573 = tpu.vector_load %arg9[%get3A_571, %get3A_572] {strides = array<i32>} : memref<256x128xf32, #tpu.memory_space<vmem>>, vector<16xf32>,
        %add3A_574 = arith.constant 0 : i32
        %add3A_575 = arith.addi %mul3A_180, %add3A_574 : i32
        %add3A_576 = arith.constant 4 : i32
        %add3A_577 = arith.addi %add3A_575, %add3A_576 : i32
        %get3A_578 = arith.index_cast %add3A_577 : i32 to index
        %get3A_579 = arith.constant 32 : index
        %get3A_580 = tpu.vector_load %arg9[%get3A_578, %get3A_579] {strides = array<i32>} : memref<256x128xf32, #tpu.memory_space<vmem>>, vector<16xf32>,
        %add3A_581 = arith.constant 0 : i32
        %add3A_582 = arith.addi %mul3A_180, %add3A_581 : i32
        %add3A_583 = arith.constant 5 : i32
        %add3A_584 = arith.addi %add3A_582, %add3A_583 : i32
        %get3A_585 = arith.index_cast %add3A_584 : i32 to index
        %get3A_586 = arith.constant 32 : index
        %get3A_587 = tpu.vector_load %arg9[%get3A_585, %get3A_586] {strides = array<i32>} : memref<256x128xf32, #tpu.memory_space<vmem>>, vector<16xf32>,
        %add3A_588 = arith.constant 0 : i32
        %add3A_589 = arith.addi %mul3A_180, %add3A_588 : i32
        %add3A_590 = arith.constant 6 : i32
        %add3A_591 = arith.addi %add3A_589, %add3A_590 : i32
        %get3A_592 = arith.index_cast %add3A_591 : i32 to index
        %get3A_593 = arith.constant 32 : index
        %get3A_594 = tpu.vector_load %arg9[%get3A_592, %get3A_593] {strides = array<i32>} : memref<256x128xf32, #tpu.memory_space<vmem>>, vector<16xf32>,
        %add3A_595 = arith.constant 0 : i32
        %add3A_596 = arith.addi %mul3A_180, %add3A_595 : i32
        %add3A_597 = arith.constant 7 : i32
        %add3A_598 = arith.addi %add3A_596, %add3A_597 : i32
        %get3A_599 = arith.index_cast %add3A_598 : i32 to index
        %get3A_600 = arith.constant 32 : index
        %get3A_601 = tpu.vector_load %arg9[%get3A_599, %get3A_600] {strides = array<i32>} : memref<256x128xf32, #tpu.memory_space<vmem>>, vector<16xf32>,
        %sub3A_602 = arith.subf %get3A_552, %gather3A_184 : vector<16xf32>
        %mul3A_603 = arith.mulf %sub3A_602, %gather3A_224 : vector<16xf32>
        %mul3A_604 = arith.mulf %mul3A_603, %get3A_90 : vector<16xf32>
        %add3A_605 = arith.addf %mul3A_604, %get3A_98 : vector<16xf32>
        %sub3A_606 = arith.subf %get3A_559, %gather3A_189 : vector<16xf32>
        %mul3A_607 = arith.mulf %sub3A_606, %gather3A_229 : vector<16xf32>
        %mul3A_608 = arith.mulf %mul3A_607, %get3A_90 : vector<16xf32>
        %add3A_609 = arith.addf %mul3A_608, %get3A_98 : vector<16xf32>
        %sub3A_610 = arith.subf %get3A_566, %gather3A_194 : vector<16xf32>
        %mul3A_611 = arith.mulf %sub3A_610, %gather3A_234 : vector<16xf32>
        %mul3A_612 = arith.mulf %mul3A_611, %get3A_90 : vector<16xf32>
        %add3A_613 = arith.addf %mul3A_612, %get3A_98 : vector<16xf32>
        %sub3A_614 = arith.subf %get3A_573, %gather3A_199 : vector<16xf32>
        %mul3A_615 = arith.mulf %sub3A_614, %gather3A_239 : vector<16xf32>
        %mul3A_616 = arith.mulf %mul3A_615, %get3A_90 : vector<16xf32>
        %add3A_617 = arith.addf %mul3A_616, %get3A_98 : vector<16xf32>
        %sub3A_618 = arith.subf %get3A_580, %gather3A_204 : vector<16xf32>
        %mul3A_619 = arith.mulf %sub3A_618, %gather3A_244 : vector<16xf32>
        %mul3A_620 = arith.mulf %mul3A_619, %get3A_90 : vector<16xf32>
        %add3A_621 = arith.addf %mul3A_620, %get3A_98 : vector<16xf32>
        %sub3A_622 = arith.subf %get3A_587, %gather3A_209 : vector<16xf32>
        %mul3A_623 = arith.mulf %sub3A_622, %gather3A_249 : vector<16xf32>
        %mul3A_624 = arith.mulf %mul3A_623, %get3A_90 : vector<16xf32>
        %add3A_625 = arith.addf %mul3A_624, %get3A_98 : vector<16xf32>
        %sub3A_626 = arith.subf %get3A_594, %gather3A_214 : vector<16xf32>
        %mul3A_627 = arith.mulf %sub3A_626, %gather3A_254 : vector<16xf32>
        %mul3A_628 = arith.mulf %mul3A_627, %get3A_90 : vector<16xf32>
        %add3A_629 = arith.addf %mul3A_628, %get3A_98 : vector<16xf32>
        %sub3A_630 = arith.subf %get3A_601, %gather3A_219 : vector<16xf32>
        %mul3A_631 = arith.mulf %sub3A_630, %gather3A_259 : vector<16xf32>
        %mul3A_632 = arith.mulf %mul3A_631, %get3A_90 : vector<16xf32>
        %add3A_633 = arith.addf %mul3A_632, %get3A_98 : vector<16xf32>
        %add3A_634 = arith.constant 0 : i32
        %add3A_635 = arith.addi %mul3A_180, %add3A_634 : i32
        %add3A_636 = arith.constant 0 : i32
        %add3A_637 = arith.addi %add3A_635, %add3A_636 : i32
        %swap3A_638 = arith.index_cast %add3A_637 : i32 to index
        %swap3A_639 = arith.constant 32 : index
        %swap3A_640 = tpu.vector_load %arg11[%swap3A_638, %swap3A_639] {strides = array<i32>} : memref<256x64xf32, #tpu.memory_space<vmem>>, vector<16xf32>,
        tpu.vector_store %arg11[%swap3A_638, %swap3A_639], %add3A_605 {strides = array<i32>} : memref<256x64xf32, #tpu.memory_space<vmem>>, vector<16xf32>,
        %add3A_641 = arith.constant 0 : i32
        %add3A_642 = arith.addi %mul3A_180, %add3A_641 : i32
        %add3A_643 = arith.constant 1 : i32
        %add3A_644 = arith.addi %add3A_642, %add3A_643 : i32
        %swap3A_645 = arith.index_cast %add3A_644 : i32 to index
        %swap3A_646 = arith.constant 32 : index
        %swap3A_647 = tpu.vector_load %arg11[%swap3A_645, %swap3A_646] {strides = array<i32>} : memref<256x64xf32, #tpu.memory_space<vmem>>, vector<16xf32>,
        tpu.vector_store %arg11[%swap3A_645, %swap3A_646], %add3A_609 {strides = array<i32>} : memref<256x64xf32, #tpu.memory_space<vmem>>, vector<16xf32>,
        %add3A_648 = arith.constant 0 : i32
        %add3A_649 = arith.addi %mul3A_180, %add3A_648 : i32
        %add3A_650 = arith.constant 2 : i32
        %add3A_651 = arith.addi %add3A_649, %add3A_650 : i32
        %swap3A_652 = arith.index_cast %add3A_651 : i32 to index
        %swap3A_653 = arith.constant 32 : index
        %swap3A_654 = tpu.vector_load %arg11[%swap3A_652, %swap3A_653] {strides = array<i32>} : memref<256x64xf32, #tpu.memory_space<vmem>>, vector<16xf32>,
        tpu.vector_store %arg11[%swap3A_652, %swap3A_653], %add3A_613 {strides = array<i32>} : memref<256x64xf32, #tpu.memory_space<vmem>>, vector<16xf32>,
        %add3A_655 = arith.constant 0 : i32
        %add3A_656 = arith.addi %mul3A_180, %add3A_655 : i32
        %add3A_657 = arith.constant 3 : i32
        %add3A_658 = arith.addi %add3A_656, %add3A_657 : i32
        %swap3A_659 = arith.index_cast %add3A_658 : i32 to index
        %swap3A_660 = arith.constant 32 : index
        %swap3A_661 = tpu.vector_load %arg11[%swap3A_659, %swap3A_660] {strides = array<i32>} : memref<256x64xf32, #tpu.memory_space<vmem>>, vector<16xf32>,
        tpu.vector_store %arg11[%swap3A_659, %swap3A_660], %add3A_617 {strides = array<i32>} : memref<256x64xf32, #tpu.memory_space<vmem>>, vector<16xf32>,
        %add3A_662 = arith.constant 0 : i32
        %add3A_663 = arith.addi %mul3A_180, %add3A_662 : i32
        %add3A_664 = arith.constant 4 : i32
        %add3A_665 = arith.addi %add3A_663, %add3A_664 : i32
        %swap3A_666 = arith.index_cast %add3A_665 : i32 to index
        %swap3A_667 = arith.constant 32 : index
        %swap3A_668 = tpu.vector_load %arg11[%swap3A_666, %swap3A_667] {strides = array<i32>} : memref<256x64xf32, #tpu.memory_space<vmem>>, vector<16xf32>,
        tpu.vector_store %arg11[%swap3A_666, %swap3A_667], %add3A_621 {strides = array<i32>} : memref<256x64xf32, #tpu.memory_space<vmem>>, vector<16xf32>,
        %add3A_669 = arith.constant 0 : i32
        %add3A_670 = arith.addi %mul3A_180, %add3A_669 : i32
        %add3A_671 = arith.constant 5 : i32
        %add3A_672 = arith.addi %add3A_670, %add3A_671 : i32
        %swap3A_673 = arith.index_cast %add3A_672 : i32 to index
        %swap3A_674 = arith.constant 32 : index
        %swap3A_675 = tpu.vector_load %arg11[%swap3A_673, %swap3A_674] {strides = array<i32>} : memref<256x64xf32, #tpu.memory_space<vmem>>, vector<16xf32>,
        tpu.vector_store %arg11[%swap3A_673, %swap3A_674], %add3A_625 {strides = array<i32>} : memref<256x64xf32, #tpu.memory_space<vmem>>, vector<16xf32>,
        %add3A_676 = arith.constant 0 : i32
        %add3A_677 = arith.addi %mul3A_180, %add3A_676 : i32
        %add3A_678 = arith.constant 6 : i32
        %add3A_679 = arith.addi %add3A_677, %add3A_678 : i32
        %swap3A_680 = arith.index_cast %add3A_679 : i32 to index
        %swap3A_681 = arith.constant 32 : index
        %swap3A_682 = tpu.vector_load %arg11[%swap3A_680, %swap3A_681] {strides = array<i32>} : memref<256x64xf32, #tpu.memory_space<vmem>>, vector<16xf32>,
        tpu.vector_store %arg11[%swap3A_680, %swap3A_681], %add3A_629 {strides = array<i32>} : memref<256x64xf32, #tpu.memory_space<vmem>>, vector<16xf32>,
        %add3A_683 = arith.constant 0 : i32
        %add3A_684 = arith.addi %mul3A_180, %add3A_683 : i32
        %add3A_685 = arith.constant 7 : i32
        %add3A_686 = arith.addi %add3A_684, %add3A_685 : i32
        %swap3A_687 = arith.index_cast %add3A_686 : i32 to index
        %swap3A_688 = arith.constant 32 : index
        %swap3A_689 = tpu.vector_load %arg11[%swap3A_687, %swap3A_688] {strides = array<i32>} : memref<256x64xf32, #tpu.memory_space<vmem>>, vector<16xf32>,
        tpu.vector_store %arg11[%swap3A_687, %swap3A_688], %add3A_633 {strides = array<i32>} : memref<256x64xf32, #tpu.memory_space<vmem>>, vector<16xf32>,
        %add3A_690 = arith.constant 0 : i32
        %add3A_691 = arith.addi %mul3A_180, %add3A_690 : i32
        %add3A_692 = arith.constant 0 : i32
        %add3A_693 = arith.addi %add3A_691, %add3A_692 : i32
        %get3A_694 = arith.index_cast %add3A_693 : i32 to index
        %get3A_695 = arith.constant 48 : index
        %get3A_696 = tpu.vector_load %arg9[%get3A_694, %get3A_695] {strides = array<i32>} : memref<256x128xf32, #tpu.memory_space<vmem>>, vector<16xf32>,
        %add3A_697 = arith.constant 0 : i32
        %add3A_698 = arith.addi %mul3A_180, %add3A_697 : i32
        %add3A_699 = arith.constant 1 : i32
        %add3A_700 = arith.addi %add3A_698, %add3A_699 : i32
        %get3A_701 = arith.index_cast %add3A_700 : i32 to index
        %get3A_702 = arith.constant 48 : index
        %get3A_703 = tpu.vector_load %arg9[%get3A_701, %get3A_702] {strides = array<i32>} : memref<256x128xf32, #tpu.memory_space<vmem>>, vector<16xf32>,
        %add3A_704 = arith.constant 0 : i32
        %add3A_705 = arith.addi %mul3A_180, %add3A_704 : i32
        %add3A_706 = arith.constant 2 : i32
        %add3A_707 = arith.addi %add3A_705, %add3A_706 : i32
        %get3A_708 = arith.index_cast %add3A_707 : i32 to index
        %get3A_709 = arith.constant 48 : index
        %get3A_710 = tpu.vector_load %arg9[%get3A_708, %get3A_709] {strides = array<i32>} : memref<256x128xf32, #tpu.memory_space<vmem>>, vector<16xf32>,
        %add3A_711 = arith.constant 0 : i32
        %add3A_712 = arith.addi %mul3A_180, %add3A_711 : i32
        %add3A_713 = arith.constant 3 : i32
        %add3A_714 = arith.addi %add3A_712, %add3A_713 : i32
        %get3A_715 = arith.index_cast %add3A_714 : i32 to index
        %get3A_716 = arith.constant 48 : index
        %get3A_717 = tpu.vector_load %arg9[%get3A_715, %get3A_716] {strides = array<i32>} : memref<256x128xf32, #tpu.memory_space<vmem>>, vector<16xf32>,
        %add3A_718 = arith.constant 0 : i32
        %add3A_719 = arith.addi %mul3A_180, %add3A_718 : i32
        %add3A_720 = arith.constant 4 : i32
        %add3A_721 = arith.addi %add3A_719, %add3A_720 : i32
        %get3A_722 = arith.index_cast %add3A_721 : i32 to index
        %get3A_723 = arith.constant 48 : index
        %get3A_724 = tpu.vector_load %arg9[%get3A_722, %get3A_723] {strides = array<i32>} : memref<256x128xf32, #tpu.memory_space<vmem>>, vector<16xf32>,
        %add3A_725 = arith.constant 0 : i32
        %add3A_726 = arith.addi %mul3A_180, %add3A_725 : i32
        %add3A_727 = arith.constant 5 : i32
        %add3A_728 = arith.addi %add3A_726, %add3A_727 : i32
        %get3A_729 = arith.index_cast %add3A_728 : i32 to index
        %get3A_730 = arith.constant 48 : index
        %get3A_731 = tpu.vector_load %arg9[%get3A_729, %get3A_730] {strides = array<i32>} : memref<256x128xf32, #tpu.memory_space<vmem>>, vector<16xf32>,
        %add3A_732 = arith.constant 0 : i32
        %add3A_733 = arith.addi %mul3A_180, %add3A_732 : i32
        %add3A_734 = arith.constant 6 : i32
        %add3A_735 = arith.addi %add3A_733, %add3A_734 : i32
        %get3A_736 = arith.index_cast %add3A_735 : i32 to index
        %get3A_737 = arith.constant 48 : index
        %get3A_738 = tpu.vector_load %arg9[%get3A_736, %get3A_737] {strides = array<i32>} : memref<256x128xf32, #tpu.memory_space<vmem>>, vector<16xf32>,
        %add3A_739 = arith.constant 0 : i32
        %add3A_740 = arith.addi %mul3A_180, %add3A_739 : i32
        %add3A_741 = arith.constant 7 : i32
        %add3A_742 = arith.addi %add3A_740, %add3A_741 : i32
        %get3A_743 = arith.index_cast %add3A_742 : i32 to index
        %get3A_744 = arith.constant 48 : index
        %get3A_745 = tpu.vector_load %arg9[%get3A_743, %get3A_744] {strides = array<i32>} : memref<256x128xf32, #tpu.memory_space<vmem>>, vector<16xf32>,
        %sub3A_746 = arith.subf %get3A_696, %gather3A_184 : vector<16xf32>
        %mul3A_747 = arith.mulf %sub3A_746, %gather3A_224 : vector<16xf32>
        %mul3A_748 = arith.mulf %mul3A_747, %get3A_92 : vector<16xf32>
        %add3A_749 = arith.addf %mul3A_748, %get3A_100 : vector<16xf32>
        %sub3A_750 = arith.subf %get3A_703, %gather3A_189 : vector<16xf32>
        %mul3A_751 = arith.mulf %sub3A_750, %gather3A_229 : vector<16xf32>
        %mul3A_752 = arith.mulf %mul3A_751, %get3A_92 : vector<16xf32>
        %add3A_753 = arith.addf %mul3A_752, %get3A_100 : vector<16xf32>
        %sub3A_754 = arith.subf %get3A_710, %gather3A_194 : vector<16xf32>
        %mul3A_755 = arith.mulf %sub3A_754, %gather3A_234 : vector<16xf32>
        %mul3A_756 = arith.mulf %mul3A_755, %get3A_92 : vector<16xf32>
        %add3A_757 = arith.addf %mul3A_756, %get3A_100 : vector<16xf32>
        %sub3A_758 = arith.subf %get3A_717, %gather3A_199 : vector<16xf32>
        %mul3A_759 = arith.mulf %sub3A_758, %gather3A_239 : vector<16xf32>
        %mul3A_760 = arith.mulf %mul3A_759, %get3A_92 : vector<16xf32>
        %add3A_761 = arith.addf %mul3A_760, %get3A_100 : vector<16xf32>
        %sub3A_762 = arith.subf %get3A_724, %gather3A_204 : vector<16xf32>
        %mul3A_763 = arith.mulf %sub3A_762, %gather3A_244 : vector<16xf32>
        %mul3A_764 = arith.mulf %mul3A_763, %get3A_92 : vector<16xf32>
        %add3A_765 = arith.addf %mul3A_764, %get3A_100 : vector<16xf32>
        %sub3A_766 = arith.subf %get3A_731, %gather3A_209 : vector<16xf32>
        %mul3A_767 = arith.mulf %sub3A_766, %gather3A_249 : vector<16xf32>
        %mul3A_768 = arith.mulf %mul3A_767, %get3A_92 : vector<16xf32>
        %add3A_769 = arith.addf %mul3A_768, %get3A_100 : vector<16xf32>
        %sub3A_770 = arith.subf %get3A_738, %gather3A_214 : vector<16xf32>
        %mul3A_771 = arith.mulf %sub3A_770, %gather3A_254 : vector<16xf32>
        %mul3A_772 = arith.mulf %mul3A_771, %get3A_92 : vector<16xf32>
        %add3A_773 = arith.addf %mul3A_772, %get3A_100 : vector<16xf32>
        %sub3A_774 = arith.subf %get3A_745, %gather3A_219 : vector<16xf32>
        %mul3A_775 = arith.mulf %sub3A_774, %gather3A_259 : vector<16xf32>
        %mul3A_776 = arith.mulf %mul3A_775, %get3A_92 : vector<16xf32>
        %add3A_777 = arith.addf %mul3A_776, %get3A_100 : vector<16xf32>
        %add3A_778 = arith.constant 0 : i32
        %add3A_779 = arith.addi %mul3A_180, %add3A_778 : i32
        %add3A_780 = arith.constant 0 : i32
        %add3A_781 = arith.addi %add3A_779, %add3A_780 : i32
        %swap3A_782 = arith.index_cast %add3A_781 : i32 to index
        %swap3A_783 = arith.constant 48 : index
        %swap3A_784 = tpu.vector_load %arg11[%swap3A_782, %swap3A_783] {strides = array<i32>} : memref<256x64xf32, #tpu.memory_space<vmem>>, vector<16xf32>,
        tpu.vector_store %arg11[%swap3A_782, %swap3A_783], %add3A_749 {strides = array<i32>} : memref<256x64xf32, #tpu.memory_space<vmem>>, vector<16xf32>,
        %add3A_785 = arith.constant 0 : i32
        %add3A_786 = arith.addi %mul3A_180, %add3A_785 : i32
        %add3A_787 = arith.constant 1 : i32
        %add3A_788 = arith.addi %add3A_786, %add3A_787 : i32
        %swap3A_789 = arith.index_cast %add3A_788 : i32 to index
        %swap3A_790 = arith.constant 48 : index
        %swap3A_791 = tpu.vector_load %arg11[%swap3A_789, %swap3A_790] {strides = array<i32>} : memref<256x64xf32, #tpu.memory_space<vmem>>, vector<16xf32>,
        tpu.vector_store %arg11[%swap3A_789, %swap3A_790], %add3A_753 {strides = array<i32>} : memref<256x64xf32, #tpu.memory_space<vmem>>, vector<16xf32>,
        %add3A_792 = arith.constant 0 : i32
        %add3A_793 = arith.addi %mul3A_180, %add3A_792 : i32
        %add3A_794 = arith.constant 2 : i32
        %add3A_795 = arith.addi %add3A_793, %add3A_794 : i32
        %swap3A_796 = arith.index_cast %add3A_795 : i32 to index
        %swap3A_797 = arith.constant 48 : index
        %swap3A_798 = tpu.vector_load %arg11[%swap3A_796, %swap3A_797] {strides = array<i32>} : memref<256x64xf32, #tpu.memory_space<vmem>>, vector<16xf32>,
        tpu.vector_store %arg11[%swap3A_796, %swap3A_797], %add3A_757 {strides = array<i32>} : memref<256x64xf32, #tpu.memory_space<vmem>>, vector<16xf32>,
        %add3A_799 = arith.constant 0 : i32
        %add3A_800 = arith.addi %mul3A_180, %add3A_799 : i32
        %add3A_801 = arith.constant 3 : i32
        %add3A_802 = arith.addi %add3A_800, %add3A_801 : i32
        %swap3A_803 = arith.index_cast %add3A_802 : i32 to index
        %swap3A_804 = arith.constant 48 : index
        %swap3A_805 = tpu.vector_load %arg11[%swap3A_803, %swap3A_804] {strides = array<i32>} : memref<256x64xf32, #tpu.memory_space<vmem>>, vector<16xf32>,
        tpu.vector_store %arg11[%swap3A_803, %swap3A_804], %add3A_761 {strides = array<i32>} : memref<256x64xf32, #tpu.memory_space<vmem>>, vector<16xf32>,
        %add3A_806 = arith.constant 0 : i32
        %add3A_807 = arith.addi %mul3A_180, %add3A_806 : i32
        %add3A_808 = arith.constant 4 : i32
        %add3A_809 = arith.addi %add3A_807, %add3A_808 : i32
        %swap3A_810 = arith.index_cast %add3A_809 : i32 to index
        %swap3A_811 = arith.constant 48 : index
        %swap3A_812 = tpu.vector_load %arg11[%swap3A_810, %swap3A_811] {strides = array<i32>} : memref<256x64xf32, #tpu.memory_space<vmem>>, vector<16xf32>,
        tpu.vector_store %arg11[%swap3A_810, %swap3A_811], %add3A_765 {strides = array<i32>} : memref<256x64xf32, #tpu.memory_space<vmem>>, vector<16xf32>,
        %add3A_813 = arith.constant 0 : i32
        %add3A_814 = arith.addi %mul3A_180, %add3A_813 : i32
        %add3A_815 = arith.constant 5 : i32
        %add3A_816 = arith.addi %add3A_814, %add3A_815 : i32
        %swap3A_817 = arith.index_cast %add3A_816 : i32 to index
        %swap3A_818 = arith.constant 48 : index
        %swap3A_819 = tpu.vector_load %arg11[%swap3A_817, %swap3A_818] {strides = array<i32>} : memref<256x64xf32, #tpu.memory_space<vmem>>, vector<16xf32>,
        tpu.vector_store %arg11[%swap3A_817, %swap3A_818], %add3A_769 {strides = array<i32>} : memref<256x64xf32, #tpu.memory_space<vmem>>, vector<16xf32>,
        %add3A_820 = arith.constant 0 : i32
        %add3A_821 = arith.addi %mul3A_180, %add3A_820 : i32
        %add3A_822 = arith.constant 6 : i32
        %add3A_823 = arith.addi %add3A_821, %add3A_822 : i32
        %swap3A_824 = arith.index_cast %add3A_823 : i32 to index
        %swap3A_825 = arith.constant 48 : index
        %swap3A_826 = tpu.vector_load %arg11[%swap3A_824, %swap3A_825] {strides = array<i32>} : memref<256x64xf32, #tpu.memory_space<vmem>>, vector<16xf32>,
        tpu.vector_store %arg11[%swap3A_824, %swap3A_825], %add3A_773 {strides = array<i32>} : memref<256x64xf32, #tpu.memory_space<vmem>>, vector<16xf32>,
        %add3A_827 = arith.constant 0 : i32
        %add3A_828 = arith.addi %mul3A_180, %add3A_827 : i32
        %add3A_829 = arith.constant 7 : i32
        %add3A_830 = arith.addi %add3A_828, %add3A_829 : i32
        %swap3A_831 = arith.index_cast %add3A_830 : i32 to index
        %swap3A_832 = arith.constant 48 : index
        %swap3A_833 = tpu.vector_load %arg11[%swap3A_831, %swap3A_832] {strides = array<i32>} : memref<256x64xf32, #tpu.memory_space<vmem>>, vector<16xf32>,
        tpu.vector_store %arg11[%swap3A_831, %swap3A_832], %add3A_777 {strides = array<i32>} : memref<256x64xf32, #tpu.memory_space<vmem>>, vector<16xf32>,
        %broadcast_in_dim3A_834 = arith.constant 8 : i32
        %broadcast_in_dim3A_835 = vector.broadcast %broadcast_in_dim3A_834 : i32 to vector<16xi32>
        %broadcast_in_dim3A_836 = vector.shape_cast %broadcast_in_dim3A_835 : vector<16xi32> to vector<16x1xi32>
        %gather3A_837 = vector.shape_cast %broadcast_in_dim3A_836 : vector<16x1xi32> to vector<16xi32>
        %gather3A_838 = tpu.dynamic_gather %get3A_174[%gather3A_837] in [0] : vector<16xf32>, vector<16xi32> -> vector<16xf32>
        %broadcast_in_dim3A_839 = arith.constant 9 : i32
        %broadcast_in_dim3A_840 = vector.broadcast %broadcast_in_dim3A_839 : i32 to vector<16xi32>
        %broadcast_in_dim3A_841 = vector.shape_cast %broadcast_in_dim3A_840 : vector<16xi32> to vector<16x1xi32>
        %gather3A_842 = vector.shape_cast %broadcast_in_dim3A_841 : vector<16x1xi32> to vector<16xi32>
        %gather3A_843 = tpu.dynamic_gather %get3A_174[%gather3A_842] in [0] : vector<16xf32>, vector<16xi32> -> vector<16xf32>
        %broadcast_in_dim3A_844 = arith.constant 10 : i32
        %broadcast_in_dim3A_845 = vector.broadcast %broadcast_in_dim3A_844 : i32 to vector<16xi32>
        %broadcast_in_dim3A_846 = vector.shape_cast %broadcast_in_dim3A_845 : vector<16xi32> to vector<16x1xi32>
        %gather3A_847 = vector.shape_cast %broadcast_in_dim3A_846 : vector<16x1xi32> to vector<16xi32>
        %gather3A_848 = tpu.dynamic_gather %get3A_174[%gather3A_847] in [0] : vector<16xf32>, vector<16xi32> -> vector<16xf32>
        %broadcast_in_dim3A_849 = arith.constant 11 : i32
        %broadcast_in_dim3A_850 = vector.broadcast %broadcast_in_dim3A_849 : i32 to vector<16xi32>
        %broadcast_in_dim3A_851 = vector.shape_cast %broadcast_in_dim3A_850 : vector<16xi32> to vector<16x1xi32>
        %gather3A_852 = vector.shape_cast %broadcast_in_dim3A_851 : vector<16x1xi32> to vector<16xi32>
        %gather3A_853 = tpu.dynamic_gather %get3A_174[%gather3A_852] in [0] : vector<16xf32>, vector<16xi32> -> vector<16xf32>
        %broadcast_in_dim3A_854 = arith.constant 12 : i32
        %broadcast_in_dim3A_855 = vector.broadcast %broadcast_in_dim3A_854 : i32 to vector<16xi32>
        %broadcast_in_dim3A_856 = vector.shape_cast %broadcast_in_dim3A_855 : vector<16xi32> to vector<16x1xi32>
        %gather3A_857 = vector.shape_cast %broadcast_in_dim3A_856 : vector<16x1xi32> to vector<16xi32>
        %gather3A_858 = tpu.dynamic_gather %get3A_174[%gather3A_857] in [0] : vector<16xf32>, vector<16xi32> -> vector<16xf32>
        %broadcast_in_dim3A_859 = arith.constant 13 : i32
        %broadcast_in_dim3A_860 = vector.broadcast %broadcast_in_dim3A_859 : i32 to vector<16xi32>
        %broadcast_in_dim3A_861 = vector.shape_cast %broadcast_in_dim3A_860 : vector<16xi32> to vector<16x1xi32>
        %gather3A_862 = vector.shape_cast %broadcast_in_dim3A_861 : vector<16x1xi32> to vector<16xi32>
        %gather3A_863 = tpu.dynamic_gather %get3A_174[%gather3A_862] in [0] : vector<16xf32>, vector<16xi32> -> vector<16xf32>
        %broadcast_in_dim3A_864 = arith.constant 14 : i32
        %broadcast_in_dim3A_865 = vector.broadcast %broadcast_in_dim3A_864 : i32 to vector<16xi32>
        %broadcast_in_dim3A_866 = vector.shape_cast %broadcast_in_dim3A_865 : vector<16xi32> to vector<16x1xi32>
        %gather3A_867 = vector.shape_cast %broadcast_in_dim3A_866 : vector<16x1xi32> to vector<16xi32>
        %gather3A_868 = tpu.dynamic_gather %get3A_174[%gather3A_867] in [0] : vector<16xf32>, vector<16xi32> -> vector<16xf32>
        %broadcast_in_dim3A_869 = arith.constant 15 : i32
        %broadcast_in_dim3A_870 = vector.broadcast %broadcast_in_dim3A_869 : i32 to vector<16xi32>
        %broadcast_in_dim3A_871 = vector.shape_cast %broadcast_in_dim3A_870 : vector<16xi32> to vector<16x1xi32>
        %gather3A_872 = vector.shape_cast %broadcast_in_dim3A_871 : vector<16x1xi32> to vector<16xi32>
        %gather3A_873 = tpu.dynamic_gather %get3A_174[%gather3A_872] in [0] : vector<16xf32>, vector<16xi32> -> vector<16xf32>
        %broadcast_in_dim3A_874 = arith.constant 8 : i32
        %broadcast_in_dim3A_875 = vector.broadcast %broadcast_in_dim3A_874 : i32 to vector<16xi32>
        %broadcast_in_dim3A_876 = vector.shape_cast %broadcast_in_dim3A_875 : vector<16xi32> to vector<16x1xi32>
        %gather3A_877 = vector.shape_cast %broadcast_in_dim3A_876 : vector<16x1xi32> to vector<16xi32>
        %gather3A_878 = tpu.dynamic_gather %get3A_178[%gather3A_877] in [0] : vector<16xf32>, vector<16xi32> -> vector<16xf32>
        %broadcast_in_dim3A_879 = arith.constant 9 : i32
        %broadcast_in_dim3A_880 = vector.broadcast %broadcast_in_dim3A_879 : i32 to vector<16xi32>
        %broadcast_in_dim3A_881 = vector.shape_cast %broadcast_in_dim3A_880 : vector<16xi32> to vector<16x1xi32>
        %gather3A_882 = vector.shape_cast %broadcast_in_dim3A_881 : vector<16x1xi32> to vector<16xi32>
        %gather3A_883 = tpu.dynamic_gather %get3A_178[%gather3A_882] in [0] : vector<16xf32>, vector<16xi32> -> vector<16xf32>
        %broadcast_in_dim3A_884 = arith.constant 10 : i32
        %broadcast_in_dim3A_885 = vector.broadcast %broadcast_in_dim3A_884 : i32 to vector<16xi32>
        %broadcast_in_dim3A_886 = vector.shape_cast %broadcast_in_dim3A_885 : vector<16xi32> to vector<16x1xi32>
        %gather3A_887 = vector.shape_cast %broadcast_in_dim3A_886 : vector<16x1xi32> to vector<16xi32>
        %gather3A_888 = tpu.dynamic_gather %get3A_178[%gather3A_887] in [0] : vector<16xf32>, vector<16xi32> -> vector<16xf32>
        %broadcast_in_dim3A_889 = arith.constant 11 : i32
        %broadcast_in_dim3A_890 = vector.broadcast %broadcast_in_dim3A_889 : i32 to vector<16xi32>
        %broadcast_in_dim3A_891 = vector.shape_cast %broadcast_in_dim3A_890 : vector<16xi32> to vector<16x1xi32>
        %gather3A_892 = vector.shape_cast %broadcast_in_dim3A_891 : vector<16x1xi32> to vector<16xi32>
        %gather3A_893 = tpu.dynamic_gather %get3A_178[%gather3A_892] in [0] : vector<16xf32>, vector<16xi32> -> vector<16xf32>
        %broadcast_in_dim3A_894 = arith.constant 12 : i32
        %broadcast_in_dim3A_895 = vector.broadcast %broadcast_in_dim3A_894 : i32 to vector<16xi32>
        %broadcast_in_dim3A_896 = vector.shape_cast %broadcast_in_dim3A_895 : vector<16xi32> to vector<16x1xi32>
        %gather3A_897 = vector.shape_cast %broadcast_in_dim3A_896 : vector<16x1xi32> to vector<16xi32>
        %gather3A_898 = tpu.dynamic_gather %get3A_178[%gather3A_897] in [0] : vector<16xf32>, vector<16xi32> -> vector<16xf32>
        %broadcast_in_dim3A_899 = arith.constant 13 : i32
        %broadcast_in_dim3A_900 = vector.broadcast %broadcast_in_dim3A_899 : i32 to vector<16xi32>
        %broadcast_in_dim3A_901 = vector.shape_cast %broadcast_in_dim3A_900 : vector<16xi32> to vector<16x1xi32>
        %gather3A_902 = vector.shape_cast %broadcast_in_dim3A_901 : vector<16x1xi32> to vector<16xi32>
        %gather3A_903 = tpu.dynamic_gather %get3A_178[%gather3A_902] in [0] : vector<16xf32>, vector<16xi32> -> vector<16xf32>
        %broadcast_in_dim3A_904 = arith.constant 14 : i32
        %broadcast_in_dim3A_905 = vector.broadcast %broadcast_in_dim3A_904 : i32 to vector<16xi32>
        %broadcast_in_dim3A_906 = vector.shape_cast %broadcast_in_dim3A_905 : vector<16xi32> to vector<16x1xi32>
        %gather3A_907 = vector.shape_cast %broadcast_in_dim3A_906 : vector<16x1xi32> to vector<16xi32>
        %gather3A_908 = tpu.dynamic_gather %get3A_178[%gather3A_907] in [0] : vector<16xf32>, vector<16xi32> -> vector<16xf32>
        %broadcast_in_dim3A_909 = arith.constant 15 : i32
        %broadcast_in_dim3A_910 = vector.broadcast %broadcast_in_dim3A_909 : i32 to vector<16xi32>
        %broadcast_in_dim3A_911 = vector.shape_cast %broadcast_in_dim3A_910 : vector<16xi32> to vector<16x1xi32>
        %gather3A_912 = vector.shape_cast %broadcast_in_dim3A_911 : vector<16x1xi32> to vector<16xi32>
        %gather3A_913 = tpu.dynamic_gather %get3A_178[%gather3A_912] in [0] : vector<16xf32>, vector<16xi32> -> vector<16xf32>
        %add3A_914 = arith.constant 8 : i32
        %add3A_915 = arith.addi %mul3A_180, %add3A_914 : i32
        %add3A_916 = arith.constant 0 : i32
        %add3A_917 = arith.addi %add3A_915, %add3A_916 : i32
        %get3A_918 = arith.index_cast %add3A_917 : i32 to index
        %get3A_919 = arith.constant 0 : index
        %get3A_920 = tpu.vector_load %arg9[%get3A_918, %get3A_919] {strides = array<i32>} : memref<256x128xf32, #tpu.memory_space<vmem>>, vector<16xf32>,
        %add3A_921 = arith.constant 8 : i32
        %add3A_922 = arith.addi %mul3A_180, %add3A_921 : i32
        %add3A_923 = arith.constant 1 : i32
        %add3A_924 = arith.addi %add3A_922, %add3A_923 : i32
        %get3A_925 = arith.index_cast %add3A_924 : i32 to index
        %get3A_926 = arith.constant 0 : index
        %get3A_927 = tpu.vector_load %arg9[%get3A_925, %get3A_926] {strides = array<i32>} : memref<256x128xf32, #tpu.memory_space<vmem>>, vector<16xf32>,
        %add3A_928 = arith.constant 8 : i32
        %add3A_929 = arith.addi %mul3A_180, %add3A_928 : i32
        %add3A_930 = arith.constant 2 : i32
        %add3A_931 = arith.addi %add3A_929, %add3A_930 : i32
        %get3A_932 = arith.index_cast %add3A_931 : i32 to index
        %get3A_933 = arith.constant 0 : index
        %get3A_934 = tpu.vector_load %arg9[%get3A_932, %get3A_933] {strides = array<i32>} : memref<256x128xf32, #tpu.memory_space<vmem>>, vector<16xf32>,
        %add3A_935 = arith.constant 8 : i32
        %add3A_936 = arith.addi %mul3A_180, %add3A_935 : i32
        %add3A_937 = arith.constant 3 : i32
        %add3A_938 = arith.addi %add3A_936, %add3A_937 : i32
        %get3A_939 = arith.index_cast %add3A_938 : i32 to index
        %get3A_940 = arith.constant 0 : index
        %get3A_941 = tpu.vector_load %arg9[%get3A_939, %get3A_940] {strides = array<i32>} : memref<256x128xf32, #tpu.memory_space<vmem>>, vector<16xf32>,
        %add3A_942 = arith.constant 8 : i32
        %add3A_943 = arith.addi %mul3A_180, %add3A_942 : i32
        %add3A_944 = arith.constant 4 : i32
        %add3A_945 = arith.addi %add3A_943, %add3A_944 : i32
        %get3A_946 = arith.index_cast %add3A_945 : i32 to index
        %get3A_947 = arith.constant 0 : index
        %get3A_948 = tpu.vector_load %arg9[%get3A_946, %get3A_947] {strides = array<i32>} : memref<256x128xf32, #tpu.memory_space<vmem>>, vector<16xf32>,
        %add3A_949 = arith.constant 8 : i32
        %add3A_950 = arith.addi %mul3A_180, %add3A_949 : i32
        %add3A_951 = arith.constant 5 : i32
        %add3A_952 = arith.addi %add3A_950, %add3A_951 : i32
        %get3A_953 = arith.index_cast %add3A_952 : i32 to index
        %get3A_954 = arith.constant 0 : index
        %get3A_955 = tpu.vector_load %arg9[%get3A_953, %get3A_954] {strides = array<i32>} : memref<256x128xf32, #tpu.memory_space<vmem>>, vector<16xf32>,
        %add3A_956 = arith.constant 8 : i32
        %add3A_957 = arith.addi %mul3A_180, %add3A_956 : i32
        %add3A_958 = arith.constant 6 : i32
        %add3A_959 = arith.addi %add3A_957, %add3A_958 : i32
        %get3A_960 = arith.index_cast %add3A_959 : i32 to index
        %get3A_961 = arith.constant 0 : index
        %get3A_962 = tpu.vector_load %arg9[%get3A_960, %get3A_961] {strides = array<i32>} : memref<256x128xf32, #tpu.memory_space<vmem>>, vector<16xf32>,
        %add3A_963 = arith.constant 8 : i32
        %add3A_964 = arith.addi %mul3A_180, %add3A_963 : i32
        %add3A_965 = arith.constant 7 : i32
        %add3A_966 = arith.addi %add3A_964, %add3A_965 : i32
        %get3A_967 = arith.index_cast %add3A_966 : i32 to index
        %get3A_968 = arith.constant 0 : index
        %get3A_969 = tpu.vector_load %arg9[%get3A_967, %get3A_968] {strides = array<i32>} : memref<256x128xf32, #tpu.memory_space<vmem>>, vector<16xf32>,
        %sub3A_970 = arith.subf %get3A_920, %gather3A_838 : vector<16xf32>
        %mul3A_971 = arith.mulf %sub3A_970, %gather3A_878 : vector<16xf32>
        %mul3A_972 = arith.mulf %mul3A_971, %get3A_86 : vector<16xf32>
        %add3A_973 = arith.addf %mul3A_972, %get3A_94 : vector<16xf32>
        %sub3A_974 = arith.subf %get3A_927, %gather3A_843 : vector<16xf32>
        %mul3A_975 = arith.mulf %sub3A_974, %gather3A_883 : vector<16xf32>
        %mul3A_976 = arith.mulf %mul3A_975, %get3A_86 : vector<16xf32>
        %add3A_977 = arith.addf %mul3A_976, %get3A_94 : vector<16xf32>
        %sub3A_978 = arith.subf %get3A_934, %gather3A_848 : vector<16xf32>
        %mul3A_979 = arith.mulf %sub3A_978, %gather3A_888 : vector<16xf32>
        %mul3A_980 = arith.mulf %mul3A_979, %get3A_86 : vector<16xf32>
        %add3A_981 = arith.addf %mul3A_980, %get3A_94 : vector<16xf32>
        %sub3A_982 = arith.subf %get3A_941, %gather3A_853 : vector<16xf32>
        %mul3A_983 = arith.mulf %sub3A_982, %gather3A_893 : vector<16xf32>
        %mul3A_984 = arith.mulf %mul3A_983, %get3A_86 : vector<16xf32>
        %add3A_985 = arith.addf %mul3A_984, %get3A_94 : vector<16xf32>
        %sub3A_986 = arith.subf %get3A_948, %gather3A_858 : vector<16xf32>
        %mul3A_987 = arith.mulf %sub3A_986, %gather3A_898 : vector<16xf32>
        %mul3A_988 = arith.mulf %mul3A_987, %get3A_86 : vector<16xf32>
        %add3A_989 = arith.addf %mul3A_988, %get3A_94 : vector<16xf32>
        %sub3A_990 = arith.subf %get3A_955, %gather3A_863 : vector<16xf32>
        %mul3A_991 = arith.mulf %sub3A_990, %gather3A_903 : vector<16xf32>
        %mul3A_992 = arith.mulf %mul3A_991, %get3A_86 : vector<16xf32>
        %add3A_993 = arith.addf %mul3A_992, %get3A_94 : vector<16xf32>
        %sub3A_994 = arith.subf %get3A_962, %gather3A_868 : vector<16xf32>
        %mul3A_995 = arith.mulf %sub3A_994, %gather3A_908 : vector<16xf32>
        %mul3A_996 = arith.mulf %mul3A_995, %get3A_86 : vector<16xf32>
        %add3A_997 = arith.addf %mul3A_996, %get3A_94 : vector<16xf32>
        %sub3A_998 = arith.subf %get3A_969, %gather3A_873 : vector<16xf32>
        %mul3A_999 = arith.mulf %sub3A_998, %gather3A_913 : vector<16xf32>
        %mul3A_1000 = arith.mulf %mul3A_999, %get3A_86 : vector<16xf32>
        %add3A_1001 = arith.addf %mul3A_1000, %get3A_94 : vector<16xf32>
        %add3A_1002 = arith.constant 8 : i32
        %add3A_1003 = arith.addi %mul3A_180, %add3A_1002 : i32
        %add3A_1004 = arith.constant 0 : i32
        %add3A_1005 = arith.addi %add3A_1003, %add3A_1004 : i32
        %swap3A_1006 = arith.index_cast %add3A_1005 : i32 to index
        %swap3A_1007 = arith.constant 0 : index
        %swap3A_1008 = tpu.vector_load %arg11[%swap3A_1006, %swap3A_1007] {strides = array<i32>} : memref<256x64xf32, #tpu.memory_space<vmem>>, vector<16xf32>,
        tpu.vector_store %arg11[%swap3A_1006, %swap3A_1007], %add3A_973 {strides = array<i32>} : memref<256x64xf32, #tpu.memory_space<vmem>>, vector<16xf32>,
        %add3A_1009 = arith.constant 8 : i32
        %add3A_1010 = arith.addi %mul3A_180, %add3A_1009 : i32
        %add3A_1011 = arith.constant 1 : i32
        %add3A_1012 = arith.addi %add3A_1010, %add3A_1011 : i32
        %swap3A_1013 = arith.index_cast %add3A_1012 : i32 to index
        %swap3A_1014 = arith.constant 0 : index
        %swap3A_1015 = tpu.vector_load %arg11[%swap3A_1013, %swap3A_1014] {strides = array<i32>} : memref<256x64xf32, #tpu.memory_space<vmem>>, vector<16xf32>,
        tpu.vector_store %arg11[%swap3A_1013, %swap3A_1014], %add3A_977 {strides = array<i32>} : memref<256x64xf32, #tpu.memory_space<vmem>>, vector<16xf32>,
        %add3A_1016 = arith.constant 8 : i32
        %add3A_1017 = arith.addi %mul3A_180, %add3A_1016 : i32
        %add3A_1018 = arith.constant 2 : i32
        %add3A_1019 = arith.addi %add3A_1017, %add3A_1018 : i32
        %swap3A_1020 = arith.index_cast %add3A_1019 : i32 to index
        %swap3A_1021 = arith.constant 0 : index
        %swap3A_1022 = tpu.vector_load %arg11[%swap3A_1020, %swap3A_1021] {strides = array<i32>} : memref<256x64xf32, #tpu.memory_space<vmem>>, vector<16xf32>,
        tpu.vector_store %arg11[%swap3A_1020, %swap3A_1021], %add3A_981 {strides = array<i32>} : memref<256x64xf32, #tpu.memory_space<vmem>>, vector<16xf32>,
        %add3A_1023 = arith.constant 8 : i32
        %add3A_1024 = arith.addi %mul3A_180, %add3A_1023 : i32
        %add3A_1025 = arith.constant 3 : i32
        %add3A_1026 = arith.addi %add3A_1024, %add3A_1025 : i32
        %swap3A_1027 = arith.index_cast %add3A_1026 : i32 to index
        %swap3A_1028 = arith.constant 0 : index
        %swap3A_1029 = tpu.vector_load %arg11[%swap3A_1027, %swap3A_1028] {strides = array<i32>} : memref<256x64xf32, #tpu.memory_space<vmem>>, vector<16xf32>,
        tpu.vector_store %arg11[%swap3A_1027, %swap3A_1028], %add3A_985 {strides = array<i32>} : memref<256x64xf32, #tpu.memory_space<vmem>>, vector<16xf32>,
        %add3A_1030 = arith.constant 8 : i32
        %add3A_1031 = arith.addi %mul3A_180, %add3A_1030 : i32
        %add3A_1032 = arith.constant 4 : i32
        %add3A_1033 = arith.addi %add3A_1031, %add3A_1032 : i32
        %swap3A_1034 = arith.index_cast %add3A_1033 : i32 to index
        %swap3A_1035 = arith.constant 0 : index
        %swap3A_1036 = tpu.vector_load %arg11[%swap3A_1034, %swap3A_1035] {strides = array<i32>} : memref<256x64xf32, #tpu.memory_space<vmem>>, vector<16xf32>,
        tpu.vector_store %arg11[%swap3A_1034, %swap3A_1035], %add3A_989 {strides = array<i32>} : memref<256x64xf32, #tpu.memory_space<vmem>>, vector<16xf32>,
        %add3A_1037 = arith.constant 8 : i32
        %add3A_1038 = arith.addi %mul3A_180, %add3A_1037 : i32
        %add3A_1039 = arith.constant 5 : i32
        %add3A_1040 = arith.addi %add3A_1038, %add3A_1039 : i32
        %swap3A_1041 = arith.index_cast %add3A_1040 : i32 to index
        %swap3A_1042 = arith.constant 0 : index
        %swap3A_1043 = tpu.vector_load %arg11[%swap3A_1041, %swap3A_1042] {strides = array<i32>} : memref<256x64xf32, #tpu.memory_space<vmem>>, vector<16xf32>,
        tpu.vector_store %arg11[%swap3A_1041, %swap3A_1042], %add3A_993 {strides = array<i32>} : memref<256x64xf32, #tpu.memory_space<vmem>>, vector<16xf32>,
        %add3A_1044 = arith.constant 8 : i32
        %add3A_1045 = arith.addi %mul3A_180, %add3A_1044 : i32
        %add3A_1046 = arith.constant 6 : i32
        %add3A_1047 = arith.addi %add3A_1045, %add3A_1046 : i32
        %swap3A_1048 = arith.index_cast %add3A_1047 : i32 to index
        %swap3A_1049 = arith.constant 0 : index
        %swap3A_1050 = tpu.vector_load %arg11[%swap3A_1048, %swap3A_1049] {strides = array<i32>} : memref<256x64xf32, #tpu.memory_space<vmem>>, vector<16xf32>,
        tpu.vector_store %arg11[%swap3A_1048, %swap3A_1049], %add3A_997 {strides = array<i32>} : memref<256x64xf32, #tpu.memory_space<vmem>>, vector<16xf32>,
        %add3A_1051 = arith.constant 8 : i32
        %add3A_1052 = arith.addi %mul3A_180, %add3A_1051 : i32
        %add3A_1053 = arith.constant 7 : i32
        %add3A_1054 = arith.addi %add3A_1052, %add3A_1053 : i32
        %swap3A_1055 = arith.index_cast %add3A_1054 : i32 to index
        %swap3A_1056 = arith.constant 0 : index
        %swap3A_1057 = tpu.vector_load %arg11[%swap3A_1055, %swap3A_1056] {strides = array<i32>} : memref<256x64xf32, #tpu.memory_space<vmem>>, vector<16xf32>,
        tpu.vector_store %arg11[%swap3A_1055, %swap3A_1056], %add3A_1001 {strides = array<i32>} : memref<256x64xf32, #tpu.memory_space<vmem>>, vector<16xf32>,
        %add3A_1058 = arith.constant 8 : i32
        %add3A_1059 = arith.addi %mul3A_180, %add3A_1058 : i32
        %add3A_1060 = arith.constant 0 : i32
        %add3A_1061 = arith.addi %add3A_1059, %add3A_1060 : i32
        %get3A_1062 = arith.index_cast %add3A_1061 : i32 to index
        %get3A_1063 = arith.constant 16 : index
        %get3A_1064 = tpu.vector_load %arg9[%get3A_1062, %get3A_1063] {strides = array<i32>} : memref<256x128xf32, #tpu.memory_space<vmem>>, vector<16xf32>,
        %add3A_1065 = arith.constant 8 : i32
        %add3A_1066 = arith.addi %mul3A_180, %add3A_1065 : i32
        %add3A_1067 = arith.constant 1 : i32
        %add3A_1068 = arith.addi %add3A_1066, %add3A_1067 : i32
        %get3A_1069 = arith.index_cast %add3A_1068 : i32 to index
        %get3A_1070 = arith.constant 16 : index
        %get3A_1071 = tpu.vector_load %arg9[%get3A_1069, %get3A_1070] {strides = array<i32>} : memref<256x128xf32, #tpu.memory_space<vmem>>, vector<16xf32>,
        %add3A_1072 = arith.constant 8 : i32
        %add3A_1073 = arith.addi %mul3A_180, %add3A_1072 : i32
        %add3A_1074 = arith.constant 2 : i32
        %add3A_1075 = arith.addi %add3A_1073, %add3A_1074 : i32
        %get3A_1076 = arith.index_cast %add3A_1075 : i32 to index
        %get3A_1077 = arith.constant 16 : index
        %get3A_1078 = tpu.vector_load %arg9[%get3A_1076, %get3A_1077] {strides = array<i32>} : memref<256x128xf32, #tpu.memory_space<vmem>>, vector<16xf32>,
        %add3A_1079 = arith.constant 8 : i32
        %add3A_1080 = arith.addi %mul3A_180, %add3A_1079 : i32
        %add3A_1081 = arith.constant 3 : i32
        %add3A_1082 = arith.addi %add3A_1080, %add3A_1081 : i32
        %get3A_1083 = arith.index_cast %add3A_1082 : i32 to index
        %get3A_1084 = arith.constant 16 : index
        %get3A_1085 = tpu.vector_load %arg9[%get3A_1083, %get3A_1084] {strides = array<i32>} : memref<256x128xf32, #tpu.memory_space<vmem>>, vector<16xf32>,
        %add3A_1086 = arith.constant 8 : i32
        %add3A_1087 = arith.addi %mul3A_180, %add3A_1086 : i32
        %add3A_1088 = arith.constant 4 : i32
        %add3A_1089 = arith.addi %add3A_1087, %add3A_1088 : i32
        %get3A_1090 = arith.index_cast %add3A_1089 : i32 to index
        %get3A_1091 = arith.constant 16 : index
        %get3A_1092 = tpu.vector_load %arg9[%get3A_1090, %get3A_1091] {strides = array<i32>} : memref<256x128xf32, #tpu.memory_space<vmem>>, vector<16xf32>,
        %add3A_1093 = arith.constant 8 : i32
        %add3A_1094 = arith.addi %mul3A_180, %add3A_1093 : i32
        %add3A_1095 = arith.constant 5 : i32
        %add3A_1096 = arith.addi %add3A_1094, %add3A_1095 : i32
        %get3A_1097 = arith.index_cast %add3A_1096 : i32 to index
        %get3A_1098 = arith.constant 16 : index
        %get3A_1099 = tpu.vector_load %arg9[%get3A_1097, %get3A_1098] {strides = array<i32>} : memref<256x128xf32, #tpu.memory_space<vmem>>, vector<16xf32>,
        %add3A_1100 = arith.constant 8 : i32
        %add3A_1101 = arith.addi %mul3A_180, %add3A_1100 : i32
        %add3A_1102 = arith.constant 6 : i32
        %add3A_1103 = arith.addi %add3A_1101, %add3A_1102 : i32
        %get3A_1104 = arith.index_cast %add3A_1103 : i32 to index
        %get3A_1105 = arith.constant 16 : index
        %get3A_1106 = tpu.vector_load %arg9[%get3A_1104, %get3A_1105] {strides = array<i32>} : memref<256x128xf32, #tpu.memory_space<vmem>>, vector<16xf32>,
        %add3A_1107 = arith.constant 8 : i32
        %add3A_1108 = arith.addi %mul3A_180, %add3A_1107 : i32
        %add3A_1109 = arith.constant 7 : i32
        %add3A_1110 = arith.addi %add3A_1108, %add3A_1109 : i32
        %get3A_1111 = arith.index_cast %add3A_1110 : i32 to index
        %get3A_1112 = arith.constant 16 : index
        %get3A_1113 = tpu.vector_load %arg9[%get3A_1111, %get3A_1112] {strides = array<i32>} : memref<256x128xf32, #tpu.memory_space<vmem>>, vector<16xf32>,
        %sub3A_1114 = arith.subf %get3A_1064, %gather3A_838 : vector<16xf32>
        %mul3A_1115 = arith.mulf %sub3A_1114, %gather3A_878 : vector<16xf32>
        %mul3A_1116 = arith.mulf %mul3A_1115, %get3A_88 : vector<16xf32>
        %add3A_1117 = arith.addf %mul3A_1116, %get3A_96 : vector<16xf32>
        %sub3A_1118 = arith.subf %get3A_1071, %gather3A_843 : vector<16xf32>
        %mul3A_1119 = arith.mulf %sub3A_1118, %gather3A_883 : vector<16xf32>
        %mul3A_1120 = arith.mulf %mul3A_1119, %get3A_88 : vector<16xf32>
        %add3A_1121 = arith.addf %mul3A_1120, %get3A_96 : vector<16xf32>
        %sub3A_1122 = arith.subf %get3A_1078, %gather3A_848 : vector<16xf32>
        %mul3A_1123 = arith.mulf %sub3A_1122, %gather3A_888 : vector<16xf32>
        %mul3A_1124 = arith.mulf %mul3A_1123, %get3A_88 : vector<16xf32>
        %add3A_1125 = arith.addf %mul3A_1124, %get3A_96 : vector<16xf32>
        %sub3A_1126 = arith.subf %get3A_1085, %gather3A_853 : vector<16xf32>
        %mul3A_1127 = arith.mulf %sub3A_1126, %gather3A_893 : vector<16xf32>
        %mul3A_1128 = arith.mulf %mul3A_1127, %get3A_88 : vector<16xf32>
        %add3A_1129 = arith.addf %mul3A_1128, %get3A_96 : vector<16xf32>
        %sub3A_1130 = arith.subf %get3A_1092, %gather3A_858 : vector<16xf32>
        %mul3A_1131 = arith.mulf %sub3A_1130, %gather3A_898 : vector<16xf32>
        %mul3A_1132 = arith.mulf %mul3A_1131, %get3A_88 : vector<16xf32>
        %add3A_1133 = arith.addf %mul3A_1132, %get3A_96 : vector<16xf32>
        %sub3A_1134 = arith.subf %get3A_1099, %gather3A_863 : vector<16xf32>
        %mul3A_1135 = arith.mulf %sub3A_1134, %gather3A_903 : vector<16xf32>
        %mul3A_1136 = arith.mulf %mul3A_1135, %get3A_88 : vector<16xf32>
        %add3A_1137 = arith.addf %mul3A_1136, %get3A_96 : vector<16xf32>
        %sub3A_1138 = arith.subf %get3A_1106, %gather3A_868 : vector<16xf32>
        %mul3A_1139 = arith.mulf %sub3A_1138, %gather3A_908 : vector<16xf32>
        %mul3A_1140 = arith.mulf %mul3A_1139, %get3A_88 : vector<16xf32>
        %add3A_1141 = arith.addf %mul3A_1140, %get3A_96 : vector<16xf32>
        %sub3A_1142 = arith.subf %get3A_1113, %gather3A_873 : vector<16xf32>
        %mul3A_1143 = arith.mulf %sub3A_1142, %gather3A_913 : vector<16xf32>
        %mul3A_1144 = arith.mulf %mul3A_1143, %get3A_88 : vector<16xf32>
        %add3A_1145 = arith.addf %mul3A_1144, %get3A_96 : vector<16xf32>
        %add3A_1146 = arith.constant 8 : i32
        %add3A_1147 = arith.addi %mul3A_180, %add3A_1146 : i32
        %add3A_1148 = arith.constant 0 : i32
        %add3A_1149 = arith.addi %add3A_1147, %add3A_1148 : i32
        %swap3A_1150 = arith.index_cast %add3A_1149 : i32 to index
        %swap3A_1151 = arith.constant 16 : index
        %swap3A_1152 = tpu.vector_load %arg11[%swap3A_1150, %swap3A_1151] {strides = array<i32>} : memref<256x64xf32, #tpu.memory_space<vmem>>, vector<16xf32>,
        tpu.vector_store %arg11[%swap3A_1150, %swap3A_1151], %add3A_1117 {strides = array<i32>} : memref<256x64xf32, #tpu.memory_space<vmem>>, vector<16xf32>,
        %add3A_1153 = arith.constant 8 : i32
        %add3A_1154 = arith.addi %mul3A_180, %add3A_1153 : i32
        %add3A_1155 = arith.constant 1 : i32
        %add3A_1156 = arith.addi %add3A_1154, %add3A_1155 : i32
        %swap3A_1157 = arith.index_cast %add3A_1156 : i32 to index
        %swap3A_1158 = arith.constant 16 : index
        %swap3A_1159 = tpu.vector_load %arg11[%swap3A_1157, %swap3A_1158] {strides = array<i32>} : memref<256x64xf32, #tpu.memory_space<vmem>>, vector<16xf32>,
        tpu.vector_store %arg11[%swap3A_1157, %swap3A_1158], %add3A_1121 {strides = array<i32>} : memref<256x64xf32, #tpu.memory_space<vmem>>, vector<16xf32>,
        %add3A_1160 = arith.constant 8 : i32
        %add3A_1161 = arith.addi %mul3A_180, %add3A_1160 : i32
        %add3A_1162 = arith.constant 2 : i32
        %add3A_1163 = arith.addi %add3A_1161, %add3A_1162 : i32
        %swap3A_1164 = arith.index_cast %add3A_1163 : i32 to index
        %swap3A_1165 = arith.constant 16 : index
        %swap3A_1166 = tpu.vector_load %arg11[%swap3A_1164, %swap3A_1165] {strides = array<i32>} : memref<256x64xf32, #tpu.memory_space<vmem>>, vector<16xf32>,
        tpu.vector_store %arg11[%swap3A_1164, %swap3A_1165], %add3A_1125 {strides = array<i32>} : memref<256x64xf32, #tpu.memory_space<vmem>>, vector<16xf32>,
        %add3A_1167 = arith.constant 8 : i32
        %add3A_1168 = arith.addi %mul3A_180, %add3A_1167 : i32
        %add3A_1169 = arith.constant 3 : i32
        %add3A_1170 = arith.addi %add3A_1168, %add3A_1169 : i32
        %swap3A_1171 = arith.index_cast %add3A_1170 : i32 to index
        %swap3A_1172 = arith.constant 16 : index
        %swap3A_1173 = tpu.vector_load %arg11[%swap3A_1171, %swap3A_1172] {strides = array<i32>} : memref<256x64xf32, #tpu.memory_space<vmem>>, vector<16xf32>,
        tpu.vector_store %arg11[%swap3A_1171, %swap3A_1172], %add3A_1129 {strides = array<i32>} : memref<256x64xf32, #tpu.memory_space<vmem>>, vector<16xf32>,
        %add3A_1174 = arith.constant 8 : i32
        %add3A_1175 = arith.addi %mul3A_180, %add3A_1174 : i32
        %add3A_1176 = arith.constant 4 : i32
        %add3A_1177 = arith.addi %add3A_1175, %add3A_1176 : i32
        %swap3A_1178 = arith.index_cast %add3A_1177 : i32 to index
        %swap3A_1179 = arith.constant 16 : index
        %swap3A_1180 = tpu.vector_load %arg11[%swap3A_1178, %swap3A_1179] {strides = array<i32>} : memref<256x64xf32, #tpu.memory_space<vmem>>, vector<16xf32>,
        tpu.vector_store %arg11[%swap3A_1178, %swap3A_1179], %add3A_1133 {strides = array<i32>} : memref<256x64xf32, #tpu.memory_space<vmem>>, vector<16xf32>,
        %add3A_1181 = arith.constant 8 : i32
        %add3A_1182 = arith.addi %mul3A_180, %add3A_1181 : i32
        %add3A_1183 = arith.constant 5 : i32
        %add3A_1184 = arith.addi %add3A_1182, %add3A_1183 : i32
        %swap3A_1185 = arith.index_cast %add3A_1184 : i32 to index
        %swap3A_1186 = arith.constant 16 : index
        %swap3A_1187 = tpu.vector_load %arg11[%swap3A_1185, %swap3A_1186] {strides = array<i32>} : memref<256x64xf32, #tpu.memory_space<vmem>>, vector<16xf32>,
        tpu.vector_store %arg11[%swap3A_1185, %swap3A_1186], %add3A_1137 {strides = array<i32>} : memref<256x64xf32, #tpu.memory_space<vmem>>, vector<16xf32>,
        %add3A_1188 = arith.constant 8 : i32
        %add3A_1189 = arith.addi %mul3A_180, %add3A_1188 : i32
        %add3A_1190 = arith.constant 6 : i32
        %add3A_1191 = arith.addi %add3A_1189, %add3A_1190 : i32
        %swap3A_1192 = arith.index_cast %add3A_1191 : i32 to index
        %swap3A_1193 = arith.constant 16 : index
        %swap3A_1194 = tpu.vector_load %arg11[%swap3A_1192, %swap3A_1193] {strides = array<i32>} : memref<256x64xf32, #tpu.memory_space<vmem>>, vector<16xf32>,
        tpu.vector_store %arg11[%swap3A_1192, %swap3A_1193], %add3A_1141 {strides = array<i32>} : memref<256x64xf32, #tpu.memory_space<vmem>>, vector<16xf32>,
        %add3A_1195 = arith.constant 8 : i32
        %add3A_1196 = arith.addi %mul3A_180, %add3A_1195 : i32
        %add3A_1197 = arith.constant 7 : i32
        %add3A_1198 = arith.addi %add3A_1196, %add3A_1197 : i32
        %swap3A_1199 = arith.index_cast %add3A_1198 : i32 to index
        %swap3A_1200 = arith.constant 16 : index
        %swap3A_1201 = tpu.vector_load %arg11[%swap3A_1199, %swap3A_1200] {strides = array<i32>} : memref<256x64xf32, #tpu.memory_space<vmem>>, vector<16xf32>,
        tpu.vector_store %arg11[%swap3A_1199, %swap3A_1200], %add3A_1145 {strides = array<i32>} : memref<256x64xf32, #tpu.memory_space<vmem>>, vector<16xf32>,
        %add3A_1202 = arith.constant 8 : i32
        %add3A_1203 = arith.addi %mul3A_180, %add3A_1202 : i32
        %add3A_1204 = arith.constant 0 : i32
        %add3A_1205 = arith.addi %add3A_1203, %add3A_1204 : i32
        %get3A_1206 = arith.index_cast %add3A_1205 : i32 to index
        %get3A_1207 = arith.constant 32 : index
        %get3A_1208 = tpu.vector_load %arg9[%get3A_1206, %get3A_1207] {strides = array<i32>} : memref<256x128xf32, #tpu.memory_space<vmem>>, vector<16xf32>,
        %add3A_1209 = arith.constant 8 : i32
        %add3A_1210 = arith.addi %mul3A_180, %add3A_1209 : i32
        %add3A_1211 = arith.constant 1 : i32
        %add3A_1212 = arith.addi %add3A_1210, %add3A_1211 : i32
        %get3A_1213 = arith.index_cast %add3A_1212 : i32 to index
        %get3A_1214 = arith.constant 32 : index
        %get3A_1215 = tpu.vector_load %arg9[%get3A_1213, %get3A_1214] {strides = array<i32>} : memref<256x128xf32, #tpu.memory_space<vmem>>, vector<16xf32>,
        %add3A_1216 = arith.constant 8 : i32
        %add3A_1217 = arith.addi %mul3A_180, %add3A_1216 : i32
        %add3A_1218 = arith.constant 2 : i32
        %add3A_1219 = arith.addi %add3A_1217, %add3A_1218 : i32
        %get3A_1220 = arith.index_cast %add3A_1219 : i32 to index
        %get3A_1221 = arith.constant 32 : index
        %get3A_1222 = tpu.vector_load %arg9[%get3A_1220, %get3A_1221] {strides = array<i32>} : memref<256x128xf32, #tpu.memory_space<vmem>>, vector<16xf32>,
        %add3A_1223 = arith.constant 8 : i32
        %add3A_1224 = arith.addi %mul3A_180, %add3A_1223 : i32
        %add3A_1225 = arith.constant 3 : i32
        %add3A_1226 = arith.addi %add3A_1224, %add3A_1225 : i32
        %get3A_1227 = arith.index_cast %add3A_1226 : i32 to index
        %get3A_1228 = arith.constant 32 : index
        %get3A_1229 = tpu.vector_load %arg9[%get3A_1227, %get3A_1228] {strides = array<i32>} : memref<256x128xf32, #tpu.memory_space<vmem>>, vector<16xf32>,
        %add3A_1230 = arith.constant 8 : i32
        %add3A_1231 = arith.addi %mul3A_180, %add3A_1230 : i32
        %add3A_1232 = arith.constant 4 : i32
        %add3A_1233 = arith.addi %add3A_1231, %add3A_1232 : i32
        %get3A_1234 = arith.index_cast %add3A_1233 : i32 to index
        %get3A_1235 = arith.constant 32 : index
        %get3A_1236 = tpu.vector_load %arg9[%get3A_1234, %get3A_1235] {strides = array<i32>} : memref<256x128xf32, #tpu.memory_space<vmem>>, vector<16xf32>,
        %add3A_1237 = arith.constant 8 : i32
        %add3A_1238 = arith.addi %mul3A_180, %add3A_1237 : i32
        %add3A_1239 = arith.constant 5 : i32
        %add3A_1240 = arith.addi %add3A_1238, %add3A_1239 : i32
        %get3A_1241 = arith.index_cast %add3A_1240 : i32 to index
        %get3A_1242 = arith.constant 32 : index
        %get3A_1243 = tpu.vector_load %arg9[%get3A_1241, %get3A_1242] {strides = array<i32>} : memref<256x128xf32, #tpu.memory_space<vmem>>, vector<16xf32>,
        %add3A_1244 = arith.constant 8 : i32
        %add3A_1245 = arith.addi %mul3A_180, %add3A_1244 : i32
        %add3A_1246 = arith.constant 6 : i32
        %add3A_1247 = arith.addi %add3A_1245, %add3A_1246 : i32
        %get3A_1248 = arith.index_cast %add3A_1247 : i32 to index
        %get3A_1249 = arith.constant 32 : index
        %get3A_1250 = tpu.vector_load %arg9[%get3A_1248, %get3A_1249] {strides = array<i32>} : memref<256x128xf32, #tpu.memory_space<vmem>>, vector<16xf32>,
        %add3A_1251 = arith.constant 8 : i32
        %add3A_1252 = arith.addi %mul3A_180, %add3A_1251 : i32
        %add3A_1253 = arith.constant 7 : i32
        %add3A_1254 = arith.addi %add3A_1252, %add3A_1253 : i32
        %get3A_1255 = arith.index_cast %add3A_1254 : i32 to index
        %get3A_1256 = arith.constant 32 : index
        %get3A_1257 = tpu.vector_load %arg9[%get3A_1255, %get3A_1256] {strides = array<i32>} : memref<256x128xf32, #tpu.memory_space<vmem>>, vector<16xf32>,
        %sub3A_1258 = arith.subf %get3A_1208, %gather3A_838 : vector<16xf32>
        %mul3A_1259 = arith.mulf %sub3A_1258, %gather3A_878 : vector<16xf32>
        %mul3A_1260 = arith.mulf %mul3A_1259, %get3A_90 : vector<16xf32>
        %add3A_1261 = arith.addf %mul3A_1260, %get3A_98 : vector<16xf32>
        %sub3A_1262 = arith.subf %get3A_1215, %gather3A_843 : vector<16xf32>
        %mul3A_1263 = arith.mulf %sub3A_1262, %gather3A_883 : vector<16xf32>
        %mul3A_1264 = arith.mulf %mul3A_1263, %get3A_90 : vector<16xf32>
        %add3A_1265 = arith.addf %mul3A_1264, %get3A_98 : vector<16xf32>
        %sub3A_1266 = arith.subf %get3A_1222, %gather3A_848 : vector<16xf32>
        %mul3A_1267 = arith.mulf %sub3A_1266, %gather3A_888 : vector<16xf32>
        %mul3A_1268 = arith.mulf %mul3A_1267, %get3A_90 : vector<16xf32>
        %add3A_1269 = arith.addf %mul3A_1268, %get3A_98 : vector<16xf32>
        %sub3A_1270 = arith.subf %get3A_1229, %gather3A_853 : vector<16xf32>
        %mul3A_1271 = arith.mulf %sub3A_1270, %gather3A_893 : vector<16xf32>
        %mul3A_1272 = arith.mulf %mul3A_1271, %get3A_90 : vector<16xf32>
        %add3A_1273 = arith.addf %mul3A_1272, %get3A_98 : vector<16xf32>
        %sub3A_1274 = arith.subf %get3A_1236, %gather3A_858 : vector<16xf32>
        %mul3A_1275 = arith.mulf %sub3A_1274, %gather3A_898 : vector<16xf32>
        %mul3A_1276 = arith.mulf %mul3A_1275, %get3A_90 : vector<16xf32>
        %add3A_1277 = arith.addf %mul3A_1276, %get3A_98 : vector<16xf32>
        %sub3A_1278 = arith.subf %get3A_1243, %gather3A_863 : vector<16xf32>
        %mul3A_1279 = arith.mulf %sub3A_1278, %gather3A_903 : vector<16xf32>
        %mul3A_1280 = arith.mulf %mul3A_1279, %get3A_90 : vector<16xf32>
        %add3A_1281 = arith.addf %mul3A_1280, %get3A_98 : vector<16xf32>
        %sub3A_1282 = arith.subf %get3A_1250, %gather3A_868 : vector<16xf32>
        %mul3A_1283 = arith.mulf %sub3A_1282, %gather3A_908 : vector<16xf32>
        %mul3A_1284 = arith.mulf %mul3A_1283, %get3A_90 : vector<16xf32>
        %add3A_1285 = arith.addf %mul3A_1284, %get3A_98 : vector<16xf32>
        %sub3A_1286 = arith.subf %get3A_1257, %gather3A_873 : vector<16xf32>
        %mul3A_1287 = arith.mulf %sub3A_1286, %gather3A_913 : vector<16xf32>
        %mul3A_1288 = arith.mulf %mul3A_1287, %get3A_90 : vector<16xf32>
        %add3A_1289 = arith.addf %mul3A_1288, %get3A_98 : vector<16xf32>
        %add3A_1290 = arith.constant 8 : i32
        %add3A_1291 = arith.addi %mul3A_180, %add3A_1290 : i32
        %add3A_1292 = arith.constant 0 : i32
        %add3A_1293 = arith.addi %add3A_1291, %add3A_1292 : i32
        %swap3A_1294 = arith.index_cast %add3A_1293 : i32 to index
        %swap3A_1295 = arith.constant 32 : index
        %swap3A_1296 = tpu.vector_load %arg11[%swap3A_1294, %swap3A_1295] {strides = array<i32>} : memref<256x64xf32, #tpu.memory_space<vmem>>, vector<16xf32>,
        tpu.vector_store %arg11[%swap3A_1294, %swap3A_1295], %add3A_1261 {strides = array<i32>} : memref<256x64xf32, #tpu.memory_space<vmem>>, vector<16xf32>,
        %add3A_1297 = arith.constant 8 : i32
        %add3A_1298 = arith.addi %mul3A_180, %add3A_1297 : i32
        %add3A_1299 = arith.constant 1 : i32
        %add3A_1300 = arith.addi %add3A_1298, %add3A_1299 : i32
        %swap3A_1301 = arith.index_cast %add3A_1300 : i32 to index
        %swap3A_1302 = arith.constant 32 : index
        %swap3A_1303 = tpu.vector_load %arg11[%swap3A_1301, %swap3A_1302] {strides = array<i32>} : memref<256x64xf32, #tpu.memory_space<vmem>>, vector<16xf32>,
        tpu.vector_store %arg11[%swap3A_1301, %swap3A_1302], %add3A_1265 {strides = array<i32>} : memref<256x64xf32, #tpu.memory_space<vmem>>, vector<16xf32>,
        %add3A_1304 = arith.constant 8 : i32
        %add3A_1305 = arith.addi %mul3A_180, %add3A_1304 : i32
        %add3A_1306 = arith.constant 2 : i32
        %add3A_1307 = arith.addi %add3A_1305, %add3A_1306 : i32
        %swap3A_1308 = arith.index_cast %add3A_1307 : i32 to index
        %swap3A_1309 = arith.constant 32 : index
        %swap3A_1310 = tpu.vector_load %arg11[%swap3A_1308, %swap3A_1309] {strides = array<i32>} : memref<256x64xf32, #tpu.memory_space<vmem>>, vector<16xf32>,
        tpu.vector_store %arg11[%swap3A_1308, %swap3A_1309], %add3A_1269 {strides = array<i32>} : memref<256x64xf32, #tpu.memory_space<vmem>>, vector<16xf32>,
        %add3A_1311 = arith.constant 8 : i32
        %add3A_1312 = arith.addi %mul3A_180, %add3A_1311 : i32
        %add3A_1313 = arith.constant 3 : i32
        %add3A_1314 = arith.addi %add3A_1312, %add3A_1313 : i32
        %swap3A_1315 = arith.index_cast %add3A_1314 : i32 to index
        %swap3A_1316 = arith.constant 32 : index
        %swap3A_1317 = tpu.vector_load %arg11[%swap3A_1315, %swap3A_1316] {strides = array<i32>} : memref<256x64xf32, #tpu.memory_space<vmem>>, vector<16xf32>,
        tpu.vector_store %arg11[%swap3A_1315, %swap3A_1316], %add3A_1273 {strides = array<i32>} : memref<256x64xf32, #tpu.memory_space<vmem>>, vector<16xf32>,
        %add3A_1318 = arith.constant 8 : i32
        %add3A_1319 = arith.addi %mul3A_180, %add3A_1318 : i32
        %add3A_1320 = arith.constant 4 : i32
        %add3A_1321 = arith.addi %add3A_1319, %add3A_1320 : i32
        %swap3A_1322 = arith.index_cast %add3A_1321 : i32 to index
        %swap3A_1323 = arith.constant 32 : index
        %swap3A_1324 = tpu.vector_load %arg11[%swap3A_1322, %swap3A_1323] {strides = array<i32>} : memref<256x64xf32, #tpu.memory_space<vmem>>, vector<16xf32>,
        tpu.vector_store %arg11[%swap3A_1322, %swap3A_1323], %add3A_1277 {strides = array<i32>} : memref<256x64xf32, #tpu.memory_space<vmem>>, vector<16xf32>,
        %add3A_1325 = arith.constant 8 : i32
        %add3A_1326 = arith.addi %mul3A_180, %add3A_1325 : i32
        %add3A_1327 = arith.constant 5 : i32
        %add3A_1328 = arith.addi %add3A_1326, %add3A_1327 : i32
        %swap3A_1329 = arith.index_cast %add3A_1328 : i32 to index
        %swap3A_1330 = arith.constant 32 : index
        %swap3A_1331 = tpu.vector_load %arg11[%swap3A_1329, %swap3A_1330] {strides = array<i32>} : memref<256x64xf32, #tpu.memory_space<vmem>>, vector<16xf32>,
        tpu.vector_store %arg11[%swap3A_1329, %swap3A_1330], %add3A_1281 {strides = array<i32>} : memref<256x64xf32, #tpu.memory_space<vmem>>, vector<16xf32>,
        %add3A_1332 = arith.constant 8 : i32
        %add3A_1333 = arith.addi %mul3A_180, %add3A_1332 : i32
        %add3A_1334 = arith.constant 6 : i32
        %add3A_1335 = arith.addi %add3A_1333, %add3A_1334 : i32
        %swap3A_1336 = arith.index_cast %add3A_1335 : i32 to index
        %swap3A_1337 = arith.constant 32 : index
        %swap3A_1338 = tpu.vector_load %arg11[%swap3A_1336, %swap3A_1337] {strides = array<i32>} : memref<256x64xf32, #tpu.memory_space<vmem>>, vector<16xf32>,
        tpu.vector_store %arg11[%swap3A_1336, %swap3A_1337], %add3A_1285 {strides = array<i32>} : memref<256x64xf32, #tpu.memory_space<vmem>>, vector<16xf32>,
        %add3A_1339 = arith.constant 8 : i32
        %add3A_1340 = arith.addi %mul3A_180, %add3A_1339 : i32
        %add3A_1341 = arith.constant 7 : i32
        %add3A_1342 = arith.addi %add3A_1340, %add3A_1341 : i32
        %swap3A_1343 = arith.index_cast %add3A_1342 : i32 to index
        %swap3A_1344 = arith.constant 32 : index
        %swap3A_1345 = tpu.vector_load %arg11[%swap3A_1343, %swap3A_1344] {strides = array<i32>} : memref<256x64xf32, #tpu.memory_space<vmem>>, vector<16xf32>,
        tpu.vector_store %arg11[%swap3A_1343, %swap3A_1344], %add3A_1289 {strides = array<i32>} : memref<256x64xf32, #tpu.memory_space<vmem>>, vector<16xf32>,
        %add3A_1346 = arith.constant 8 : i32
        %add3A_1347 = arith.addi %mul3A_180, %add3A_1346 : i32
        %add3A_1348 = arith.constant 0 : i32
        %add3A_1349 = arith.addi %add3A_1347, %add3A_1348 : i32
        %get3A_1350 = arith.index_cast %add3A_1349 : i32 to index
        %get3A_1351 = arith.constant 48 : index
        %get3A_1352 = tpu.vector_load %arg9[%get3A_1350, %get3A_1351] {strides = array<i32>} : memref<256x128xf32, #tpu.memory_space<vmem>>, vector<16xf32>,
        %add3A_1353 = arith.constant 8 : i32
        %add3A_1354 = arith.addi %mul3A_180, %add3A_1353 : i32
        %add3A_1355 = arith.constant 1 : i32
        %add3A_1356 = arith.addi %add3A_1354, %add3A_1355 : i32
        %get3A_1357 = arith.index_cast %add3A_1356 : i32 to index
        %get3A_1358 = arith.constant 48 : index
        %get3A_1359 = tpu.vector_load %arg9[%get3A_1357, %get3A_1358] {strides = array<i32>} : memref<256x128xf32, #tpu.memory_space<vmem>>, vector<16xf32>,
        %add3A_1360 = arith.constant 8 : i32
        %add3A_1361 = arith.addi %mul3A_180, %add3A_1360 : i32
        %add3A_1362 = arith.constant 2 : i32
        %add3A_1363 = arith.addi %add3A_1361, %add3A_1362 : i32
        %get3A_1364 = arith.index_cast %add3A_1363 : i32 to index
        %get3A_1365 = arith.constant 48 : index
        %get3A_1366 = tpu.vector_load %arg9[%get3A_1364, %get3A_1365] {strides = array<i32>} : memref<256x128xf32, #tpu.memory_space<vmem>>, vector<16xf32>,
        %add3A_1367 = arith.constant 8 : i32
        %add3A_1368 = arith.addi %mul3A_180, %add3A_1367 : i32
        %add3A_1369 = arith.constant 3 : i32
        %add3A_1370 = arith.addi %add3A_1368, %add3A_1369 : i32
        %get3A_1371 = arith.index_cast %add3A_1370 : i32 to index
        %get3A_1372 = arith.constant 48 : index
        %get3A_1373 = tpu.vector_load %arg9[%get3A_1371, %get3A_1372] {strides = array<i32>} : memref<256x128xf32, #tpu.memory_space<vmem>>, vector<16xf32>,
        %add3A_1374 = arith.constant 8 : i32
        %add3A_1375 = arith.addi %mul3A_180, %add3A_1374 : i32
        %add3A_1376 = arith.constant 4 : i32
        %add3A_1377 = arith.addi %add3A_1375, %add3A_1376 : i32
        %get3A_1378 = arith.index_cast %add3A_1377 : i32 to index
        %get3A_1379 = arith.constant 48 : index
        %get3A_1380 = tpu.vector_load %arg9[%get3A_1378, %get3A_1379] {strides = array<i32>} : memref<256x128xf32, #tpu.memory_space<vmem>>, vector<16xf32>,
        %add3A_1381 = arith.constant 8 : i32
        %add3A_1382 = arith.addi %mul3A_180, %add3A_1381 : i32
        %add3A_1383 = arith.constant 5 : i32
        %add3A_1384 = arith.addi %add3A_1382, %add3A_1383 : i32
        %get3A_1385 = arith.index_cast %add3A_1384 : i32 to index
        %get3A_1386 = arith.constant 48 : index
        %get3A_1387 = tpu.vector_load %arg9[%get3A_1385, %get3A_1386] {strides = array<i32>} : memref<256x128xf32, #tpu.memory_space<vmem>>, vector<16xf32>,
        %add3A_1388 = arith.constant 8 : i32
        %add3A_1389 = arith.addi %mul3A_180, %add3A_1388 : i32
        %add3A_1390 = arith.constant 6 : i32
        %add3A_1391 = arith.addi %add3A_1389, %add3A_1390 : i32
        %get3A_1392 = arith.index_cast %add3A_1391 : i32 to index
        %get3A_1393 = arith.constant 48 : index
        %get3A_1394 = tpu.vector_load %arg9[%get3A_1392, %get3A_1393] {strides = array<i32>} : memref<256x128xf32, #tpu.memory_space<vmem>>, vector<16xf32>,
        %add3A_1395 = arith.constant 8 : i32
        %add3A_1396 = arith.addi %mul3A_180, %add3A_1395 : i32
        %add3A_1397 = arith.constant 7 : i32
        %add3A_1398 = arith.addi %add3A_1396, %add3A_1397 : i32
        %get3A_1399 = arith.index_cast %add3A_1398 : i32 to index
        %get3A_1400 = arith.constant 48 : index
        %get3A_1401 = tpu.vector_load %arg9[%get3A_1399, %get3A_1400] {strides = array<i32>} : memref<256x128xf32, #tpu.memory_space<vmem>>, vector<16xf32>,
        %sub3A_1402 = arith.subf %get3A_1352, %gather3A_838 : vector<16xf32>
        %mul3A_1403 = arith.mulf %sub3A_1402, %gather3A_878 : vector<16xf32>
        %mul3A_1404 = arith.mulf %mul3A_1403, %get3A_92 : vector<16xf32>
        %add3A_1405 = arith.addf %mul3A_1404, %get3A_100 : vector<16xf32>
        %sub3A_1406 = arith.subf %get3A_1359, %gather3A_843 : vector<16xf32>
        %mul3A_1407 = arith.mulf %sub3A_1406, %gather3A_883 : vector<16xf32>
        %mul3A_1408 = arith.mulf %mul3A_1407, %get3A_92 : vector<16xf32>
        %add3A_1409 = arith.addf %mul3A_1408, %get3A_100 : vector<16xf32>
        %sub3A_1410 = arith.subf %get3A_1366, %gather3A_848 : vector<16xf32>
        %mul3A_1411 = arith.mulf %sub3A_1410, %gather3A_888 : vector<16xf32>
        %mul3A_1412 = arith.mulf %mul3A_1411, %get3A_92 : vector<16xf32>
        %add3A_1413 = arith.addf %mul3A_1412, %get3A_100 : vector<16xf32>
        %sub3A_1414 = arith.subf %get3A_1373, %gather3A_853 : vector<16xf32>
        %mul3A_1415 = arith.mulf %sub3A_1414, %gather3A_893 : vector<16xf32>
        %mul3A_1416 = arith.mulf %mul3A_1415, %get3A_92 : vector<16xf32>
        %add3A_1417 = arith.addf %mul3A_1416, %get3A_100 : vector<16xf32>
        %sub3A_1418 = arith.subf %get3A_1380, %gather3A_858 : vector<16xf32>
        %mul3A_1419 = arith.mulf %sub3A_1418, %gather3A_898 : vector<16xf32>
        %mul3A_1420 = arith.mulf %mul3A_1419, %get3A_92 : vector<16xf32>
        %add3A_1421 = arith.addf %mul3A_1420, %get3A_100 : vector<16xf32>
        %sub3A_1422 = arith.subf %get3A_1387, %gather3A_863 : vector<16xf32>
        %mul3A_1423 = arith.mulf %sub3A_1422, %gather3A_903 : vector<16xf32>
        %mul3A_1424 = arith.mulf %mul3A_1423, %get3A_92 : vector<16xf32>
        %add3A_1425 = arith.addf %mul3A_1424, %get3A_100 : vector<16xf32>
        %sub3A_1426 = arith.subf %get3A_1394, %gather3A_868 : vector<16xf32>
        %mul3A_1427 = arith.mulf %sub3A_1426, %gather3A_908 : vector<16xf32>
        %mul3A_1428 = arith.mulf %mul3A_1427, %get3A_92 : vector<16xf32>
        %add3A_1429 = arith.addf %mul3A_1428, %get3A_100 : vector<16xf32>
        %sub3A_1430 = arith.subf %get3A_1401, %gather3A_873 : vector<16xf32>
        %mul3A_1431 = arith.mulf %sub3A_1430, %gather3A_913 : vector<16xf32>
        %mul3A_1432 = arith.mulf %mul3A_1431, %get3A_92 : vector<16xf32>
        %add3A_1433 = arith.addf %mul3A_1432, %get3A_100 : vector<16xf32>
        %add3A_1434 = arith.constant 8 : i32
        %add3A_1435 = arith.addi %mul3A_180, %add3A_1434 : i32
        %add3A_1436 = arith.constant 0 : i32
        %add3A_1437 = arith.addi %add3A_1435, %add3A_1436 : i32
        %swap3A_1438 = arith.index_cast %add3A_1437 : i32 to index
        %swap3A_1439 = arith.constant 48 : index
        %swap3A_1440 = tpu.vector_load %arg11[%swap3A_1438, %swap3A_1439] {strides = array<i32>} : memref<256x64xf32, #tpu.memory_space<vmem>>, vector<16xf32>,
        tpu.vector_store %arg11[%swap3A_1438, %swap3A_1439], %add3A_1405 {strides = array<i32>} : memref<256x64xf32, #tpu.memory_space<vmem>>, vector<16xf32>,
        %add3A_1441 = arith.constant 8 : i32
        %add3A_1442 = arith.addi %mul3A_180, %add3A_1441 : i32
        %add3A_1443 = arith.constant 1 : i32
        %add3A_1444 = arith.addi %add3A_1442, %add3A_1443 : i32
        %swap3A_1445 = arith.index_cast %add3A_1444 : i32 to index
        %swap3A_1446 = arith.constant 48 : index
        %swap3A_1447 = tpu.vector_load %arg11[%swap3A_1445, %swap3A_1446] {strides = array<i32>} : memref<256x64xf32, #tpu.memory_space<vmem>>, vector<16xf32>,
        tpu.vector_store %arg11[%swap3A_1445, %swap3A_1446], %add3A_1409 {strides = array<i32>} : memref<256x64xf32, #tpu.memory_space<vmem>>, vector<16xf32>,
        %add3A_1448 = arith.constant 8 : i32
        %add3A_1449 = arith.addi %mul3A_180, %add3A_1448 : i32
        %add3A_1450 = arith.constant 2 : i32
        %add3A_1451 = arith.addi %add3A_1449, %add3A_1450 : i32
        %swap3A_1452 = arith.index_cast %add3A_1451 : i32 to index
        %swap3A_1453 = arith.constant 48 : index
        %swap3A_1454 = tpu.vector_load %arg11[%swap3A_1452, %swap3A_1453] {strides = array<i32>} : memref<256x64xf32, #tpu.memory_space<vmem>>, vector<16xf32>,
        tpu.vector_store %arg11[%swap3A_1452, %swap3A_1453], %add3A_1413 {strides = array<i32>} : memref<256x64xf32, #tpu.memory_space<vmem>>, vector<16xf32>,
        %add3A_1455 = arith.constant 8 : i32
        %add3A_1456 = arith.addi %mul3A_180, %add3A_1455 : i32
        %add3A_1457 = arith.constant 3 : i32
        %add3A_1458 = arith.addi %add3A_1456, %add3A_1457 : i32
        %swap3A_1459 = arith.index_cast %add3A_1458 : i32 to index
        %swap3A_1460 = arith.constant 48 : index
        %swap3A_1461 = tpu.vector_load %arg11[%swap3A_1459, %swap3A_1460] {strides = array<i32>} : memref<256x64xf32, #tpu.memory_space<vmem>>, vector<16xf32>,
        tpu.vector_store %arg11[%swap3A_1459, %swap3A_1460], %add3A_1417 {strides = array<i32>} : memref<256x64xf32, #tpu.memory_space<vmem>>, vector<16xf32>,
        %add3A_1462 = arith.constant 8 : i32
        %add3A_1463 = arith.addi %mul3A_180, %add3A_1462 : i32
        %add3A_1464 = arith.constant 4 : i32
        %add3A_1465 = arith.addi %add3A_1463, %add3A_1464 : i32
        %swap3A_1466 = arith.index_cast %add3A_1465 : i32 to index
        %swap3A_1467 = arith.constant 48 : index
        %swap3A_1468 = tpu.vector_load %arg11[%swap3A_1466, %swap3A_1467] {strides = array<i32>} : memref<256x64xf32, #tpu.memory_space<vmem>>, vector<16xf32>,
        tpu.vector_store %arg11[%swap3A_1466, %swap3A_1467], %add3A_1421 {strides = array<i32>} : memref<256x64xf32, #tpu.memory_space<vmem>>, vector<16xf32>,
        %add3A_1469 = arith.constant 8 : i32
        %add3A_1470 = arith.addi %mul3A_180, %add3A_1469 : i32
        %add3A_1471 = arith.constant 5 : i32
        %add3A_1472 = arith.addi %add3A_1470, %add3A_1471 : i32
        %swap3A_1473 = arith.index_cast %add3A_1472 : i32 to index
        %swap3A_1474 = arith.constant 48 : index
        %swap3A_1475 = tpu.vector_load %arg11[%swap3A_1473, %swap3A_1474] {strides = array<i32>} : memref<256x64xf32, #tpu.memory_space<vmem>>, vector<16xf32>,
        tpu.vector_store %arg11[%swap3A_1473, %swap3A_1474], %add3A_1425 {strides = array<i32>} : memref<256x64xf32, #tpu.memory_space<vmem>>, vector<16xf32>,
        %add3A_1476 = arith.constant 8 : i32
        %add3A_1477 = arith.addi %mul3A_180, %add3A_1476 : i32
        %add3A_1478 = arith.constant 6 : i32
        %add3A_1479 = arith.addi %add3A_1477, %add3A_1478 : i32
        %swap3A_1480 = arith.index_cast %add3A_1479 : i32 to index
        %swap3A_1481 = arith.constant 48 : index
        %swap3A_1482 = tpu.vector_load %arg11[%swap3A_1480, %swap3A_1481] {strides = array<i32>} : memref<256x64xf32, #tpu.memory_space<vmem>>, vector<16xf32>,
        tpu.vector_store %arg11[%swap3A_1480, %swap3A_1481], %add3A_1429 {strides = array<i32>} : memref<256x64xf32, #tpu.memory_space<vmem>>, vector<16xf32>,
        %add3A_1483 = arith.constant 8 : i32
        %add3A_1484 = arith.addi %mul3A_180, %add3A_1483 : i32
        %add3A_1485 = arith.constant 7 : i32
        %add3A_1486 = arith.addi %add3A_1484, %add3A_1485 : i32
        %swap3A_1487 = arith.index_cast %add3A_1486 : i32 to index
        %swap3A_1488 = arith.constant 48 : index
        %swap3A_1489 = tpu.vector_load %arg11[%swap3A_1487, %swap3A_1488] {strides = array<i32>} : memref<256x64xf32, #tpu.memory_space<vmem>>, vector<16xf32>,
        tpu.vector_store %arg11[%swap3A_1487, %swap3A_1488], %add3A_1433 {strides = array<i32>} : memref<256x64xf32, #tpu.memory_space<vmem>>, vector<16xf32>,
        %scan3A_1490 = arith.constant 0 : i32
        scf.yield %scan3A_1490 : i32
      }
      %scan3A_107 = arith.constant 16 : i32
      %mul3A_108 = arith.constant 256 : i32
      %mul3A_109 = arith.muli %mul3A_42, %mul3A_108 : i32
      %add3A_110 = arith.addi %mul3A_2, %mul3A_109 : i32
      %dma_start3A_111 = arith.constant 0 : i32
      %dma_start3A_112 = tpu.memref_slice %arg7[%add3A_110, %dma_start3A_111] : memref<819200x128xf32, #tpu.memory_space<hbm>> -> memref<256x64xf32, #tpu.memory_space<hbm>>
      %dma_start3A_113 = arith.constant 0 : i32
      %dma_start3A_114 = tpu.memref_slice %arg7[%add3A_110, %dma_start3A_113] : memref<819200x128xf32, #tpu.memory_space<hbm>> -> memref<256x64xf32, #tpu.memory_space<hbm>>
      tpu.enqueue_dma source(%arg11 : memref<256x64xf32, #tpu.memory_space<vmem>>) target(%dma_start3A_114 : memref<256x64xf32, #tpu.memory_space<hbm>>) target_semaphore(%arg19 : memref<!tpu.dma_semaphore, #tpu.memory_space<semaphore_mem>>)
      %dma_wait3A_115 = arith.constant 0 : i32
      %dma_wait3A_116 = arith.constant 0 : i32
      %dma_wait3A_117 = tpu.memref_slice %arg3[%dma_wait3A_115, %dma_wait3A_116] : memref<1000000x128xf32, #tpu.memory_space<hbm>> -> memref<256x128xf32, #tpu.memory_space<hbm>>
      %dma_wait3A_118 = arith.constant 0 : i32
      %dma_wait3A_119 = arith.constant 0 : i32
      %dma_wait3A_120 = tpu.memref_slice %arg3[%dma_wait3A_118, %dma_wait3A_119] : memref<1000000x128xf32, #tpu.memory_space<hbm>> -> memref<256x128xf32, #tpu.memory_space<hbm>>
      tpu.wait_dma2 semaphore(%arg18 : memref<!tpu.dma_semaphore, #tpu.memory_space<semaphore_mem>>) src(%dma_wait3A_120 : memref<256x128xf32, #tpu.memory_space<hbm>>) dst(%arg10 : memref<256x128xf32, #tpu.memory_space<vmem>>)
      %lt3A = arith.constant 49 : i32
      %lt3A_121 = arith.cmpi slt, %scan3A_39, %lt3A : i32
      %convert_element_type3A_122 = arith.extui %lt3A_121 : i1 to i32
      %cond3A_123 = arith.constant 0 : i32
      %cond3A_124 = arith.cmpi ne, %convert_element_type3A_122, %cond3A_123 : i32
      scf.if %cond3A_124 {
        %add3A_169 = arith.constant 2 : i32
        %add3A_170 = arith.addi %mul3A_42, %add3A_169 : i32
        %mul3A_171 = arith.constant 2 : i32
        %mul3A_172 = arith.muli %add3A_170, %mul3A_171 : i32
        %add3A_173 = arith.constant 0 : i32
        %add3A_174 = arith.addi %mul3A_172, %add3A_173 : i32
        %dma_start3A_175 = arith.constant 0 : i32
        %dma_start3A_176 = arith.constant 0 : i32
        %dma_start3A_177 = tpu.memref_slice %arg9[%dma_start3A_175, %dma_start3A_176] : memref<256x128xf32, #tpu.memory_space<vmem>> -> memref<128x128xf32, #tpu.memory_space<vmem>>
        %dma_start3A_178 = arith.constant 0 : i32
        %dma_start3A_179 = tpu.memref_slice %arg8[%add3A_174, %dma_start3A_178] : memref<200x128xi32, #tpu.memory_space<vmem>> -> memref<1x128xi32, #tpu.memory_space<vmem>>
        %dma_start3A_180 = tpu.memref_squeeze %dma_start3A_179 : memref<1x128xi32, #tpu.memory_space<vmem>> -> memref<128xi32, #tpu.memory_space<vmem>>
        %dma_start3A_181 = arith.constant 0 : i32
        %dma_start3A_182 = arith.constant 0 : i32
        %dma_start3A_183 = tpu.memref_slice %arg3[%dma_start3A_181, %dma_start3A_182] : memref<1000000x128xf32, #tpu.memory_space<hbm>> -> memref<1000000x128xf32, #tpu.memory_space<hbm>>
        tpu.enqueue_indirect_dma source(%dma_start3A_183 : memref<1000000x128xf32, #tpu.memory_space<hbm>>) target(%dma_start3A_177 : memref<128x128xf32, #tpu.memory_space<vmem>>) offsets(%dma_start3A_180 : memref<128xi32, #tpu.memory_space<vmem>>) semaphore(%arg17 : memref<!tpu.dma_semaphore, #tpu.memory_space<semaphore_mem>>)
        %mul3A_184 = arith.constant 2 : i32
        %mul3A_185 = arith.muli %add3A_170, %mul3A_184 : i32
        %add3A_186 = arith.constant 1 : i32
        %add3A_187 = arith.addi %mul3A_185, %add3A_186 : i32
        %dma_start3A_188 = arith.constant 128 : i32
        %dma_start3A_189 = arith.constant 0 : i32
        %dma_start3A_190 = tpu.memref_slice %arg9[%dma_start3A_188, %dma_start3A_189] : memref<256x128xf32, #tpu.memory_space<vmem>> -> memref<128x128xf32, #tpu.memory_space<vmem>>
        %dma_start3A_191 = arith.constant 0 : i32
        %dma_start3A_192 = tpu.memref_slice %arg8[%add3A_187, %dma_start3A_191] : memref<200x128xi32, #tpu.memory_space<vmem>> -> memref<1x128xi32, #tpu.memory_space<vmem>>
        %dma_start3A_193 = tpu.memref_squeeze %dma_start3A_192 : memref<1x128xi32, #tpu.memory_space<vmem>> -> memref<128xi32, #tpu.memory_space<vmem>>
        %dma_start3A_194 = arith.constant 0 : i32
        %dma_start3A_195 = arith.constant 0 : i32
        %dma_start3A_196 = tpu.memref_slice %arg3[%dma_start3A_194, %dma_start3A_195] : memref<1000000x128xf32, #tpu.memory_space<hbm>> -> memref<1000000x128xf32, #tpu.memory_space<hbm>>
        tpu.enqueue_indirect_dma source(%dma_start3A_196 : memref<1000000x128xf32, #tpu.memory_space<hbm>>) target(%dma_start3A_190 : memref<128x128xf32, #tpu.memory_space<vmem>>) offsets(%dma_start3A_193 : memref<128xi32, #tpu.memory_space<vmem>>) semaphore(%arg17 : memref<!tpu.dma_semaphore, #tpu.memory_space<semaphore_mem>>)
      } else {
      }
      %scan3A_125 = arith.constant 0 : i32
      %scan3A_126 = arith.constant 0 : i32
      %scan3A_127 = arith.constant 16 : i32
      %scan3A_128 = arith.addi %scan3A_126, %scan3A_127 : i32
      %scan3A_129 = arith.constant 1 : i32
      %scan3A_130 = scf.for %scan3A_169 = %scan3A_126 to %scan3A_128 step %scan3A_129 iter_args(%scan3A_170 = %scan3A_125) -> (i32)  : i32 {
        %mul3A_171 = arith.constant 16 : i32
        %mul3A_172 = arith.muli %scan3A_169, %mul3A_171 : i32
        %add3A_173 = vector.broadcast %mul3A_172 : i32 to vector<16xi32>
        %add3A_174 = arith.addi %add3A_173, %iota3A : vector<16xi32>
        %mul3A_175 = arith.constant 256 : i32
        %mul3A_176 = arith.muli %add3A_44, %mul3A_175 : i32
        %add3A_177 = vector.broadcast %mul3A_176 : i32 to vector<16xi32>
        %add3A_178 = arith.addi %add3A_177, %add3A_174 : vector<16xi32>
        %jit3A = arith.constant 128 : i32
        %div3A = vector.broadcast %jit3A : i32 to vector<16xi32>
        %div3A_179 = arith.divsi %add3A_178, %div3A : vector<16xi32>
        %sign3A = arith.constant 0 : i32
        %sign3A_180 = vector.broadcast %sign3A : i32 to vector<16xi32>
        %sign3A_181 = arith.cmpi sgt, %add3A_178, %sign3A_180 : vector<16xi32>
        %sign3A_182 = arith.extui %sign3A_181 : vector<16xi1> to vector<16xi32>
        %sign3A_183 = arith.constant 0 : i32
        %sign3A_184 = vector.broadcast %sign3A_183 : i32 to vector<16xi32>
        %sign3A_185 = arith.cmpi slt, %add3A_178, %sign3A_184 : vector<16xi32>
        %sign3A_186 = arith.extui %sign3A_185 : vector<16xi1> to vector<16xi32>
        %sign3A_187 = arith.subi %sign3A_182, %sign3A_186 : vector<16xi32>
        %sign3A_188 = arith.constant 0 : i32
        %sign3A_189 = arith.cmpi sgt, %jit3A, %sign3A_188 : i32
        %sign3A_190 = arith.extui %sign3A_189 : i1 to i32
        %sign3A_191 = arith.constant 0 : i32
        %sign3A_192 = arith.cmpi slt, %jit3A, %sign3A_191 : i32
        %sign3A_193 = arith.extui %sign3A_192 : i1 to i32
        %sign3A_194 = arith.subi %sign3A_190, %sign3A_193 : i32
        %ne3A = vector.broadcast %sign3A_194 : i32 to vector<16xi32>
        %ne3A_195 = arith.cmpi ne, %sign3A_187, %ne3A : vector<16xi32>
        %rem3A = vector.broadcast %jit3A : i32 to vector<16xi32>
        %rem3A_196 = arith.remsi %add3A_178, %rem3A : vector<16xi32>
        %ne3A_197 = arith.constant 0 : i32
        %ne3A_198 = vector.broadcast %ne3A_197 : i32 to vector<16xi32>
        %ne3A_199 = arith.cmpi ne, %rem3A_196, %ne3A_198 : vector<16xi32>
        %and3A = arith.andi %ne3A_195, %ne3A_199 : vector<16xi1>
        %sub3A = arith.constant 1 : i32
        %sub3A_200 = vector.broadcast %sub3A : i32 to vector<16xi32>
        %sub3A_201 = arith.subi %div3A_179, %sub3A_200 : vector<16xi32>
        %select_n3A = arith.select %and3A, %sub3A_201, %div3A_179 : vector<16xi1>, vector<16xi32>
        %jit3A_202 = arith.constant 128 : i32
        %eq3A = arith.constant 0 : i32
        %eq3A_203 = arith.cmpi eq, %jit3A_202, %eq3A : i32
        %jit3A_204 = arith.constant 1 : i32
        %select_n3A_205 = arith.select %eq3A_203, %jit3A_204, %jit3A_202 : i32
        %rem3A_206 = vector.broadcast %select_n3A_205 : i32 to vector<16xi32>
        %rem3A_207 = arith.remsi %add3A_178, %rem3A_206 : vector<16xi32>
        %ne3A_208 = arith.constant 0 : i32
        %ne3A_209 = vector.broadcast %ne3A_208 : i32 to vector<16xi32>
        %ne3A_210 = arith.cmpi ne, %rem3A_207, %ne3A_209 : vector<16xi32>
        %lt3A_211 = arith.constant 0 : i32
        %lt3A_212 = vector.broadcast %lt3A_211 : i32 to vector<16xi32>
        %lt3A_213 = arith.cmpi slt, %rem3A_207, %lt3A_212 : vector<16xi32>
        %lt3A_214 = arith.constant 0 : i32
        %lt3A_215 = arith.cmpi slt, %select_n3A_205, %lt3A_214 : i32
        %ne3A_216 = vector.broadcast %lt3A_215 : i1 to vector<16xi1>
        %ne3A_217 = vector.broadcast %ne3A_216 : vector<16xi1> to vector<16xi1>
        %ne3A_218 = arith.xori %lt3A_213, %ne3A_217 : vector<16xi1>
        %and3A_219 = arith.andi %ne3A_218, %ne3A_210 : vector<16xi1>
        %add3A_220 = vector.broadcast %select_n3A_205 : i32 to vector<16xi32>
        %add3A_221 = arith.addi %rem3A_207, %add3A_220 : vector<16xi32>
        %select_n3A_222 = arith.select %and3A_219, %add3A_221, %rem3A_207 : vector<16xi1>, vector<16xi32>
        %gather3A = tpu.vector_load_idx %arg8[%select_n3A, %select_n3A_222] : memref<200x128xi32, #tpu.memory_space<vmem>>[vector<16xi32>, vector<16xi32>], vector<16xi32>,
        %add3A_223 = vector.broadcast %mul3A_2 : i32 to vector<16xi32>
        %add3A_224 = arith.addi %add3A_223, %add3A_178 : vector<16xi32>
        %jit3A_225 = arith.constant 200 : i32
        %eq3A_226 = arith.constant 0 : i32
        %eq3A_227 = arith.cmpi eq, %jit3A_225, %eq3A_226 : i32
        %jit3A_228 = arith.constant 1 : i32
        %select_n3A_229 = arith.select %eq3A_227, %jit3A_228, %jit3A_225 : i32
        %rem3A_230 = vector.broadcast %select_n3A_229 : i32 to vector<16xi32>
        %rem3A_231 = arith.remsi %add3A_224, %rem3A_230 : vector<16xi32>
        %ne3A_232 = arith.constant 0 : i32
        %ne3A_233 = vector.broadcast %ne3A_232 : i32 to vector<16xi32>
        %ne3A_234 = arith.cmpi ne, %rem3A_231, %ne3A_233 : vector<16xi32>
        %lt3A_235 = arith.constant 0 : i32
        %lt3A_236 = vector.broadcast %lt3A_235 : i32 to vector<16xi32>
        %lt3A_237 = arith.cmpi slt, %rem3A_231, %lt3A_236 : vector<16xi32>
        %lt3A_238 = arith.constant 0 : i32
        %lt3A_239 = arith.cmpi slt, %select_n3A_229, %lt3A_238 : i32
        %ne3A_240 = vector.broadcast %lt3A_239 : i1 to vector<16xi1>
        %ne3A_241 = vector.broadcast %ne3A_240 : vector<16xi1> to vector<16xi1>
        %ne3A_242 = arith.xori %lt3A_237, %ne3A_241 : vector<16xi1>
        %and3A_243 = arith.andi %ne3A_242, %ne3A_234 : vector<16xi1>
        %add3A_244 = vector.broadcast %select_n3A_229 : i32 to vector<16xi32>
        %add3A_245 = arith.addi %rem3A_231, %add3A_244 : vector<16xi32>
        %select_n3A_246 = arith.select %and3A_243, %add3A_245, %rem3A_231 : vector<16xi1>, vector<16xi32>
        %eq3A_247 = arith.constant 0 : i32
        %eq3A_248 = vector.broadcast %eq3A_247 : i32 to vector<16xi32>
        %eq3A_249 = arith.cmpi eq, %gather3A, %eq3A_248 : vector<16xi32>
        %add3A_250 = arith.constant 1 : i32
        %add3A_251 = vector.broadcast %add3A_250 : i32 to vector<16xi32>
        %add3A_252 = arith.addi %select_n3A_246, %add3A_251 : vector<16xi32>
        %jit3A_253 = arith.constant 0 : i32
        %broadcast_in_dim3A_254 = vector.broadcast %jit3A_253 : i32 to vector<16xi32>
        %select_n3A_255 = arith.select %eq3A_249, %broadcast_in_dim3A_254, %add3A_252 : vector<16xi1>, vector<16xi32>
        %scan3A_256 = arith.constant 0 : i32
        %scan3A_257 = arith.constant 8 : i32
        %scan3A_258 = arith.addi %scan3A_256, %scan3A_257 : i32
        %scan3A_259 = arith.constant 1 : i32
        %scan3A_260:17 = scf.for %scan3A_313 = %scan3A_256 to %scan3A_258 step %scan3A_259 iter_args(%scan3A_314 = %broadcast_in_dim3A_5, %scan3A_315 = %broadcast_in_dim3A_5, %scan3A_316 = %broadcast_in_dim3A_5, %scan3A_317 = %broadcast_in_dim3A_5, %scan3A_318 = %broadcast_in_dim3A_5, %scan3A_319 = %broadcast_in_dim3A_5, %scan3A_320 = %broadcast_in_dim3A_5, %scan3A_321 = %broadcast_in_dim3A_5, %scan3A_322 = %broadcast_in_dim3A_5, %scan3A_323 = %broadcast_in_dim3A_5, %scan3A_324 = %broadcast_in_dim3A_5, %scan3A_325 = %broadcast_in_dim3A_5, %scan3A_326 = %broadcast_in_dim3A_5, %scan3A_327 = %broadcast_in_dim3A_5, %scan3A_328 = %broadcast_in_dim3A_5, %scan3A_329 = %broadcast_in_dim3A_5, %scan3A_330 = %iota3A) -> (vector<16xf32>, vector<16xf32>, vector<16xf32>, vector<16xf32>, vector<16xf32>, vector<16xf32>, vector<16xf32>, vector<16xf32>, vector<16xf32>, vector<16xf32>, vector<16xf32>, vector<16xf32>, vector<16xf32>, vector<16xf32>, vector<16xf32>, vector<16xf32>, vector<16xi32>)  : i32 {
          %add3A_331 = arith.constant 1 : i32
          %add3A_332 = vector.broadcast %add3A_331 : i32 to vector<16xi32>
          %add3A_333 = arith.addi %scan3A_330, %add3A_332 : vector<16xi32>
          %and3A_334 = arith.constant 63 : i32
          %and3A_335 = vector.broadcast %and3A_334 : i32 to vector<16xi32>
          %and3A_336 = arith.andi %add3A_333, %and3A_335 : vector<16xi32>
          %add3A_337 = arith.constant 2 : i32
          %add3A_338 = vector.broadcast %add3A_337 : i32 to vector<16xi32>
          %add3A_339 = arith.addi %scan3A_330, %add3A_338 : vector<16xi32>
          %and3A_340 = arith.constant 63 : i32
          %and3A_341 = vector.broadcast %and3A_340 : i32 to vector<16xi32>
          %and3A_342 = arith.andi %add3A_339, %and3A_341 : vector<16xi32>
          %add3A_343 = arith.constant 3 : i32
          %add3A_344 = vector.broadcast %add3A_343 : i32 to vector<16xi32>
          %add3A_345 = arith.addi %scan3A_330, %add3A_344 : vector<16xi32>
          %and3A_346 = arith.constant 63 : i32
          %and3A_347 = vector.broadcast %and3A_346 : i32 to vector<16xi32>
          %and3A_348 = arith.andi %add3A_345, %and3A_347 : vector<16xi32>
          %add3A_349 = arith.constant 4 : i32
          %add3A_350 = vector.broadcast %add3A_349 : i32 to vector<16xi32>
          %add3A_351 = arith.addi %scan3A_330, %add3A_350 : vector<16xi32>
          %and3A_352 = arith.constant 63 : i32
          %and3A_353 = vector.broadcast %and3A_352 : i32 to vector<16xi32>
          %and3A_354 = arith.andi %add3A_351, %and3A_353 : vector<16xi32>
          %add3A_355 = arith.constant 5 : i32
          %add3A_356 = vector.broadcast %add3A_355 : i32 to vector<16xi32>
          %add3A_357 = arith.addi %scan3A_330, %add3A_356 : vector<16xi32>
          %and3A_358 = arith.constant 63 : i32
          %and3A_359 = vector.broadcast %and3A_358 : i32 to vector<16xi32>
          %and3A_360 = arith.andi %add3A_357, %and3A_359 : vector<16xi32>
          %add3A_361 = arith.constant 6 : i32
          %add3A_362 = vector.broadcast %add3A_361 : i32 to vector<16xi32>
          %add3A_363 = arith.addi %scan3A_330, %add3A_362 : vector<16xi32>
          %and3A_364 = arith.constant 63 : i32
          %and3A_365 = vector.broadcast %and3A_364 : i32 to vector<16xi32>
          %and3A_366 = arith.andi %add3A_363, %and3A_365 : vector<16xi32>
          %add3A_367 = arith.constant 7 : i32
          %add3A_368 = vector.broadcast %add3A_367 : i32 to vector<16xi32>
          %add3A_369 = arith.addi %scan3A_330, %add3A_368 : vector<16xi32>
          %and3A_370 = arith.constant 63 : i32
          %and3A_371 = vector.broadcast %and3A_370 : i32 to vector<16xi32>
          %and3A_372 = arith.andi %add3A_369, %and3A_371 : vector<16xi32>
          %gather3A_373 = tpu.vector_load_idx %arg10[%add3A_174, %scan3A_330] : memref<256x128xf32, #tpu.memory_space<vmem>>[vector<16xi32>, vector<16xi32>], vector<16xf32>,
          %gather3A_374 = tpu.vector_load_idx %arg10[%add3A_174, %and3A_336] : memref<256x128xf32, #tpu.memory_space<vmem>>[vector<16xi32>, vector<16xi32>], vector<16xf32>,
          %gather3A_375 = tpu.vector_load_idx %arg10[%add3A_174, %and3A_342] : memref<256x128xf32, #tpu.memory_space<vmem>>[vector<16xi32>, vector<16xi32>], vector<16xf32>,
          %gather3A_376 = tpu.vector_load_idx %arg10[%add3A_174, %and3A_348] : memref<256x128xf32, #tpu.memory_space<vmem>>[vector<16xi32>, vector<16xi32>], vector<16xf32>,
          %gather3A_377 = tpu.vector_load_idx %arg10[%add3A_174, %and3A_354] : memref<256x128xf32, #tpu.memory_space<vmem>>[vector<16xi32>, vector<16xi32>], vector<16xf32>,
          %gather3A_378 = tpu.vector_load_idx %arg10[%add3A_174, %and3A_360] : memref<256x128xf32, #tpu.memory_space<vmem>>[vector<16xi32>, vector<16xi32>], vector<16xf32>,
          %gather3A_379 = tpu.vector_load_idx %arg10[%add3A_174, %and3A_366] : memref<256x128xf32, #tpu.memory_space<vmem>>[vector<16xi32>, vector<16xi32>], vector<16xf32>,
          %gather3A_380 = tpu.vector_load_idx %arg10[%add3A_174, %and3A_372] : memref<256x128xf32, #tpu.memory_space<vmem>>[vector<16xi32>, vector<16xi32>], vector<16xf32>,
          %gather3A_381 = tpu.vector_load_idx %arg12[%select_n3A_255, %scan3A_330] : memref<201x64xf32, #tpu.memory_space<vmem>>[vector<16xi32>, vector<16xi32>], vector<16xf32>,
          %gather3A_382 = tpu.vector_load_idx %arg12[%select_n3A_255, %and3A_336] : memref<201x64xf32, #tpu.memory_space<vmem>>[vector<16xi32>, vector<16xi32>], vector<16xf32>,
          %gather3A_383 = tpu.vector_load_idx %arg12[%select_n3A_255, %and3A_342] : memref<201x64xf32, #tpu.memory_space<vmem>>[vector<16xi32>, vector<16xi32>], vector<16xf32>,
          %gather3A_384 = tpu.vector_load_idx %arg12[%select_n3A_255, %and3A_348] : memref<201x64xf32, #tpu.memory_space<vmem>>[vector<16xi32>, vector<16xi32>], vector<16xf32>,
          %gather3A_385 = tpu.vector_load_idx %arg12[%select_n3A_255, %and3A_354] : memref<201x64xf32, #tpu.memory_space<vmem>>[vector<16xi32>, vector<16xi32>], vector<16xf32>,
          %gather3A_386 = tpu.vector_load_idx %arg12[%select_n3A_255, %and3A_360] : memref<201x64xf32, #tpu.memory_space<vmem>>[vector<16xi32>, vector<16xi32>], vector<16xf32>,
          %gather3A_387 = tpu.vector_load_idx %arg12[%select_n3A_255, %and3A_366] : memref<201x64xf32, #tpu.memory_space<vmem>>[vector<16xi32>, vector<16xi32>], vector<16xf32>,
          %gather3A_388 = tpu.vector_load_idx %arg12[%select_n3A_255, %and3A_372] : memref<201x64xf32, #tpu.memory_space<vmem>>[vector<16xi32>, vector<16xi32>], vector<16xf32>,
          %add3A_389 = arith.addf %gather3A_373, %gather3A_381 : vector<16xf32>
          %add3A_390 = arith.addf %gather3A_374, %gather3A_382 : vector<16xf32>
          %add3A_391 = arith.addf %gather3A_375, %gather3A_383 : vector<16xf32>
          %add3A_392 = arith.addf %gather3A_376, %gather3A_384 : vector<16xf32>
          %add3A_393 = arith.addf %gather3A_377, %gather3A_385 : vector<16xf32>
          %add3A_394 = arith.addf %gather3A_378, %gather3A_386 : vector<16xf32>
          %add3A_395 = arith.addf %gather3A_379, %gather3A_387 : vector<16xf32>
          %add3A_396 = arith.addf %gather3A_380, %gather3A_388 : vector<16xf32>
          tpu.vector_store_idx %arg10[%add3A_174, %scan3A_330], %add3A_389 : memref<256x128xf32, #tpu.memory_space<vmem>>[vector<16xi32>, vector<16xi32>], vector<16xf32>,
          tpu.vector_store_idx %arg10[%add3A_174, %and3A_336], %add3A_390 : memref<256x128xf32, #tpu.memory_space<vmem>>[vector<16xi32>, vector<16xi32>], vector<16xf32>,
          tpu.vector_store_idx %arg10[%add3A_174, %and3A_342], %add3A_391 : memref<256x128xf32, #tpu.memory_space<vmem>>[vector<16xi32>, vector<16xi32>], vector<16xf32>,
          tpu.vector_store_idx %arg10[%add3A_174, %and3A_348], %add3A_392 : memref<256x128xf32, #tpu.memory_space<vmem>>[vector<16xi32>, vector<16xi32>], vector<16xf32>,
          tpu.vector_store_idx %arg10[%add3A_174, %and3A_354], %add3A_393 : memref<256x128xf32, #tpu.memory_space<vmem>>[vector<16xi32>, vector<16xi32>], vector<16xf32>,
          tpu.vector_store_idx %arg10[%add3A_174, %and3A_360], %add3A_394 : memref<256x128xf32, #tpu.memory_space<vmem>>[vector<16xi32>, vector<16xi32>], vector<16xf32>,
          tpu.vector_store_idx %arg10[%add3A_174, %and3A_366], %add3A_395 : memref<256x128xf32, #tpu.memory_space<vmem>>[vector<16xi32>, vector<16xi32>], vector<16xf32>,
          tpu.vector_store_idx %arg10[%add3A_174, %and3A_372], %add3A_396 : memref<256x128xf32, #tpu.memory_space<vmem>>[vector<16xi32>, vector<16xi32>], vector<16xf32>,
          %add3A_397 = arith.addf %scan3A_314, %add3A_389 : vector<16xf32>
          %add3A_398 = arith.addf %scan3A_315, %add3A_390 : vector<16xf32>
          %add3A_399 = arith.addf %scan3A_316, %add3A_391 : vector<16xf32>
          %add3A_400 = arith.addf %scan3A_317, %add3A_392 : vector<16xf32>
          %add3A_401 = arith.addf %scan3A_318, %add3A_393 : vector<16xf32>
          %add3A_402 = arith.addf %scan3A_319, %add3A_394 : vector<16xf32>
          %add3A_403 = arith.addf %scan3A_320, %add3A_395 : vector<16xf32>
          %add3A_404 = arith.addf %scan3A_321, %add3A_396 : vector<16xf32>
          %mul3A_405 = arith.mulf %add3A_389, %add3A_389 : vector<16xf32>
          %add3A_406 = arith.addf %scan3A_322, %mul3A_405 : vector<16xf32>
          %mul3A_407 = arith.mulf %add3A_390, %add3A_390 : vector<16xf32>
          %add3A_408 = arith.addf %scan3A_323, %mul3A_407 : vector<16xf32>
          %mul3A_409 = arith.mulf %add3A_391, %add3A_391 : vector<16xf32>
          %add3A_410 = arith.addf %scan3A_324, %mul3A_409 : vector<16xf32>
          %mul3A_411 = arith.mulf %add3A_392, %add3A_392 : vector<16xf32>
          %add3A_412 = arith.addf %scan3A_325, %mul3A_411 : vector<16xf32>
          %mul3A_413 = arith.mulf %add3A_393, %add3A_393 : vector<16xf32>
          %add3A_414 = arith.addf %scan3A_326, %mul3A_413 : vector<16xf32>
          %mul3A_415 = arith.mulf %add3A_394, %add3A_394 : vector<16xf32>
          %add3A_416 = arith.addf %scan3A_327, %mul3A_415 : vector<16xf32>
          %mul3A_417 = arith.mulf %add3A_395, %add3A_395 : vector<16xf32>
          %add3A_418 = arith.addf %scan3A_328, %mul3A_417 : vector<16xf32>
          %mul3A_419 = arith.mulf %add3A_396, %add3A_396 : vector<16xf32>
          %add3A_420 = arith.addf %scan3A_329, %mul3A_419 : vector<16xf32>
          %add3A_421 = arith.constant 8 : i32
          %add3A_422 = vector.broadcast %add3A_421 : i32 to vector<16xi32>
          %add3A_423 = arith.addi %scan3A_330, %add3A_422 : vector<16xi32>
          %and3A_424 = arith.constant 63 : i32
          %and3A_425 = vector.broadcast %and3A_424 : i32 to vector<16xi32>
          %and3A_426 = arith.andi %add3A_423, %and3A_425 : vector<16xi32>
          scf.yield %add3A_397, %add3A_398, %add3A_399, %add3A_400, %add3A_401, %add3A_402, %add3A_403, %add3A_404, %add3A_406, %add3A_408, %add3A_410, %add3A_412, %add3A_414, %add3A_416, %add3A_418, %add3A_420, %and3A_426 : vector<16xf32>, vector<16xf32>, vector<16xf32>, vector<16xf32>, vector<16xf32>, vector<16xf32>, vector<16xf32>, vector<16xf32>, vector<16xf32>, vector<16xf32>, vector<16xf32>, vector<16xf32>, vector<16xf32>, vector<16xf32>, vector<16xf32>, vector<16xf32>, vector<16xi32>
        }
        %scan3A_261 = arith.constant 8 : i32
        %add3A_262 = arith.addf %scan3A_260#0, %scan3A_260#1 : vector<16xf32>
        %add3A_263 = arith.addf %scan3A_260#2, %scan3A_260#3 : vector<16xf32>
        %add3A_264 = arith.addf %add3A_262, %add3A_263 : vector<16xf32>
        %add3A_265 = arith.addf %scan3A_260#4, %scan3A_260#5 : vector<16xf32>
        %add3A_266 = arith.addf %scan3A_260#6, %scan3A_260#7 : vector<16xf32>
        %add3A_267 = arith.addf %add3A_265, %add3A_266 : vector<16xf32>
        %add3A_268 = arith.addf %add3A_264, %add3A_267 : vector<16xf32>
        %add3A_269 = arith.addf %scan3A_260#8, %scan3A_260#9 : vector<16xf32>
        %add3A_270 = arith.addf %scan3A_260#10, %scan3A_260#11 : vector<16xf32>
        %add3A_271 = arith.addf %add3A_269, %add3A_270 : vector<16xf32>
        %add3A_272 = arith.addf %scan3A_260#12, %scan3A_260#13 : vector<16xf32>
        %add3A_273 = arith.addf %scan3A_260#14, %scan3A_260#15 : vector<16xf32>
        %add3A_274 = arith.addf %add3A_272, %add3A_273 : vector<16xf32>
        %add3A_275 = arith.addf %add3A_271, %add3A_274 : vector<16xf32>
        %mul3A_276 = vector.broadcast %scan3A : f32 to vector<16xf32>
        %mul3A_277 = arith.mulf %add3A_268, %mul3A_276 : vector<16xf32>
        %mul3A_278 = vector.broadcast %scan3A : f32 to vector<16xf32>
        %mul3A_279 = arith.mulf %add3A_275, %mul3A_278 : vector<16xf32>
        %mul3A_280 = arith.mulf %mul3A_277, %mul3A_277 : vector<16xf32>
        %sub3A_281 = arith.subf %mul3A_279, %mul3A_280 : vector<16xf32>
        %add3A_282 = arith.constant 9.99999996E-13 : f32
        %add3A_283 = vector.broadcast %add3A_282 : f32 to vector<16xf32>
        %add3A_284 = arith.addf %sub3A_281, %add3A_283 : vector<16xf32>
        %bitcast_convert_type3A = tpu.bitcast %add3A_284 : vector<16xf32> -> vector<16xi32>
        %shift_right_arithmetic3A = arith.constant 1 : i32
        %shift_right_arithmetic3A_285 = vector.broadcast %shift_right_arithmetic3A : i32 to vector<16xi32>
        %shift_right_arithmetic3A_286 = arith.shrsi %bitcast_convert_type3A, %shift_right_arithmetic3A_285 : vector<16xi32>
        %sub3A_287 = arith.constant 1597463007 : i32
        %sub3A_288 = vector.broadcast %sub3A_287 : i32 to vector<16xi32>
        %sub3A_289 = arith.subi %sub3A_288, %shift_right_arithmetic3A_286 : vector<16xi32>
        %bitcast_convert_type3A_290 = tpu.bitcast %sub3A_289 : vector<16xi32> -> vector<16xf32>
        %mul3A_291 = vector.broadcast %scan3A_25 : f32 to vector<16xf32>
        %mul3A_292 = arith.mulf %mul3A_291, %add3A_284 : vector<16xf32>
        %mul3A_293 = arith.mulf %mul3A_292, %bitcast_convert_type3A_290 : vector<16xf32>
        %mul3A_294 = arith.mulf %mul3A_293, %bitcast_convert_type3A_290 : vector<16xf32>
        %sub3A_295 = vector.broadcast %scan3A_26 : f32 to vector<16xf32>
        %sub3A_296 = arith.subf %sub3A_295, %mul3A_294 : vector<16xf32>
        %mul3A_297 = arith.mulf %bitcast_convert_type3A_290, %sub3A_296 : vector<16xf32>
        %mul3A_298 = vector.broadcast %scan3A_25 : f32 to vector<16xf32>
        %mul3A_299 = arith.mulf %mul3A_298, %add3A_284 : vector<16xf32>
        %mul3A_300 = arith.mulf %mul3A_299, %mul3A_297 : vector<16xf32>
        %mul3A_301 = arith.mulf %mul3A_300, %mul3A_297 : vector<16xf32>
        %sub3A_302 = vector.broadcast %scan3A_26 : f32 to vector<16xf32>
        %sub3A_303 = arith.subf %sub3A_302, %mul3A_301 : vector<16xf32>
        %mul3A_304 = arith.mulf %mul3A_297, %sub3A_303 : vector<16xf32>
        %mul3A_305 = arith.constant 16 : i32
        %mul3A_306 = arith.muli %scan3A_169, %mul3A_305 : i32
        %swap3A = arith.index_cast %mul3A_306 : i32 to index
        %swap3A_307 = tpu.vector_load %arg15[%swap3A] {strides = array<i32>} : memref<256xf32, #tpu.memory_space<vmem>>, vector<16xf32>,
        tpu.vector_store %arg15[%swap3A], %mul3A_277 {strides = array<i32>} : memref<256xf32, #tpu.memory_space<vmem>>, vector<16xf32>,
        %mul3A_308 = arith.constant 16 : i32
        %mul3A_309 = arith.muli %scan3A_169, %mul3A_308 : i32
        %swap3A_310 = arith.index_cast %mul3A_309 : i32 to index
        %swap3A_311 = tpu.vector_load %arg16[%swap3A_310] {strides = array<i32>} : memref<256xf32, #tpu.memory_space<vmem>>, vector<16xf32>,
        tpu.vector_store %arg16[%swap3A_310], %mul3A_304 {strides = array<i32>} : memref<256xf32, #tpu.memory_space<vmem>>, vector<16xf32>,
        %scan3A_312 = arith.constant 0 : i32
        scf.yield %scan3A_312 : i32
      }
      %scan3A_131 = arith.constant 16 : i32
      %dma_wait3A_132 = arith.constant 0 : i32
      %dma_wait3A_133 = arith.constant 0 : i32
      %dma_wait3A_134 = tpu.memref_slice %arg7[%dma_wait3A_132, %dma_wait3A_133] : memref<819200x128xf32, #tpu.memory_space<hbm>> -> memref<256x64xf32, #tpu.memory_space<hbm>>
      %dma_wait3A_135 = arith.constant 0 : i32
      %dma_wait3A_136 = arith.constant 0 : i32
      %dma_wait3A_137 = tpu.memref_slice %arg7[%dma_wait3A_135, %dma_wait3A_136] : memref<819200x128xf32, #tpu.memory_space<hbm>> -> memref<256x64xf32, #tpu.memory_space<hbm>>
      tpu.wait_dma2 semaphore(%arg19 : memref<!tpu.dma_semaphore, #tpu.memory_space<semaphore_mem>>) src(%arg11 : memref<256x64xf32, #tpu.memory_space<vmem>>) dst(%dma_wait3A_137 : memref<256x64xf32, #tpu.memory_space<hbm>>)
      %get3A_138 = arith.constant 0 : index
      %get3A_139 = tpu.vector_load %arg13[%get3A_138] {strides = array<i32>} : memref<64xf32, #tpu.memory_space<vmem>>, vector<16xf32>,
      %get3A_140 = arith.constant 16 : index
      %get3A_141 = tpu.vector_load %arg13[%get3A_140] {strides = array<i32>} : memref<64xf32, #tpu.memory_space<vmem>>, vector<16xf32>,
      %get3A_142 = arith.constant 32 : index
      %get3A_143 = tpu.vector_load %arg13[%get3A_142] {strides = array<i32>} : memref<64xf32, #tpu.memory_space<vmem>>, vector<16xf32>,
      %get3A_144 = arith.constant 48 : index
      %get3A_145 = tpu.vector_load %arg13[%get3A_144] {strides = array<i32>} : memref<64xf32, #tpu.memory_space<vmem>>, vector<16xf32>,
      %get3A_146 = arith.constant 0 : index
      %get3A_147 = tpu.vector_load %arg14[%get3A_146] {strides = array<i32>} : memref<64xf32, #tpu.memory_space<vmem>>, vector<16xf32>,
      %get3A_148 = arith.constant 16 : index
      %get3A_149 = tpu.vector_load %arg14[%get3A_148] {strides = array<i32>} : memref<64xf32, #tpu.memory_space<vmem>>, vector<16xf32>,
      %get3A_150 = arith.constant 32 : index
      %get3A_151 = tpu.vector_load %arg14[%get3A_150] {strides = array<i32>} : memref<64xf32, #tpu.memory_space<vmem>>, vector<16xf32>,
      %get3A_152 = arith.constant 48 : index
      %get3A_153 = tpu.vector_load %arg14[%get3A_152] {strides = array<i32>} : memref<64xf32, #tpu.memory_space<vmem>>, vector<16xf32>,
      %scan3A_154 = arith.constant 0 : i32
      %scan3A_155 = arith.constant 0 : i32
      %scan3A_156 = arith.constant 16 : i32
      %scan3A_157 = arith.addi %scan3A_155, %scan3A_156 : i32
      %scan3A_158 = arith.constant 1 : i32
      %scan3A_159 = scf.for %scan3A_169 = %scan3A_155 to %scan3A_157 step %scan3A_158 iter_args(%scan3A_170 = %scan3A_154) -> (i32)  : i32 {
        %mul3A_171 = arith.constant 16 : i32
        %mul3A_172 = arith.muli %scan3A_169, %mul3A_171 : i32
        %get3A_173 = arith.index_cast %mul3A_172 : i32 to index
        %get3A_174 = tpu.vector_load %arg15[%get3A_173] {strides = array<i32>} : memref<256xf32, #tpu.memory_space<vmem>>, vector<16xf32>,
        %mul3A_175 = arith.constant 16 : i32
        %mul3A_176 = arith.muli %scan3A_169, %mul3A_175 : i32
        %get3A_177 = arith.index_cast %mul3A_176 : i32 to index
        %get3A_178 = tpu.vector_load %arg16[%get3A_177] {strides = array<i32>} : memref<256xf32, #tpu.memory_space<vmem>>, vector<16xf32>,
        %mul3A_179 = arith.constant 16 : i32
        %mul3A_180 = arith.muli %scan3A_169, %mul3A_179 : i32
        %broadcast_in_dim3A_181 = arith.constant 0 : i32
        %broadcast_in_dim3A_182 = vector.broadcast %broadcast_in_dim3A_181 : i32 to vector<16xi32>
        %broadcast_in_dim3A_183 = vector.shape_cast %broadcast_in_dim3A_182 : vector<16xi32> to vector<16x1xi32>
        %gather3A = vector.shape_cast %broadcast_in_dim3A_183 : vector<16x1xi32> to vector<16xi32>
        %gather3A_184 = tpu.dynamic_gather %get3A_174[%gather3A] in [0] : vector<16xf32>, vector<16xi32> -> vector<16xf32>
        %broadcast_in_dim3A_185 = arith.constant 1 : i32
        %broadcast_in_dim3A_186 = vector.broadcast %broadcast_in_dim3A_185 : i32 to vector<16xi32>
        %broadcast_in_dim3A_187 = vector.shape_cast %broadcast_in_dim3A_186 : vector<16xi32> to vector<16x1xi32>
        %gather3A_188 = vector.shape_cast %broadcast_in_dim3A_187 : vector<16x1xi32> to vector<16xi32>
        %gather3A_189 = tpu.dynamic_gather %get3A_174[%gather3A_188] in [0] : vector<16xf32>, vector<16xi32> -> vector<16xf32>
        %broadcast_in_dim3A_190 = arith.constant 2 : i32
        %broadcast_in_dim3A_191 = vector.broadcast %broadcast_in_dim3A_190 : i32 to vector<16xi32>
        %broadcast_in_dim3A_192 = vector.shape_cast %broadcast_in_dim3A_191 : vector<16xi32> to vector<16x1xi32>
        %gather3A_193 = vector.shape_cast %broadcast_in_dim3A_192 : vector<16x1xi32> to vector<16xi32>
        %gather3A_194 = tpu.dynamic_gather %get3A_174[%gather3A_193] in [0] : vector<16xf32>, vector<16xi32> -> vector<16xf32>
        %broadcast_in_dim3A_195 = arith.constant 3 : i32
        %broadcast_in_dim3A_196 = vector.broadcast %broadcast_in_dim3A_195 : i32 to vector<16xi32>
        %broadcast_in_dim3A_197 = vector.shape_cast %broadcast_in_dim3A_196 : vector<16xi32> to vector<16x1xi32>
        %gather3A_198 = vector.shape_cast %broadcast_in_dim3A_197 : vector<16x1xi32> to vector<16xi32>
        %gather3A_199 = tpu.dynamic_gather %get3A_174[%gather3A_198] in [0] : vector<16xf32>, vector<16xi32> -> vector<16xf32>
        %broadcast_in_dim3A_200 = arith.constant 4 : i32
        %broadcast_in_dim3A_201 = vector.broadcast %broadcast_in_dim3A_200 : i32 to vector<16xi32>
        %broadcast_in_dim3A_202 = vector.shape_cast %broadcast_in_dim3A_201 : vector<16xi32> to vector<16x1xi32>
        %gather3A_203 = vector.shape_cast %broadcast_in_dim3A_202 : vector<16x1xi32> to vector<16xi32>
        %gather3A_204 = tpu.dynamic_gather %get3A_174[%gather3A_203] in [0] : vector<16xf32>, vector<16xi32> -> vector<16xf32>
        %broadcast_in_dim3A_205 = arith.constant 5 : i32
        %broadcast_in_dim3A_206 = vector.broadcast %broadcast_in_dim3A_205 : i32 to vector<16xi32>
        %broadcast_in_dim3A_207 = vector.shape_cast %broadcast_in_dim3A_206 : vector<16xi32> to vector<16x1xi32>
        %gather3A_208 = vector.shape_cast %broadcast_in_dim3A_207 : vector<16x1xi32> to vector<16xi32>
        %gather3A_209 = tpu.dynamic_gather %get3A_174[%gather3A_208] in [0] : vector<16xf32>, vector<16xi32> -> vector<16xf32>
        %broadcast_in_dim3A_210 = arith.constant 6 : i32
        %broadcast_in_dim3A_211 = vector.broadcast %broadcast_in_dim3A_210 : i32 to vector<16xi32>
        %broadcast_in_dim3A_212 = vector.shape_cast %broadcast_in_dim3A_211 : vector<16xi32> to vector<16x1xi32>
        %gather3A_213 = vector.shape_cast %broadcast_in_dim3A_212 : vector<16x1xi32> to vector<16xi32>
        %gather3A_214 = tpu.dynamic_gather %get3A_174[%gather3A_213] in [0] : vector<16xf32>, vector<16xi32> -> vector<16xf32>
        %broadcast_in_dim3A_215 = arith.constant 7 : i32
        %broadcast_in_dim3A_216 = vector.broadcast %broadcast_in_dim3A_215 : i32 to vector<16xi32>
        %broadcast_in_dim3A_217 = vector.shape_cast %broadcast_in_dim3A_216 : vector<16xi32> to vector<16x1xi32>
        %gather3A_218 = vector.shape_cast %broadcast_in_dim3A_217 : vector<16x1xi32> to vector<16xi32>
        %gather3A_219 = tpu.dynamic_gather %get3A_174[%gather3A_218] in [0] : vector<16xf32>, vector<16xi32> -> vector<16xf32>
        %broadcast_in_dim3A_220 = arith.constant 0 : i32
        %broadcast_in_dim3A_221 = vector.broadcast %broadcast_in_dim3A_220 : i32 to vector<16xi32>
        %broadcast_in_dim3A_222 = vector.shape_cast %broadcast_in_dim3A_221 : vector<16xi32> to vector<16x1xi32>
        %gather3A_223 = vector.shape_cast %broadcast_in_dim3A_222 : vector<16x1xi32> to vector<16xi32>
        %gather3A_224 = tpu.dynamic_gather %get3A_178[%gather3A_223] in [0] : vector<16xf32>, vector<16xi32> -> vector<16xf32>
        %broadcast_in_dim3A_225 = arith.constant 1 : i32
        %broadcast_in_dim3A_226 = vector.broadcast %broadcast_in_dim3A_225 : i32 to vector<16xi32>
        %broadcast_in_dim3A_227 = vector.shape_cast %broadcast_in_dim3A_226 : vector<16xi32> to vector<16x1xi32>
        %gather3A_228 = vector.shape_cast %broadcast_in_dim3A_227 : vector<16x1xi32> to vector<16xi32>
        %gather3A_229 = tpu.dynamic_gather %get3A_178[%gather3A_228] in [0] : vector<16xf32>, vector<16xi32> -> vector<16xf32>
        %broadcast_in_dim3A_230 = arith.constant 2 : i32
        %broadcast_in_dim3A_231 = vector.broadcast %broadcast_in_dim3A_230 : i32 to vector<16xi32>
        %broadcast_in_dim3A_232 = vector.shape_cast %broadcast_in_dim3A_231 : vector<16xi32> to vector<16x1xi32>
        %gather3A_233 = vector.shape_cast %broadcast_in_dim3A_232 : vector<16x1xi32> to vector<16xi32>
        %gather3A_234 = tpu.dynamic_gather %get3A_178[%gather3A_233] in [0] : vector<16xf32>, vector<16xi32> -> vector<16xf32>
        %broadcast_in_dim3A_235 = arith.constant 3 : i32
        %broadcast_in_dim3A_236 = vector.broadcast %broadcast_in_dim3A_235 : i32 to vector<16xi32>
        %broadcast_in_dim3A_237 = vector.shape_cast %broadcast_in_dim3A_236 : vector<16xi32> to vector<16x1xi32>
        %gather3A_238 = vector.shape_cast %broadcast_in_dim3A_237 : vector<16x1xi32> to vector<16xi32>
        %gather3A_239 = tpu.dynamic_gather %get3A_178[%gather3A_238] in [0] : vector<16xf32>, vector<16xi32> -> vector<16xf32>
        %broadcast_in_dim3A_240 = arith.constant 4 : i32
        %broadcast_in_dim3A_241 = vector.broadcast %broadcast_in_dim3A_240 : i32 to vector<16xi32>
        %broadcast_in_dim3A_242 = vector.shape_cast %broadcast_in_dim3A_241 : vector<16xi32> to vector<16x1xi32>
        %gather3A_243 = vector.shape_cast %broadcast_in_dim3A_242 : vector<16x1xi32> to vector<16xi32>
        %gather3A_244 = tpu.dynamic_gather %get3A_178[%gather3A_243] in [0] : vector<16xf32>, vector<16xi32> -> vector<16xf32>
        %broadcast_in_dim3A_245 = arith.constant 5 : i32
        %broadcast_in_dim3A_246 = vector.broadcast %broadcast_in_dim3A_245 : i32 to vector<16xi32>
        %broadcast_in_dim3A_247 = vector.shape_cast %broadcast_in_dim3A_246 : vector<16xi32> to vector<16x1xi32>
        %gather3A_248 = vector.shape_cast %broadcast_in_dim3A_247 : vector<16x1xi32> to vector<16xi32>
        %gather3A_249 = tpu.dynamic_gather %get3A_178[%gather3A_248] in [0] : vector<16xf32>, vector<16xi32> -> vector<16xf32>
        %broadcast_in_dim3A_250 = arith.constant 6 : i32
        %broadcast_in_dim3A_251 = vector.broadcast %broadcast_in_dim3A_250 : i32 to vector<16xi32>
        %broadcast_in_dim3A_252 = vector.shape_cast %broadcast_in_dim3A_251 : vector<16xi32> to vector<16x1xi32>
        %gather3A_253 = vector.shape_cast %broadcast_in_dim3A_252 : vector<16x1xi32> to vector<16xi32>
        %gather3A_254 = tpu.dynamic_gather %get3A_178[%gather3A_253] in [0] : vector<16xf32>, vector<16xi32> -> vector<16xf32>
        %broadcast_in_dim3A_255 = arith.constant 7 : i32
        %broadcast_in_dim3A_256 = vector.broadcast %broadcast_in_dim3A_255 : i32 to vector<16xi32>
        %broadcast_in_dim3A_257 = vector.shape_cast %broadcast_in_dim3A_256 : vector<16xi32> to vector<16x1xi32>
        %gather3A_258 = vector.shape_cast %broadcast_in_dim3A_257 : vector<16x1xi32> to vector<16xi32>
        %gather3A_259 = tpu.dynamic_gather %get3A_178[%gather3A_258] in [0] : vector<16xf32>, vector<16xi32> -> vector<16xf32>
        %add3A_260 = arith.constant 0 : i32
        %add3A_261 = arith.addi %mul3A_180, %add3A_260 : i32
        %add3A_262 = arith.constant 0 : i32
        %add3A_263 = arith.addi %add3A_261, %add3A_262 : i32
        %get3A_264 = arith.index_cast %add3A_263 : i32 to index
        %get3A_265 = arith.constant 0 : index
        %get3A_266 = tpu.vector_load %arg10[%get3A_264, %get3A_265] {strides = array<i32>} : memref<256x128xf32, #tpu.memory_space<vmem>>, vector<16xf32>,
        %add3A_267 = arith.constant 0 : i32
        %add3A_268 = arith.addi %mul3A_180, %add3A_267 : i32
        %add3A_269 = arith.constant 1 : i32
        %add3A_270 = arith.addi %add3A_268, %add3A_269 : i32
        %get3A_271 = arith.index_cast %add3A_270 : i32 to index
        %get3A_272 = arith.constant 0 : index
        %get3A_273 = tpu.vector_load %arg10[%get3A_271, %get3A_272] {strides = array<i32>} : memref<256x128xf32, #tpu.memory_space<vmem>>, vector<16xf32>,
        %add3A_274 = arith.constant 0 : i32
        %add3A_275 = arith.addi %mul3A_180, %add3A_274 : i32
        %add3A_276 = arith.constant 2 : i32
        %add3A_277 = arith.addi %add3A_275, %add3A_276 : i32
        %get3A_278 = arith.index_cast %add3A_277 : i32 to index
        %get3A_279 = arith.constant 0 : index
        %get3A_280 = tpu.vector_load %arg10[%get3A_278, %get3A_279] {strides = array<i32>} : memref<256x128xf32, #tpu.memory_space<vmem>>, vector<16xf32>,
        %add3A_281 = arith.constant 0 : i32
        %add3A_282 = arith.addi %mul3A_180, %add3A_281 : i32
        %add3A_283 = arith.constant 3 : i32
        %add3A_284 = arith.addi %add3A_282, %add3A_283 : i32
        %get3A_285 = arith.index_cast %add3A_284 : i32 to index
        %get3A_286 = arith.constant 0 : index
        %get3A_287 = tpu.vector_load %arg10[%get3A_285, %get3A_286] {strides = array<i32>} : memref<256x128xf32, #tpu.memory_space<vmem>>, vector<16xf32>,
        %add3A_288 = arith.constant 0 : i32
        %add3A_289 = arith.addi %mul3A_180, %add3A_288 : i32
        %add3A_290 = arith.constant 4 : i32
        %add3A_291 = arith.addi %add3A_289, %add3A_290 : i32
        %get3A_292 = arith.index_cast %add3A_291 : i32 to index
        %get3A_293 = arith.constant 0 : index
        %get3A_294 = tpu.vector_load %arg10[%get3A_292, %get3A_293] {strides = array<i32>} : memref<256x128xf32, #tpu.memory_space<vmem>>, vector<16xf32>,
        %add3A_295 = arith.constant 0 : i32
        %add3A_296 = arith.addi %mul3A_180, %add3A_295 : i32
        %add3A_297 = arith.constant 5 : i32
        %add3A_298 = arith.addi %add3A_296, %add3A_297 : i32
        %get3A_299 = arith.index_cast %add3A_298 : i32 to index
        %get3A_300 = arith.constant 0 : index
        %get3A_301 = tpu.vector_load %arg10[%get3A_299, %get3A_300] {strides = array<i32>} : memref<256x128xf32, #tpu.memory_space<vmem>>, vector<16xf32>,
        %add3A_302 = arith.constant 0 : i32
        %add3A_303 = arith.addi %mul3A_180, %add3A_302 : i32
        %add3A_304 = arith.constant 6 : i32
        %add3A_305 = arith.addi %add3A_303, %add3A_304 : i32
        %get3A_306 = arith.index_cast %add3A_305 : i32 to index
        %get3A_307 = arith.constant 0 : index
        %get3A_308 = tpu.vector_load %arg10[%get3A_306, %get3A_307] {strides = array<i32>} : memref<256x128xf32, #tpu.memory_space<vmem>>, vector<16xf32>,
        %add3A_309 = arith.constant 0 : i32
        %add3A_310 = arith.addi %mul3A_180, %add3A_309 : i32
        %add3A_311 = arith.constant 7 : i32
        %add3A_312 = arith.addi %add3A_310, %add3A_311 : i32
        %get3A_313 = arith.index_cast %add3A_312 : i32 to index
        %get3A_314 = arith.constant 0 : index
        %get3A_315 = tpu.vector_load %arg10[%get3A_313, %get3A_314] {strides = array<i32>} : memref<256x128xf32, #tpu.memory_space<vmem>>, vector<16xf32>,
        %sub3A = arith.subf %get3A_266, %gather3A_184 : vector<16xf32>
        %mul3A_316 = arith.mulf %sub3A, %gather3A_224 : vector<16xf32>
        %mul3A_317 = arith.mulf %mul3A_316, %get3A_139 : vector<16xf32>
        %add3A_318 = arith.addf %mul3A_317, %get3A_147 : vector<16xf32>
        %sub3A_319 = arith.subf %get3A_273, %gather3A_189 : vector<16xf32>
        %mul3A_320 = arith.mulf %sub3A_319, %gather3A_229 : vector<16xf32>
        %mul3A_321 = arith.mulf %mul3A_320, %get3A_139 : vector<16xf32>
        %add3A_322 = arith.addf %mul3A_321, %get3A_147 : vector<16xf32>
        %sub3A_323 = arith.subf %get3A_280, %gather3A_194 : vector<16xf32>
        %mul3A_324 = arith.mulf %sub3A_323, %gather3A_234 : vector<16xf32>
        %mul3A_325 = arith.mulf %mul3A_324, %get3A_139 : vector<16xf32>
        %add3A_326 = arith.addf %mul3A_325, %get3A_147 : vector<16xf32>
        %sub3A_327 = arith.subf %get3A_287, %gather3A_199 : vector<16xf32>
        %mul3A_328 = arith.mulf %sub3A_327, %gather3A_239 : vector<16xf32>
        %mul3A_329 = arith.mulf %mul3A_328, %get3A_139 : vector<16xf32>
        %add3A_330 = arith.addf %mul3A_329, %get3A_147 : vector<16xf32>
        %sub3A_331 = arith.subf %get3A_294, %gather3A_204 : vector<16xf32>
        %mul3A_332 = arith.mulf %sub3A_331, %gather3A_244 : vector<16xf32>
        %mul3A_333 = arith.mulf %mul3A_332, %get3A_139 : vector<16xf32>
        %add3A_334 = arith.addf %mul3A_333, %get3A_147 : vector<16xf32>
        %sub3A_335 = arith.subf %get3A_301, %gather3A_209 : vector<16xf32>
        %mul3A_336 = arith.mulf %sub3A_335, %gather3A_249 : vector<16xf32>
        %mul3A_337 = arith.mulf %mul3A_336, %get3A_139 : vector<16xf32>
        %add3A_338 = arith.addf %mul3A_337, %get3A_147 : vector<16xf32>
        %sub3A_339 = arith.subf %get3A_308, %gather3A_214 : vector<16xf32>
        %mul3A_340 = arith.mulf %sub3A_339, %gather3A_254 : vector<16xf32>
        %mul3A_341 = arith.mulf %mul3A_340, %get3A_139 : vector<16xf32>
        %add3A_342 = arith.addf %mul3A_341, %get3A_147 : vector<16xf32>
        %sub3A_343 = arith.subf %get3A_315, %gather3A_219 : vector<16xf32>
        %mul3A_344 = arith.mulf %sub3A_343, %gather3A_259 : vector<16xf32>
        %mul3A_345 = arith.mulf %mul3A_344, %get3A_139 : vector<16xf32>
        %add3A_346 = arith.addf %mul3A_345, %get3A_147 : vector<16xf32>
        %add3A_347 = arith.constant 0 : i32
        %add3A_348 = arith.addi %mul3A_180, %add3A_347 : i32
        %add3A_349 = arith.constant 0 : i32
        %add3A_350 = arith.addi %add3A_348, %add3A_349 : i32
        %swap3A = arith.index_cast %add3A_350 : i32 to index
        %swap3A_351 = arith.constant 0 : index
        %swap3A_352 = tpu.vector_load %arg11[%swap3A, %swap3A_351] {strides = array<i32>} : memref<256x64xf32, #tpu.memory_space<vmem>>, vector<16xf32>,
        tpu.vector_store %arg11[%swap3A, %swap3A_351], %add3A_318 {strides = array<i32>} : memref<256x64xf32, #tpu.memory_space<vmem>>, vector<16xf32>,
        %add3A_353 = arith.constant 0 : i32
        %add3A_354 = arith.addi %mul3A_180, %add3A_353 : i32
        %add3A_355 = arith.constant 1 : i32
        %add3A_356 = arith.addi %add3A_354, %add3A_355 : i32
        %swap3A_357 = arith.index_cast %add3A_356 : i32 to index
        %swap3A_358 = arith.constant 0 : index
        %swap3A_359 = tpu.vector_load %arg11[%swap3A_357, %swap3A_358] {strides = array<i32>} : memref<256x64xf32, #tpu.memory_space<vmem>>, vector<16xf32>,
        tpu.vector_store %arg11[%swap3A_357, %swap3A_358], %add3A_322 {strides = array<i32>} : memref<256x64xf32, #tpu.memory_space<vmem>>, vector<16xf32>,
        %add3A_360 = arith.constant 0 : i32
        %add3A_361 = arith.addi %mul3A_180, %add3A_360 : i32
        %add3A_362 = arith.constant 2 : i32
        %add3A_363 = arith.addi %add3A_361, %add3A_362 : i32
        %swap3A_364 = arith.index_cast %add3A_363 : i32 to index
        %swap3A_365 = arith.constant 0 : index
        %swap3A_366 = tpu.vector_load %arg11[%swap3A_364, %swap3A_365] {strides = array<i32>} : memref<256x64xf32, #tpu.memory_space<vmem>>, vector<16xf32>,
        tpu.vector_store %arg11[%swap3A_364, %swap3A_365], %add3A_326 {strides = array<i32>} : memref<256x64xf32, #tpu.memory_space<vmem>>, vector<16xf32>,
        %add3A_367 = arith.constant 0 : i32
        %add3A_368 = arith.addi %mul3A_180, %add3A_367 : i32
        %add3A_369 = arith.constant 3 : i32
        %add3A_370 = arith.addi %add3A_368, %add3A_369 : i32
        %swap3A_371 = arith.index_cast %add3A_370 : i32 to index
        %swap3A_372 = arith.constant 0 : index
        %swap3A_373 = tpu.vector_load %arg11[%swap3A_371, %swap3A_372] {strides = array<i32>} : memref<256x64xf32, #tpu.memory_space<vmem>>, vector<16xf32>,
        tpu.vector_store %arg11[%swap3A_371, %swap3A_372], %add3A_330 {strides = array<i32>} : memref<256x64xf32, #tpu.memory_space<vmem>>, vector<16xf32>,
        %add3A_374 = arith.constant 0 : i32
        %add3A_375 = arith.addi %mul3A_180, %add3A_374 : i32
        %add3A_376 = arith.constant 4 : i32
        %add3A_377 = arith.addi %add3A_375, %add3A_376 : i32
        %swap3A_378 = arith.index_cast %add3A_377 : i32 to index
        %swap3A_379 = arith.constant 0 : index
        %swap3A_380 = tpu.vector_load %arg11[%swap3A_378, %swap3A_379] {strides = array<i32>} : memref<256x64xf32, #tpu.memory_space<vmem>>, vector<16xf32>,
        tpu.vector_store %arg11[%swap3A_378, %swap3A_379], %add3A_334 {strides = array<i32>} : memref<256x64xf32, #tpu.memory_space<vmem>>, vector<16xf32>,
        %add3A_381 = arith.constant 0 : i32
        %add3A_382 = arith.addi %mul3A_180, %add3A_381 : i32
        %add3A_383 = arith.constant 5 : i32
        %add3A_384 = arith.addi %add3A_382, %add3A_383 : i32
        %swap3A_385 = arith.index_cast %add3A_384 : i32 to index
        %swap3A_386 = arith.constant 0 : index
        %swap3A_387 = tpu.vector_load %arg11[%swap3A_385, %swap3A_386] {strides = array<i32>} : memref<256x64xf32, #tpu.memory_space<vmem>>, vector<16xf32>,
        tpu.vector_store %arg11[%swap3A_385, %swap3A_386], %add3A_338 {strides = array<i32>} : memref<256x64xf32, #tpu.memory_space<vmem>>, vector<16xf32>,
        %add3A_388 = arith.constant 0 : i32
        %add3A_389 = arith.addi %mul3A_180, %add3A_388 : i32
        %add3A_390 = arith.constant 6 : i32
        %add3A_391 = arith.addi %add3A_389, %add3A_390 : i32
        %swap3A_392 = arith.index_cast %add3A_391 : i32 to index
        %swap3A_393 = arith.constant 0 : index
        %swap3A_394 = tpu.vector_load %arg11[%swap3A_392, %swap3A_393] {strides = array<i32>} : memref<256x64xf32, #tpu.memory_space<vmem>>, vector<16xf32>,
        tpu.vector_store %arg11[%swap3A_392, %swap3A_393], %add3A_342 {strides = array<i32>} : memref<256x64xf32, #tpu.memory_space<vmem>>, vector<16xf32>,
        %add3A_395 = arith.constant 0 : i32
        %add3A_396 = arith.addi %mul3A_180, %add3A_395 : i32
        %add3A_397 = arith.constant 7 : i32
        %add3A_398 = arith.addi %add3A_396, %add3A_397 : i32
        %swap3A_399 = arith.index_cast %add3A_398 : i32 to index
        %swap3A_400 = arith.constant 0 : index
        %swap3A_401 = tpu.vector_load %arg11[%swap3A_399, %swap3A_400] {strides = array<i32>} : memref<256x64xf32, #tpu.memory_space<vmem>>, vector<16xf32>,
        tpu.vector_store %arg11[%swap3A_399, %swap3A_400], %add3A_346 {strides = array<i32>} : memref<256x64xf32, #tpu.memory_space<vmem>>, vector<16xf32>,
        %add3A_402 = arith.constant 0 : i32
        %add3A_403 = arith.addi %mul3A_180, %add3A_402 : i32
        %add3A_404 = arith.constant 0 : i32
        %add3A_405 = arith.addi %add3A_403, %add3A_404 : i32
        %get3A_406 = arith.index_cast %add3A_405 : i32 to index
        %get3A_407 = arith.constant 16 : index
        %get3A_408 = tpu.vector_load %arg10[%get3A_406, %get3A_407] {strides = array<i32>} : memref<256x128xf32, #tpu.memory_space<vmem>>, vector<16xf32>,
        %add3A_409 = arith.constant 0 : i32
        %add3A_410 = arith.addi %mul3A_180, %add3A_409 : i32
        %add3A_411 = arith.constant 1 : i32
        %add3A_412 = arith.addi %add3A_410, %add3A_411 : i32
        %get3A_413 = arith.index_cast %add3A_412 : i32 to index
        %get3A_414 = arith.constant 16 : index
        %get3A_415 = tpu.vector_load %arg10[%get3A_413, %get3A_414] {strides = array<i32>} : memref<256x128xf32, #tpu.memory_space<vmem>>, vector<16xf32>,
        %add3A_416 = arith.constant 0 : i32
        %add3A_417 = arith.addi %mul3A_180, %add3A_416 : i32
        %add3A_418 = arith.constant 2 : i32
        %add3A_419 = arith.addi %add3A_417, %add3A_418 : i32
        %get3A_420 = arith.index_cast %add3A_419 : i32 to index
        %get3A_421 = arith.constant 16 : index
        %get3A_422 = tpu.vector_load %arg10[%get3A_420, %get3A_421] {strides = array<i32>} : memref<256x128xf32, #tpu.memory_space<vmem>>, vector<16xf32>,
        %add3A_423 = arith.constant 0 : i32
        %add3A_424 = arith.addi %mul3A_180, %add3A_423 : i32
        %add3A_425 = arith.constant 3 : i32
        %add3A_426 = arith.addi %add3A_424, %add3A_425 : i32
        %get3A_427 = arith.index_cast %add3A_426 : i32 to index
        %get3A_428 = arith.constant 16 : index
        %get3A_429 = tpu.vector_load %arg10[%get3A_427, %get3A_428] {strides = array<i32>} : memref<256x128xf32, #tpu.memory_space<vmem>>, vector<16xf32>,
        %add3A_430 = arith.constant 0 : i32
        %add3A_431 = arith.addi %mul3A_180, %add3A_430 : i32
        %add3A_432 = arith.constant 4 : i32
        %add3A_433 = arith.addi %add3A_431, %add3A_432 : i32
        %get3A_434 = arith.index_cast %add3A_433 : i32 to index
        %get3A_435 = arith.constant 16 : index
        %get3A_436 = tpu.vector_load %arg10[%get3A_434, %get3A_435] {strides = array<i32>} : memref<256x128xf32, #tpu.memory_space<vmem>>, vector<16xf32>,
        %add3A_437 = arith.constant 0 : i32
        %add3A_438 = arith.addi %mul3A_180, %add3A_437 : i32
        %add3A_439 = arith.constant 5 : i32
        %add3A_440 = arith.addi %add3A_438, %add3A_439 : i32
        %get3A_441 = arith.index_cast %add3A_440 : i32 to index
        %get3A_442 = arith.constant 16 : index
        %get3A_443 = tpu.vector_load %arg10[%get3A_441, %get3A_442] {strides = array<i32>} : memref<256x128xf32, #tpu.memory_space<vmem>>, vector<16xf32>,
        %add3A_444 = arith.constant 0 : i32
        %add3A_445 = arith.addi %mul3A_180, %add3A_444 : i32
        %add3A_446 = arith.constant 6 : i32
        %add3A_447 = arith.addi %add3A_445, %add3A_446 : i32
        %get3A_448 = arith.index_cast %add3A_447 : i32 to index
        %get3A_449 = arith.constant 16 : index
        %get3A_450 = tpu.vector_load %arg10[%get3A_448, %get3A_449] {strides = array<i32>} : memref<256x128xf32, #tpu.memory_space<vmem>>, vector<16xf32>,
        %add3A_451 = arith.constant 0 : i32
        %add3A_452 = arith.addi %mul3A_180, %add3A_451 : i32
        %add3A_453 = arith.constant 7 : i32
        %add3A_454 = arith.addi %add3A_452, %add3A_453 : i32
        %get3A_455 = arith.index_cast %add3A_454 : i32 to index
        %get3A_456 = arith.constant 16 : index
        %get3A_457 = tpu.vector_load %arg10[%get3A_455, %get3A_456] {strides = array<i32>} : memref<256x128xf32, #tpu.memory_space<vmem>>, vector<16xf32>,
        %sub3A_458 = arith.subf %get3A_408, %gather3A_184 : vector<16xf32>
        %mul3A_459 = arith.mulf %sub3A_458, %gather3A_224 : vector<16xf32>
        %mul3A_460 = arith.mulf %mul3A_459, %get3A_141 : vector<16xf32>
        %add3A_461 = arith.addf %mul3A_460, %get3A_149 : vector<16xf32>
        %sub3A_462 = arith.subf %get3A_415, %gather3A_189 : vector<16xf32>
        %mul3A_463 = arith.mulf %sub3A_462, %gather3A_229 : vector<16xf32>
        %mul3A_464 = arith.mulf %mul3A_463, %get3A_141 : vector<16xf32>
        %add3A_465 = arith.addf %mul3A_464, %get3A_149 : vector<16xf32>
        %sub3A_466 = arith.subf %get3A_422, %gather3A_194 : vector<16xf32>
        %mul3A_467 = arith.mulf %sub3A_466, %gather3A_234 : vector<16xf32>
        %mul3A_468 = arith.mulf %mul3A_467, %get3A_141 : vector<16xf32>
        %add3A_469 = arith.addf %mul3A_468, %get3A_149 : vector<16xf32>
        %sub3A_470 = arith.subf %get3A_429, %gather3A_199 : vector<16xf32>
        %mul3A_471 = arith.mulf %sub3A_470, %gather3A_239 : vector<16xf32>
        %mul3A_472 = arith.mulf %mul3A_471, %get3A_141 : vector<16xf32>
        %add3A_473 = arith.addf %mul3A_472, %get3A_149 : vector<16xf32>
        %sub3A_474 = arith.subf %get3A_436, %gather3A_204 : vector<16xf32>
        %mul3A_475 = arith.mulf %sub3A_474, %gather3A_244 : vector<16xf32>
        %mul3A_476 = arith.mulf %mul3A_475, %get3A_141 : vector<16xf32>
        %add3A_477 = arith.addf %mul3A_476, %get3A_149 : vector<16xf32>
        %sub3A_478 = arith.subf %get3A_443, %gather3A_209 : vector<16xf32>
        %mul3A_479 = arith.mulf %sub3A_478, %gather3A_249 : vector<16xf32>
        %mul3A_480 = arith.mulf %mul3A_479, %get3A_141 : vector<16xf32>
        %add3A_481 = arith.addf %mul3A_480, %get3A_149 : vector<16xf32>
        %sub3A_482 = arith.subf %get3A_450, %gather3A_214 : vector<16xf32>
        %mul3A_483 = arith.mulf %sub3A_482, %gather3A_254 : vector<16xf32>
        %mul3A_484 = arith.mulf %mul3A_483, %get3A_141 : vector<16xf32>
        %add3A_485 = arith.addf %mul3A_484, %get3A_149 : vector<16xf32>
        %sub3A_486 = arith.subf %get3A_457, %gather3A_219 : vector<16xf32>
        %mul3A_487 = arith.mulf %sub3A_486, %gather3A_259 : vector<16xf32>
        %mul3A_488 = arith.mulf %mul3A_487, %get3A_141 : vector<16xf32>
        %add3A_489 = arith.addf %mul3A_488, %get3A_149 : vector<16xf32>
        %add3A_490 = arith.constant 0 : i32
        %add3A_491 = arith.addi %mul3A_180, %add3A_490 : i32
        %add3A_492 = arith.constant 0 : i32
        %add3A_493 = arith.addi %add3A_491, %add3A_492 : i32
        %swap3A_494 = arith.index_cast %add3A_493 : i32 to index
        %swap3A_495 = arith.constant 16 : index
        %swap3A_496 = tpu.vector_load %arg11[%swap3A_494, %swap3A_495] {strides = array<i32>} : memref<256x64xf32, #tpu.memory_space<vmem>>, vector<16xf32>,
        tpu.vector_store %arg11[%swap3A_494, %swap3A_495], %add3A_461 {strides = array<i32>} : memref<256x64xf32, #tpu.memory_space<vmem>>, vector<16xf32>,
        %add3A_497 = arith.constant 0 : i32
        %add3A_498 = arith.addi %mul3A_180, %add3A_497 : i32
        %add3A_499 = arith.constant 1 : i32
        %add3A_500 = arith.addi %add3A_498, %add3A_499 : i32
        %swap3A_501 = arith.index_cast %add3A_500 : i32 to index
        %swap3A_502 = arith.constant 16 : index
        %swap3A_503 = tpu.vector_load %arg11[%swap3A_501, %swap3A_502] {strides = array<i32>} : memref<256x64xf32, #tpu.memory_space<vmem>>, vector<16xf32>,
        tpu.vector_store %arg11[%swap3A_501, %swap3A_502], %add3A_465 {strides = array<i32>} : memref<256x64xf32, #tpu.memory_space<vmem>>, vector<16xf32>,
        %add3A_504 = arith.constant 0 : i32
        %add3A_505 = arith.addi %mul3A_180, %add3A_504 : i32
        %add3A_506 = arith.constant 2 : i32
        %add3A_507 = arith.addi %add3A_505, %add3A_506 : i32
        %swap3A_508 = arith.index_cast %add3A_507 : i32 to index
        %swap3A_509 = arith.constant 16 : index
        %swap3A_510 = tpu.vector_load %arg11[%swap3A_508, %swap3A_509] {strides = array<i32>} : memref<256x64xf32, #tpu.memory_space<vmem>>, vector<16xf32>,
        tpu.vector_store %arg11[%swap3A_508, %swap3A_509], %add3A_469 {strides = array<i32>} : memref<256x64xf32, #tpu.memory_space<vmem>>, vector<16xf32>,
        %add3A_511 = arith.constant 0 : i32
        %add3A_512 = arith.addi %mul3A_180, %add3A_511 : i32
        %add3A_513 = arith.constant 3 : i32
        %add3A_514 = arith.addi %add3A_512, %add3A_513 : i32
        %swap3A_515 = arith.index_cast %add3A_514 : i32 to index
        %swap3A_516 = arith.constant 16 : index
        %swap3A_517 = tpu.vector_load %arg11[%swap3A_515, %swap3A_516] {strides = array<i32>} : memref<256x64xf32, #tpu.memory_space<vmem>>, vector<16xf32>,
        tpu.vector_store %arg11[%swap3A_515, %swap3A_516], %add3A_473 {strides = array<i32>} : memref<256x64xf32, #tpu.memory_space<vmem>>, vector<16xf32>,
        %add3A_518 = arith.constant 0 : i32
        %add3A_519 = arith.addi %mul3A_180, %add3A_518 : i32
        %add3A_520 = arith.constant 4 : i32
        %add3A_521 = arith.addi %add3A_519, %add3A_520 : i32
        %swap3A_522 = arith.index_cast %add3A_521 : i32 to index
        %swap3A_523 = arith.constant 16 : index
        %swap3A_524 = tpu.vector_load %arg11[%swap3A_522, %swap3A_523] {strides = array<i32>} : memref<256x64xf32, #tpu.memory_space<vmem>>, vector<16xf32>,
        tpu.vector_store %arg11[%swap3A_522, %swap3A_523], %add3A_477 {strides = array<i32>} : memref<256x64xf32, #tpu.memory_space<vmem>>, vector<16xf32>,
        %add3A_525 = arith.constant 0 : i32
        %add3A_526 = arith.addi %mul3A_180, %add3A_525 : i32
        %add3A_527 = arith.constant 5 : i32
        %add3A_528 = arith.addi %add3A_526, %add3A_527 : i32
        %swap3A_529 = arith.index_cast %add3A_528 : i32 to index
        %swap3A_530 = arith.constant 16 : index
        %swap3A_531 = tpu.vector_load %arg11[%swap3A_529, %swap3A_530] {strides = array<i32>} : memref<256x64xf32, #tpu.memory_space<vmem>>, vector<16xf32>,
        tpu.vector_store %arg11[%swap3A_529, %swap3A_530], %add3A_481 {strides = array<i32>} : memref<256x64xf32, #tpu.memory_space<vmem>>, vector<16xf32>,
        %add3A_532 = arith.constant 0 : i32
        %add3A_533 = arith.addi %mul3A_180, %add3A_532 : i32
        %add3A_534 = arith.constant 6 : i32
        %add3A_535 = arith.addi %add3A_533, %add3A_534 : i32
        %swap3A_536 = arith.index_cast %add3A_535 : i32 to index
        %swap3A_537 = arith.constant 16 : index
        %swap3A_538 = tpu.vector_load %arg11[%swap3A_536, %swap3A_537] {strides = array<i32>} : memref<256x64xf32, #tpu.memory_space<vmem>>, vector<16xf32>,
        tpu.vector_store %arg11[%swap3A_536, %swap3A_537], %add3A_485 {strides = array<i32>} : memref<256x64xf32, #tpu.memory_space<vmem>>, vector<16xf32>,
        %add3A_539 = arith.constant 0 : i32
        %add3A_540 = arith.addi %mul3A_180, %add3A_539 : i32
        %add3A_541 = arith.constant 7 : i32
        %add3A_542 = arith.addi %add3A_540, %add3A_541 : i32
        %swap3A_543 = arith.index_cast %add3A_542 : i32 to index
        %swap3A_544 = arith.constant 16 : index
        %swap3A_545 = tpu.vector_load %arg11[%swap3A_543, %swap3A_544] {strides = array<i32>} : memref<256x64xf32, #tpu.memory_space<vmem>>, vector<16xf32>,
        tpu.vector_store %arg11[%swap3A_543, %swap3A_544], %add3A_489 {strides = array<i32>} : memref<256x64xf32, #tpu.memory_space<vmem>>, vector<16xf32>,
        %add3A_546 = arith.constant 0 : i32
        %add3A_547 = arith.addi %mul3A_180, %add3A_546 : i32
        %add3A_548 = arith.constant 0 : i32
        %add3A_549 = arith.addi %add3A_547, %add3A_548 : i32
        %get3A_550 = arith.index_cast %add3A_549 : i32 to index
        %get3A_551 = arith.constant 32 : index
        %get3A_552 = tpu.vector_load %arg10[%get3A_550, %get3A_551] {strides = array<i32>} : memref<256x128xf32, #tpu.memory_space<vmem>>, vector<16xf32>,
        %add3A_553 = arith.constant 0 : i32
        %add3A_554 = arith.addi %mul3A_180, %add3A_553 : i32
        %add3A_555 = arith.constant 1 : i32
        %add3A_556 = arith.addi %add3A_554, %add3A_555 : i32
        %get3A_557 = arith.index_cast %add3A_556 : i32 to index
        %get3A_558 = arith.constant 32 : index
        %get3A_559 = tpu.vector_load %arg10[%get3A_557, %get3A_558] {strides = array<i32>} : memref<256x128xf32, #tpu.memory_space<vmem>>, vector<16xf32>,
        %add3A_560 = arith.constant 0 : i32
        %add3A_561 = arith.addi %mul3A_180, %add3A_560 : i32
        %add3A_562 = arith.constant 2 : i32
        %add3A_563 = arith.addi %add3A_561, %add3A_562 : i32
        %get3A_564 = arith.index_cast %add3A_563 : i32 to index
        %get3A_565 = arith.constant 32 : index
        %get3A_566 = tpu.vector_load %arg10[%get3A_564, %get3A_565] {strides = array<i32>} : memref<256x128xf32, #tpu.memory_space<vmem>>, vector<16xf32>,
        %add3A_567 = arith.constant 0 : i32
        %add3A_568 = arith.addi %mul3A_180, %add3A_567 : i32
        %add3A_569 = arith.constant 3 : i32
        %add3A_570 = arith.addi %add3A_568, %add3A_569 : i32
        %get3A_571 = arith.index_cast %add3A_570 : i32 to index
        %get3A_572 = arith.constant 32 : index
        %get3A_573 = tpu.vector_load %arg10[%get3A_571, %get3A_572] {strides = array<i32>} : memref<256x128xf32, #tpu.memory_space<vmem>>, vector<16xf32>,
        %add3A_574 = arith.constant 0 : i32
        %add3A_575 = arith.addi %mul3A_180, %add3A_574 : i32
        %add3A_576 = arith.constant 4 : i32
        %add3A_577 = arith.addi %add3A_575, %add3A_576 : i32
        %get3A_578 = arith.index_cast %add3A_577 : i32 to index
        %get3A_579 = arith.constant 32 : index
        %get3A_580 = tpu.vector_load %arg10[%get3A_578, %get3A_579] {strides = array<i32>} : memref<256x128xf32, #tpu.memory_space<vmem>>, vector<16xf32>,
        %add3A_581 = arith.constant 0 : i32
        %add3A_582 = arith.addi %mul3A_180, %add3A_581 : i32
        %add3A_583 = arith.constant 5 : i32
        %add3A_584 = arith.addi %add3A_582, %add3A_583 : i32
        %get3A_585 = arith.index_cast %add3A_584 : i32 to index
        %get3A_586 = arith.constant 32 : index
        %get3A_587 = tpu.vector_load %arg10[%get3A_585, %get3A_586] {strides = array<i32>} : memref<256x128xf32, #tpu.memory_space<vmem>>, vector<16xf32>,
        %add3A_588 = arith.constant 0 : i32
        %add3A_589 = arith.addi %mul3A_180, %add3A_588 : i32
        %add3A_590 = arith.constant 6 : i32
        %add3A_591 = arith.addi %add3A_589, %add3A_590 : i32
        %get3A_592 = arith.index_cast %add3A_591 : i32 to index
        %get3A_593 = arith.constant 32 : index
        %get3A_594 = tpu.vector_load %arg10[%get3A_592, %get3A_593] {strides = array<i32>} : memref<256x128xf32, #tpu.memory_space<vmem>>, vector<16xf32>,
        %add3A_595 = arith.constant 0 : i32
        %add3A_596 = arith.addi %mul3A_180, %add3A_595 : i32
        %add3A_597 = arith.constant 7 : i32
        %add3A_598 = arith.addi %add3A_596, %add3A_597 : i32
        %get3A_599 = arith.index_cast %add3A_598 : i32 to index
        %get3A_600 = arith.constant 32 : index
        %get3A_601 = tpu.vector_load %arg10[%get3A_599, %get3A_600] {strides = array<i32>} : memref<256x128xf32, #tpu.memory_space<vmem>>, vector<16xf32>,
        %sub3A_602 = arith.subf %get3A_552, %gather3A_184 : vector<16xf32>
        %mul3A_603 = arith.mulf %sub3A_602, %gather3A_224 : vector<16xf32>
        %mul3A_604 = arith.mulf %mul3A_603, %get3A_143 : vector<16xf32>
        %add3A_605 = arith.addf %mul3A_604, %get3A_151 : vector<16xf32>
        %sub3A_606 = arith.subf %get3A_559, %gather3A_189 : vector<16xf32>
        %mul3A_607 = arith.mulf %sub3A_606, %gather3A_229 : vector<16xf32>
        %mul3A_608 = arith.mulf %mul3A_607, %get3A_143 : vector<16xf32>
        %add3A_609 = arith.addf %mul3A_608, %get3A_151 : vector<16xf32>
        %sub3A_610 = arith.subf %get3A_566, %gather3A_194 : vector<16xf32>
        %mul3A_611 = arith.mulf %sub3A_610, %gather3A_234 : vector<16xf32>
        %mul3A_612 = arith.mulf %mul3A_611, %get3A_143 : vector<16xf32>
        %add3A_613 = arith.addf %mul3A_612, %get3A_151 : vector<16xf32>
        %sub3A_614 = arith.subf %get3A_573, %gather3A_199 : vector<16xf32>
        %mul3A_615 = arith.mulf %sub3A_614, %gather3A_239 : vector<16xf32>
        %mul3A_616 = arith.mulf %mul3A_615, %get3A_143 : vector<16xf32>
        %add3A_617 = arith.addf %mul3A_616, %get3A_151 : vector<16xf32>
        %sub3A_618 = arith.subf %get3A_580, %gather3A_204 : vector<16xf32>
        %mul3A_619 = arith.mulf %sub3A_618, %gather3A_244 : vector<16xf32>
        %mul3A_620 = arith.mulf %mul3A_619, %get3A_143 : vector<16xf32>
        %add3A_621 = arith.addf %mul3A_620, %get3A_151 : vector<16xf32>
        %sub3A_622 = arith.subf %get3A_587, %gather3A_209 : vector<16xf32>
        %mul3A_623 = arith.mulf %sub3A_622, %gather3A_249 : vector<16xf32>
        %mul3A_624 = arith.mulf %mul3A_623, %get3A_143 : vector<16xf32>
        %add3A_625 = arith.addf %mul3A_624, %get3A_151 : vector<16xf32>
        %sub3A_626 = arith.subf %get3A_594, %gather3A_214 : vector<16xf32>
        %mul3A_627 = arith.mulf %sub3A_626, %gather3A_254 : vector<16xf32>
        %mul3A_628 = arith.mulf %mul3A_627, %get3A_143 : vector<16xf32>
        %add3A_629 = arith.addf %mul3A_628, %get3A_151 : vector<16xf32>
        %sub3A_630 = arith.subf %get3A_601, %gather3A_219 : vector<16xf32>
        %mul3A_631 = arith.mulf %sub3A_630, %gather3A_259 : vector<16xf32>
        %mul3A_632 = arith.mulf %mul3A_631, %get3A_143 : vector<16xf32>
        %add3A_633 = arith.addf %mul3A_632, %get3A_151 : vector<16xf32>
        %add3A_634 = arith.constant 0 : i32
        %add3A_635 = arith.addi %mul3A_180, %add3A_634 : i32
        %add3A_636 = arith.constant 0 : i32
        %add3A_637 = arith.addi %add3A_635, %add3A_636 : i32
        %swap3A_638 = arith.index_cast %add3A_637 : i32 to index
        %swap3A_639 = arith.constant 32 : index
        %swap3A_640 = tpu.vector_load %arg11[%swap3A_638, %swap3A_639] {strides = array<i32>} : memref<256x64xf32, #tpu.memory_space<vmem>>, vector<16xf32>,
        tpu.vector_store %arg11[%swap3A_638, %swap3A_639], %add3A_605 {strides = array<i32>} : memref<256x64xf32, #tpu.memory_space<vmem>>, vector<16xf32>,
        %add3A_641 = arith.constant 0 : i32
        %add3A_642 = arith.addi %mul3A_180, %add3A_641 : i32
        %add3A_643 = arith.constant 1 : i32
        %add3A_644 = arith.addi %add3A_642, %add3A_643 : i32
        %swap3A_645 = arith.index_cast %add3A_644 : i32 to index
        %swap3A_646 = arith.constant 32 : index
        %swap3A_647 = tpu.vector_load %arg11[%swap3A_645, %swap3A_646] {strides = array<i32>} : memref<256x64xf32, #tpu.memory_space<vmem>>, vector<16xf32>,
        tpu.vector_store %arg11[%swap3A_645, %swap3A_646], %add3A_609 {strides = array<i32>} : memref<256x64xf32, #tpu.memory_space<vmem>>, vector<16xf32>,
        %add3A_648 = arith.constant 0 : i32
        %add3A_649 = arith.addi %mul3A_180, %add3A_648 : i32
        %add3A_650 = arith.constant 2 : i32
        %add3A_651 = arith.addi %add3A_649, %add3A_650 : i32
        %swap3A_652 = arith.index_cast %add3A_651 : i32 to index
        %swap3A_653 = arith.constant 32 : index
        %swap3A_654 = tpu.vector_load %arg11[%swap3A_652, %swap3A_653] {strides = array<i32>} : memref<256x64xf32, #tpu.memory_space<vmem>>, vector<16xf32>,
        tpu.vector_store %arg11[%swap3A_652, %swap3A_653], %add3A_613 {strides = array<i32>} : memref<256x64xf32, #tpu.memory_space<vmem>>, vector<16xf32>,
        %add3A_655 = arith.constant 0 : i32
        %add3A_656 = arith.addi %mul3A_180, %add3A_655 : i32
        %add3A_657 = arith.constant 3 : i32
        %add3A_658 = arith.addi %add3A_656, %add3A_657 : i32
        %swap3A_659 = arith.index_cast %add3A_658 : i32 to index
        %swap3A_660 = arith.constant 32 : index
        %swap3A_661 = tpu.vector_load %arg11[%swap3A_659, %swap3A_660] {strides = array<i32>} : memref<256x64xf32, #tpu.memory_space<vmem>>, vector<16xf32>,
        tpu.vector_store %arg11[%swap3A_659, %swap3A_660], %add3A_617 {strides = array<i32>} : memref<256x64xf32, #tpu.memory_space<vmem>>, vector<16xf32>,
        %add3A_662 = arith.constant 0 : i32
        %add3A_663 = arith.addi %mul3A_180, %add3A_662 : i32
        %add3A_664 = arith.constant 4 : i32
        %add3A_665 = arith.addi %add3A_663, %add3A_664 : i32
        %swap3A_666 = arith.index_cast %add3A_665 : i32 to index
        %swap3A_667 = arith.constant 32 : index
        %swap3A_668 = tpu.vector_load %arg11[%swap3A_666, %swap3A_667] {strides = array<i32>} : memref<256x64xf32, #tpu.memory_space<vmem>>, vector<16xf32>,
        tpu.vector_store %arg11[%swap3A_666, %swap3A_667], %add3A_621 {strides = array<i32>} : memref<256x64xf32, #tpu.memory_space<vmem>>, vector<16xf32>,
        %add3A_669 = arith.constant 0 : i32
        %add3A_670 = arith.addi %mul3A_180, %add3A_669 : i32
        %add3A_671 = arith.constant 5 : i32
        %add3A_672 = arith.addi %add3A_670, %add3A_671 : i32
        %swap3A_673 = arith.index_cast %add3A_672 : i32 to index
        %swap3A_674 = arith.constant 32 : index
        %swap3A_675 = tpu.vector_load %arg11[%swap3A_673, %swap3A_674] {strides = array<i32>} : memref<256x64xf32, #tpu.memory_space<vmem>>, vector<16xf32>,
        tpu.vector_store %arg11[%swap3A_673, %swap3A_674], %add3A_625 {strides = array<i32>} : memref<256x64xf32, #tpu.memory_space<vmem>>, vector<16xf32>,
        %add3A_676 = arith.constant 0 : i32
        %add3A_677 = arith.addi %mul3A_180, %add3A_676 : i32
        %add3A_678 = arith.constant 6 : i32
        %add3A_679 = arith.addi %add3A_677, %add3A_678 : i32
        %swap3A_680 = arith.index_cast %add3A_679 : i32 to index
        %swap3A_681 = arith.constant 32 : index
        %swap3A_682 = tpu.vector_load %arg11[%swap3A_680, %swap3A_681] {strides = array<i32>} : memref<256x64xf32, #tpu.memory_space<vmem>>, vector<16xf32>,
        tpu.vector_store %arg11[%swap3A_680, %swap3A_681], %add3A_629 {strides = array<i32>} : memref<256x64xf32, #tpu.memory_space<vmem>>, vector<16xf32>,
        %add3A_683 = arith.constant 0 : i32
        %add3A_684 = arith.addi %mul3A_180, %add3A_683 : i32
        %add3A_685 = arith.constant 7 : i32
        %add3A_686 = arith.addi %add3A_684, %add3A_685 : i32
        %swap3A_687 = arith.index_cast %add3A_686 : i32 to index
        %swap3A_688 = arith.constant 32 : index
        %swap3A_689 = tpu.vector_load %arg11[%swap3A_687, %swap3A_688] {strides = array<i32>} : memref<256x64xf32, #tpu.memory_space<vmem>>, vector<16xf32>,
        tpu.vector_store %arg11[%swap3A_687, %swap3A_688], %add3A_633 {strides = array<i32>} : memref<256x64xf32, #tpu.memory_space<vmem>>, vector<16xf32>,
        %add3A_690 = arith.constant 0 : i32
        %add3A_691 = arith.addi %mul3A_180, %add3A_690 : i32
        %add3A_692 = arith.constant 0 : i32
        %add3A_693 = arith.addi %add3A_691, %add3A_692 : i32
        %get3A_694 = arith.index_cast %add3A_693 : i32 to index
        %get3A_695 = arith.constant 48 : index
        %get3A_696 = tpu.vector_load %arg10[%get3A_694, %get3A_695] {strides = array<i32>} : memref<256x128xf32, #tpu.memory_space<vmem>>, vector<16xf32>,
        %add3A_697 = arith.constant 0 : i32
        %add3A_698 = arith.addi %mul3A_180, %add3A_697 : i32
        %add3A_699 = arith.constant 1 : i32
        %add3A_700 = arith.addi %add3A_698, %add3A_699 : i32
        %get3A_701 = arith.index_cast %add3A_700 : i32 to index
        %get3A_702 = arith.constant 48 : index
        %get3A_703 = tpu.vector_load %arg10[%get3A_701, %get3A_702] {strides = array<i32>} : memref<256x128xf32, #tpu.memory_space<vmem>>, vector<16xf32>,
        %add3A_704 = arith.constant 0 : i32
        %add3A_705 = arith.addi %mul3A_180, %add3A_704 : i32
        %add3A_706 = arith.constant 2 : i32
        %add3A_707 = arith.addi %add3A_705, %add3A_706 : i32
        %get3A_708 = arith.index_cast %add3A_707 : i32 to index
        %get3A_709 = arith.constant 48 : index
        %get3A_710 = tpu.vector_load %arg10[%get3A_708, %get3A_709] {strides = array<i32>} : memref<256x128xf32, #tpu.memory_space<vmem>>, vector<16xf32>,
        %add3A_711 = arith.constant 0 : i32
        %add3A_712 = arith.addi %mul3A_180, %add3A_711 : i32
        %add3A_713 = arith.constant 3 : i32
        %add3A_714 = arith.addi %add3A_712, %add3A_713 : i32
        %get3A_715 = arith.index_cast %add3A_714 : i32 to index
        %get3A_716 = arith.constant 48 : index
        %get3A_717 = tpu.vector_load %arg10[%get3A_715, %get3A_716] {strides = array<i32>} : memref<256x128xf32, #tpu.memory_space<vmem>>, vector<16xf32>,
        %add3A_718 = arith.constant 0 : i32
        %add3A_719 = arith.addi %mul3A_180, %add3A_718 : i32
        %add3A_720 = arith.constant 4 : i32
        %add3A_721 = arith.addi %add3A_719, %add3A_720 : i32
        %get3A_722 = arith.index_cast %add3A_721 : i32 to index
        %get3A_723 = arith.constant 48 : index
        %get3A_724 = tpu.vector_load %arg10[%get3A_722, %get3A_723] {strides = array<i32>} : memref<256x128xf32, #tpu.memory_space<vmem>>, vector<16xf32>,
        %add3A_725 = arith.constant 0 : i32
        %add3A_726 = arith.addi %mul3A_180, %add3A_725 : i32
        %add3A_727 = arith.constant 5 : i32
        %add3A_728 = arith.addi %add3A_726, %add3A_727 : i32
        %get3A_729 = arith.index_cast %add3A_728 : i32 to index
        %get3A_730 = arith.constant 48 : index
        %get3A_731 = tpu.vector_load %arg10[%get3A_729, %get3A_730] {strides = array<i32>} : memref<256x128xf32, #tpu.memory_space<vmem>>, vector<16xf32>,
        %add3A_732 = arith.constant 0 : i32
        %add3A_733 = arith.addi %mul3A_180, %add3A_732 : i32
        %add3A_734 = arith.constant 6 : i32
        %add3A_735 = arith.addi %add3A_733, %add3A_734 : i32
        %get3A_736 = arith.index_cast %add3A_735 : i32 to index
        %get3A_737 = arith.constant 48 : index
        %get3A_738 = tpu.vector_load %arg10[%get3A_736, %get3A_737] {strides = array<i32>} : memref<256x128xf32, #tpu.memory_space<vmem>>, vector<16xf32>,
        %add3A_739 = arith.constant 0 : i32
        %add3A_740 = arith.addi %mul3A_180, %add3A_739 : i32
        %add3A_741 = arith.constant 7 : i32
        %add3A_742 = arith.addi %add3A_740, %add3A_741 : i32
        %get3A_743 = arith.index_cast %add3A_742 : i32 to index
        %get3A_744 = arith.constant 48 : index
        %get3A_745 = tpu.vector_load %arg10[%get3A_743, %get3A_744] {strides = array<i32>} : memref<256x128xf32, #tpu.memory_space<vmem>>, vector<16xf32>,
        %sub3A_746 = arith.subf %get3A_696, %gather3A_184 : vector<16xf32>
        %mul3A_747 = arith.mulf %sub3A_746, %gather3A_224 : vector<16xf32>
        %mul3A_748 = arith.mulf %mul3A_747, %get3A_145 : vector<16xf32>
        %add3A_749 = arith.addf %mul3A_748, %get3A_153 : vector<16xf32>
        %sub3A_750 = arith.subf %get3A_703, %gather3A_189 : vector<16xf32>
        %mul3A_751 = arith.mulf %sub3A_750, %gather3A_229 : vector<16xf32>
        %mul3A_752 = arith.mulf %mul3A_751, %get3A_145 : vector<16xf32>
        %add3A_753 = arith.addf %mul3A_752, %get3A_153 : vector<16xf32>
        %sub3A_754 = arith.subf %get3A_710, %gather3A_194 : vector<16xf32>
        %mul3A_755 = arith.mulf %sub3A_754, %gather3A_234 : vector<16xf32>
        %mul3A_756 = arith.mulf %mul3A_755, %get3A_145 : vector<16xf32>
        %add3A_757 = arith.addf %mul3A_756, %get3A_153 : vector<16xf32>
        %sub3A_758 = arith.subf %get3A_717, %gather3A_199 : vector<16xf32>
        %mul3A_759 = arith.mulf %sub3A_758, %gather3A_239 : vector<16xf32>
        %mul3A_760 = arith.mulf %mul3A_759, %get3A_145 : vector<16xf32>
        %add3A_761 = arith.addf %mul3A_760, %get3A_153 : vector<16xf32>
        %sub3A_762 = arith.subf %get3A_724, %gather3A_204 : vector<16xf32>
        %mul3A_763 = arith.mulf %sub3A_762, %gather3A_244 : vector<16xf32>
        %mul3A_764 = arith.mulf %mul3A_763, %get3A_145 : vector<16xf32>
        %add3A_765 = arith.addf %mul3A_764, %get3A_153 : vector<16xf32>
        %sub3A_766 = arith.subf %get3A_731, %gather3A_209 : vector<16xf32>
        %mul3A_767 = arith.mulf %sub3A_766, %gather3A_249 : vector<16xf32>
        %mul3A_768 = arith.mulf %mul3A_767, %get3A_145 : vector<16xf32>
        %add3A_769 = arith.addf %mul3A_768, %get3A_153 : vector<16xf32>
        %sub3A_770 = arith.subf %get3A_738, %gather3A_214 : vector<16xf32>
        %mul3A_771 = arith.mulf %sub3A_770, %gather3A_254 : vector<16xf32>
        %mul3A_772 = arith.mulf %mul3A_771, %get3A_145 : vector<16xf32>
        %add3A_773 = arith.addf %mul3A_772, %get3A_153 : vector<16xf32>
        %sub3A_774 = arith.subf %get3A_745, %gather3A_219 : vector<16xf32>
        %mul3A_775 = arith.mulf %sub3A_774, %gather3A_259 : vector<16xf32>
        %mul3A_776 = arith.mulf %mul3A_775, %get3A_145 : vector<16xf32>
        %add3A_777 = arith.addf %mul3A_776, %get3A_153 : vector<16xf32>
        %add3A_778 = arith.constant 0 : i32
        %add3A_779 = arith.addi %mul3A_180, %add3A_778 : i32
        %add3A_780 = arith.constant 0 : i32
        %add3A_781 = arith.addi %add3A_779, %add3A_780 : i32
        %swap3A_782 = arith.index_cast %add3A_781 : i32 to index
        %swap3A_783 = arith.constant 48 : index
        %swap3A_784 = tpu.vector_load %arg11[%swap3A_782, %swap3A_783] {strides = array<i32>} : memref<256x64xf32, #tpu.memory_space<vmem>>, vector<16xf32>,
        tpu.vector_store %arg11[%swap3A_782, %swap3A_783], %add3A_749 {strides = array<i32>} : memref<256x64xf32, #tpu.memory_space<vmem>>, vector<16xf32>,
        %add3A_785 = arith.constant 0 : i32
        %add3A_786 = arith.addi %mul3A_180, %add3A_785 : i32
        %add3A_787 = arith.constant 1 : i32
        %add3A_788 = arith.addi %add3A_786, %add3A_787 : i32
        %swap3A_789 = arith.index_cast %add3A_788 : i32 to index
        %swap3A_790 = arith.constant 48 : index
        %swap3A_791 = tpu.vector_load %arg11[%swap3A_789, %swap3A_790] {strides = array<i32>} : memref<256x64xf32, #tpu.memory_space<vmem>>, vector<16xf32>,
        tpu.vector_store %arg11[%swap3A_789, %swap3A_790], %add3A_753 {strides = array<i32>} : memref<256x64xf32, #tpu.memory_space<vmem>>, vector<16xf32>,
        %add3A_792 = arith.constant 0 : i32
        %add3A_793 = arith.addi %mul3A_180, %add3A_792 : i32
        %add3A_794 = arith.constant 2 : i32
        %add3A_795 = arith.addi %add3A_793, %add3A_794 : i32
        %swap3A_796 = arith.index_cast %add3A_795 : i32 to index
        %swap3A_797 = arith.constant 48 : index
        %swap3A_798 = tpu.vector_load %arg11[%swap3A_796, %swap3A_797] {strides = array<i32>} : memref<256x64xf32, #tpu.memory_space<vmem>>, vector<16xf32>,
        tpu.vector_store %arg11[%swap3A_796, %swap3A_797], %add3A_757 {strides = array<i32>} : memref<256x64xf32, #tpu.memory_space<vmem>>, vector<16xf32>,
        %add3A_799 = arith.constant 0 : i32
        %add3A_800 = arith.addi %mul3A_180, %add3A_799 : i32
        %add3A_801 = arith.constant 3 : i32
        %add3A_802 = arith.addi %add3A_800, %add3A_801 : i32
        %swap3A_803 = arith.index_cast %add3A_802 : i32 to index
        %swap3A_804 = arith.constant 48 : index
        %swap3A_805 = tpu.vector_load %arg11[%swap3A_803, %swap3A_804] {strides = array<i32>} : memref<256x64xf32, #tpu.memory_space<vmem>>, vector<16xf32>,
        tpu.vector_store %arg11[%swap3A_803, %swap3A_804], %add3A_761 {strides = array<i32>} : memref<256x64xf32, #tpu.memory_space<vmem>>, vector<16xf32>,
        %add3A_806 = arith.constant 0 : i32
        %add3A_807 = arith.addi %mul3A_180, %add3A_806 : i32
        %add3A_808 = arith.constant 4 : i32
        %add3A_809 = arith.addi %add3A_807, %add3A_808 : i32
        %swap3A_810 = arith.index_cast %add3A_809 : i32 to index
        %swap3A_811 = arith.constant 48 : index
        %swap3A_812 = tpu.vector_load %arg11[%swap3A_810, %swap3A_811] {strides = array<i32>} : memref<256x64xf32, #tpu.memory_space<vmem>>, vector<16xf32>,
        tpu.vector_store %arg11[%swap3A_810, %swap3A_811], %add3A_765 {strides = array<i32>} : memref<256x64xf32, #tpu.memory_space<vmem>>, vector<16xf32>,
        %add3A_813 = arith.constant 0 : i32
        %add3A_814 = arith.addi %mul3A_180, %add3A_813 : i32
        %add3A_815 = arith.constant 5 : i32
        %add3A_816 = arith.addi %add3A_814, %add3A_815 : i32
        %swap3A_817 = arith.index_cast %add3A_816 : i32 to index
        %swap3A_818 = arith.constant 48 : index
        %swap3A_819 = tpu.vector_load %arg11[%swap3A_817, %swap3A_818] {strides = array<i32>} : memref<256x64xf32, #tpu.memory_space<vmem>>, vector<16xf32>,
        tpu.vector_store %arg11[%swap3A_817, %swap3A_818], %add3A_769 {strides = array<i32>} : memref<256x64xf32, #tpu.memory_space<vmem>>, vector<16xf32>,
        %add3A_820 = arith.constant 0 : i32
        %add3A_821 = arith.addi %mul3A_180, %add3A_820 : i32
        %add3A_822 = arith.constant 6 : i32
        %add3A_823 = arith.addi %add3A_821, %add3A_822 : i32
        %swap3A_824 = arith.index_cast %add3A_823 : i32 to index
        %swap3A_825 = arith.constant 48 : index
        %swap3A_826 = tpu.vector_load %arg11[%swap3A_824, %swap3A_825] {strides = array<i32>} : memref<256x64xf32, #tpu.memory_space<vmem>>, vector<16xf32>,
        tpu.vector_store %arg11[%swap3A_824, %swap3A_825], %add3A_773 {strides = array<i32>} : memref<256x64xf32, #tpu.memory_space<vmem>>, vector<16xf32>,
        %add3A_827 = arith.constant 0 : i32
        %add3A_828 = arith.addi %mul3A_180, %add3A_827 : i32
        %add3A_829 = arith.constant 7 : i32
        %add3A_830 = arith.addi %add3A_828, %add3A_829 : i32
        %swap3A_831 = arith.index_cast %add3A_830 : i32 to index
        %swap3A_832 = arith.constant 48 : index
        %swap3A_833 = tpu.vector_load %arg11[%swap3A_831, %swap3A_832] {strides = array<i32>} : memref<256x64xf32, #tpu.memory_space<vmem>>, vector<16xf32>,
        tpu.vector_store %arg11[%swap3A_831, %swap3A_832], %add3A_777 {strides = array<i32>} : memref<256x64xf32, #tpu.memory_space<vmem>>, vector<16xf32>,
        %broadcast_in_dim3A_834 = arith.constant 8 : i32
        %broadcast_in_dim3A_835 = vector.broadcast %broadcast_in_dim3A_834 : i32 to vector<16xi32>
        %broadcast_in_dim3A_836 = vector.shape_cast %broadcast_in_dim3A_835 : vector<16xi32> to vector<16x1xi32>
        %gather3A_837 = vector.shape_cast %broadcast_in_dim3A_836 : vector<16x1xi32> to vector<16xi32>
        %gather3A_838 = tpu.dynamic_gather %get3A_174[%gather3A_837] in [0] : vector<16xf32>, vector<16xi32> -> vector<16xf32>
        %broadcast_in_dim3A_839 = arith.constant 9 : i32
        %broadcast_in_dim3A_840 = vector.broadcast %broadcast_in_dim3A_839 : i32 to vector<16xi32>
        %broadcast_in_dim3A_841 = vector.shape_cast %broadcast_in_dim3A_840 : vector<16xi32> to vector<16x1xi32>
        %gather3A_842 = vector.shape_cast %broadcast_in_dim3A_841 : vector<16x1xi32> to vector<16xi32>
        %gather3A_843 = tpu.dynamic_gather %get3A_174[%gather3A_842] in [0] : vector<16xf32>, vector<16xi32> -> vector<16xf32>
        %broadcast_in_dim3A_844 = arith.constant 10 : i32
        %broadcast_in_dim3A_845 = vector.broadcast %broadcast_in_dim3A_844 : i32 to vector<16xi32>
        %broadcast_in_dim3A_846 = vector.shape_cast %broadcast_in_dim3A_845 : vector<16xi32> to vector<16x1xi32>
        %gather3A_847 = vector.shape_cast %broadcast_in_dim3A_846 : vector<16x1xi32> to vector<16xi32>
        %gather3A_848 = tpu.dynamic_gather %get3A_174[%gather3A_847] in [0] : vector<16xf32>, vector<16xi32> -> vector<16xf32>
        %broadcast_in_dim3A_849 = arith.constant 11 : i32
        %broadcast_in_dim3A_850 = vector.broadcast %broadcast_in_dim3A_849 : i32 to vector<16xi32>
        %broadcast_in_dim3A_851 = vector.shape_cast %broadcast_in_dim3A_850 : vector<16xi32> to vector<16x1xi32>
        %gather3A_852 = vector.shape_cast %broadcast_in_dim3A_851 : vector<16x1xi32> to vector<16xi32>
        %gather3A_853 = tpu.dynamic_gather %get3A_174[%gather3A_852] in [0] : vector<16xf32>, vector<16xi32> -> vector<16xf32>
        %broadcast_in_dim3A_854 = arith.constant 12 : i32
        %broadcast_in_dim3A_855 = vector.broadcast %broadcast_in_dim3A_854 : i32 to vector<16xi32>
        %broadcast_in_dim3A_856 = vector.shape_cast %broadcast_in_dim3A_855 : vector<16xi32> to vector<16x1xi32>
        %gather3A_857 = vector.shape_cast %broadcast_in_dim3A_856 : vector<16x1xi32> to vector<16xi32>
        %gather3A_858 = tpu.dynamic_gather %get3A_174[%gather3A_857] in [0] : vector<16xf32>, vector<16xi32> -> vector<16xf32>
        %broadcast_in_dim3A_859 = arith.constant 13 : i32
        %broadcast_in_dim3A_860 = vector.broadcast %broadcast_in_dim3A_859 : i32 to vector<16xi32>
        %broadcast_in_dim3A_861 = vector.shape_cast %broadcast_in_dim3A_860 : vector<16xi32> to vector<16x1xi32>
        %gather3A_862 = vector.shape_cast %broadcast_in_dim3A_861 : vector<16x1xi32> to vector<16xi32>
        %gather3A_863 = tpu.dynamic_gather %get3A_174[%gather3A_862] in [0] : vector<16xf32>, vector<16xi32> -> vector<16xf32>
        %broadcast_in_dim3A_864 = arith.constant 14 : i32
        %broadcast_in_dim3A_865 = vector.broadcast %broadcast_in_dim3A_864 : i32 to vector<16xi32>
        %broadcast_in_dim3A_866 = vector.shape_cast %broadcast_in_dim3A_865 : vector<16xi32> to vector<16x1xi32>
        %gather3A_867 = vector.shape_cast %broadcast_in_dim3A_866 : vector<16x1xi32> to vector<16xi32>
        %gather3A_868 = tpu.dynamic_gather %get3A_174[%gather3A_867] in [0] : vector<16xf32>, vector<16xi32> -> vector<16xf32>
        %broadcast_in_dim3A_869 = arith.constant 15 : i32
        %broadcast_in_dim3A_870 = vector.broadcast %broadcast_in_dim3A_869 : i32 to vector<16xi32>
        %broadcast_in_dim3A_871 = vector.shape_cast %broadcast_in_dim3A_870 : vector<16xi32> to vector<16x1xi32>
        %gather3A_872 = vector.shape_cast %broadcast_in_dim3A_871 : vector<16x1xi32> to vector<16xi32>
        %gather3A_873 = tpu.dynamic_gather %get3A_174[%gather3A_872] in [0] : vector<16xf32>, vector<16xi32> -> vector<16xf32>
        %broadcast_in_dim3A_874 = arith.constant 8 : i32
        %broadcast_in_dim3A_875 = vector.broadcast %broadcast_in_dim3A_874 : i32 to vector<16xi32>
        %broadcast_in_dim3A_876 = vector.shape_cast %broadcast_in_dim3A_875 : vector<16xi32> to vector<16x1xi32>
        %gather3A_877 = vector.shape_cast %broadcast_in_dim3A_876 : vector<16x1xi32> to vector<16xi32>
        %gather3A_878 = tpu.dynamic_gather %get3A_178[%gather3A_877] in [0] : vector<16xf32>, vector<16xi32> -> vector<16xf32>
        %broadcast_in_dim3A_879 = arith.constant 9 : i32
        %broadcast_in_dim3A_880 = vector.broadcast %broadcast_in_dim3A_879 : i32 to vector<16xi32>
        %broadcast_in_dim3A_881 = vector.shape_cast %broadcast_in_dim3A_880 : vector<16xi32> to vector<16x1xi32>
        %gather3A_882 = vector.shape_cast %broadcast_in_dim3A_881 : vector<16x1xi32> to vector<16xi32>
        %gather3A_883 = tpu.dynamic_gather %get3A_178[%gather3A_882] in [0] : vector<16xf32>, vector<16xi32> -> vector<16xf32>
        %broadcast_in_dim3A_884 = arith.constant 10 : i32
        %broadcast_in_dim3A_885 = vector.broadcast %broadcast_in_dim3A_884 : i32 to vector<16xi32>
        %broadcast_in_dim3A_886 = vector.shape_cast %broadcast_in_dim3A_885 : vector<16xi32> to vector<16x1xi32>
        %gather3A_887 = vector.shape_cast %broadcast_in_dim3A_886 : vector<16x1xi32> to vector<16xi32>
        %gather3A_888 = tpu.dynamic_gather %get3A_178[%gather3A_887] in [0] : vector<16xf32>, vector<16xi32> -> vector<16xf32>
        %broadcast_in_dim3A_889 = arith.constant 11 : i32
        %broadcast_in_dim3A_890 = vector.broadcast %broadcast_in_dim3A_889 : i32 to vector<16xi32>
        %broadcast_in_dim3A_891 = vector.shape_cast %broadcast_in_dim3A_890 : vector<16xi32> to vector<16x1xi32>
        %gather3A_892 = vector.shape_cast %broadcast_in_dim3A_891 : vector<16x1xi32> to vector<16xi32>
        %gather3A_893 = tpu.dynamic_gather %get3A_178[%gather3A_892] in [0] : vector<16xf32>, vector<16xi32> -> vector<16xf32>
        %broadcast_in_dim3A_894 = arith.constant 12 : i32
        %broadcast_in_dim3A_895 = vector.broadcast %broadcast_in_dim3A_894 : i32 to vector<16xi32>
        %broadcast_in_dim3A_896 = vector.shape_cast %broadcast_in_dim3A_895 : vector<16xi32> to vector<16x1xi32>
        %gather3A_897 = vector.shape_cast %broadcast_in_dim3A_896 : vector<16x1xi32> to vector<16xi32>
        %gather3A_898 = tpu.dynamic_gather %get3A_178[%gather3A_897] in [0] : vector<16xf32>, vector<16xi32> -> vector<16xf32>
        %broadcast_in_dim3A_899 = arith.constant 13 : i32
        %broadcast_in_dim3A_900 = vector.broadcast %broadcast_in_dim3A_899 : i32 to vector<16xi32>
        %broadcast_in_dim3A_901 = vector.shape_cast %broadcast_in_dim3A_900 : vector<16xi32> to vector<16x1xi32>
        %gather3A_902 = vector.shape_cast %broadcast_in_dim3A_901 : vector<16x1xi32> to vector<16xi32>
        %gather3A_903 = tpu.dynamic_gather %get3A_178[%gather3A_902] in [0] : vector<16xf32>, vector<16xi32> -> vector<16xf32>
        %broadcast_in_dim3A_904 = arith.constant 14 : i32
        %broadcast_in_dim3A_905 = vector.broadcast %broadcast_in_dim3A_904 : i32 to vector<16xi32>
        %broadcast_in_dim3A_906 = vector.shape_cast %broadcast_in_dim3A_905 : vector<16xi32> to vector<16x1xi32>
        %gather3A_907 = vector.shape_cast %broadcast_in_dim3A_906 : vector<16x1xi32> to vector<16xi32>
        %gather3A_908 = tpu.dynamic_gather %get3A_178[%gather3A_907] in [0] : vector<16xf32>, vector<16xi32> -> vector<16xf32>
        %broadcast_in_dim3A_909 = arith.constant 15 : i32
        %broadcast_in_dim3A_910 = vector.broadcast %broadcast_in_dim3A_909 : i32 to vector<16xi32>
        %broadcast_in_dim3A_911 = vector.shape_cast %broadcast_in_dim3A_910 : vector<16xi32> to vector<16x1xi32>
        %gather3A_912 = vector.shape_cast %broadcast_in_dim3A_911 : vector<16x1xi32> to vector<16xi32>
        %gather3A_913 = tpu.dynamic_gather %get3A_178[%gather3A_912] in [0] : vector<16xf32>, vector<16xi32> -> vector<16xf32>
        %add3A_914 = arith.constant 8 : i32
        %add3A_915 = arith.addi %mul3A_180, %add3A_914 : i32
        %add3A_916 = arith.constant 0 : i32
        %add3A_917 = arith.addi %add3A_915, %add3A_916 : i32
        %get3A_918 = arith.index_cast %add3A_917 : i32 to index
        %get3A_919 = arith.constant 0 : index
        %get3A_920 = tpu.vector_load %arg10[%get3A_918, %get3A_919] {strides = array<i32>} : memref<256x128xf32, #tpu.memory_space<vmem>>, vector<16xf32>,
        %add3A_921 = arith.constant 8 : i32
        %add3A_922 = arith.addi %mul3A_180, %add3A_921 : i32
        %add3A_923 = arith.constant 1 : i32
        %add3A_924 = arith.addi %add3A_922, %add3A_923 : i32
        %get3A_925 = arith.index_cast %add3A_924 : i32 to index
        %get3A_926 = arith.constant 0 : index
        %get3A_927 = tpu.vector_load %arg10[%get3A_925, %get3A_926] {strides = array<i32>} : memref<256x128xf32, #tpu.memory_space<vmem>>, vector<16xf32>,
        %add3A_928 = arith.constant 8 : i32
        %add3A_929 = arith.addi %mul3A_180, %add3A_928 : i32
        %add3A_930 = arith.constant 2 : i32
        %add3A_931 = arith.addi %add3A_929, %add3A_930 : i32
        %get3A_932 = arith.index_cast %add3A_931 : i32 to index
        %get3A_933 = arith.constant 0 : index
        %get3A_934 = tpu.vector_load %arg10[%get3A_932, %get3A_933] {strides = array<i32>} : memref<256x128xf32, #tpu.memory_space<vmem>>, vector<16xf32>,
        %add3A_935 = arith.constant 8 : i32
        %add3A_936 = arith.addi %mul3A_180, %add3A_935 : i32
        %add3A_937 = arith.constant 3 : i32
        %add3A_938 = arith.addi %add3A_936, %add3A_937 : i32
        %get3A_939 = arith.index_cast %add3A_938 : i32 to index
        %get3A_940 = arith.constant 0 : index
        %get3A_941 = tpu.vector_load %arg10[%get3A_939, %get3A_940] {strides = array<i32>} : memref<256x128xf32, #tpu.memory_space<vmem>>, vector<16xf32>,
        %add3A_942 = arith.constant 8 : i32
        %add3A_943 = arith.addi %mul3A_180, %add3A_942 : i32
        %add3A_944 = arith.constant 4 : i32
        %add3A_945 = arith.addi %add3A_943, %add3A_944 : i32
        %get3A_946 = arith.index_cast %add3A_945 : i32 to index
        %get3A_947 = arith.constant 0 : index
        %get3A_948 = tpu.vector_load %arg10[%get3A_946, %get3A_947] {strides = array<i32>} : memref<256x128xf32, #tpu.memory_space<vmem>>, vector<16xf32>,
        %add3A_949 = arith.constant 8 : i32
        %add3A_950 = arith.addi %mul3A_180, %add3A_949 : i32
        %add3A_951 = arith.constant 5 : i32
        %add3A_952 = arith.addi %add3A_950, %add3A_951 : i32
        %get3A_953 = arith.index_cast %add3A_952 : i32 to index
        %get3A_954 = arith.constant 0 : index
        %get3A_955 = tpu.vector_load %arg10[%get3A_953, %get3A_954] {strides = array<i32>} : memref<256x128xf32, #tpu.memory_space<vmem>>, vector<16xf32>,
        %add3A_956 = arith.constant 8 : i32
        %add3A_957 = arith.addi %mul3A_180, %add3A_956 : i32
        %add3A_958 = arith.constant 6 : i32
        %add3A_959 = arith.addi %add3A_957, %add3A_958 : i32
        %get3A_960 = arith.index_cast %add3A_959 : i32 to index
        %get3A_961 = arith.constant 0 : index
        %get3A_962 = tpu.vector_load %arg10[%get3A_960, %get3A_961] {strides = array<i32>} : memref<256x128xf32, #tpu.memory_space<vmem>>, vector<16xf32>,
        %add3A_963 = arith.constant 8 : i32
        %add3A_964 = arith.addi %mul3A_180, %add3A_963 : i32
        %add3A_965 = arith.constant 7 : i32
        %add3A_966 = arith.addi %add3A_964, %add3A_965 : i32
        %get3A_967 = arith.index_cast %add3A_966 : i32 to index
        %get3A_968 = arith.constant 0 : index
        %get3A_969 = tpu.vector_load %arg10[%get3A_967, %get3A_968] {strides = array<i32>} : memref<256x128xf32, #tpu.memory_space<vmem>>, vector<16xf32>,
        %sub3A_970 = arith.subf %get3A_920, %gather3A_838 : vector<16xf32>
        %mul3A_971 = arith.mulf %sub3A_970, %gather3A_878 : vector<16xf32>
        %mul3A_972 = arith.mulf %mul3A_971, %get3A_139 : vector<16xf32>
        %add3A_973 = arith.addf %mul3A_972, %get3A_147 : vector<16xf32>
        %sub3A_974 = arith.subf %get3A_927, %gather3A_843 : vector<16xf32>
        %mul3A_975 = arith.mulf %sub3A_974, %gather3A_883 : vector<16xf32>
        %mul3A_976 = arith.mulf %mul3A_975, %get3A_139 : vector<16xf32>
        %add3A_977 = arith.addf %mul3A_976, %get3A_147 : vector<16xf32>
        %sub3A_978 = arith.subf %get3A_934, %gather3A_848 : vector<16xf32>
        %mul3A_979 = arith.mulf %sub3A_978, %gather3A_888 : vector<16xf32>
        %mul3A_980 = arith.mulf %mul3A_979, %get3A_139 : vector<16xf32>
        %add3A_981 = arith.addf %mul3A_980, %get3A_147 : vector<16xf32>
        %sub3A_982 = arith.subf %get3A_941, %gather3A_853 : vector<16xf32>
        %mul3A_983 = arith.mulf %sub3A_982, %gather3A_893 : vector<16xf32>
        %mul3A_984 = arith.mulf %mul3A_983, %get3A_139 : vector<16xf32>
        %add3A_985 = arith.addf %mul3A_984, %get3A_147 : vector<16xf32>
        %sub3A_986 = arith.subf %get3A_948, %gather3A_858 : vector<16xf32>
        %mul3A_987 = arith.mulf %sub3A_986, %gather3A_898 : vector<16xf32>
        %mul3A_988 = arith.mulf %mul3A_987, %get3A_139 : vector<16xf32>
        %add3A_989 = arith.addf %mul3A_988, %get3A_147 : vector<16xf32>
        %sub3A_990 = arith.subf %get3A_955, %gather3A_863 : vector<16xf32>
        %mul3A_991 = arith.mulf %sub3A_990, %gather3A_903 : vector<16xf32>
        %mul3A_992 = arith.mulf %mul3A_991, %get3A_139 : vector<16xf32>
        %add3A_993 = arith.addf %mul3A_992, %get3A_147 : vector<16xf32>
        %sub3A_994 = arith.subf %get3A_962, %gather3A_868 : vector<16xf32>
        %mul3A_995 = arith.mulf %sub3A_994, %gather3A_908 : vector<16xf32>
        %mul3A_996 = arith.mulf %mul3A_995, %get3A_139 : vector<16xf32>
        %add3A_997 = arith.addf %mul3A_996, %get3A_147 : vector<16xf32>
        %sub3A_998 = arith.subf %get3A_969, %gather3A_873 : vector<16xf32>
        %mul3A_999 = arith.mulf %sub3A_998, %gather3A_913 : vector<16xf32>
        %mul3A_1000 = arith.mulf %mul3A_999, %get3A_139 : vector<16xf32>
        %add3A_1001 = arith.addf %mul3A_1000, %get3A_147 : vector<16xf32>
        %add3A_1002 = arith.constant 8 : i32
        %add3A_1003 = arith.addi %mul3A_180, %add3A_1002 : i32
        %add3A_1004 = arith.constant 0 : i32
        %add3A_1005 = arith.addi %add3A_1003, %add3A_1004 : i32
        %swap3A_1006 = arith.index_cast %add3A_1005 : i32 to index
        %swap3A_1007 = arith.constant 0 : index
        %swap3A_1008 = tpu.vector_load %arg11[%swap3A_1006, %swap3A_1007] {strides = array<i32>} : memref<256x64xf32, #tpu.memory_space<vmem>>, vector<16xf32>,
        tpu.vector_store %arg11[%swap3A_1006, %swap3A_1007], %add3A_973 {strides = array<i32>} : memref<256x64xf32, #tpu.memory_space<vmem>>, vector<16xf32>,
        %add3A_1009 = arith.constant 8 : i32
        %add3A_1010 = arith.addi %mul3A_180, %add3A_1009 : i32
        %add3A_1011 = arith.constant 1 : i32
        %add3A_1012 = arith.addi %add3A_1010, %add3A_1011 : i32
        %swap3A_1013 = arith.index_cast %add3A_1012 : i32 to index
        %swap3A_1014 = arith.constant 0 : index
        %swap3A_1015 = tpu.vector_load %arg11[%swap3A_1013, %swap3A_1014] {strides = array<i32>} : memref<256x64xf32, #tpu.memory_space<vmem>>, vector<16xf32>,
        tpu.vector_store %arg11[%swap3A_1013, %swap3A_1014], %add3A_977 {strides = array<i32>} : memref<256x64xf32, #tpu.memory_space<vmem>>, vector<16xf32>,
        %add3A_1016 = arith.constant 8 : i32
        %add3A_1017 = arith.addi %mul3A_180, %add3A_1016 : i32
        %add3A_1018 = arith.constant 2 : i32
        %add3A_1019 = arith.addi %add3A_1017, %add3A_1018 : i32
        %swap3A_1020 = arith.index_cast %add3A_1019 : i32 to index
        %swap3A_1021 = arith.constant 0 : index
        %swap3A_1022 = tpu.vector_load %arg11[%swap3A_1020, %swap3A_1021] {strides = array<i32>} : memref<256x64xf32, #tpu.memory_space<vmem>>, vector<16xf32>,
        tpu.vector_store %arg11[%swap3A_1020, %swap3A_1021], %add3A_981 {strides = array<i32>} : memref<256x64xf32, #tpu.memory_space<vmem>>, vector<16xf32>,
        %add3A_1023 = arith.constant 8 : i32
        %add3A_1024 = arith.addi %mul3A_180, %add3A_1023 : i32
        %add3A_1025 = arith.constant 3 : i32
        %add3A_1026 = arith.addi %add3A_1024, %add3A_1025 : i32
        %swap3A_1027 = arith.index_cast %add3A_1026 : i32 to index
        %swap3A_1028 = arith.constant 0 : index
        %swap3A_1029 = tpu.vector_load %arg11[%swap3A_1027, %swap3A_1028] {strides = array<i32>} : memref<256x64xf32, #tpu.memory_space<vmem>>, vector<16xf32>,
        tpu.vector_store %arg11[%swap3A_1027, %swap3A_1028], %add3A_985 {strides = array<i32>} : memref<256x64xf32, #tpu.memory_space<vmem>>, vector<16xf32>,
        %add3A_1030 = arith.constant 8 : i32
        %add3A_1031 = arith.addi %mul3A_180, %add3A_1030 : i32
        %add3A_1032 = arith.constant 4 : i32
        %add3A_1033 = arith.addi %add3A_1031, %add3A_1032 : i32
        %swap3A_1034 = arith.index_cast %add3A_1033 : i32 to index
        %swap3A_1035 = arith.constant 0 : index
        %swap3A_1036 = tpu.vector_load %arg11[%swap3A_1034, %swap3A_1035] {strides = array<i32>} : memref<256x64xf32, #tpu.memory_space<vmem>>, vector<16xf32>,
        tpu.vector_store %arg11[%swap3A_1034, %swap3A_1035], %add3A_989 {strides = array<i32>} : memref<256x64xf32, #tpu.memory_space<vmem>>, vector<16xf32>,
        %add3A_1037 = arith.constant 8 : i32
        %add3A_1038 = arith.addi %mul3A_180, %add3A_1037 : i32
        %add3A_1039 = arith.constant 5 : i32
        %add3A_1040 = arith.addi %add3A_1038, %add3A_1039 : i32
        %swap3A_1041 = arith.index_cast %add3A_1040 : i32 to index
        %swap3A_1042 = arith.constant 0 : index
        %swap3A_1043 = tpu.vector_load %arg11[%swap3A_1041, %swap3A_1042] {strides = array<i32>} : memref<256x64xf32, #tpu.memory_space<vmem>>, vector<16xf32>,
        tpu.vector_store %arg11[%swap3A_1041, %swap3A_1042], %add3A_993 {strides = array<i32>} : memref<256x64xf32, #tpu.memory_space<vmem>>, vector<16xf32>,
        %add3A_1044 = arith.constant 8 : i32
        %add3A_1045 = arith.addi %mul3A_180, %add3A_1044 : i32
        %add3A_1046 = arith.constant 6 : i32
        %add3A_1047 = arith.addi %add3A_1045, %add3A_1046 : i32
        %swap3A_1048 = arith.index_cast %add3A_1047 : i32 to index
        %swap3A_1049 = arith.constant 0 : index
        %swap3A_1050 = tpu.vector_load %arg11[%swap3A_1048, %swap3A_1049] {strides = array<i32>} : memref<256x64xf32, #tpu.memory_space<vmem>>, vector<16xf32>,
        tpu.vector_store %arg11[%swap3A_1048, %swap3A_1049], %add3A_997 {strides = array<i32>} : memref<256x64xf32, #tpu.memory_space<vmem>>, vector<16xf32>,
        %add3A_1051 = arith.constant 8 : i32
        %add3A_1052 = arith.addi %mul3A_180, %add3A_1051 : i32
        %add3A_1053 = arith.constant 7 : i32
        %add3A_1054 = arith.addi %add3A_1052, %add3A_1053 : i32
        %swap3A_1055 = arith.index_cast %add3A_1054 : i32 to index
        %swap3A_1056 = arith.constant 0 : index
        %swap3A_1057 = tpu.vector_load %arg11[%swap3A_1055, %swap3A_1056] {strides = array<i32>} : memref<256x64xf32, #tpu.memory_space<vmem>>, vector<16xf32>,
        tpu.vector_store %arg11[%swap3A_1055, %swap3A_1056], %add3A_1001 {strides = array<i32>} : memref<256x64xf32, #tpu.memory_space<vmem>>, vector<16xf32>,
        %add3A_1058 = arith.constant 8 : i32
        %add3A_1059 = arith.addi %mul3A_180, %add3A_1058 : i32
        %add3A_1060 = arith.constant 0 : i32
        %add3A_1061 = arith.addi %add3A_1059, %add3A_1060 : i32
        %get3A_1062 = arith.index_cast %add3A_1061 : i32 to index
        %get3A_1063 = arith.constant 16 : index
        %get3A_1064 = tpu.vector_load %arg10[%get3A_1062, %get3A_1063] {strides = array<i32>} : memref<256x128xf32, #tpu.memory_space<vmem>>, vector<16xf32>,
        %add3A_1065 = arith.constant 8 : i32
        %add3A_1066 = arith.addi %mul3A_180, %add3A_1065 : i32
        %add3A_1067 = arith.constant 1 : i32
        %add3A_1068 = arith.addi %add3A_1066, %add3A_1067 : i32
        %get3A_1069 = arith.index_cast %add3A_1068 : i32 to index
        %get3A_1070 = arith.constant 16 : index
        %get3A_1071 = tpu.vector_load %arg10[%get3A_1069, %get3A_1070] {strides = array<i32>} : memref<256x128xf32, #tpu.memory_space<vmem>>, vector<16xf32>,
        %add3A_1072 = arith.constant 8 : i32
        %add3A_1073 = arith.addi %mul3A_180, %add3A_1072 : i32
        %add3A_1074 = arith.constant 2 : i32
        %add3A_1075 = arith.addi %add3A_1073, %add3A_1074 : i32
        %get3A_1076 = arith.index_cast %add3A_1075 : i32 to index
        %get3A_1077 = arith.constant 16 : index
        %get3A_1078 = tpu.vector_load %arg10[%get3A_1076, %get3A_1077] {strides = array<i32>} : memref<256x128xf32, #tpu.memory_space<vmem>>, vector<16xf32>,
        %add3A_1079 = arith.constant 8 : i32
        %add3A_1080 = arith.addi %mul3A_180, %add3A_1079 : i32
        %add3A_1081 = arith.constant 3 : i32
        %add3A_1082 = arith.addi %add3A_1080, %add3A_1081 : i32
        %get3A_1083 = arith.index_cast %add3A_1082 : i32 to index
        %get3A_1084 = arith.constant 16 : index
        %get3A_1085 = tpu.vector_load %arg10[%get3A_1083, %get3A_1084] {strides = array<i32>} : memref<256x128xf32, #tpu.memory_space<vmem>>, vector<16xf32>,
        %add3A_1086 = arith.constant 8 : i32
        %add3A_1087 = arith.addi %mul3A_180, %add3A_1086 : i32
        %add3A_1088 = arith.constant 4 : i32
        %add3A_1089 = arith.addi %add3A_1087, %add3A_1088 : i32
        %get3A_1090 = arith.index_cast %add3A_1089 : i32 to index
        %get3A_1091 = arith.constant 16 : index
        %get3A_1092 = tpu.vector_load %arg10[%get3A_1090, %get3A_1091] {strides = array<i32>} : memref<256x128xf32, #tpu.memory_space<vmem>>, vector<16xf32>,
        %add3A_1093 = arith.constant 8 : i32
        %add3A_1094 = arith.addi %mul3A_180, %add3A_1093 : i32
        %add3A_1095 = arith.constant 5 : i32
        %add3A_1096 = arith.addi %add3A_1094, %add3A_1095 : i32
        %get3A_1097 = arith.index_cast %add3A_1096 : i32 to index
        %get3A_1098 = arith.constant 16 : index
        %get3A_1099 = tpu.vector_load %arg10[%get3A_1097, %get3A_1098] {strides = array<i32>} : memref<256x128xf32, #tpu.memory_space<vmem>>, vector<16xf32>,
        %add3A_1100 = arith.constant 8 : i32
        %add3A_1101 = arith.addi %mul3A_180, %add3A_1100 : i32
        %add3A_1102 = arith.constant 6 : i32
        %add3A_1103 = arith.addi %add3A_1101, %add3A_1102 : i32
        %get3A_1104 = arith.index_cast %add3A_1103 : i32 to index
        %get3A_1105 = arith.constant 16 : index
        %get3A_1106 = tpu.vector_load %arg10[%get3A_1104, %get3A_1105] {strides = array<i32>} : memref<256x128xf32, #tpu.memory_space<vmem>>, vector<16xf32>,
        %add3A_1107 = arith.constant 8 : i32
        %add3A_1108 = arith.addi %mul3A_180, %add3A_1107 : i32
        %add3A_1109 = arith.constant 7 : i32
        %add3A_1110 = arith.addi %add3A_1108, %add3A_1109 : i32
        %get3A_1111 = arith.index_cast %add3A_1110 : i32 to index
        %get3A_1112 = arith.constant 16 : index
        %get3A_1113 = tpu.vector_load %arg10[%get3A_1111, %get3A_1112] {strides = array<i32>} : memref<256x128xf32, #tpu.memory_space<vmem>>, vector<16xf32>,
        %sub3A_1114 = arith.subf %get3A_1064, %gather3A_838 : vector<16xf32>
        %mul3A_1115 = arith.mulf %sub3A_1114, %gather3A_878 : vector<16xf32>
        %mul3A_1116 = arith.mulf %mul3A_1115, %get3A_141 : vector<16xf32>
        %add3A_1117 = arith.addf %mul3A_1116, %get3A_149 : vector<16xf32>
        %sub3A_1118 = arith.subf %get3A_1071, %gather3A_843 : vector<16xf32>
        %mul3A_1119 = arith.mulf %sub3A_1118, %gather3A_883 : vector<16xf32>
        %mul3A_1120 = arith.mulf %mul3A_1119, %get3A_141 : vector<16xf32>
        %add3A_1121 = arith.addf %mul3A_1120, %get3A_149 : vector<16xf32>
        %sub3A_1122 = arith.subf %get3A_1078, %gather3A_848 : vector<16xf32>
        %mul3A_1123 = arith.mulf %sub3A_1122, %gather3A_888 : vector<16xf32>
        %mul3A_1124 = arith.mulf %mul3A_1123, %get3A_141 : vector<16xf32>
        %add3A_1125 = arith.addf %mul3A_1124, %get3A_149 : vector<16xf32>
        %sub3A_1126 = arith.subf %get3A_1085, %gather3A_853 : vector<16xf32>
        %mul3A_1127 = arith.mulf %sub3A_1126, %gather3A_893 : vector<16xf32>
        %mul3A_1128 = arith.mulf %mul3A_1127, %get3A_141 : vector<16xf32>
        %add3A_1129 = arith.addf %mul3A_1128, %get3A_149 : vector<16xf32>
        %sub3A_1130 = arith.subf %get3A_1092, %gather3A_858 : vector<16xf32>
        %mul3A_1131 = arith.mulf %sub3A_1130, %gather3A_898 : vector<16xf32>
        %mul3A_1132 = arith.mulf %mul3A_1131, %get3A_141 : vector<16xf32>
        %add3A_1133 = arith.addf %mul3A_1132, %get3A_149 : vector<16xf32>
        %sub3A_1134 = arith.subf %get3A_1099, %gather3A_863 : vector<16xf32>
        %mul3A_1135 = arith.mulf %sub3A_1134, %gather3A_903 : vector<16xf32>
        %mul3A_1136 = arith.mulf %mul3A_1135, %get3A_141 : vector<16xf32>
        %add3A_1137 = arith.addf %mul3A_1136, %get3A_149 : vector<16xf32>
        %sub3A_1138 = arith.subf %get3A_1106, %gather3A_868 : vector<16xf32>
        %mul3A_1139 = arith.mulf %sub3A_1138, %gather3A_908 : vector<16xf32>
        %mul3A_1140 = arith.mulf %mul3A_1139, %get3A_141 : vector<16xf32>
        %add3A_1141 = arith.addf %mul3A_1140, %get3A_149 : vector<16xf32>
        %sub3A_1142 = arith.subf %get3A_1113, %gather3A_873 : vector<16xf32>
        %mul3A_1143 = arith.mulf %sub3A_1142, %gather3A_913 : vector<16xf32>
        %mul3A_1144 = arith.mulf %mul3A_1143, %get3A_141 : vector<16xf32>
        %add3A_1145 = arith.addf %mul3A_1144, %get3A_149 : vector<16xf32>
        %add3A_1146 = arith.constant 8 : i32
        %add3A_1147 = arith.addi %mul3A_180, %add3A_1146 : i32
        %add3A_1148 = arith.constant 0 : i32
        %add3A_1149 = arith.addi %add3A_1147, %add3A_1148 : i32
        %swap3A_1150 = arith.index_cast %add3A_1149 : i32 to index
        %swap3A_1151 = arith.constant 16 : index
        %swap3A_1152 = tpu.vector_load %arg11[%swap3A_1150, %swap3A_1151] {strides = array<i32>} : memref<256x64xf32, #tpu.memory_space<vmem>>, vector<16xf32>,
        tpu.vector_store %arg11[%swap3A_1150, %swap3A_1151], %add3A_1117 {strides = array<i32>} : memref<256x64xf32, #tpu.memory_space<vmem>>, vector<16xf32>,
        %add3A_1153 = arith.constant 8 : i32
        %add3A_1154 = arith.addi %mul3A_180, %add3A_1153 : i32
        %add3A_1155 = arith.constant 1 : i32
        %add3A_1156 = arith.addi %add3A_1154, %add3A_1155 : i32
        %swap3A_1157 = arith.index_cast %add3A_1156 : i32 to index
        %swap3A_1158 = arith.constant 16 : index
        %swap3A_1159 = tpu.vector_load %arg11[%swap3A_1157, %swap3A_1158] {strides = array<i32>} : memref<256x64xf32, #tpu.memory_space<vmem>>, vector<16xf32>,
        tpu.vector_store %arg11[%swap3A_1157, %swap3A_1158], %add3A_1121 {strides = array<i32>} : memref<256x64xf32, #tpu.memory_space<vmem>>, vector<16xf32>,
        %add3A_1160 = arith.constant 8 : i32
        %add3A_1161 = arith.addi %mul3A_180, %add3A_1160 : i32
        %add3A_1162 = arith.constant 2 : i32
        %add3A_1163 = arith.addi %add3A_1161, %add3A_1162 : i32
        %swap3A_1164 = arith.index_cast %add3A_1163 : i32 to index
        %swap3A_1165 = arith.constant 16 : index
        %swap3A_1166 = tpu.vector_load %arg11[%swap3A_1164, %swap3A_1165] {strides = array<i32>} : memref<256x64xf32, #tpu.memory_space<vmem>>, vector<16xf32>,
        tpu.vector_store %arg11[%swap3A_1164, %swap3A_1165], %add3A_1125 {strides = array<i32>} : memref<256x64xf32, #tpu.memory_space<vmem>>, vector<16xf32>,
        %add3A_1167 = arith.constant 8 : i32
        %add3A_1168 = arith.addi %mul3A_180, %add3A_1167 : i32
        %add3A_1169 = arith.constant 3 : i32
        %add3A_1170 = arith.addi %add3A_1168, %add3A_1169 : i32
        %swap3A_1171 = arith.index_cast %add3A_1170 : i32 to index
        %swap3A_1172 = arith.constant 16 : index
        %swap3A_1173 = tpu.vector_load %arg11[%swap3A_1171, %swap3A_1172] {strides = array<i32>} : memref<256x64xf32, #tpu.memory_space<vmem>>, vector<16xf32>,
        tpu.vector_store %arg11[%swap3A_1171, %swap3A_1172], %add3A_1129 {strides = array<i32>} : memref<256x64xf32, #tpu.memory_space<vmem>>, vector<16xf32>,
        %add3A_1174 = arith.constant 8 : i32
        %add3A_1175 = arith.addi %mul3A_180, %add3A_1174 : i32
        %add3A_1176 = arith.constant 4 : i32
        %add3A_1177 = arith.addi %add3A_1175, %add3A_1176 : i32
        %swap3A_1178 = arith.index_cast %add3A_1177 : i32 to index
        %swap3A_1179 = arith.constant 16 : index
        %swap3A_1180 = tpu.vector_load %arg11[%swap3A_1178, %swap3A_1179] {strides = array<i32>} : memref<256x64xf32, #tpu.memory_space<vmem>>, vector<16xf32>,
        tpu.vector_store %arg11[%swap3A_1178, %swap3A_1179], %add3A_1133 {strides = array<i32>} : memref<256x64xf32, #tpu.memory_space<vmem>>, vector<16xf32>,
        %add3A_1181 = arith.constant 8 : i32
        %add3A_1182 = arith.addi %mul3A_180, %add3A_1181 : i32
        %add3A_1183 = arith.constant 5 : i32
        %add3A_1184 = arith.addi %add3A_1182, %add3A_1183 : i32
        %swap3A_1185 = arith.index_cast %add3A_1184 : i32 to index
        %swap3A_1186 = arith.constant 16 : index
        %swap3A_1187 = tpu.vector_load %arg11[%swap3A_1185, %swap3A_1186] {strides = array<i32>} : memref<256x64xf32, #tpu.memory_space<vmem>>, vector<16xf32>,
        tpu.vector_store %arg11[%swap3A_1185, %swap3A_1186], %add3A_1137 {strides = array<i32>} : memref<256x64xf32, #tpu.memory_space<vmem>>, vector<16xf32>,
        %add3A_1188 = arith.constant 8 : i32
        %add3A_1189 = arith.addi %mul3A_180, %add3A_1188 : i32
        %add3A_1190 = arith.constant 6 : i32
        %add3A_1191 = arith.addi %add3A_1189, %add3A_1190 : i32
        %swap3A_1192 = arith.index_cast %add3A_1191 : i32 to index
        %swap3A_1193 = arith.constant 16 : index
        %swap3A_1194 = tpu.vector_load %arg11[%swap3A_1192, %swap3A_1193] {strides = array<i32>} : memref<256x64xf32, #tpu.memory_space<vmem>>, vector<16xf32>,
        tpu.vector_store %arg11[%swap3A_1192, %swap3A_1193], %add3A_1141 {strides = array<i32>} : memref<256x64xf32, #tpu.memory_space<vmem>>, vector<16xf32>,
        %add3A_1195 = arith.constant 8 : i32
        %add3A_1196 = arith.addi %mul3A_180, %add3A_1195 : i32
        %add3A_1197 = arith.constant 7 : i32
        %add3A_1198 = arith.addi %add3A_1196, %add3A_1197 : i32
        %swap3A_1199 = arith.index_cast %add3A_1198 : i32 to index
        %swap3A_1200 = arith.constant 16 : index
        %swap3A_1201 = tpu.vector_load %arg11[%swap3A_1199, %swap3A_1200] {strides = array<i32>} : memref<256x64xf32, #tpu.memory_space<vmem>>, vector<16xf32>,
        tpu.vector_store %arg11[%swap3A_1199, %swap3A_1200], %add3A_1145 {strides = array<i32>} : memref<256x64xf32, #tpu.memory_space<vmem>>, vector<16xf32>,
        %add3A_1202 = arith.constant 8 : i32
        %add3A_1203 = arith.addi %mul3A_180, %add3A_1202 : i32
        %add3A_1204 = arith.constant 0 : i32
        %add3A_1205 = arith.addi %add3A_1203, %add3A_1204 : i32
        %get3A_1206 = arith.index_cast %add3A_1205 : i32 to index
        %get3A_1207 = arith.constant 32 : index
        %get3A_1208 = tpu.vector_load %arg10[%get3A_1206, %get3A_1207] {strides = array<i32>} : memref<256x128xf32, #tpu.memory_space<vmem>>, vector<16xf32>,
        %add3A_1209 = arith.constant 8 : i32
        %add3A_1210 = arith.addi %mul3A_180, %add3A_1209 : i32
        %add3A_1211 = arith.constant 1 : i32
        %add3A_1212 = arith.addi %add3A_1210, %add3A_1211 : i32
        %get3A_1213 = arith.index_cast %add3A_1212 : i32 to index
        %get3A_1214 = arith.constant 32 : index
        %get3A_1215 = tpu.vector_load %arg10[%get3A_1213, %get3A_1214] {strides = array<i32>} : memref<256x128xf32, #tpu.memory_space<vmem>>, vector<16xf32>,
        %add3A_1216 = arith.constant 8 : i32
        %add3A_1217 = arith.addi %mul3A_180, %add3A_1216 : i32
        %add3A_1218 = arith.constant 2 : i32
        %add3A_1219 = arith.addi %add3A_1217, %add3A_1218 : i32
        %get3A_1220 = arith.index_cast %add3A_1219 : i32 to index
        %get3A_1221 = arith.constant 32 : index
        %get3A_1222 = tpu.vector_load %arg10[%get3A_1220, %get3A_1221] {strides = array<i32>} : memref<256x128xf32, #tpu.memory_space<vmem>>, vector<16xf32>,
        %add3A_1223 = arith.constant 8 : i32
        %add3A_1224 = arith.addi %mul3A_180, %add3A_1223 : i32
        %add3A_1225 = arith.constant 3 : i32
        %add3A_1226 = arith.addi %add3A_1224, %add3A_1225 : i32
        %get3A_1227 = arith.index_cast %add3A_1226 : i32 to index
        %get3A_1228 = arith.constant 32 : index
        %get3A_1229 = tpu.vector_load %arg10[%get3A_1227, %get3A_1228] {strides = array<i32>} : memref<256x128xf32, #tpu.memory_space<vmem>>, vector<16xf32>,
        %add3A_1230 = arith.constant 8 : i32
        %add3A_1231 = arith.addi %mul3A_180, %add3A_1230 : i32
        %add3A_1232 = arith.constant 4 : i32
        %add3A_1233 = arith.addi %add3A_1231, %add3A_1232 : i32
        %get3A_1234 = arith.index_cast %add3A_1233 : i32 to index
        %get3A_1235 = arith.constant 32 : index
        %get3A_1236 = tpu.vector_load %arg10[%get3A_1234, %get3A_1235] {strides = array<i32>} : memref<256x128xf32, #tpu.memory_space<vmem>>, vector<16xf32>,
        %add3A_1237 = arith.constant 8 : i32
        %add3A_1238 = arith.addi %mul3A_180, %add3A_1237 : i32
        %add3A_1239 = arith.constant 5 : i32
        %add3A_1240 = arith.addi %add3A_1238, %add3A_1239 : i32
        %get3A_1241 = arith.index_cast %add3A_1240 : i32 to index
        %get3A_1242 = arith.constant 32 : index
        %get3A_1243 = tpu.vector_load %arg10[%get3A_1241, %get3A_1242] {strides = array<i32>} : memref<256x128xf32, #tpu.memory_space<vmem>>, vector<16xf32>,
        %add3A_1244 = arith.constant 8 : i32
        %add3A_1245 = arith.addi %mul3A_180, %add3A_1244 : i32
        %add3A_1246 = arith.constant 6 : i32
        %add3A_1247 = arith.addi %add3A_1245, %add3A_1246 : i32
        %get3A_1248 = arith.index_cast %add3A_1247 : i32 to index
        %get3A_1249 = arith.constant 32 : index
        %get3A_1250 = tpu.vector_load %arg10[%get3A_1248, %get3A_1249] {strides = array<i32>} : memref<256x128xf32, #tpu.memory_space<vmem>>, vector<16xf32>,
        %add3A_1251 = arith.constant 8 : i32
        %add3A_1252 = arith.addi %mul3A_180, %add3A_1251 : i32
        %add3A_1253 = arith.constant 7 : i32
        %add3A_1254 = arith.addi %add3A_1252, %add3A_1253 : i32
        %get3A_1255 = arith.index_cast %add3A_1254 : i32 to index
        %get3A_1256 = arith.constant 32 : index
        %get3A_1257 = tpu.vector_load %arg10[%get3A_1255, %get3A_1256] {strides = array<i32>} : memref<256x128xf32, #tpu.memory_space<vmem>>, vector<16xf32>,
        %sub3A_1258 = arith.subf %get3A_1208, %gather3A_838 : vector<16xf32>
        %mul3A_1259 = arith.mulf %sub3A_1258, %gather3A_878 : vector<16xf32>
        %mul3A_1260 = arith.mulf %mul3A_1259, %get3A_143 : vector<16xf32>
        %add3A_1261 = arith.addf %mul3A_1260, %get3A_151 : vector<16xf32>
        %sub3A_1262 = arith.subf %get3A_1215, %gather3A_843 : vector<16xf32>
        %mul3A_1263 = arith.mulf %sub3A_1262, %gather3A_883 : vector<16xf32>
        %mul3A_1264 = arith.mulf %mul3A_1263, %get3A_143 : vector<16xf32>
        %add3A_1265 = arith.addf %mul3A_1264, %get3A_151 : vector<16xf32>
        %sub3A_1266 = arith.subf %get3A_1222, %gather3A_848 : vector<16xf32>
        %mul3A_1267 = arith.mulf %sub3A_1266, %gather3A_888 : vector<16xf32>
        %mul3A_1268 = arith.mulf %mul3A_1267, %get3A_143 : vector<16xf32>
        %add3A_1269 = arith.addf %mul3A_1268, %get3A_151 : vector<16xf32>
        %sub3A_1270 = arith.subf %get3A_1229, %gather3A_853 : vector<16xf32>
        %mul3A_1271 = arith.mulf %sub3A_1270, %gather3A_893 : vector<16xf32>
        %mul3A_1272 = arith.mulf %mul3A_1271, %get3A_143 : vector<16xf32>
        %add3A_1273 = arith.addf %mul3A_1272, %get3A_151 : vector<16xf32>
        %sub3A_1274 = arith.subf %get3A_1236, %gather3A_858 : vector<16xf32>
        %mul3A_1275 = arith.mulf %sub3A_1274, %gather3A_898 : vector<16xf32>
        %mul3A_1276 = arith.mulf %mul3A_1275, %get3A_143 : vector<16xf32>
        %add3A_1277 = arith.addf %mul3A_1276, %get3A_151 : vector<16xf32>
        %sub3A_1278 = arith.subf %get3A_1243, %gather3A_863 : vector<16xf32>
        %mul3A_1279 = arith.mulf %sub3A_1278, %gather3A_903 : vector<16xf32>
        %mul3A_1280 = arith.mulf %mul3A_1279, %get3A_143 : vector<16xf32>
        %add3A_1281 = arith.addf %mul3A_1280, %get3A_151 : vector<16xf32>
        %sub3A_1282 = arith.subf %get3A_1250, %gather3A_868 : vector<16xf32>
        %mul3A_1283 = arith.mulf %sub3A_1282, %gather3A_908 : vector<16xf32>
        %mul3A_1284 = arith.mulf %mul3A_1283, %get3A_143 : vector<16xf32>
        %add3A_1285 = arith.addf %mul3A_1284, %get3A_151 : vector<16xf32>
        %sub3A_1286 = arith.subf %get3A_1257, %gather3A_873 : vector<16xf32>
        %mul3A_1287 = arith.mulf %sub3A_1286, %gather3A_913 : vector<16xf32>
        %mul3A_1288 = arith.mulf %mul3A_1287, %get3A_143 : vector<16xf32>
        %add3A_1289 = arith.addf %mul3A_1288, %get3A_151 : vector<16xf32>
        %add3A_1290 = arith.constant 8 : i32
        %add3A_1291 = arith.addi %mul3A_180, %add3A_1290 : i32
        %add3A_1292 = arith.constant 0 : i32
        %add3A_1293 = arith.addi %add3A_1291, %add3A_1292 : i32
        %swap3A_1294 = arith.index_cast %add3A_1293 : i32 to index
        %swap3A_1295 = arith.constant 32 : index
        %swap3A_1296 = tpu.vector_load %arg11[%swap3A_1294, %swap3A_1295] {strides = array<i32>} : memref<256x64xf32, #tpu.memory_space<vmem>>, vector<16xf32>,
        tpu.vector_store %arg11[%swap3A_1294, %swap3A_1295], %add3A_1261 {strides = array<i32>} : memref<256x64xf32, #tpu.memory_space<vmem>>, vector<16xf32>,
        %add3A_1297 = arith.constant 8 : i32
        %add3A_1298 = arith.addi %mul3A_180, %add3A_1297 : i32
        %add3A_1299 = arith.constant 1 : i32
        %add3A_1300 = arith.addi %add3A_1298, %add3A_1299 : i32
        %swap3A_1301 = arith.index_cast %add3A_1300 : i32 to index
        %swap3A_1302 = arith.constant 32 : index
        %swap3A_1303 = tpu.vector_load %arg11[%swap3A_1301, %swap3A_1302] {strides = array<i32>} : memref<256x64xf32, #tpu.memory_space<vmem>>, vector<16xf32>,
        tpu.vector_store %arg11[%swap3A_1301, %swap3A_1302], %add3A_1265 {strides = array<i32>} : memref<256x64xf32, #tpu.memory_space<vmem>>, vector<16xf32>,
        %add3A_1304 = arith.constant 8 : i32
        %add3A_1305 = arith.addi %mul3A_180, %add3A_1304 : i32
        %add3A_1306 = arith.constant 2 : i32
        %add3A_1307 = arith.addi %add3A_1305, %add3A_1306 : i32
        %swap3A_1308 = arith.index_cast %add3A_1307 : i32 to index
        %swap3A_1309 = arith.constant 32 : index
        %swap3A_1310 = tpu.vector_load %arg11[%swap3A_1308, %swap3A_1309] {strides = array<i32>} : memref<256x64xf32, #tpu.memory_space<vmem>>, vector<16xf32>,
        tpu.vector_store %arg11[%swap3A_1308, %swap3A_1309], %add3A_1269 {strides = array<i32>} : memref<256x64xf32, #tpu.memory_space<vmem>>, vector<16xf32>,
        %add3A_1311 = arith.constant 8 : i32
        %add3A_1312 = arith.addi %mul3A_180, %add3A_1311 : i32
        %add3A_1313 = arith.constant 3 : i32
        %add3A_1314 = arith.addi %add3A_1312, %add3A_1313 : i32
        %swap3A_1315 = arith.index_cast %add3A_1314 : i32 to index
        %swap3A_1316 = arith.constant 32 : index
        %swap3A_1317 = tpu.vector_load %arg11[%swap3A_1315, %swap3A_1316] {strides = array<i32>} : memref<256x64xf32, #tpu.memory_space<vmem>>, vector<16xf32>,
        tpu.vector_store %arg11[%swap3A_1315, %swap3A_1316], %add3A_1273 {strides = array<i32>} : memref<256x64xf32, #tpu.memory_space<vmem>>, vector<16xf32>,
        %add3A_1318 = arith.constant 8 : i32
        %add3A_1319 = arith.addi %mul3A_180, %add3A_1318 : i32
        %add3A_1320 = arith.constant 4 : i32
        %add3A_1321 = arith.addi %add3A_1319, %add3A_1320 : i32
        %swap3A_1322 = arith.index_cast %add3A_1321 : i32 to index
        %swap3A_1323 = arith.constant 32 : index
        %swap3A_1324 = tpu.vector_load %arg11[%swap3A_1322, %swap3A_1323] {strides = array<i32>} : memref<256x64xf32, #tpu.memory_space<vmem>>, vector<16xf32>,
        tpu.vector_store %arg11[%swap3A_1322, %swap3A_1323], %add3A_1277 {strides = array<i32>} : memref<256x64xf32, #tpu.memory_space<vmem>>, vector<16xf32>,
        %add3A_1325 = arith.constant 8 : i32
        %add3A_1326 = arith.addi %mul3A_180, %add3A_1325 : i32
        %add3A_1327 = arith.constant 5 : i32
        %add3A_1328 = arith.addi %add3A_1326, %add3A_1327 : i32
        %swap3A_1329 = arith.index_cast %add3A_1328 : i32 to index
        %swap3A_1330 = arith.constant 32 : index
        %swap3A_1331 = tpu.vector_load %arg11[%swap3A_1329, %swap3A_1330] {strides = array<i32>} : memref<256x64xf32, #tpu.memory_space<vmem>>, vector<16xf32>,
        tpu.vector_store %arg11[%swap3A_1329, %swap3A_1330], %add3A_1281 {strides = array<i32>} : memref<256x64xf32, #tpu.memory_space<vmem>>, vector<16xf32>,
        %add3A_1332 = arith.constant 8 : i32
        %add3A_1333 = arith.addi %mul3A_180, %add3A_1332 : i32
        %add3A_1334 = arith.constant 6 : i32
        %add3A_1335 = arith.addi %add3A_1333, %add3A_1334 : i32
        %swap3A_1336 = arith.index_cast %add3A_1335 : i32 to index
        %swap3A_1337 = arith.constant 32 : index
        %swap3A_1338 = tpu.vector_load %arg11[%swap3A_1336, %swap3A_1337] {strides = array<i32>} : memref<256x64xf32, #tpu.memory_space<vmem>>, vector<16xf32>,
        tpu.vector_store %arg11[%swap3A_1336, %swap3A_1337], %add3A_1285 {strides = array<i32>} : memref<256x64xf32, #tpu.memory_space<vmem>>, vector<16xf32>,
        %add3A_1339 = arith.constant 8 : i32
        %add3A_1340 = arith.addi %mul3A_180, %add3A_1339 : i32
        %add3A_1341 = arith.constant 7 : i32
        %add3A_1342 = arith.addi %add3A_1340, %add3A_1341 : i32
        %swap3A_1343 = arith.index_cast %add3A_1342 : i32 to index
        %swap3A_1344 = arith.constant 32 : index
        %swap3A_1345 = tpu.vector_load %arg11[%swap3A_1343, %swap3A_1344] {strides = array<i32>} : memref<256x64xf32, #tpu.memory_space<vmem>>, vector<16xf32>,
        tpu.vector_store %arg11[%swap3A_1343, %swap3A_1344], %add3A_1289 {strides = array<i32>} : memref<256x64xf32, #tpu.memory_space<vmem>>, vector<16xf32>,
        %add3A_1346 = arith.constant 8 : i32
        %add3A_1347 = arith.addi %mul3A_180, %add3A_1346 : i32
        %add3A_1348 = arith.constant 0 : i32
        %add3A_1349 = arith.addi %add3A_1347, %add3A_1348 : i32
        %get3A_1350 = arith.index_cast %add3A_1349 : i32 to index
        %get3A_1351 = arith.constant 48 : index
        %get3A_1352 = tpu.vector_load %arg10[%get3A_1350, %get3A_1351] {strides = array<i32>} : memref<256x128xf32, #tpu.memory_space<vmem>>, vector<16xf32>,
        %add3A_1353 = arith.constant 8 : i32
        %add3A_1354 = arith.addi %mul3A_180, %add3A_1353 : i32
        %add3A_1355 = arith.constant 1 : i32
        %add3A_1356 = arith.addi %add3A_1354, %add3A_1355 : i32
        %get3A_1357 = arith.index_cast %add3A_1356 : i32 to index
        %get3A_1358 = arith.constant 48 : index
        %get3A_1359 = tpu.vector_load %arg10[%get3A_1357, %get3A_1358] {strides = array<i32>} : memref<256x128xf32, #tpu.memory_space<vmem>>, vector<16xf32>,
        %add3A_1360 = arith.constant 8 : i32
        %add3A_1361 = arith.addi %mul3A_180, %add3A_1360 : i32
        %add3A_1362 = arith.constant 2 : i32
        %add3A_1363 = arith.addi %add3A_1361, %add3A_1362 : i32
        %get3A_1364 = arith.index_cast %add3A_1363 : i32 to index
        %get3A_1365 = arith.constant 48 : index
        %get3A_1366 = tpu.vector_load %arg10[%get3A_1364, %get3A_1365] {strides = array<i32>} : memref<256x128xf32, #tpu.memory_space<vmem>>, vector<16xf32>,
        %add3A_1367 = arith.constant 8 : i32
        %add3A_1368 = arith.addi %mul3A_180, %add3A_1367 : i32
        %add3A_1369 = arith.constant 3 : i32
        %add3A_1370 = arith.addi %add3A_1368, %add3A_1369 : i32
        %get3A_1371 = arith.index_cast %add3A_1370 : i32 to index
        %get3A_1372 = arith.constant 48 : index
        %get3A_1373 = tpu.vector_load %arg10[%get3A_1371, %get3A_1372] {strides = array<i32>} : memref<256x128xf32, #tpu.memory_space<vmem>>, vector<16xf32>,
        %add3A_1374 = arith.constant 8 : i32
        %add3A_1375 = arith.addi %mul3A_180, %add3A_1374 : i32
        %add3A_1376 = arith.constant 4 : i32
        %add3A_1377 = arith.addi %add3A_1375, %add3A_1376 : i32
        %get3A_1378 = arith.index_cast %add3A_1377 : i32 to index
        %get3A_1379 = arith.constant 48 : index
        %get3A_1380 = tpu.vector_load %arg10[%get3A_1378, %get3A_1379] {strides = array<i32>} : memref<256x128xf32, #tpu.memory_space<vmem>>, vector<16xf32>,
        %add3A_1381 = arith.constant 8 : i32
        %add3A_1382 = arith.addi %mul3A_180, %add3A_1381 : i32
        %add3A_1383 = arith.constant 5 : i32
        %add3A_1384 = arith.addi %add3A_1382, %add3A_1383 : i32
        %get3A_1385 = arith.index_cast %add3A_1384 : i32 to index
        %get3A_1386 = arith.constant 48 : index
        %get3A_1387 = tpu.vector_load %arg10[%get3A_1385, %get3A_1386] {strides = array<i32>} : memref<256x128xf32, #tpu.memory_space<vmem>>, vector<16xf32>,
        %add3A_1388 = arith.constant 8 : i32
        %add3A_1389 = arith.addi %mul3A_180, %add3A_1388 : i32
        %add3A_1390 = arith.constant 6 : i32
        %add3A_1391 = arith.addi %add3A_1389, %add3A_1390 : i32
        %get3A_1392 = arith.index_cast %add3A_1391 : i32 to index
        %get3A_1393 = arith.constant 48 : index
        %get3A_1394 = tpu.vector_load %arg10[%get3A_1392, %get3A_1393] {strides = array<i32>} : memref<256x128xf32, #tpu.memory_space<vmem>>, vector<16xf32>,
        %add3A_1395 = arith.constant 8 : i32
        %add3A_1396 = arith.addi %mul3A_180, %add3A_1395 : i32
        %add3A_1397 = arith.constant 7 : i32
        %add3A_1398 = arith.addi %add3A_1396, %add3A_1397 : i32
        %get3A_1399 = arith.index_cast %add3A_1398 : i32 to index
        %get3A_1400 = arith.constant 48 : index
        %get3A_1401 = tpu.vector_load %arg10[%get3A_1399, %get3A_1400] {strides = array<i32>} : memref<256x128xf32, #tpu.memory_space<vmem>>, vector<16xf32>,
        %sub3A_1402 = arith.subf %get3A_1352, %gather3A_838 : vector<16xf32>
        %mul3A_1403 = arith.mulf %sub3A_1402, %gather3A_878 : vector<16xf32>
        %mul3A_1404 = arith.mulf %mul3A_1403, %get3A_145 : vector<16xf32>
        %add3A_1405 = arith.addf %mul3A_1404, %get3A_153 : vector<16xf32>
        %sub3A_1406 = arith.subf %get3A_1359, %gather3A_843 : vector<16xf32>
        %mul3A_1407 = arith.mulf %sub3A_1406, %gather3A_883 : vector<16xf32>
        %mul3A_1408 = arith.mulf %mul3A_1407, %get3A_145 : vector<16xf32>
        %add3A_1409 = arith.addf %mul3A_1408, %get3A_153 : vector<16xf32>
        %sub3A_1410 = arith.subf %get3A_1366, %gather3A_848 : vector<16xf32>
        %mul3A_1411 = arith.mulf %sub3A_1410, %gather3A_888 : vector<16xf32>
        %mul3A_1412 = arith.mulf %mul3A_1411, %get3A_145 : vector<16xf32>
        %add3A_1413 = arith.addf %mul3A_1412, %get3A_153 : vector<16xf32>
        %sub3A_1414 = arith.subf %get3A_1373, %gather3A_853 : vector<16xf32>
        %mul3A_1415 = arith.mulf %sub3A_1414, %gather3A_893 : vector<16xf32>
        %mul3A_1416 = arith.mulf %mul3A_1415, %get3A_145 : vector<16xf32>
        %add3A_1417 = arith.addf %mul3A_1416, %get3A_153 : vector<16xf32>
        %sub3A_1418 = arith.subf %get3A_1380, %gather3A_858 : vector<16xf32>
        %mul3A_1419 = arith.mulf %sub3A_1418, %gather3A_898 : vector<16xf32>
        %mul3A_1420 = arith.mulf %mul3A_1419, %get3A_145 : vector<16xf32>
        %add3A_1421 = arith.addf %mul3A_1420, %get3A_153 : vector<16xf32>
        %sub3A_1422 = arith.subf %get3A_1387, %gather3A_863 : vector<16xf32>
        %mul3A_1423 = arith.mulf %sub3A_1422, %gather3A_903 : vector<16xf32>
        %mul3A_1424 = arith.mulf %mul3A_1423, %get3A_145 : vector<16xf32>
        %add3A_1425 = arith.addf %mul3A_1424, %get3A_153 : vector<16xf32>
        %sub3A_1426 = arith.subf %get3A_1394, %gather3A_868 : vector<16xf32>
        %mul3A_1427 = arith.mulf %sub3A_1426, %gather3A_908 : vector<16xf32>
        %mul3A_1428 = arith.mulf %mul3A_1427, %get3A_145 : vector<16xf32>
        %add3A_1429 = arith.addf %mul3A_1428, %get3A_153 : vector<16xf32>
        %sub3A_1430 = arith.subf %get3A_1401, %gather3A_873 : vector<16xf32>
        %mul3A_1431 = arith.mulf %sub3A_1430, %gather3A_913 : vector<16xf32>
        %mul3A_1432 = arith.mulf %mul3A_1431, %get3A_145 : vector<16xf32>
        %add3A_1433 = arith.addf %mul3A_1432, %get3A_153 : vector<16xf32>
        %add3A_1434 = arith.constant 8 : i32
        %add3A_1435 = arith.addi %mul3A_180, %add3A_1434 : i32
        %add3A_1436 = arith.constant 0 : i32
        %add3A_1437 = arith.addi %add3A_1435, %add3A_1436 : i32
        %swap3A_1438 = arith.index_cast %add3A_1437 : i32 to index
        %swap3A_1439 = arith.constant 48 : index
        %swap3A_1440 = tpu.vector_load %arg11[%swap3A_1438, %swap3A_1439] {strides = array<i32>} : memref<256x64xf32, #tpu.memory_space<vmem>>, vector<16xf32>,
        tpu.vector_store %arg11[%swap3A_1438, %swap3A_1439], %add3A_1405 {strides = array<i32>} : memref<256x64xf32, #tpu.memory_space<vmem>>, vector<16xf32>,
        %add3A_1441 = arith.constant 8 : i32
        %add3A_1442 = arith.addi %mul3A_180, %add3A_1441 : i32
        %add3A_1443 = arith.constant 1 : i32
        %add3A_1444 = arith.addi %add3A_1442, %add3A_1443 : i32
        %swap3A_1445 = arith.index_cast %add3A_1444 : i32 to index
        %swap3A_1446 = arith.constant 48 : index
        %swap3A_1447 = tpu.vector_load %arg11[%swap3A_1445, %swap3A_1446] {strides = array<i32>} : memref<256x64xf32, #tpu.memory_space<vmem>>, vector<16xf32>,
        tpu.vector_store %arg11[%swap3A_1445, %swap3A_1446], %add3A_1409 {strides = array<i32>} : memref<256x64xf32, #tpu.memory_space<vmem>>, vector<16xf32>,
        %add3A_1448 = arith.constant 8 : i32
        %add3A_1449 = arith.addi %mul3A_180, %add3A_1448 : i32
        %add3A_1450 = arith.constant 2 : i32
        %add3A_1451 = arith.addi %add3A_1449, %add3A_1450 : i32
        %swap3A_1452 = arith.index_cast %add3A_1451 : i32 to index
        %swap3A_1453 = arith.constant 48 : index
        %swap3A_1454 = tpu.vector_load %arg11[%swap3A_1452, %swap3A_1453] {strides = array<i32>} : memref<256x64xf32, #tpu.memory_space<vmem>>, vector<16xf32>,
        tpu.vector_store %arg11[%swap3A_1452, %swap3A_1453], %add3A_1413 {strides = array<i32>} : memref<256x64xf32, #tpu.memory_space<vmem>>, vector<16xf32>,
        %add3A_1455 = arith.constant 8 : i32
        %add3A_1456 = arith.addi %mul3A_180, %add3A_1455 : i32
        %add3A_1457 = arith.constant 3 : i32
        %add3A_1458 = arith.addi %add3A_1456, %add3A_1457 : i32
        %swap3A_1459 = arith.index_cast %add3A_1458 : i32 to index
        %swap3A_1460 = arith.constant 48 : index
        %swap3A_1461 = tpu.vector_load %arg11[%swap3A_1459, %swap3A_1460] {strides = array<i32>} : memref<256x64xf32, #tpu.memory_space<vmem>>, vector<16xf32>,
        tpu.vector_store %arg11[%swap3A_1459, %swap3A_1460], %add3A_1417 {strides = array<i32>} : memref<256x64xf32, #tpu.memory_space<vmem>>, vector<16xf32>,
        %add3A_1462 = arith.constant 8 : i32
        %add3A_1463 = arith.addi %mul3A_180, %add3A_1462 : i32
        %add3A_1464 = arith.constant 4 : i32
        %add3A_1465 = arith.addi %add3A_1463, %add3A_1464 : i32
        %swap3A_1466 = arith.index_cast %add3A_1465 : i32 to index
        %swap3A_1467 = arith.constant 48 : index
        %swap3A_1468 = tpu.vector_load %arg11[%swap3A_1466, %swap3A_1467] {strides = array<i32>} : memref<256x64xf32, #tpu.memory_space<vmem>>, vector<16xf32>,
        tpu.vector_store %arg11[%swap3A_1466, %swap3A_1467], %add3A_1421 {strides = array<i32>} : memref<256x64xf32, #tpu.memory_space<vmem>>, vector<16xf32>,
        %add3A_1469 = arith.constant 8 : i32
        %add3A_1470 = arith.addi %mul3A_180, %add3A_1469 : i32
        %add3A_1471 = arith.constant 5 : i32
        %add3A_1472 = arith.addi %add3A_1470, %add3A_1471 : i32
        %swap3A_1473 = arith.index_cast %add3A_1472 : i32 to index
        %swap3A_1474 = arith.constant 48 : index
        %swap3A_1475 = tpu.vector_load %arg11[%swap3A_1473, %swap3A_1474] {strides = array<i32>} : memref<256x64xf32, #tpu.memory_space<vmem>>, vector<16xf32>,
        tpu.vector_store %arg11[%swap3A_1473, %swap3A_1474], %add3A_1425 {strides = array<i32>} : memref<256x64xf32, #tpu.memory_space<vmem>>, vector<16xf32>,
        %add3A_1476 = arith.constant 8 : i32
        %add3A_1477 = arith.addi %mul3A_180, %add3A_1476 : i32
        %add3A_1478 = arith.constant 6 : i32
        %add3A_1479 = arith.addi %add3A_1477, %add3A_1478 : i32
        %swap3A_1480 = arith.index_cast %add3A_1479 : i32 to index
        %swap3A_1481 = arith.constant 48 : index
        %swap3A_1482 = tpu.vector_load %arg11[%swap3A_1480, %swap3A_1481] {strides = array<i32>} : memref<256x64xf32, #tpu.memory_space<vmem>>, vector<16xf32>,
        tpu.vector_store %arg11[%swap3A_1480, %swap3A_1481], %add3A_1429 {strides = array<i32>} : memref<256x64xf32, #tpu.memory_space<vmem>>, vector<16xf32>,
        %add3A_1483 = arith.constant 8 : i32
        %add3A_1484 = arith.addi %mul3A_180, %add3A_1483 : i32
        %add3A_1485 = arith.constant 7 : i32
        %add3A_1486 = arith.addi %add3A_1484, %add3A_1485 : i32
        %swap3A_1487 = arith.index_cast %add3A_1486 : i32 to index
        %swap3A_1488 = arith.constant 48 : index
        %swap3A_1489 = tpu.vector_load %arg11[%swap3A_1487, %swap3A_1488] {strides = array<i32>} : memref<256x64xf32, #tpu.memory_space<vmem>>, vector<16xf32>,
        tpu.vector_store %arg11[%swap3A_1487, %swap3A_1488], %add3A_1433 {strides = array<i32>} : memref<256x64xf32, #tpu.memory_space<vmem>>, vector<16xf32>,
        %scan3A_1490 = arith.constant 0 : i32
        scf.yield %scan3A_1490 : i32
      }
      %scan3A_160 = arith.constant 16 : i32
      %mul3A_161 = arith.constant 256 : i32
      %mul3A_162 = arith.muli %add3A_44, %mul3A_161 : i32
      %add3A_163 = arith.addi %mul3A_2, %mul3A_162 : i32
      %dma_start3A_164 = arith.constant 0 : i32
      %dma_start3A_165 = tpu.memref_slice %arg7[%add3A_163, %dma_start3A_164] : memref<819200x128xf32, #tpu.memory_space<hbm>> -> memref<256x64xf32, #tpu.memory_space<hbm>>
      %dma_start3A_166 = arith.constant 0 : i32
      %dma_start3A_167 = tpu.memref_slice %arg7[%add3A_163, %dma_start3A_166] : memref<819200x128xf32, #tpu.memory_space<hbm>> -> memref<256x64xf32, #tpu.memory_space<hbm>>
      tpu.enqueue_dma source(%arg11 : memref<256x64xf32, #tpu.memory_space<vmem>>) target(%dma_start3A_167 : memref<256x64xf32, #tpu.memory_space<hbm>>) target_semaphore(%arg19 : memref<!tpu.dma_semaphore, #tpu.memory_space<semaphore_mem>>)
      %scan3A_168 = arith.constant 0 : i32
      scf.yield %scan3A_168 : i32
    }
    %scan3A_33 = arith.constant 50 : i32
    %dma_wait3A = arith.constant 0 : i32
    %dma_wait3A_34 = arith.constant 0 : i32
    %dma_wait3A_35 = tpu.memref_slice %arg7[%dma_wait3A, %dma_wait3A_34] : memref<819200x128xf32, #tpu.memory_space<hbm>> -> memref<256x64xf32, #tpu.memory_space<hbm>>
    %dma_wait3A_36 = arith.constant 0 : i32
    %dma_wait3A_37 = arith.constant 0 : i32
    %dma_wait3A_38 = tpu.memref_slice %arg7[%dma_wait3A_36, %dma_wait3A_37] : memref<819200x128xf32, #tpu.memory_space<hbm>> -> memref<256x64xf32, #tpu.memory_space<hbm>>
    tpu.wait_dma2 semaphore(%arg19 : memref<!tpu.dma_semaphore, #tpu.memory_space<semaphore_mem>>) src(%arg11 : memref<256x64xf32, #tpu.memory_space<vmem>>) dst(%dma_wait3A_38 : memref<256x64xf32, #tpu.memory_space<hbm>>)
    return
  }
}

</mosaic_0001>

<sc_bundles>
// kernel: kernel.3.cloned.1.call-start
scs
__scs_entry_jumppad:
0x0: {  	(pc) =	sbr.rel $0x88, $3  }
0x1: {  	(tag) =	ssettag $0x0;
	lr =	simm.s32 $0x1  }
0x2: {  	[smem:$0x3F9B] =	sst lr;
	_ =	strace $0xD0000000  }
0x3: {  	_ = 	snop  }
0x4: {  	_ = 	snop  }
0x5: {  	_ = 	snop  }
0x6: {  	_ = 	snop  }
0x7: {  	_ = 	snop  }
__scs_overlays_trampoline_lowered:
0x8: {  	[smem:$0x3FAA] =	sst s0  }
0x9: {  	[smem:$0x3FAB] =	sst s1  }
0xa: {  	[smem:$0x3FAC] =	sst s2  }
0xb: {  	[smem:$0x3FAD] =	sst s3  }
0xc: {  	[smem:$0x3FAE] =	sst s4  }
0xd: {  	[smem:$0x3FAF] =	sst s5  }
0xe: {  	[smem:$0x3FB0] =	sst s6  }
0xf: {  	[smem:$0x3FB1] =	sst s7  }
0x10: {  	[smem:$0x3FB2] =	sst s8  }
0x11: {  	[smem:$0x3FB3] =	sst s9;
	s0 =	simm.s32 @!p0 $0x0  }
0x12: {  	s1 =	sld [smem:$0x3F99];
	s0 =	simm.s32 @p0 $0x1  }
0x13: {  	[smem:$0x3FB4] =	sst s0;
	s0 =	simm.s32 @!p1 $0x0  }
0x14: {  	s2 =	sld [smem:$0x3F98];
	s0 =	simm.s32 @p1 $0x1  }
0x15: {  	[smem:$0x3FB5] =	sst s0;
	s0 =	simm.s32 @!p2 $0x0  }
0x16: {  	s3 =	sld [smem:$0x3FDB];
	s0 =	simm.s32 @p2 $0x1  }
0x17: {  	s4 =	simm.s32 $0x1BF5;
	[smem:$0x3FB7] =	sst s0  }
0x18: {  	s0 =	sld [smem:$0x3F9A];
	_ =	swait.ge [sflag:s4], $0x0  }
0x19: {  	s7 =	sld [smem:$0x3F9B]  }
0x1a: {  	s8 =	sadd.s32 $0xFFFFE003, lr  }
0x1b: {  	s9 =	sadd.s32 $0xFFFFFEF7, lr;
	s5 =	simm.s32 $0xFFFFFFFF;
	p2 =	slt.u32 s8, $0xFFFFF086  }
0x1c: {  	p1 =	slt.u32 s9, $0xF7A;
	s5 =	simm.s32 @!p2 $0x0  }
0x1d: {  	s5 =	simm.s32 @p1 $0x1;
	p0 =	seq.s32 s7, s2  }
0x1e: {  	s7 =	smul.u32 @!p0 $0xF7A, s2;
	p2 =	seq.s32 @!p0 s5, $0x0  }
0x1f: {  	s9 =	smul.u32 $0xF7A, s1;
	s8 =	simm.s32 @!p0 $0x1BF5;
	p2 =	por !p2, p0  }
0x20: {  	[sflag:s8] =	ssyncset.s32 @!p0 $0xFFFFF086;
	s6 =	sadd.s32 @!p0 s3, s7;
	s7 =	simm.s32 @!p0 $0x108  }
0x21: {  	s3 =	sadd.s32 s3, s9;
	s6 =	sadd.s32 @!p0 $0x88, s6;
	s7 =	simm.s32 @p2 $0x1082  }
0x22: {  	[simem:s7], [sflag:s8] =	dma.local @!p0 [hbm:s6], $0xF7A  }
0x23: {  	s9 =	sor.u32 $0xD0000000, s2;
	s6 =	simm.s32 $0x108;
	_ =	swait.ge @!p0 [sflag:s8], $0x0  }
0x24: {  	s3 =	sadd.s32 $0x88, s3;
	s6 =	simm.s32 @!p1 $0x1082;
	[sflag:s4] =	ssyncset.s32 $0xFFFFF086  }
0x25: {  	[simem:s6], [sflag:s4] =	dma.local [hbm:s3], $0xF7A  }
0x26: {  	[smem:$0x3F9B] =	sst s1;
	(tag) =	ssettag s2;
	_ =	strace s9  }
0x27: {  	s1 =	sld [smem:$0x3FAB]  }
0x28: {  	s2 =	sld [smem:$0x3FAC]  }
0x29: {  	s4 =	sld [smem:$0x3FAE]  }
0x2a: {  	p0 =	seq.s32 s5, $0x0;
	s5 =	sld [smem:$0x3FAF]  }
0x2b: {  	s6 =	sld [smem:$0x3FB0]  }
0x2c: {  	s7 =	sld [smem:$0x3FB1]  }
0x2d: {  	s3 =	simm.s32 $0x108;
	s8 =	sld [smem:$0x3FB2]  }
0x2e: {  	s3 =	simm.s32 @!p0 $0x1082;
	s9 =	sld [smem:$0x3FB3]  }
0x2f: {  	lr =	sadd.s32 s0, s3;
	s0 =	sld [smem:$0x3FAA]  }
0x30: {  	s3 =	sld [smem:$0x3FAD]  }
0x31: {  	[smem:$0x3FB6] =	sst s10  }
0x32: {  	s10 =	sld [smem:$0x3FB4];
	_ =	sdelay $0x3  }
0x33: {  	p0 =	seq.s32 s10, $0x1;
	s10 =	sld [smem:$0x3FB6];
	_ =	sdelay $0x3  }
0x34: {  	[smem:$0x3FB6] =	sst s10  }
0x35: {  	s10 =	sld [smem:$0x3FB5];
	_ =	sdelay $0x3  }
0x36: {  	p1 =	seq.s32 s10, $0x1;
	s10 =	sld [smem:$0x3FB6];
	_ =	sdelay $0x3  }
0x37: {  	[smem:$0x3FB6] =	sst s10  }
0x38: {  	s10 =	sld [smem:$0x3FB7]  }
0x39: {  	_ = 	snop;
	(pc) =	sbr.ind lr, $3  }
0x3a: {  	_ = 	snop  }
0x3b: {  	_ = 	snop  }
0x3c: {  	p2 =	seq.s32 s10, $0x1;
	s10 =	sld [smem:$0x3FB6]  }
0x3d: {  	_ =	shalt  }
0x3e: {  	_ =	shalt  }
0x3f: {  	_ =	shalt  }
0x40: {  	_ =	shalt  }
0x41: {  	_ =	shalt  }
0x42: {  	_ =	shalt  }
0x43: {  	_ =	shalt  }
0x44: {  	_ =	shalt  }
0x45: {  	_ =	shalt  }
0x46: {  	_ =	shalt  }
0x47: {  	_ =	shalt  }
0x48: {  	_ =	shalt  }
0x49: {  	_ =	shalt  }
0x4a: {  	_ =	shalt  }
0x4b: {  	_ =	shalt  }
0x4c: {  	_ =	shalt  }
0x4d: {  	_ =	shalt  }
0x4e: {  	_ =	shalt  }
0x4f: {  	_ =	shalt  }
0x50: {  	_ =	shalt  }
0x51: {  	_ =	shalt  }
0x52: {  	_ =	shalt  }
0x53: {  	_ =	shalt  }
0x54: {  	_ =	shalt  }
0x55: {  	_ =	shalt  }
0x56: {  	_ =	shalt  }
0x57: {  	_ =	shalt  }
0x58: {  	_ =	shalt  }
0x59: {  	_ =	shalt  }
0x5a: {  	_ =	shalt  }
0x5b: {  	_ =	shalt  }
0x5c: {  	_ =	shalt  }
0x5d: {  	_ =	shalt  }
0x5e: {  	_ =	shalt  }
0x5f: {  	_ =	shalt  }
0x60: {  	_ =	shalt  }
0x61: {  	_ =	shalt  }
0x62: {  	_ =	shalt  }
0x63: {  	_ =	shalt  }
0x64: {  	_ =	shalt  }
0x65: {  	_ =	shalt  }
0x66: {  	_ =	shalt  }
0x67: {  	_ =	shalt  }
0x68: {  	_ =	shalt  }
0x69: {  	_ =	shalt  }
0x6a: {  	_ =	shalt  }
0x6b: {  	_ =	shalt  }
0x6c: {  	_ =	shalt  }
0x6d: {  	_ =	shalt  }
0x6e: {  	_ =	shalt  }
0x6f: {  	_ =	shalt  }
0x70: {  	_ =	shalt  }
0x71: {  	_ =	shalt  }
0x72: {  	_ =	shalt  }
0x73: {  	_ =	shalt  }
0x74: {  	_ =	shalt  }
0x75: {  	_ =	shalt  }
0x76: {  	_ =	shalt  }
0x77: {  	_ =	shalt  }
0x78: {  	_ =	shalt  }
0x79: {  	_ =	shalt  }
0x7a: {  	_ =	shalt  }
0x7b: {  	_ =	shalt  }
0x7c: {  	_ =	shalt  }
0x7d: {  	_ =	shalt  }
0x7e: {  	_ =	shalt  }
0x7f: {  	_ =	shalt  }
0x80: {  	_ =	shalt  }
0x81: {  	_ =	shalt  }
0x82: {  	_ =	shalt  }
0x83: {  	_ =	shalt  }
0x84: {  	_ =	shalt  }
0x85: {  	_ =	shalt  }
0x86: {  	_ =	shalt  }
0x87: {  	_ =	shalt  }
.Lfunc_end0:
.L_simem_size_0:
called_computation.1_lowered:
.L_overlay_start_0:
0x88: {  	s2 =	sld [smem:$0x3FD9]  }
0x89: {  	s3 =	sld [smem:$0x3FFE];
	_ =	sdelay $0x1  }
0x8a: {  	s1 =	srdreg.scid  }
0x8b: {  	s0 =	sand.u32 $0x1, s1  }
0x8c: {  	s17 =	sshll.u32 s0, $0xA;
	s2 =	sadd.s32 s3, s2  }
0x8d: {  	s2 =	sadd.s32 s2, s17  }
0x8e: {  	[smem:$0x3FC2] =	sst s2  }
0x8f: {  	_ = 	snop  }
0x90: {  	s2 =	sld [smem:$0x3FC5]  }
0x91: {  	s18 =	sld [smem:$0x3FC4]  }
0x92: {  	s4 =	sld [smem:$0x3FD0];
	(tm) =	ssettm $0x1  }
0x93: {  	s5 =	sld [smem:$0x3FFB];
	_ =	sdelay $0x3  }
0x94: {  	_ =	strace s5  }
0x95: {  	s5 =	sld [smem:$0x3FFC];
	_ =	sdelay $0x3  }
0x96: {  	_ =	strace s5  }
0x97: {  	s5 =	sld [smem:$0x3FFD];
	_ =	sdelay $0x3  }
0x98: {  	_ =	strace s5  }
0x99: {  	_ =	strace $0x8FFFFFFF  }
0x9a: {  	s19 =	sld [smem:$0x3FDB];
	_ =	sdelay $0x1  }
0x9b: {  	s6 =	simm.s32 $_scs_section_size  }
0x9c: {  	s7 =	simm.s32 $_size__tile_overlayer_lowered;
	s8 =	simm.s32 $_tile_overlayer_lowered  }
0x9d: {  	s22 =	simm.s32 $0x1BFF;
	s21 =	sshll.u32 s8, $0x1;
	s5 =	sadd.s32 s6, s19  }
0x9e: {  	s9 =	simm.s32 $0x0;
	s20 =	sshll.u32 s7, $0x1;
	s7 =	sadd.s32 s21, s5  }
0x9f: {  	[timem:s9], [sflag:s22] =	dma.local [hbm:s7], s20  }
0xa0: {  	_ =	swait.ge [sflag:s22], s20  }
0xa1: {  	s6 =	ssub.s32 $0x0, s20;
	[sflag:s22] =	ssyncset.done $0x0  }
0xa2: {  	[sflag:s22] =	ssyncadd.s32 s6;
	_ =	sdelay $0x1  }
0xa3: {  	s23 =	simm.s32 $0x1B8B  }
0xa4: {  	_ =	swait.ge [sflag:s23], $0x1  }
0xa5: {  	[sflag:s23] =	ssyncset.done $0x0  }
0xa6: {  	s25 =	simm.s32 $0x1B8E;
	s24 =	sld [smem:$0x3FFE];
	[sflag:s23] =	ssyncadd.s32 $0xFFFFFFFF  }
0xa7: {  	s26 =	simm.s32 $execute0_lowered;
	[smem:$0x3FD2] =	sst s25  }
0xa8: {  	s7 =	sshll.u32 s26, $0x1;
	_ =	strace $0x80000046;
	[dreg:$0x1] =	wrdreg $0xFFFFFFFF  }
0xa9: {  	s28 =	simm.s32 $_size_execute0_lowered;
	s5 =	sadd.s32 s5, s7;
	[dreg:$0x0] =	wrdreg $0x0  }
0xaa: {  	s7 =	sshll.u32 s28, $0x1;
	[dreg:$0x2] =	wrdreg s5  }
0xab: {  	[dreg:$0x3] =	wrdreg s7  }
0xac: {  	[dreg:$0x4] =	wrdreg $0xC0  }
0xad: {  	_ =	task [dreg:s9], $0x5FFFF  }
0xae: {  	[dreg:$0x1] =	wrdreg $0xFFFFFFFF  }
0xaf: {  	[dreg:$0x0] =	wrdreg $0x60  }
0xb0: {  	[dreg:$0x2] =	wrdreg s4  }
0xb1: {  	[dreg:$0x3] =	wrdreg s24  }
0xb2: {  	[dreg:$0x4] =	wrdreg s2  }
0xb3: {  	[dreg:$0x5] =	wrdreg s18  }
0xb4: {  	[dreg:$0x6] =	wrdreg $0x9  }
0xb5: {  	_ =	task.clear_ibuf [dreg:s9], $0x7FFFF;
	_ =	strace $0x90000046  }
0xb6: {  	s29 =	simm.s32 $0x9;
	_ =	strace $0x80000048  }
0xb7: {  	_ =	swait.ge [sflag:s29], $0x1  }
0xb8: {  	[sflag:s29] =	ssyncadd.s32 $0xFFFFFFFF  }
0xb9: {  	_ =	strace $0x90000048  }
0xba: {  	_ =	sfence  }
0xbb: {  	s30 =	sld [smem:$0x0];
	_ =	sdelay $0x2  }
0xbc: {  	s31 =	sshll.u32 s1, $0xD;
	s1 =	sshrl.u32 s1, $0x2  }
0xbd: {  	s3 =	sand.u32 $0x4000, s31;
	s1 =	sadd.s32 s1, s30  }
0xbe: {  	s0 =	sor.u32 s3, s0;
	s1 =	sshll.u32 s1, $0x11  }
0xbf: {  	s0 =	sor.u32 s1, s0  }
0xc0: {  	s0 =	sadd.s32 $0x8F2B, s0  }
0xc1: {  	[sflag:s0] =	ssyncadd.remote.s32 $0x1  }
0xc2: {  	_ =	sfence.sel $0xFFFF  }
0xc3: {  	[dreg:$0x0] =	wrdreg $0xFFFFFFFF;
	(pc) =	sbr.abs _section_cstart, $3  }
0xc4: {  	[dreg:$0x1] =	wrdreg $0xFFFFFFFF  }
0xc5: {  	_ =	task.clear_ibuf [dreg:s9], $0x2FFFF;
	_ =	strace $0x9FFFFFFF  }
0xc6: {  	(tm) =	ssettm $0x7FFFFFFF  }
0xc7: {  	_ =	shalt  }
tec
execute0_lowered:
.L_overlay_start_1:
0x0: {  	(tag) =	ssettag $0x1  }
0x1: {  	s0 =	rddreg [dreg:$0x0]  }
0x2: {  	s7 =	rddreg [dreg:$0x1]  }
0x3: {  	s2 =	rddreg [dreg:$0x2]  }
0x4: {  	s3 =	rddreg [dreg:$0x3];
	s5 =	srdreg.scid  }
0x5: {  	s1 =	stileid.u32;
	s4 =	simm.s32 $0x0;
	s13 =	simm.s32 $0x1D640  }
0x6: {  	s14 =	simm.s32 $0x1D680;
	s15 =	simm.s32 $0x80;
	s16 =	simm.s32 $0x6400  }
0x7: {  	s17 =	simm.s32 $0xA400;
	s18 =	simm.s32 $0x1;
	s19 =	simm.s32 $0xE400  }
0x8: {  	s20 =	simm.s32 $0x12400;
	s21 =	simm.s32 $0x40;
	s22 =	simm.s32 $0x16400  }
0x9: {  	s23 =	simm.s32 $0x2;
	s5 =	sand.u32 $0x1, s5;
	s6 =	sshll.u32 s1, $0x1  }
0xa: {  	s24 =	simm.s32 $0x3;
	[smem:$0x7FF] =	sst s4;
	s9 =	sor.u32 s5, s6  }
0xb: {  	s25 =	simm.s32 $0x0;
	_ =	strace $0x80000047;
	s10 =	smul.u32 $0x6400, s9  }
0xc: {  	v1 =	vimm.s32 $0x0;
	v7 =	vimm.s32 $0x6;
	v8 =	vimm.s32 $0x7;
	s8 =	ssub.s32 $0x2, s5;
	s5 =	sadd.s32 $0xF43800, s7;
	s12 =	smul.u32 $0xC80, s9  }
0xd: {  	v9 =	vimm.s32 $0x8;
	v10 =	vimm.s32 $0x9;
	v11 =	vimm.s32 $0xA;
	s6 =	sadd.s32 $0xC00, s7;
	s7 =	sadd.s32 $0x1400, s7;
	s11 =	sshrl.u32 s8, $0x1  }
0xe: {  	v12 =	vimm.s32 $0xB;
	v13 =	vimm.s32 $0xC;
	s9 =	smul.u32 $0x320000, s9;
	s11 =	ssub.s32 s8, s11;
	s8 =	sadd.s32 s0, s12;
	v0 =	vmov s10  }
0xf: {  	v14 =	vimm.s32 $0xD;
	v15 =	vimm.s32 $0xE;
	v16 =	vimm.s32 $0xF;
	s10 =	smax.u32 s11, $0x1;
	s11 =	simm.s32 $0x4;
	s12 =	simm.s32 $0x1A400;
	[tilespmem:$0x1FFF0] =	vst v0  }
.LBB2_1:
0x10: {  	[tilespmem:s4], [sflag:$0x4] =	stream.linear.gather [hbm4b:s8+s4], $0x6400, $0x38;
	[tilespmem:$0x1D8C0] =	vst v63  }
0x11: {  	_ =	swait.ge [sflag:s11], $0x6400  }
0x12: {  	[sflag:s11] =	ssyncset.done $0x0  }
0x13: {  	[sflag:s11] =	ssyncadd.s32 $0xFFFF9C00  }
0x14: {  	[tilespmem:s12], [sflag:$0x4] =	stream.linear.gather [hbm4b:s6+s4], $0x3240, $0x38;
	[tilespmem:$0x1D8C0] =	vst v63  }
0x15: {  	_ =	swait.ge [sflag:s11], $0x3240  }
0x16: {  	[sflag:s11] =	ssyncset.done $0x0  }
0x17: {  	[sflag:s11] =	ssyncadd.s32 $0xFFFFCDC0  }
0x18: {  	[tilespmem:s13], [sflag:$0x4] =	stream.linear.gather [hbm4b:s2+s4], $0x40, $0x38;
	[tilespmem:$0x1D8C0] =	vst v63  }
0x19: {  	_ =	swait.ge [sflag:s11], $0x40  }
0x1a: {  	[sflag:s11] =	ssyncset.done $0x0  }
0x1b: {  	[sflag:s11] =	ssyncadd.s32 $0xFFFFFFC0  }
0x1c: {  	[tilespmem:s14], [sflag:$0x4] =	stream.linear.gather [hbm4b:s3+s4], $0x40, $0x38;
	[tilespmem:$0x1D8C0] =	vst v63  }
0x1d: {  	_ =	swait.ge [sflag:s11], $0x40  }
0x1e: {  	[sflag:s11] =	ssyncset.done $0x0  }
0x1f: {  	[sflag:s11] =	ssyncadd.s32 $0xFFFFFFC0  }
0x20: {  	[tilespmem:s16], [sflag:$0x1] =	stream.indirect.gather [hbm4b:s5+s15], $0x80, s4, s15, $0xb8;
	[tilespmem:$0x1D8C0] =	vst v63  }
0x21: {  	s26 =	simm.s32 $0x0  }
0x22: {  	[tilespmem:s17], [sflag:$0x1] =	stream.indirect.gather [hbm4b:s5+s15], $0x80, s15, s15, $0xb8;
	[tilespmem:$0x1D8C0] =	vst v63  }
.LBB2_2:
0x23: {  	s28 =	sshllo.u32 s26, $0x1;
	_ =	swait.ge [sflag:s18], $0x8000  }
0x24: {  	[sflag:s18] =	ssyncset.done $0x0;
	s29 =	sshll.u32 s28, $0x8  }
0x25: {  	[sflag:s18] =	ssyncadd.s32 $0xFFFF8000;
	s0 =	sand.u32 $0x3FFFFF00, s29  }
0x26: {  	[tilespmem:s19], [sflag:$0x2] =	stream.indirect.gather [hbm4b:s5+s15], $0x80, s0, s15, $0xb8;
	[tilespmem:$0x1D8C0] =	vst v63  }
0x27: {  	s31 =	sshll.u32 s26, $0x9;
	s0 =	sor.u32 $0x80, s0  }
0x28: {  	[tilespmem:s20], [sflag:$0x2] =	stream.indirect.gather [hbm4b:s5+s15], $0x80, s0, s15, $0xb8;
	[tilespmem:$0x1D8C0] =	vst v63  }
0x29: {  	v18 =	vmov s31;
	s0 =	simm.s32 $0x0  }
.LBB2_3:
0x2a: {  	s30 =	sshll.u32 s0, $0x4;
	v28 =	vlaneseq.u32  }
0x2b: {  	v19 =	vor.u32 s30, v28  }
0x2c: {  	v20 =	vor.u32 v18, v19;
	v21 =	vand.u32 $0x7F, v19  }
0x2d: {  	vm0 =	veq.s32 v20, $0x0;
	vm1 =	vne.s32 v21, $0x0  }
0x2e: {  	vm0 =	vmand vm0, vm1  }
0x2f: {  	v22 =	vsel vm0, $0xFFFFFFFF, v1  }
0x30: {  	v0 =	vld [tilespmem:$0x1FFF0];
	v22 =	vshll.u32 v22, $0x7  }
0x31: {  	v22 =	vadd.s32 v20, v22  }
0x32: {  	v22 =	vand.u32 $0xFFFFFF80, v22  }
0x33: {  	v21 =	vor.u32 v21, v22;
	_ =	sdelay $0x1  }
0x34: {  	v20 =	vadd.s32 v0, v20  }
0x35: {  	v22 =	vmulhi.u32 $0x51EB851F, v20;
	_ =	sdelay $0x1  }
0x36: {  	v22 =	vshrl.u32 v22, $0x6;
	v21 =	vld.idx.msk [tilespmem:v21+s4+$0x0], $0xffff  }
0x37: {  	v22 =	vmul.u32 $0xC8, v22;
	_ =	sdelay $0x1  }
0x38: {  	v20 =	vsub.s32 v20, v22  }
0x39: {  	v24 =	vimm.f32 $0.0e+00;
	v26 =	vshll.u32 v19, $0x7;
	v20 =	vshll.u32 v20, $0x6  }
0x3a: {  	v20 =	vadd.s32 $0x40, v20;
	vm15 =	veq.s32 v21, $0x0;
	v21 =	vadd.s32 $0x1, v28  }
0x3b: {  	v45 =	vor.u32 v26, v28;
	v25 =	vsel vm15, $0x0, v20;
	v20 =	vand.u32 $0x3F, v21  }
0x3c: {  	v44 =	vimm.f32 $0.0e+00;
	v23 =	vadd.s32 $0x3, v28;
	v22 =	vor.u32 v25, v20  }
0x3d: {  	v35 =	vadd.s32 $0x6, v28;
	v23 =	vand.u32 $0x3F, v23;
	v19 =	vor.u32 v26, v20  }
0x3e: {  	v35 =	vand.u32 $0x3F, v35;
	v21 =	vadd.s32 $0x2, v28;
	v37 =	vor.u32 v25, v23  }
0x3f: {  	v43 =	vimm.f32 $0.0e+00;
	v20 =	vand.u32 $0x3F, v21;
	v38 =	vor.u32 v25, v35  }
0x40: {  	v42 =	vimm.f32 $0.0e+00;
	v55 =	vld.idx.msk [tilespmem:v45+s16+$0x0], $0xffff;
	v21 =	vadd.s32 $0x7, v28;
	v27 =	vor.u32 v25, v20  }
0x41: {  	v39 =	vimm.f32 $0.0e+00;
	v30 =	vand.u32 $0x3F, v21;
	v21 =	vor.u32 v26, v20;
	v32 =	vld.idx.msk [tilespmem:v22+s12+$0x0], $0xffff  }
0x42: {  	v40 =	vimm.f32 $0.0e+00;
	v20 =	vadd.s32 $0x5, v28;
	v31 =	vor.u32 v25, v30;
	v34 =	vld.idx.msk [tilespmem:v19+s16+$0x0], $0xffff  }
0x43: {  	v29 =	vadd.s32 $0x4, v28;
	v33 =	vand.u32 $0x3F, v20;
	v20 =	vor.u32 v26, v23;
	v54 =	vld.idx.msk [tilespmem:v37+s12+$0x0], $0xffff  }
0x44: {  	v23 =	vor.u32 v26, v30;
	v30 =	vadd.s32 $0x8, v28;
	v36 =	vor.u32 v25, v33;
	v52 =	vld.idx.msk [tilespmem:v38+s12+$0x0], $0xffff  }
0x45: {  	v46 =	vand.u32 $0x3F, v30;
	v22 =	vand.u32 $0x3F, v29;
	v29 =	vor.u32 v25, v28;
	v49 =	vld.idx.msk [tilespmem:v27+s12+$0x0], $0xffff  }
0x46: {  	v30 =	vimm.f32 $0.0e+00;
	v28 =	vor.u32 v26, v35;
	v50 =	vld.idx.msk [tilespmem:v21+s16+$0x0], $0xffff;
	v27 =	vor.u32 v26, v33  }
0x47: {  	v35 =	vimm.f32 $0.0e+00;
	v37 =	vimm.f32 $0.0e+00;
	v41 =	vor.u32 v25, v22;
	v48 =	vld.idx.msk [tilespmem:v31+s12+$0x0], $0xffff  }
0x48: {  	v38 =	vimm.f32 $0.0e+00;
	v22 =	vor.u32 v26, v22;
	v33 =	vimm.f32 $0.0e+00;
	v56 =	vld.idx.msk [tilespmem:v20+s16+$0x0], $0xffff  }
0x49: {  	v31 =	vimm.f32 $0.0e+00;
	v51 =	vld.idx.msk [tilespmem:v36+s12+$0x0], $0xffff;
	v36 =	vimm.f32 $0.0e+00;
	v47 =	vadd.f32 v32, v34  }
0x4a: {  	s31 =	simm.s32 $0x7;
	v53 =	vld.idx.msk [tilespmem:v29+s12+$0x0], $0xffff;
	v32 =	vimm.f32 $0.0e+00;
	v34 =	vimm.f32 $0.0e+00;
	v29 =	vimm.f32 $0.0e+00  }
.LBB2_4:
0x4b: {  	v57 =	vadd.s32 $0x3, v46;
	v58 =	vadd.s32 $0x4, v46;
	v59 =	vadd.s32 $0x5, v46;
	p0 =	sne.s32 s31, $0x1;
	s31 =	sadd.s32 $0xFFFFFFFF, s31;
	v60 =	vld.idx.msk [tilespmem:v27+s16+$0x0], $0xffff  }
0x4c: {  	v57 =	vand.u32 $0x3F, v57;
	v58 =	vand.u32 $0x3F, v58;
	v61 =	vld.idx.msk [tilespmem:v41+s12+$0x0], $0xffff;
	v62 =	vmul.f32 v47, v47  }
0x4d: {  	v24 =	vadd.f32 v47, v24;
	v63 =	vor.u32 v26, v57;
	v41 =	vor.u32 v25, v58;
	v17 =	vld.idx.msk [tilespmem:v22+s16+$0x0], $0xffff  }
0x4e: {  	v0 =	vor.u32 v25, v46;
	v58 =	vor.u32 v26, v58;
	v57 =	vor.u32 v25, v57;
	v2 =	vld.idx.msk [tilespmem:v28+s16+$0x0], $0xffff  }
0x4f: {  	v3 =	vadd.s32 $0x6, v46;
	v4 =	vadd.s32 $0x7, v46;
	v53 =	vadd.f32 v53, v55;
	v5 =	vld.idx.msk [tilespmem:v23+s16+$0x0], $0xffff  }
0x50: {  	v3 =	vand.u32 $0x3F, v3;
	v4 =	vand.u32 $0x3F, v4;
	v54 =	vadd.f32 v54, v56  }
0x51: {  	v6 =	vadd.f32 v49, v50;
	v55 =	vadd.s32 $0x1, v46;
	v56 =	vor.u32 v25, v4;
	[tilespmem:v45+s16+$0x0] =	vst.idx.msk $0xffff, v53  }
0x52: {  	v49 =	vand.u32 $0x3F, v55;
	v45 =	vadd.s32 $0x2, v46;
	v44 =	vadd.f32 v54, v44;
	[tilespmem:v19+s16+$0x0] =	vst.idx.msk $0xffff, v47  }
0x53: {  	v19 =	vor.u32 v26, v49;
	v47 =	vor.u32 v25, v49;
	v49 =	vadd.f32 v51, v60  }
0x54: {  	v45 =	vand.u32 $0x3F, v45;
	v51 =	vand.u32 $0x3F, v59;
	v17 =	vadd.f32 v61, v17;
	[tilespmem:v21+s16+$0x0] =	vst.idx.msk $0xffff, v6  }
0x55: {  	v50 =	vor.u32 v25, v45;
	v2 =	vadd.f32 v52, v2;
	v5 =	vadd.f32 v48, v5  }
0x56: {  	v52 =	vor.u32 v25, v3;
	v43 =	vadd.f32 v49, v43;
	[tilespmem:v20+s16+$0x0] =	vst.idx.msk $0xffff, v54;
	v20 =	vmov v63  }
0x57: {  	v21 =	vor.u32 v26, v45;
	v42 =	vadd.f32 v17, v42;
	[tilespmem:v22+s16+$0x0] =	vst.idx.msk $0xffff, v17;
	v22 =	vmov v58  }
0x58: {  	v45 =	vmul.f32 v5, v5;
	[tilespmem:v27+s16+$0x0] =	vst.idx.msk $0xffff, v49;
	v27 =	vmul.f32 v49, v49  }
0x59: {  	v35 =	vadd.f32 v5, v35;
	v17 =	vmul.f32 v17, v17;
	[tilespmem:v28+s16+$0x0] =	vst.idx.msk $0xffff, v2  }
0x5a: {  	v28 =	vor.u32 v25, v51;
	[tilespmem:v23+s16+$0x0] =	vst.idx.msk $0xffff, v5;
	v5 =	vmul.f32 v54, v54  }
0x5b: {  	v48 =	vmul.f32 v6, v6;
	v36 =	vadd.f32 v17, v36;
	v31 =	vadd.f32 v27, v31;
	v49 =	vld.idx.msk [tilespmem:v50+s12+$0x0], $0xffff  }
0x5c: {  	v32 =	vadd.f32 v45, v32;
	v23 =	vor.u32 v26, v4;
	v50 =	vld.idx.msk [tilespmem:v21+s16+$0x0], $0xffff;
	v37 =	vadd.f32 v5, v37  }
0x5d: {  	v33 =	vadd.f32 v6, v33;
	v38 =	vadd.f32 v48, v38;
	v5 =	vmul.f32 v2, v2;
	v4 =	vld.idx.msk [tilespmem:v47+s12+$0x0], $0xffff  }
0x5e: {  	v39 =	vadd.f32 v53, v39;
	v34 =	vadd.f32 v2, v34;
	v2 =	vmul.f32 v53, v53;
	v48 =	vld.idx.msk [tilespmem:v56+s12+$0x0], $0xffff  }
0x5f: {  	v40 =	vadd.f32 v62, v40;
	v45 =	vor.u32 v26, v46;
	v29 =	vadd.f32 v5, v29;
	v6 =	vld.idx.msk [tilespmem:v19+s16+$0x0], $0xffff  }
0x60: {  	v30 =	vadd.f32 v2, v30;
	v53 =	vld.idx.msk [tilespmem:v0+s12+$0x0], $0xffff  }
.Ltmp0:
0x61: {  	v27 =	vor.u32 v26, v51;
	v51 =	vld.idx.msk [tilespmem:v28+s12+$0x0], $0xffff;
	(pc) =	sbr.rel @p0 .LBB2_4-.Ltmp0, $4  }
0x62: {  	v54 =	vld.idx.msk [tilespmem:v57+s12+$0x0], $0xffff  }
0x63: {  	v52 =	vld.idx.msk [tilespmem:v52+s12+$0x0], $0xffff  }
0x64: {  	v0 =	vadd.s32 $0x8, v46;
	v28 =	vor.u32 v26, v3;
	v55 =	vld.idx.msk [tilespmem:v45+s16+$0x0], $0xffff  }
0x65: {  	v46 =	vand.u32 $0x3F, v0;
	v47 =	vadd.f32 v4, v6;
	v56 =	vld.idx.msk [tilespmem:v20+s16+$0x0], $0xffff  }
0x66: {  	_ =	sdelay $0x3  }
0x67: {  	v0 =	vld.idx.msk [tilespmem:v27+s16+$0x0], $0xffff  }
0x68: {  	v2 =	vld.idx.msk [tilespmem:v41+s12+$0x0], $0xffff  }
0x69: {  	v3 =	vld.idx.msk [tilespmem:v22+s16+$0x0], $0xffff  }
0x6a: {  	v4 =	vld.idx.msk [tilespmem:v28+s16+$0x0], $0xffff  }
0x6b: {  	v5 =	vld.idx.msk [tilespmem:v23+s16+$0x0], $0xffff;
	v25 =	vadd.f32 v49, v50;
	_ =	sdelay $0x1  }
0x6c: {  	v6 =	vadd.f32 v47, v24;
	v33 =	vadd.f32 v25, v33  }
0x6d: {  	v17 =	vadd.f32 v53, v55;
	v24 =	vadd.f32 v54, v56  }
0x6e: {  	v53 =	vmul.f32 v25, v25;
	v0 =	vadd.f32 v51, v0;
	v2 =	vadd.f32 v2, v3  }
0x6f: {  	v54 =	vmul.f32 v47, v47;
	v4 =	vadd.f32 v52, v4;
	v5 =	vadd.f32 v48, v5  }
0x70: {  	v38 =	vadd.f32 v53, v38;
	v39 =	vadd.f32 v17, v39  }
0x71: {  	v56 =	vmul.f32 v17, v17;
	v3 =	vadd.f32 v24, v44;
	v40 =	vadd.f32 v54, v40  }
0x72: {  	v52 =	vmul.f32 v24, v24;
	v26 =	vadd.f32 v0, v43;
	v42 =	vadd.f32 v2, v42  }
0x73: {  	v50 =	vmul.f32 v2, v2;
	v35 =	vadd.f32 v5, v35;
	v34 =	vadd.f32 v4, v34  }
0x74: {  	v51 =	vmul.f32 v0, v0;
	v6 =	vadd.f32 v6, v39;
	v30 =	vadd.f32 v56, v30  }
0x75: {  	v46 =	vmul.f32 v5, v5;
	v37 =	vadd.f32 v52, v37;
	v3 =	vadd.f32 v3, v33  }
0x76: {  	v55 =	vmul.f32 v4, v4;
	v36 =	vadd.f32 v50, v36;
	v31 =	vadd.f32 v51, v31  }
0x77: {  	v32 =	vadd.f32 v46, v32;
	v26 =	vadd.f32 v26, v42  }
0x78: {  	v57 =	vadd.f32 v35, v34;
	v29 =	vadd.f32 v55, v29  }
0x79: {  	v58 =	vadd.f32 v40, v30;
	v3 =	vadd.f32 v3, v6  }
0x7a: {  	v59 =	vadd.f32 v37, v38;
	v6 =	vadd.f32 v57, v26  }
0x7b: {  	v31 =	vadd.f32 v31, v36;
	v29 =	vadd.f32 v32, v29  }
0x7c: {  	v3 =	vadd.f32 v6, v3  }
0x7d: {  	v6 =	vadd.f32 v59, v58;
	v60 =	vadd.f32 v29, v31;
	_ =	sdelay $0x1  }
0x7e: {  	v6 =	vadd.f32 v60, v6;
	v3 =	vmul.f32 $1.562500000e-02, v3;
	_ =	sdelay $0x1  }
0x7f: {  	v6 =	vmul.f32 $1.562500000e-02, v6;
	v61 =	vmul.f32 v3, v3;
	_ =	sdelay $0x1  }
0x80: {  	v6 =	vsub.f32 v6, v61;
	_ =	sdelay $0x1  }
0x81: {  	v6 =	vadd.f32 $9.999999960e-13, v6;
	_ =	sdelay $0x1  }
0x82: {  	v62 =	vshra.s32 v6, $0x1;
	v6 =	vmul.f32 $5.000000000e-01, v6  }
0x83: {  	v26 =	vsub.s32 $0x5F3759DF, v62  }
0x84: {  	v63 =	vmul.f32 v26, v6;
	_ =	sdelay $0x1  }
0x85: {  	v29 =	vmul.f32 v26, v63;
	_ =	sdelay $0x1  }
0x86: {  	v29 =	vsub.f32 $1.500000000e+00, v29;
	_ =	sdelay $0x1  }
0x87: {  	v26 =	vmul.f32 v26, v29  }
0x88: {  	[tilespmem:v45+s16+$0x0] =	vst.idx.msk $0xffff, v17  }
0x89: {  	[tilespmem:v19+s16+$0x0] =	vst.idx.msk $0xffff, v47;
	v6 =	vmul.f32 v26, v6  }
0x8a: {  	[tilespmem:v21+s16+$0x0] =	vst.idx.msk $0xffff, v25  }
0x8b: {  	s0 =	sadd.s32 $0x1, s0;
	[tilespmem:v20+s16+$0x0] =	vst.idx.msk $0xffff, v24;
	v6 =	vmul.f32 v6, v26  }
0x8c: {  	p0 =	sne.s32 s0, $0x10;
	[tilespmem:v22+s16+$0x0] =	vst.idx.msk $0xffff, v2  }
.Ltmp1:
0x8d: {  	[tilespmem:v27+s16+$0x0] =	vst.idx.msk $0xffff, v0;
	v0 =	vsub.f32 $1.500000000e+00, v6;
	(pc) =	sbr.rel @p0 .LBB2_3-.Ltmp1, $4  }
0x8e: {  	[tilespmem:v28+s16+$0x0] =	vst.idx.msk $0xffff, v4  }
0x8f: {  	[tilespmem:v23+s16+$0x0] =	vst.idx.msk $0xffff, v5;
	v0 =	vmul.f32 v0, v26  }
0x90: {  	[tilespmem:s30+$0x1D6C0] =	vst v3  }
0x91: {  	[tilespmem:s30+$0x1D7C0] =	vst v0  }
0x92: {  	p0 =	seq.s32 s26, $0x0  }
0x93: {  	s0 =	simm.s32 @!p0 $0x3  }
0x94: {  	_ =	swait.ge @!p0 [sflag:s0], $0x4000  }
0x95: {  	[sflag:s0] =	ssyncset.done @!p0 $0x0  }
0x96: {  	[sflag:s0] =	ssyncadd.s32 @!p0 $0xFFFFC000  }
0x97: {  	v18 =	vld [tilespmem:$0x1D640]  }
0x98: {  	v19 =	vld [tilespmem:$0x1D650]  }
0x99: {  	v20 =	vld [tilespmem:$0x1D660]  }
0x9a: {  	v21 =	vld [tilespmem:$0x1D670]  }
0x9b: {  	v22 =	vld [tilespmem:$0x1D680]  }
0x9c: {  	v23 =	vld [tilespmem:$0x1D690]  }
0x9d: {  	v45 =	vimm.s32 $0x1;
	v46 =	vimm.s32 $0x2;
	v24 =	vld [tilespmem:$0x1D6A0]  }
0x9e: {  	s30 =	simm.s32 $0x0;
	s31 =	simm.s32 $0x6800;
	v47 =	vimm.s32 $0x3;
	v48 =	vimm.s32 $0x4;
	v49 =	vimm.s32 $0x5;
	s0 =	simm.s32 $0x16600;
	v25 =	vld [tilespmem:$0x1D6B0]  }
.LBB2_7:
0x9f: {  	s1 =	sshra.s32 s30, $0x2  }
0xa0: {  	v27 =	vld [tilespmem:s1+$0x1D6C0];
	_ =	sdelay $0x2  }
0xa1: {  	v0 =	vld [tilespmem:s31+$0xFFFFFC00]  }
0xa2: {  	v26 =	vld [tilespmem:s1+$0x1D7C0]  }
0xa3: {  	v2 =	vld [tilespmem:s31+$0xFFFFFC80];
	v40 =	vperm.xlane v27, v1;
	v36 =	vperm.xlane v27, v45  }
0xa4: {  	v3 =	vld [tilespmem:s31+$0xFFFFFD00];
	v33 =	vperm.xlane v27, v46;
	v32 =	vperm.xlane v27, v47  }
0xa5: {  	v4 =	vld [tilespmem:s31+$0xFFFFFD80];
	v31 =	vperm.xlane v27, v48;
	v30 =	vperm.xlane v27, v49  }
0xa6: {  	v5 =	vld [tilespmem:s31+$0xFFFFFE00];
	v29 =	vperm.xlane v27, v7;
	v28 =	vperm.xlane v27, v8  }
0xa7: {  	v6 =	vld [tilespmem:s31+$0xFFFFFE80];
	v43 =	vperm.xlane v26, v1;
	v42 =	vperm.xlane v26, v45  }
0xa8: {  	v17 =	vld [tilespmem:s31+$0xFFFFFF00];
	v41 =	vperm.xlane v26, v46;
	v37 =	vperm.xlane v26, v47  }
0xa9: {  	v44 =	vld [tilespmem:s31+$0xFFFFFF80];
	v38 =	vperm.xlane v26, v48;
	v39 =	vperm.xlane v26, v49;
	v0 =	vsub.f32 v0, v40  }
0xaa: {  	v34 =	vperm.xlane v26, v7;
	v35 =	vperm.xlane v26, v8;
	v2 =	vsub.f32 v2, v36  }
0xab: {  	v3 =	vsub.f32 v3, v33;
	v4 =	vsub.f32 v4, v32;
	v0 =	vmul.f32 v0, v43  }
0xac: {  	v5 =	vsub.f32 v5, v31;
	v6 =	vsub.f32 v6, v30;
	v2 =	vmul.f32 v2, v42  }
0xad: {  	v17 =	vsub.f32 v17, v29;
	v3 =	vmul.f32 v3, v41;
	v0 =	vmul.f32 v0, v18  }
0xae: {  	v44 =	vsub.f32 v44, v28;
	v4 =	vmul.f32 v4, v37;
	v2 =	vmul.f32 v2, v18  }
0xaf: {  	v5 =	vmul.f32 v5, v38;
	v3 =	vmul.f32 v3, v18;
	v0 =	vadd.f32 v0, v22  }
0xb0: {  	v6 =	vmul.f32 v6, v39;
	v4 =	vmul.f32 v4, v18;
	v2 =	vadd.f32 v2, v22  }
0xb1: {  	v17 =	vmul.f32 v17, v34;
	v5 =	vmul.f32 v5, v18;
	v3 =	vadd.f32 v3, v22;
	[tilespmem:s0+$0xFFFFFE00] =	vst v0  }
0xb2: {  	v0 =	vadd.f32 v4, v22;
	v4 =	vmul.f32 v6, v18;
	v6 =	vmul.f32 v44, v35;
	[tilespmem:s0+$0xFFFFFE40] =	vst v2  }
0xb3: {  	v2 =	vadd.f32 v5, v22;
	v5 =	vmul.f32 v17, v18;
	[tilespmem:s0+$0xFFFFFE80] =	vst v3  }
0xb4: {  	v3 =	vadd.f32 v4, v22;
	v4 =	vmul.f32 v6, v18;
	[tilespmem:s0+$0xFFFFFEC0] =	vst v0  }
0xb5: {  	v0 =	vadd.f32 v5, v22;
	[tilespmem:s0+$0xFFFFFF00] =	vst v2  }
0xb6: {  	v2 =	vadd.f32 v4, v22;
	[tilespmem:s0+$0xFFFFFF40] =	vst v3  }
0xb7: {  	[tilespmem:s0+$0xFFFFFF80] =	vst v0  }
0xb8: {  	[tilespmem:s0+$0xFFFFFFC0] =	vst v2  }
0xb9: {  	v0 =	vld [tilespmem:s31+$0xFFFFFC10]  }
0xba: {  	v2 =	vld [tilespmem:s31+$0xFFFFFC90]  }
0xbb: {  	v3 =	vld [tilespmem:s31+$0xFFFFFD10]  }
0xbc: {  	v4 =	vld [tilespmem:s31+$0xFFFFFD90]  }
0xbd: {  	v5 =	vld [tilespmem:s31+$0xFFFFFE10]  }
0xbe: {  	v6 =	vld [tilespmem:s31+$0xFFFFFE90]  }
0xbf: {  	v17 =	vld [tilespmem:s31+$0xFFFFFF10]  }
0xc0: {  	v60 =	vld [tilespmem:s31+$0xFFFFFF90];
	v0 =	vsub.f32 v0, v40  }
0xc1: {  	v2 =	vsub.f32 v2, v36  }
0xc2: {  	v3 =	vsub.f32 v3, v33;
	v4 =	vsub.f32 v4, v32;
	v0 =	vmul.f32 v0, v43  }
0xc3: {  	v5 =	vsub.f32 v5, v31;
	v6 =	vsub.f32 v6, v30;
	v2 =	vmul.f32 v2, v42  }
0xc4: {  	v17 =	vsub.f32 v17, v29;
	v3 =	vmul.f32 v3, v41;
	v0 =	vmul.f32 v0, v19  }
0xc5: {  	v44 =	vsub.f32 v60, v28;
	v4 =	vmul.f32 v4, v37;
	v2 =	vmul.f32 v2, v19  }
0xc6: {  	v5 =	vmul.f32 v5, v38;
	v3 =	vmul.f32 v3, v19;
	v0 =	vadd.f32 v0, v23  }
0xc7: {  	v6 =	vmul.f32 v6, v39;
	v4 =	vmul.f32 v4, v19;
	v2 =	vadd.f32 v2, v23  }
0xc8: {  	v17 =	vmul.f32 v17, v34;
	v5 =	vmul.f32 v5, v19;
	v3 =	vadd.f32 v3, v23;
	[tilespmem:s0+$0xFFFFFE10] =	vst v0  }
0xc9: {  	v0 =	vadd.f32 v4, v23;
	v4 =	vmul.f32 v6, v19;
	v6 =	vmul.f32 v44, v35;
	[tilespmem:s0+$0xFFFFFE50] =	vst v2  }
0xca: {  	v2 =	vadd.f32 v5, v23;
	v5 =	vmul.f32 v17, v19;
	[tilespmem:s0+$0xFFFFFE90] =	vst v3  }
0xcb: {  	v3 =	vadd.f32 v4, v23;
	v4 =	vmul.f32 v6, v19;
	[tilespmem:s0+$0xFFFFFED0] =	vst v0  }
0xcc: {  	v0 =	vadd.f32 v5, v23;
	[tilespmem:s0+$0xFFFFFF10] =	vst v2  }
0xcd: {  	v2 =	vadd.f32 v4, v23;
	[tilespmem:s0+$0xFFFFFF50] =	vst v3  }
0xce: {  	[tilespmem:s0+$0xFFFFFF90] =	vst v0  }
0xcf: {  	[tilespmem:s0+$0xFFFFFFD0] =	vst v2  }
0xd0: {  	v0 =	vld [tilespmem:s31+$0xFFFFFC20]  }
0xd1: {  	v2 =	vld [tilespmem:s31+$0xFFFFFCA0]  }
0xd2: {  	v3 =	vld [tilespmem:s31+$0xFFFFFD20]  }
0xd3: {  	v4 =	vld [tilespmem:s31+$0xFFFFFDA0]  }
0xd4: {  	v5 =	vld [tilespmem:s31+$0xFFFFFE20]  }
0xd5: {  	v6 =	vld [tilespmem:s31+$0xFFFFFEA0]  }
0xd6: {  	v17 =	vld [tilespmem:s31+$0xFFFFFF20]  }
0xd7: {  	v61 =	vld [tilespmem:s31+$0xFFFFFFA0];
	v0 =	vsub.f32 v0, v40  }
0xd8: {  	v2 =	vsub.f32 v2, v36  }
0xd9: {  	v3 =	vsub.f32 v3, v33;
	v4 =	vsub.f32 v4, v32;
	v0 =	vmul.f32 v0, v43  }
0xda: {  	v5 =	vsub.f32 v5, v31;
	v6 =	vsub.f32 v6, v30;
	v2 =	vmul.f32 v2, v42  }
0xdb: {  	v17 =	vsub.f32 v17, v29;
	v3 =	vmul.f32 v3, v41;
	v0 =	vmul.f32 v0, v20  }
0xdc: {  	v44 =	vsub.f32 v61, v28;
	v4 =	vmul.f32 v4, v37;
	v2 =	vmul.f32 v2, v20  }
0xdd: {  	v5 =	vmul.f32 v5, v38;
	v3 =	vmul.f32 v3, v20;
	v0 =	vadd.f32 v0, v24  }
0xde: {  	v6 =	vmul.f32 v6, v39;
	v4 =	vmul.f32 v4, v20;
	v2 =	vadd.f32 v2, v24  }
0xdf: {  	v17 =	vmul.f32 v17, v34;
	v5 =	vmul.f32 v5, v20;
	v3 =	vadd.f32 v3, v24;
	[tilespmem:s0+$0xFFFFFE20] =	vst v0  }
0xe0: {  	v0 =	vadd.f32 v4, v24;
	v4 =	vmul.f32 v6, v20;
	v6 =	vmul.f32 v44, v35;
	[tilespmem:s0+$0xFFFFFE60] =	vst v2  }
0xe1: {  	v2 =	vadd.f32 v5, v24;
	v5 =	vmul.f32 v17, v20;
	[tilespmem:s0+$0xFFFFFEA0] =	vst v3  }
0xe2: {  	v3 =	vadd.f32 v4, v24;
	v4 =	vmul.f32 v6, v20;
	[tilespmem:s0+$0xFFFFFEE0] =	vst v0  }
0xe3: {  	v0 =	vadd.f32 v5, v24;
	[tilespmem:s0+$0xFFFFFF20] =	vst v2  }
0xe4: {  	v2 =	vadd.f32 v4, v24;
	[tilespmem:s0+$0xFFFFFF60] =	vst v3  }
0xe5: {  	[tilespmem:s0+$0xFFFFFFA0] =	vst v0  }
0xe6: {  	[tilespmem:s0+$0xFFFFFFE0] =	vst v2  }
0xe7: {  	v0 =	vld [tilespmem:s31+$0xFFFFFC30]  }
0xe8: {  	v2 =	vld [tilespmem:s31+$0xFFFFFCB0]  }
0xe9: {  	v3 =	vld [tilespmem:s31+$0xFFFFFD30]  }
0xea: {  	v4 =	vld [tilespmem:s31+$0xFFFFFDB0]  }
0xeb: {  	v5 =	vld [tilespmem:s31+$0xFFFFFE30]  }
0xec: {  	v6 =	vld [tilespmem:s31+$0xFFFFFEB0]  }
0xed: {  	v17 =	vld [tilespmem:s31+$0xFFFFFF30]  }
0xee: {  	v62 =	vld [tilespmem:s31+$0xFFFFFFB0];
	v0 =	vsub.f32 v0, v40  }
0xef: {  	v2 =	vsub.f32 v2, v36  }
0xf0: {  	v3 =	vsub.f32 v3, v33;
	v4 =	vsub.f32 v4, v32;
	v0 =	vmul.f32 v0, v43  }
0xf1: {  	v5 =	vsub.f32 v5, v31;
	v6 =	vsub.f32 v6, v30;
	v2 =	vmul.f32 v2, v42  }
0xf2: {  	v17 =	vsub.f32 v17, v29;
	v3 =	vmul.f32 v3, v41;
	v0 =	vmul.f32 v0, v21  }
0xf3: {  	v28 =	vsub.f32 v62, v28;
	v4 =	vmul.f32 v4, v37;
	v2 =	vmul.f32 v2, v21  }
0xf4: {  	v5 =	vmul.f32 v5, v38;
	v3 =	vmul.f32 v3, v21;
	v0 =	vadd.f32 v0, v25  }
0xf5: {  	v6 =	vmul.f32 v6, v39;
	v4 =	vmul.f32 v4, v21;
	v2 =	vadd.f32 v2, v25  }
0xf6: {  	v17 =	vmul.f32 v17, v34;
	v5 =	vmul.f32 v5, v21;
	v3 =	vadd.f32 v3, v25;
	[tilespmem:s0+$0xFFFFFE30] =	vst v0  }
0xf7: {  	v0 =	vadd.f32 v4, v25;
	v4 =	vmul.f32 v6, v21;
	v6 =	vmul.f32 v28, v35;
	[tilespmem:s0+$0xFFFFFE70] =	vst v2  }
0xf8: {  	v2 =	vadd.f32 v5, v25;
	v5 =	vmul.f32 v17, v21;
	[tilespmem:s0+$0xFFFFFEB0] =	vst v3  }
0xf9: {  	v3 =	vadd.f32 v4, v25;
	v4 =	vmul.f32 v6, v21;
	[tilespmem:s0+$0xFFFFFEF0] =	vst v0  }
0xfa: {  	v0 =	vadd.f32 v5, v25;
	[tilespmem:s0+$0xFFFFFF30] =	vst v2  }
0xfb: {  	v2 =	vadd.f32 v4, v25;
	[tilespmem:s0+$0xFFFFFF70] =	vst v3  }
0xfc: {  	[tilespmem:s0+$0xFFFFFFB0] =	vst v0  }
0xfd: {  	[tilespmem:s0+$0xFFFFFFF0] =	vst v2  }
0xfe: {  	v0 =	vld [tilespmem:s31+$0x0]  }
0xff: {  	v63 =	vperm.xlane v27, v10;
	v50 =	vperm.xlane v27, v13;
	v2 =	vld [tilespmem:s31+$0x80]  }
0x100: {  	v51 =	vperm.xlane v27, v14;
	v52 =	vperm.xlane v27, v15;
	v3 =	vld [tilespmem:s31+$0x100]  }
0x101: {  	v53 =	vperm.xlane v26, v9;
	v54 =	vperm.xlane v26, v10;
	v4 =	vld [tilespmem:s31+$0x180]  }
0x102: {  	v55 =	vperm.xlane v26, v11;
	v56 =	vperm.xlane v26, v12;
	v5 =	vld [tilespmem:s31+$0x200]  }
0x103: {  	v57 =	vperm.xlane v26, v13;
	v38 =	vperm.xlane v27, v9;
	v6 =	vld [tilespmem:s31+$0x280]  }
0x104: {  	v58 =	vperm.xlane v26, v14;
	v59 =	vperm.xlane v26, v15;
	v17 =	vld [tilespmem:s31+$0x300]  }
0x105: {  	v32 =	vperm.xlane v27, v11;
	v31 =	vperm.xlane v27, v12;
	v60 =	vld [tilespmem:s31+$0x380];
	v0 =	vsub.f32 v0, v38  }
0x106: {  	v26 =	vperm.xlane v26, v16;
	v27 =	vperm.xlane v27, v16;
	v2 =	vsub.f32 v2, v63  }
0x107: {  	v3 =	vsub.f32 v3, v32;
	v4 =	vsub.f32 v4, v31;
	v0 =	vmul.f32 v0, v53  }
0x108: {  	v5 =	vsub.f32 v5, v50;
	v6 =	vsub.f32 v6, v51;
	v2 =	vmul.f32 v2, v54  }
0x109: {  	v17 =	vsub.f32 v17, v52;
	v3 =	vmul.f32 v3, v55;
	v0 =	vmul.f32 v0, v18  }
0x10a: {  	v42 =	vsub.f32 v60, v27;
	v4 =	vmul.f32 v4, v56;
	v2 =	vmul.f32 v2, v18  }
0x10b: {  	v5 =	vmul.f32 v5, v57;
	v3 =	vmul.f32 v3, v18;
	v0 =	vadd.f32 v0, v22  }
0x10c: {  	v6 =	vmul.f32 v6, v58;
	v4 =	vmul.f32 v4, v18;
	v2 =	vadd.f32 v2, v22  }
0x10d: {  	v17 =	vmul.f32 v17, v59;
	v5 =	vmul.f32 v5, v18;
	v3 =	vadd.f32 v3, v22;
	[tilespmem:s0+$0x0] =	vst v0  }
0x10e: {  	v0 =	vadd.f32 v4, v22;
	v4 =	vmul.f32 v6, v18;
	v6 =	vmul.f32 v42, v26;
	[tilespmem:s0+$0x40] =	vst v2  }
0x10f: {  	v2 =	vadd.f32 v5, v22;
	v5 =	vmul.f32 v17, v18;
	[tilespmem:s0+$0x80] =	vst v3  }
0x110: {  	v3 =	vadd.f32 v4, v22;
	v4 =	vmul.f32 v6, v18;
	[tilespmem:s0+$0xC0] =	vst v0  }
0x111: {  	v0 =	vadd.f32 v5, v22;
	[tilespmem:s0+$0x100] =	vst v2  }
0x112: {  	v2 =	vadd.f32 v4, v22;
	[tilespmem:s0+$0x140] =	vst v3  }
0x113: {  	[tilespmem:s0+$0x180] =	vst v0  }
0x114: {  	[tilespmem:s0+$0x1C0] =	vst v2  }
0x115: {  	v0 =	vld [tilespmem:s31+$0x10]  }
0x116: {  	v2 =	vld [tilespmem:s31+$0x90]  }
0x117: {  	v3 =	vld [tilespmem:s31+$0x110]  }
0x118: {  	v4 =	vld [tilespmem:s31+$0x190]  }
0x119: {  	v5 =	vld [tilespmem:s31+$0x210]  }
0x11a: {  	v6 =	vld [tilespmem:s31+$0x290]  }
0x11b: {  	v17 =	vld [tilespmem:s31+$0x310]  }
0x11c: {  	v61 =	vld [tilespmem:s31+$0x390];
	v0 =	vsub.f32 v0, v38  }
0x11d: {  	v2 =	vsub.f32 v2, v63  }
0x11e: {  	v3 =	vsub.f32 v3, v32;
	v4 =	vsub.f32 v4, v31;
	v0 =	vmul.f32 v0, v53  }
0x11f: {  	v5 =	vsub.f32 v5, v50;
	v6 =	vsub.f32 v6, v51;
	v2 =	vmul.f32 v2, v54  }
0x120: {  	v17 =	vsub.f32 v17, v52;
	v3 =	vmul.f32 v3, v55;
	v0 =	vmul.f32 v0, v19  }
0x121: {  	v42 =	vsub.f32 v61, v27;
	v4 =	vmul.f32 v4, v56;
	v2 =	vmul.f32 v2, v19  }
0x122: {  	v5 =	vmul.f32 v5, v57;
	v3 =	vmul.f32 v3, v19;
	v0 =	vadd.f32 v0, v23  }
0x123: {  	v6 =	vmul.f32 v6, v58;
	v4 =	vmul.f32 v4, v19;
	v2 =	vadd.f32 v2, v23  }
0x124: {  	v17 =	vmul.f32 v17, v59;
	v5 =	vmul.f32 v5, v19;
	v3 =	vadd.f32 v3, v23;
	[tilespmem:s0+$0x10] =	vst v0  }
0x125: {  	v0 =	vadd.f32 v4, v23;
	v4 =	vmul.f32 v6, v19;
	v6 =	vmul.f32 v42, v26;
	[tilespmem:s0+$0x50] =	vst v2  }
0x126: {  	v2 =	vadd.f32 v5, v23;
	v5 =	vmul.f32 v17, v19;
	[tilespmem:s0+$0x90] =	vst v3  }
0x127: {  	v3 =	vadd.f32 v4, v23;
	v4 =	vmul.f32 v6, v19;
	[tilespmem:s0+$0xD0] =	vst v0  }
0x128: {  	v0 =	vadd.f32 v5, v23;
	[tilespmem:s0+$0x110] =	vst v2  }
0x129: {  	v2 =	vadd.f32 v4, v23;
	[tilespmem:s0+$0x150] =	vst v3  }
0x12a: {  	[tilespmem:s0+$0x190] =	vst v0  }
0x12b: {  	[tilespmem:s0+$0x1D0] =	vst v2  }
0x12c: {  	v0 =	vld [tilespmem:s31+$0x20]  }
0x12d: {  	v2 =	vld [tilespmem:s31+$0xA0]  }
0x12e: {  	v3 =	vld [tilespmem:s31+$0x120]  }
0x12f: {  	v4 =	vld [tilespmem:s31+$0x1A0]  }
0x130: {  	v5 =	vld [tilespmem:s31+$0x220]  }
0x131: {  	v6 =	vld [tilespmem:s31+$0x2A0]  }
0x132: {  	v17 =	vld [tilespmem:s31+$0x320]  }
0x133: {  	v62 =	vld [tilespmem:s31+$0x3A0];
	v0 =	vsub.f32 v0, v38  }
0x134: {  	v2 =	vsub.f32 v2, v63  }
0x135: {  	v3 =	vsub.f32 v3, v32;
	v4 =	vsub.f32 v4, v31;
	v0 =	vmul.f32 v0, v53  }
0x136: {  	v5 =	vsub.f32 v5, v50;
	v6 =	vsub.f32 v6, v51;
	v2 =	vmul.f32 v2, v54  }
0x137: {  	v17 =	vsub.f32 v17, v52;
	v3 =	vmul.f32 v3, v55;
	v0 =	vmul.f32 v0, v20  }
0x138: {  	v42 =	vsub.f32 v62, v27;
	v4 =	vmul.f32 v4, v56;
	v2 =	vmul.f32 v2, v20  }
0x139: {  	v5 =	vmul.f32 v5, v57;
	v3 =	vmul.f32 v3, v20;
	v0 =	vadd.f32 v0, v24  }
0x13a: {  	v6 =	vmul.f32 v6, v58;
	v4 =	vmul.f32 v4, v20;
	v2 =	vadd.f32 v2, v24  }
0x13b: {  	v17 =	vmul.f32 v17, v59;
	v5 =	vmul.f32 v5, v20;
	v3 =	vadd.f32 v3, v24;
	[tilespmem:s0+$0x20] =	vst v0  }
0x13c: {  	v0 =	vadd.f32 v4, v24;
	v4 =	vmul.f32 v6, v20;
	v6 =	vmul.f32 v42, v26;
	[tilespmem:s0+$0x60] =	vst v2  }
0x13d: {  	v2 =	vadd.f32 v5, v24;
	v5 =	vmul.f32 v17, v20;
	[tilespmem:s0+$0xA0] =	vst v3  }
0x13e: {  	v3 =	vadd.f32 v4, v24;
	v4 =	vmul.f32 v6, v20;
	[tilespmem:s0+$0xE0] =	vst v0  }
0x13f: {  	v0 =	vadd.f32 v5, v24;
	[tilespmem:s0+$0x120] =	vst v2  }
0x140: {  	v2 =	vadd.f32 v4, v24;
	[tilespmem:s0+$0x160] =	vst v3  }
0x141: {  	[tilespmem:s0+$0x1A0] =	vst v0  }
0x142: {  	[tilespmem:s0+$0x1E0] =	vst v2  }
0x143: {  	v0 =	vld [tilespmem:s31+$0x30]  }
0x144: {  	v2 =	vld [tilespmem:s31+$0xB0]  }
0x145: {  	v3 =	vld [tilespmem:s31+$0x130]  }
0x146: {  	v4 =	vld [tilespmem:s31+$0x1B0]  }
0x147: {  	v5 =	vld [tilespmem:s31+$0x230]  }
0x148: {  	v6 =	vld [tilespmem:s31+$0x2B0]  }
0x149: {  	v17 =	vld [tilespmem:s31+$0x330];
	v0 =	vsub.f32 v0, v38  }
0x14a: {  	v2 =	vsub.f32 v2, v63;
	v3 =	vsub.f32 v3, v32  }
0x14b: {  	v63 =	vld [tilespmem:s31+$0x3B0];
	v4 =	vsub.f32 v4, v31;
	v0 =	vmul.f32 v0, v53  }
0x14c: {  	v5 =	vsub.f32 v5, v50;
	v2 =	vmul.f32 v2, v54;
	v3 =	vmul.f32 v3, v55  }
0x14d: {  	v6 =	vsub.f32 v6, v51;
	v4 =	vmul.f32 v4, v56;
	v0 =	vmul.f32 v0, v21  }
0x14e: {  	v17 =	vsub.f32 v17, v52;
	v5 =	vmul.f32 v5, v57;
	v2 =	vmul.f32 v2, v21  }
0x14f: {  	v6 =	vmul.f32 v6, v58;
	v3 =	vmul.f32 v3, v21;
	v0 =	vadd.f32 v0, v25  }
0x150: {  	v4 =	vmul.f32 v4, v21;
	v27 =	vsub.f32 v63, v27;
	v2 =	vadd.f32 v2, v25  }
0x151: {  	v17 =	vmul.f32 v17, v59;
	v5 =	vmul.f32 v5, v21;
	v3 =	vadd.f32 v3, v25;
	[tilespmem:s0+$0x30] =	vst v0  }
0x152: {  	v0 =	vadd.f32 v4, v25;
	v4 =	vmul.f32 v6, v21;
	v6 =	vmul.f32 v27, v26;
	[tilespmem:s0+$0x70] =	vst v2  }
0x153: {  	p0 =	sne.s32 s30, $0x3C0;
	v2 =	vadd.f32 v5, v25;
	v5 =	vmul.f32 v17, v21;
	[tilespmem:s0+$0xB0] =	vst v3  }
.Ltmp2:
0x154: {  	v3 =	vadd.f32 v4, v25;
	v4 =	vmul.f32 v6, v21;
	[tilespmem:s0+$0xF0] =	vst v0;
	(pc) =	sbr.rel @p0 .LBB2_7-.Ltmp2, $4  }
0x155: {  	v0 =	vadd.f32 v5, v25;
	[tilespmem:s0+$0x130] =	vst v2  }
0x156: {  	v2 =	vadd.f32 v4, v25;
	[tilespmem:s0+$0x170] =	vst v3  }
0x157: {  	[tilespmem:s0+$0x1B0] =	vst v0  }
0x158: {  	s30 =	sadd.s32 $0x40, s30;
	s31 =	sadd.s32 $0x800, s31;
	[tilespmem:s0+$0x1F0] =	vst v2;
	s0 =	sadd.s32 $0x400, s0  }
0x159: {  	s0 =	sshll.u32 s26, $0x10  }
0x15a: {  	s0 =	sadd.s32 s9, s0  }
0x15b: {  	s0 =	sshrl.u32 s0, $0x3  }
0x15c: {  	p0 =	seq.s32 s26, $0x31;
	s0 =	sadd.s32 s7, s0  }
0x15d: {  	[hbm4b:s0+s21] =	stream.strided.scatter [tilespmem:s22], [sflag:$0x3], $0x4000, s15, s21, $0x38;
	[tilespmem:$0x1D8C0] =	vst v63  }
0x15e: {  	s0 =	sshll.u32 @!p0 s26, $0x9;
	_ =	swait.ge [sflag:s23], $0x8000  }
0x15f: {  	s30 =	simm.s32 @!p0 $0x80;
	s0 =	sand.u32 @!p0 $0x3FFFFE00, s0;
	[sflag:s23] =	ssyncset.done $0x0  }
0x160: {  	s31 =	simm.s32 @!p0 $0x6400;
	s1 =	sadd.s32 @!p0 $0x200, s0;
	[sflag:s23] =	ssyncadd.s32 $0xFFFF8000  }
0x161: {  	[tilespmem:s31], [sflag:$0x1] =	stream.indirect.gather @!p0 [hbm4b:s5+s30], $0x80, s1, s30, $0xb8;
	[tilespmem:$0x1D8C0] =	vst v63  }
0x162: {  	s0 =	sadd.s32 @!p0 $0x280, s0;
	s1 =	simm.s32 @!p0 $0xA400  }
0x163: {  	v0 =	vlaneseq.u32;
	[tilespmem:s1], [sflag:$0x1] =	stream.indirect.gather @!p0 [hbm4b:s5+s30], $0x80, s0, s30, $0xb8;
	[tilespmem:$0x1D8C0] =	vst v63  }
0x164: {  	v18 =	vor.u32 s29, v0;
	s0 =	simm.s32 $0x0  }
.LBB2_9:
0x165: {  	v2 =	vld [tilespmem:$0x1FFF0]  }
0x166: {  	s29 =	sshll.u32 s0, $0x4  }
0x167: {  	v0 =	vor.u32 s29, v18;
	_ =	sdelay $0x2  }
0x168: {  	v2 =	vadd.s32 v2, v0  }
0x169: {  	v3 =	vmulhi.u32 $0x51EB851F, v2  }
0x16a: {  	v0 =	vld.idx.msk [tilespmem:v0+s4+$0x0], $0xffff  }
0x16b: {  	v3 =	vshrl.u32 v3, $0x6  }
0x16c: {  	v3 =	vmul.u32 $0xC8, v3;
	_ =	sdelay $0x1  }
0x16d: {  	v4 =	vmov s29;
	v2 =	vsub.s32 v2, v3  }
0x16e: {  	v3 =	vlaneseq.u32;
	vm0 =	veq.s32 v0, $0x0;
	v0 =	vshll.u32 v2, $0x6  }
0x16f: {  	v2 =	vmul.u32 $0x80, v3;
	v5 =	vadd.s32 $0x1, v3;
	v0 =	vadd.s32 $0x40, v0  }
0x170: {  	v4 =	vshll.u32 v4, $0x7;
	v25 =	vsel vm0, $0x0, v0;
	v0 =	vand.u32 $0x3F, v5  }
0x171: {  	v24 =	vimm.f32 $0.0e+00;
	v26 =	vor.u32 v2, v4;
	v2 =	vor.u32 v25, v0  }
0x172: {  	v44 =	vimm.f32 $0.0e+00;
	v43 =	vimm.f32 $0.0e+00;
	v19 =	vor.u32 v26, v0  }
0x173: {  	v42 =	vimm.f32 $0.0e+00;
	v4 =	vadd.s32 $0x2, v3;
	v28 =	vor.u32 v25, v3  }
0x174: {  	v35 =	vimm.f32 $0.0e+00;
	v0 =	vand.u32 $0x3F, v4;
	v45 =	vor.u32 v26, v3  }
0x175: {  	v36 =	vimm.f32 $0.0e+00;
	v5 =	vadd.s32 $0x7, v3;
	v6 =	vor.u32 v25, v0  }
0x176: {  	v4 =	vadd.s32 $0x3, v3;
	v5 =	vand.u32 $0x3F, v5;
	v21 =	vor.u32 v26, v0;
	v2 =	vld.idx.msk [tilespmem:v2+s12+$0x0], $0xffff  }
0x177: {  	v37 =	vimm.f32 $0.0e+00;
	v4 =	vand.u32 $0x3F, v4;
	v27 =	vor.u32 v25, v5;
	v29 =	vld.idx.msk [tilespmem:v19+s19+$0x0], $0xffff  }
0x178: {  	v0 =	vadd.s32 $0x5, v3;
	v20 =	vor.u32 v26, v4;
	v4 =	vor.u32 v25, v4;
	v53 =	vld.idx.msk [tilespmem:v28+s12+$0x0], $0xffff  }
0x179: {  	v32 =	vimm.f32 $0.0e+00;
	v22 =	vadd.s32 $0x6, v3;
	v0 =	vand.u32 $0x3F, v0;
	v55 =	vld.idx.msk [tilespmem:v45+s19+$0x0], $0xffff  }
0x17a: {  	v33 =	vimm.f32 $0.0e+00;
	v31 =	vand.u32 $0x3F, v22;
	v30 =	vor.u32 v25, v0;
	v49 =	vld.idx.msk [tilespmem:v6+s12+$0x0], $0xffff  }
0x17b: {  	v38 =	vimm.f32 $0.0e+00;
	v17 =	vadd.s32 $0x4, v3;
	v6 =	vor.u32 v25, v31;
	v50 =	vld.idx.msk [tilespmem:v21+s19+$0x0], $0xffff  }
0x17c: {  	v39 =	vimm.f32 $0.0e+00;
	v17 =	vand.u32 $0x3F, v17;
	v48 =	vld.idx.msk [tilespmem:v27+s12+$0x0], $0xffff;
	v27 =	vor.u32 v26, v0  }
0x17d: {  	v34 =	vimm.f32 $0.0e+00;
	v40 =	vimm.f32 $0.0e+00;
	v41 =	vor.u32 v25, v17;
	v54 =	vld.idx.msk [tilespmem:v4+s12+$0x0], $0xffff  }
0x17e: {  	v22 =	vor.u32 v26, v17;
	v23 =	vor.u32 v26, v5;
	v0 =	vadd.s32 $0x8, v3;
	v56 =	vld.idx.msk [tilespmem:v20+s19+$0x0], $0xffff  }
0x17f: {  	v28 =	vor.u32 v26, v31;
	v31 =	vimm.f32 $0.0e+00;
	v46 =	vand.u32 $0x3F, v0;
	v51 =	vld.idx.msk [tilespmem:v30+s12+$0x0], $0xffff  }
0x180: {  	s30 =	simm.s32 $0x7;
	v30 =	vimm.f32 $0.0e+00;
	v47 =	vadd.f32 v2, v29;
	v29 =	vimm.f32 $0.0e+00;
	v52 =	vld.idx.msk [tilespmem:v6+s12+$0x0], $0xffff  }
.LBB2_10:
0x181: {  	v0 =	vadd.s32 $0x3, v46;
	v2 =	vadd.s32 $0x4, v46;
	v3 =	vadd.s32 $0x5, v46;
	p0 =	sne.s32 s30, $0x1;
	s30 =	sadd.s32 $0xFFFFFFFF, s30;
	v4 =	vld.idx.msk [tilespmem:v27+s19+$0x0], $0xffff  }
0x182: {  	v0 =	vand.u32 $0x3F, v0;
	v2 =	vand.u32 $0x3F, v2;
	v5 =	vld.idx.msk [tilespmem:v41+s12+$0x0], $0xffff;
	v6 =	vmul.f32 v47, v47  }
0x183: {  	v24 =	vadd.f32 v47, v24;
	v17 =	vor.u32 v26, v0;
	v41 =	vor.u32 v25, v2;
	v57 =	vld.idx.msk [tilespmem:v22+s19+$0x0], $0xffff  }
0x184: {  	v58 =	vor.u32 v25, v46;
	v2 =	vor.u32 v26, v2;
	v0 =	vor.u32 v25, v0;
	v59 =	vld.idx.msk [tilespmem:v28+s19+$0x0], $0xffff  }
0x185: {  	v60 =	vadd.s32 $0x6, v46;
	v61 =	vadd.s32 $0x7, v46;
	v53 =	vadd.f32 v53, v55;
	v62 =	vld.idx.msk [tilespmem:v23+s19+$0x0], $0xffff  }
0x186: {  	v60 =	vand.u32 $0x3F, v60;
	v55 =	vand.u32 $0x3F, v61;
	v54 =	vadd.f32 v54, v56  }
0x187: {  	v63 =	vadd.f32 v49, v50;
	v56 =	vadd.s32 $0x1, v46;
	v61 =	vor.u32 v25, v55;
	[tilespmem:v45+s19+$0x0] =	vst.idx.msk $0xffff, v53  }
0x188: {  	v49 =	vand.u32 $0x3F, v56;
	v45 =	vadd.s32 $0x2, v46;
	v44 =	vadd.f32 v54, v44;
	[tilespmem:v19+s19+$0x0] =	vst.idx.msk $0xffff, v47  }
0x189: {  	v4 =	vadd.f32 v51, v4;
	v19 =	vor.u32 v26, v49;
	v47 =	vor.u32 v25, v49  }
0x18a: {  	v3 =	vand.u32 $0x3F, v3;
	v45 =	vand.u32 $0x3F, v45;
	v5 =	vadd.f32 v5, v57;
	[tilespmem:v21+s19+$0x0] =	vst.idx.msk $0xffff, v63  }
0x18b: {  	v49 =	vor.u32 v25, v45;
	v51 =	vadd.f32 v52, v59;
	v48 =	vadd.f32 v48, v62  }
0x18c: {  	v43 =	vadd.f32 v4, v43;
	v52 =	vor.u32 v25, v60;
	[tilespmem:v20+s19+$0x0] =	vst.idx.msk $0xffff, v54;
	v20 =	vmov v17  }
0x18d: {  	v21 =	vor.u32 v26, v45;
	v42 =	vadd.f32 v5, v42;
	[tilespmem:v22+s19+$0x0] =	vst.idx.msk $0xffff, v5;
	v22 =	vmov v2  }
0x18e: {  	v2 =	vmul.f32 v4, v4;
	[tilespmem:v27+s19+$0x0] =	vst.idx.msk $0xffff, v4;
	v4 =	vmul.f32 v48, v48  }
0x18f: {  	v35 =	vadd.f32 v48, v35;
	v5 =	vmul.f32 v5, v5;
	[tilespmem:v28+s19+$0x0] =	vst.idx.msk $0xffff, v51  }
0x190: {  	v17 =	vor.u32 v25, v3;
	v27 =	vmul.f32 v54, v54;
	[tilespmem:v23+s19+$0x0] =	vst.idx.msk $0xffff, v48  }
0x191: {  	v28 =	vmul.f32 v63, v63;
	v36 =	vadd.f32 v5, v36;
	v31 =	vadd.f32 v2, v31;
	v49 =	vld.idx.msk [tilespmem:v49+s12+$0x0], $0xffff  }
0x192: {  	v23 =	vor.u32 v26, v55;
	v37 =	vadd.f32 v27, v37;
	v32 =	vadd.f32 v4, v32;
	v50 =	vld.idx.msk [tilespmem:v21+s19+$0x0], $0xffff  }
0x193: {  	v33 =	vadd.f32 v63, v33;
	v4 =	vmul.f32 v51, v51;
	v38 =	vadd.f32 v28, v38;
	v2 =	vld.idx.msk [tilespmem:v47+s12+$0x0], $0xffff  }
0x194: {  	v39 =	vadd.f32 v53, v39;
	v34 =	vadd.f32 v51, v34;
	v5 =	vmul.f32 v53, v53;
	v48 =	vld.idx.msk [tilespmem:v61+s12+$0x0], $0xffff  }
0x195: {  	v40 =	vadd.f32 v6, v40;
	v45 =	vor.u32 v26, v46;
	v29 =	vadd.f32 v4, v29;
	v47 =	vld.idx.msk [tilespmem:v19+s19+$0x0], $0xffff  }
0x196: {  	v30 =	vadd.f32 v5, v30;
	v53 =	vld.idx.msk [tilespmem:v58+s12+$0x0], $0xffff  }
.Ltmp3:
0x197: {  	v27 =	vor.u32 v26, v3;
	v51 =	vld.idx.msk [tilespmem:v17+s12+$0x0], $0xffff;
	(pc) =	sbr.rel @p0 .LBB2_10-.Ltmp3, $4  }
0x198: {  	v54 =	vld.idx.msk [tilespmem:v0+s12+$0x0], $0xffff  }
0x199: {  	v52 =	vld.idx.msk [tilespmem:v52+s12+$0x0], $0xffff  }
0x19a: {  	v28 =	vor.u32 v26, v60;
	v0 =	vadd.s32 $0x8, v46;
	v55 =	vld.idx.msk [tilespmem:v45+s19+$0x0], $0xffff  }
0x19b: {  	v46 =	vand.u32 $0x3F, v0;
	v47 =	vadd.f32 v2, v47;
	v56 =	vld.idx.msk [tilespmem:v20+s19+$0x0], $0xffff  }
0x19c: {  	_ =	sdelay $0x3  }
0x19d: {  	v0 =	vld.idx.msk [tilespmem:v27+s19+$0x0], $0xffff  }
0x19e: {  	v2 =	vld.idx.msk [tilespmem:v41+s12+$0x0], $0xffff  }
0x19f: {  	v3 =	vld.idx.msk [tilespmem:v22+s19+$0x0], $0xffff  }
0x1a0: {  	v4 =	vld.idx.msk [tilespmem:v28+s19+$0x0], $0xffff  }
0x1a1: {  	v5 =	vld.idx.msk [tilespmem:v23+s19+$0x0], $0xffff;
	v25 =	vadd.f32 v49, v50;
	_ =	sdelay $0x1  }
0x1a2: {  	v6 =	vadd.f32 v47, v24;
	v33 =	vadd.f32 v25, v33  }
0x1a3: {  	v17 =	vadd.f32 v53, v55;
	v24 =	vadd.f32 v54, v56  }
0x1a4: {  	v53 =	vmul.f32 v25, v25;
	v0 =	vadd.f32 v51, v0;
	v2 =	vadd.f32 v2, v3  }
0x1a5: {  	v54 =	vmul.f32 v47, v47;
	v4 =	vadd.f32 v52, v4;
	v5 =	vadd.f32 v48, v5  }
0x1a6: {  	v38 =	vadd.f32 v53, v38;
	v39 =	vadd.f32 v17, v39  }
0x1a7: {  	v56 =	vmul.f32 v17, v17;
	v3 =	vadd.f32 v24, v44;
	v40 =	vadd.f32 v54, v40  }
0x1a8: {  	v52 =	vmul.f32 v24, v24;
	v26 =	vadd.f32 v0, v43;
	v42 =	vadd.f32 v2, v42  }
0x1a9: {  	v50 =	vmul.f32 v2, v2;
	v35 =	vadd.f32 v5, v35;
	v34 =	vadd.f32 v4, v34  }
0x1aa: {  	v51 =	vmul.f32 v0, v0;
	v6 =	vadd.f32 v6, v39;
	v30 =	vadd.f32 v56, v30  }
0x1ab: {  	v46 =	vmul.f32 v5, v5;
	v37 =	vadd.f32 v52, v37;
	v3 =	vadd.f32 v3, v33  }
0x1ac: {  	v55 =	vmul.f32 v4, v4;
	v36 =	vadd.f32 v50, v36;
	v31 =	vadd.f32 v51, v31  }
0x1ad: {  	v32 =	vadd.f32 v46, v32;
	v26 =	vadd.f32 v26, v42  }
0x1ae: {  	v57 =	vadd.f32 v35, v34;
	v29 =	vadd.f32 v55, v29  }
0x1af: {  	v58 =	vadd.f32 v40, v30;
	v3 =	vadd.f32 v3, v6  }
0x1b0: {  	v59 =	vadd.f32 v37, v38;
	v6 =	vadd.f32 v57, v26  }
0x1b1: {  	v31 =	vadd.f32 v31, v36;
	v29 =	vadd.f32 v32, v29  }
0x1b2: {  	v3 =	vadd.f32 v6, v3  }
0x1b3: {  	v6 =	vadd.f32 v59, v58;
	v60 =	vadd.f32 v29, v31;
	_ =	sdelay $0x1  }
0x1b4: {  	v6 =	vadd.f32 v60, v6;
	v3 =	vmul.f32 $1.562500000e-02, v3;
	_ =	sdelay $0x1  }
0x1b5: {  	v6 =	vmul.f32 $1.562500000e-02, v6;
	v61 =	vmul.f32 v3, v3;
	_ =	sdelay $0x1  }
0x1b6: {  	v6 =	vsub.f32 v6, v61;
	_ =	sdelay $0x1  }
0x1b7: {  	v6 =	vadd.f32 $9.999999960e-13, v6;
	_ =	sdelay $0x1  }
0x1b8: {  	v62 =	vshra.s32 v6, $0x1;
	v6 =	vmul.f32 $5.000000000e-01, v6  }
0x1b9: {  	v26 =	vsub.s32 $0x5F3759DF, v62  }
0x1ba: {  	v63 =	vmul.f32 v26, v6;
	_ =	sdelay $0x1  }
0x1bb: {  	v29 =	vmul.f32 v26, v63;
	_ =	sdelay $0x1  }
0x1bc: {  	v29 =	vsub.f32 $1.500000000e+00, v29;
	_ =	sdelay $0x1  }
0x1bd: {  	v26 =	vmul.f32 v26, v29  }
0x1be: {  	[tilespmem:v45+s19+$0x0] =	vst.idx.msk $0xffff, v17  }
0x1bf: {  	[tilespmem:v19+s19+$0x0] =	vst.idx.msk $0xffff, v47;
	v6 =	vmul.f32 v26, v6  }
0x1c0: {  	[tilespmem:v21+s19+$0x0] =	vst.idx.msk $0xffff, v25  }
0x1c1: {  	s0 =	sadd.s32 $0x1, s0;
	[tilespmem:v20+s19+$0x0] =	vst.idx.msk $0xffff, v24;
	v6 =	vmul.f32 v6, v26  }
0x1c2: {  	p0 =	sne.s32 s0, $0x10;
	[tilespmem:v22+s19+$0x0] =	vst.idx.msk $0xffff, v2  }
.Ltmp4:
0x1c3: {  	[tilespmem:v27+s19+$0x0] =	vst.idx.msk $0xffff, v0;
	v0 =	vsub.f32 $1.500000000e+00, v6;
	(pc) =	sbr.rel @p0 .LBB2_9-.Ltmp4, $4  }
0x1c4: {  	[tilespmem:v28+s19+$0x0] =	vst.idx.msk $0xffff, v4  }
0x1c5: {  	[tilespmem:v23+s19+$0x0] =	vst.idx.msk $0xffff, v5;
	v0 =	vmul.f32 v0, v26  }
0x1c6: {  	[tilespmem:s29+$0x1D6C0] =	vst v3  }
0x1c7: {  	[tilespmem:s29+$0x1D7C0] =	vst v0  }
0x1c8: {  	_ =	swait.ge [sflag:s24], $0x4000  }
0x1c9: {  	[sflag:s24] =	ssyncset.done $0x0  }
0x1ca: {  	[sflag:s24] =	ssyncadd.s32 $0xFFFFC000  }
0x1cb: {  	v18 =	vld [tilespmem:$0x1D640]  }
0x1cc: {  	v19 =	vld [tilespmem:$0x1D650]  }
0x1cd: {  	v20 =	vld [tilespmem:$0x1D660]  }
0x1ce: {  	v21 =	vld [tilespmem:$0x1D670]  }
0x1cf: {  	v22 =	vld [tilespmem:$0x1D680]  }
0x1d0: {  	v23 =	vld [tilespmem:$0x1D690]  }
0x1d1: {  	v45 =	vimm.s32 $0x1;
	v46 =	vimm.s32 $0x2;
	v24 =	vld [tilespmem:$0x1D6A0]  }
0x1d2: {  	s29 =	simm.s32 $0x0;
	s30 =	simm.s32 $0xE800;
	s0 =	simm.s32 $0x16600;
	v47 =	vimm.s32 $0x3;
	v48 =	vimm.s32 $0x4;
	v49 =	vimm.s32 $0x5;
	v25 =	vld [tilespmem:$0x1D6B0]  }
.LBB2_13:
0x1d3: {  	s1 =	sshra.s32 s29, $0x2  }
0x1d4: {  	v27 =	vld [tilespmem:s1+$0x1D6C0];
	_ =	sdelay $0x2  }
0x1d5: {  	v0 =	vld [tilespmem:s30+$0xFFFFFC00]  }
0x1d6: {  	v26 =	vld [tilespmem:s1+$0x1D7C0]  }
0x1d7: {  	v2 =	vld [tilespmem:s30+$0xFFFFFC80];
	v40 =	vperm.xlane v27, v1;
	v36 =	vperm.xlane v27, v45  }
0x1d8: {  	v3 =	vld [tilespmem:s30+$0xFFFFFD00];
	v33 =	vperm.xlane v27, v46;
	v32 =	vperm.xlane v27, v47  }
0x1d9: {  	v4 =	vld [tilespmem:s30+$0xFFFFFD80];
	v31 =	vperm.xlane v27, v48;
	v30 =	vperm.xlane v27, v49  }
0x1da: {  	v5 =	vld [tilespmem:s30+$0xFFFFFE00];
	v29 =	vperm.xlane v27, v7;
	v28 =	vperm.xlane v27, v8  }
0x1db: {  	v6 =	vld [tilespmem:s30+$0xFFFFFE80];
	v43 =	vperm.xlane v26, v1;
	v42 =	vperm.xlane v26, v45  }
0x1dc: {  	v17 =	vld [tilespmem:s30+$0xFFFFFF00];
	v41 =	vperm.xlane v26, v46;
	v37 =	vperm.xlane v26, v47  }
0x1dd: {  	v44 =	vld [tilespmem:s30+$0xFFFFFF80];
	v38 =	vperm.xlane v26, v48;
	v39 =	vperm.xlane v26, v49;
	v0 =	vsub.f32 v0, v40  }
0x1de: {  	v34 =	vperm.xlane v26, v7;
	v35 =	vperm.xlane v26, v8;
	v2 =	vsub.f32 v2, v36  }
0x1df: {  	v3 =	vsub.f32 v3, v33;
	v4 =	vsub.f32 v4, v32;
	v0 =	vmul.f32 v0, v43  }
0x1e0: {  	v5 =	vsub.f32 v5, v31;
	v6 =	vsub.f32 v6, v30;
	v2 =	vmul.f32 v2, v42  }
0x1e1: {  	v17 =	vsub.f32 v17, v29;
	v3 =	vmul.f32 v3, v41;
	v0 =	vmul.f32 v0, v18  }
0x1e2: {  	v44 =	vsub.f32 v44, v28;
	v4 =	vmul.f32 v4, v37;
	v2 =	vmul.f32 v2, v18  }
0x1e3: {  	v5 =	vmul.f32 v5, v38;
	v3 =	vmul.f32 v3, v18;
	v0 =	vadd.f32 v0, v22  }
0x1e4: {  	v6 =	vmul.f32 v6, v39;
	v4 =	vmul.f32 v4, v18;
	v2 =	vadd.f32 v2, v22  }
0x1e5: {  	v17 =	vmul.f32 v17, v34;
	v5 =	vmul.f32 v5, v18;
	v3 =	vadd.f32 v3, v22;
	[tilespmem:s0+$0xFFFFFE00] =	vst v0  }
0x1e6: {  	v0 =	vadd.f32 v4, v22;
	v4 =	vmul.f32 v6, v18;
	v6 =	vmul.f32 v44, v35;
	[tilespmem:s0+$0xFFFFFE40] =	vst v2  }
0x1e7: {  	v2 =	vadd.f32 v5, v22;
	v5 =	vmul.f32 v17, v18;
	[tilespmem:s0+$0xFFFFFE80] =	vst v3  }
0x1e8: {  	v3 =	vadd.f32 v4, v22;
	v4 =	vmul.f32 v6, v18;
	[tilespmem:s0+$0xFFFFFEC0] =	vst v0  }
0x1e9: {  	v0 =	vadd.f32 v5, v22;
	[tilespmem:s0+$0xFFFFFF00] =	vst v2  }
0x1ea: {  	v2 =	vadd.f32 v4, v22;
	[tilespmem:s0+$0xFFFFFF40] =	vst v3  }
0x1eb: {  	[tilespmem:s0+$0xFFFFFF80] =	vst v0  }
0x1ec: {  	[tilespmem:s0+$0xFFFFFFC0] =	vst v2  }
0x1ed: {  	v0 =	vld [tilespmem:s30+$0xFFFFFC10]  }
0x1ee: {  	v2 =	vld [tilespmem:s30+$0xFFFFFC90]  }
0x1ef: {  	v3 =	vld [tilespmem:s30+$0xFFFFFD10]  }
0x1f0: {  	v4 =	vld [tilespmem:s30+$0xFFFFFD90]  }
0x1f1: {  	v5 =	vld [tilespmem:s30+$0xFFFFFE10]  }
0x1f2: {  	v6 =	vld [tilespmem:s30+$0xFFFFFE90]  }
0x1f3: {  	v17 =	vld [tilespmem:s30+$0xFFFFFF10]  }
0x1f4: {  	v60 =	vld [tilespmem:s30+$0xFFFFFF90];
	v0 =	vsub.f32 v0, v40  }
0x1f5: {  	v2 =	vsub.f32 v2, v36  }
0x1f6: {  	v3 =	vsub.f32 v3, v33;
	v4 =	vsub.f32 v4, v32;
	v0 =	vmul.f32 v0, v43  }
0x1f7: {  	v5 =	vsub.f32 v5, v31;
	v6 =	vsub.f32 v6, v30;
	v2 =	vmul.f32 v2, v42  }
0x1f8: {  	v17 =	vsub.f32 v17, v29;
	v3 =	vmul.f32 v3, v41;
	v0 =	vmul.f32 v0, v19  }
0x1f9: {  	v44 =	vsub.f32 v60, v28;
	v4 =	vmul.f32 v4, v37;
	v2 =	vmul.f32 v2, v19  }
0x1fa: {  	v5 =	vmul.f32 v5, v38;
	v3 =	vmul.f32 v3, v19;
	v0 =	vadd.f32 v0, v23  }
0x1fb: {  	v6 =	vmul.f32 v6, v39;
	v4 =	vmul.f32 v4, v19;
	v2 =	vadd.f32 v2, v23  }
0x1fc: {  	v17 =	vmul.f32 v17, v34;
	v5 =	vmul.f32 v5, v19;
	v3 =	vadd.f32 v3, v23;
	[tilespmem:s0+$0xFFFFFE10] =	vst v0  }
0x1fd: {  	v0 =	vadd.f32 v4, v23;
	v4 =	vmul.f32 v6, v19;
	v6 =	vmul.f32 v44, v35;
	[tilespmem:s0+$0xFFFFFE50] =	vst v2  }
0x1fe: {  	v2 =	vadd.f32 v5, v23;
	v5 =	vmul.f32 v17, v19;
	[tilespmem:s0+$0xFFFFFE90] =	vst v3  }
0x1ff: {  	v3 =	vadd.f32 v4, v23;
	v4 =	vmul.f32 v6, v19;
	[tilespmem:s0+$0xFFFFFED0] =	vst v0  }
0x200: {  	v0 =	vadd.f32 v5, v23;
	[tilespmem:s0+$0xFFFFFF10] =	vst v2  }
0x201: {  	v2 =	vadd.f32 v4, v23;
	[tilespmem:s0+$0xFFFFFF50] =	vst v3  }
0x202: {  	[tilespmem:s0+$0xFFFFFF90] =	vst v0  }
0x203: {  	[tilespmem:s0+$0xFFFFFFD0] =	vst v2  }
0x204: {  	v0 =	vld [tilespmem:s30+$0xFFFFFC20]  }
0x205: {  	v2 =	vld [tilespmem:s30+$0xFFFFFCA0]  }
0x206: {  	v3 =	vld [tilespmem:s30+$0xFFFFFD20]  }
0x207: {  	v4 =	vld [tilespmem:s30+$0xFFFFFDA0]  }
0x208: {  	v5 =	vld [tilespmem:s30+$0xFFFFFE20]  }
0x209: {  	v6 =	vld [tilespmem:s30+$0xFFFFFEA0]  }
0x20a: {  	v17 =	vld [tilespmem:s30+$0xFFFFFF20]  }
0x20b: {  	v61 =	vld [tilespmem:s30+$0xFFFFFFA0];
	v0 =	vsub.f32 v0, v40  }
0x20c: {  	v2 =	vsub.f32 v2, v36  }
0x20d: {  	v3 =	vsub.f32 v3, v33;
	v4 =	vsub.f32 v4, v32;
	v0 =	vmul.f32 v0, v43  }
0x20e: {  	v5 =	vsub.f32 v5, v31;
	v6 =	vsub.f32 v6, v30;
	v2 =	vmul.f32 v2, v42  }
0x20f: {  	v17 =	vsub.f32 v17, v29;
	v3 =	vmul.f32 v3, v41;
	v0 =	vmul.f32 v0, v20  }
0x210: {  	v44 =	vsub.f32 v61, v28;
	v4 =	vmul.f32 v4, v37;
	v2 =	vmul.f32 v2, v20  }
0x211: {  	v5 =	vmul.f32 v5, v38;
	v3 =	vmul.f32 v3, v20;
	v0 =	vadd.f32 v0, v24  }
0x212: {  	v6 =	vmul.f32 v6, v39;
	v4 =	vmul.f32 v4, v20;
	v2 =	vadd.f32 v2, v24  }
0x213: {  	v17 =	vmul.f32 v17, v34;
	v5 =	vmul.f32 v5, v20;
	v3 =	vadd.f32 v3, v24;
	[tilespmem:s0+$0xFFFFFE20] =	vst v0  }
0x214: {  	v0 =	vadd.f32 v4, v24;
	v4 =	vmul.f32 v6, v20;
	v6 =	vmul.f32 v44, v35;
	[tilespmem:s0+$0xFFFFFE60] =	vst v2  }
0x215: {  	v2 =	vadd.f32 v5, v24;
	v5 =	vmul.f32 v17, v20;
	[tilespmem:s0+$0xFFFFFEA0] =	vst v3  }
0x216: {  	v3 =	vadd.f32 v4, v24;
	v4 =	vmul.f32 v6, v20;
	[tilespmem:s0+$0xFFFFFEE0] =	vst v0  }
0x217: {  	v0 =	vadd.f32 v5, v24;
	[tilespmem:s0+$0xFFFFFF20] =	vst v2  }
0x218: {  	v2 =	vadd.f32 v4, v24;
	[tilespmem:s0+$0xFFFFFF60] =	vst v3  }
0x219: {  	[tilespmem:s0+$0xFFFFFFA0] =	vst v0  }
0x21a: {  	[tilespmem:s0+$0xFFFFFFE0] =	vst v2  }
0x21b: {  	v0 =	vld [tilespmem:s30+$0xFFFFFC30]  }
0x21c: {  	v2 =	vld [tilespmem:s30+$0xFFFFFCB0]  }
0x21d: {  	v3 =	vld [tilespmem:s30+$0xFFFFFD30]  }
0x21e: {  	v4 =	vld [tilespmem:s30+$0xFFFFFDB0]  }
0x21f: {  	v5 =	vld [tilespmem:s30+$0xFFFFFE30]  }
0x220: {  	v6 =	vld [tilespmem:s30+$0xFFFFFEB0]  }
0x221: {  	v17 =	vld [tilespmem:s30+$0xFFFFFF30]  }
0x222: {  	v62 =	vld [tilespmem:s30+$0xFFFFFFB0];
	v0 =	vsub.f32 v0, v40  }
0x223: {  	v2 =	vsub.f32 v2, v36  }
0x224: {  	v3 =	vsub.f32 v3, v33;
	v4 =	vsub.f32 v4, v32;
	v0 =	vmul.f32 v0, v43  }
0x225: {  	v5 =	vsub.f32 v5, v31;
	v6 =	vsub.f32 v6, v30;
	v2 =	vmul.f32 v2, v42  }
0x226: {  	v17 =	vsub.f32 v17, v29;
	v3 =	vmul.f32 v3, v41;
	v0 =	vmul.f32 v0, v21  }
0x227: {  	v28 =	vsub.f32 v62, v28;
	v4 =	vmul.f32 v4, v37;
	v2 =	vmul.f32 v2, v21  }
0x228: {  	v5 =	vmul.f32 v5, v38;
	v3 =	vmul.f32 v3, v21;
	v0 =	vadd.f32 v0, v25  }
0x229: {  	v6 =	vmul.f32 v6, v39;
	v4 =	vmul.f32 v4, v21;
	v2 =	vadd.f32 v2, v25  }
0x22a: {  	v17 =	vmul.f32 v17, v34;
	v5 =	vmul.f32 v5, v21;
	v3 =	vadd.f32 v3, v25;
	[tilespmem:s0+$0xFFFFFE30] =	vst v0  }
0x22b: {  	v0 =	vadd.f32 v4, v25;
	v4 =	vmul.f32 v6, v21;
	v6 =	vmul.f32 v28, v35;
	[tilespmem:s0+$0xFFFFFE70] =	vst v2  }
0x22c: {  	v2 =	vadd.f32 v5, v25;
	v5 =	vmul.f32 v17, v21;
	[tilespmem:s0+$0xFFFFFEB0] =	vst v3  }
0x22d: {  	v3 =	vadd.f32 v4, v25;
	v4 =	vmul.f32 v6, v21;
	[tilespmem:s0+$0xFFFFFEF0] =	vst v0  }
0x22e: {  	v0 =	vadd.f32 v5, v25;
	[tilespmem:s0+$0xFFFFFF30] =	vst v2  }
0x22f: {  	v2 =	vadd.f32 v4, v25;
	[tilespmem:s0+$0xFFFFFF70] =	vst v3  }
0x230: {  	[tilespmem:s0+$0xFFFFFFB0] =	vst v0  }
0x231: {  	[tilespmem:s0+$0xFFFFFFF0] =	vst v2  }
0x232: {  	v0 =	vld [tilespmem:s30+$0x0]  }
0x233: {  	v63 =	vperm.xlane v27, v10;
	v50 =	vperm.xlane v27, v13;
	v2 =	vld [tilespmem:s30+$0x80]  }
0x234: {  	v51 =	vperm.xlane v27, v14;
	v52 =	vperm.xlane v27, v15;
	v3 =	vld [tilespmem:s30+$0x100]  }
0x235: {  	v53 =	vperm.xlane v26, v9;
	v54 =	vperm.xlane v26, v10;
	v4 =	vld [tilespmem:s30+$0x180]  }
0x236: {  	v55 =	vperm.xlane v26, v11;
	v56 =	vperm.xlane v26, v12;
	v5 =	vld [tilespmem:s30+$0x200]  }
0x237: {  	v57 =	vperm.xlane v26, v13;
	v38 =	vperm.xlane v27, v9;
	v6 =	vld [tilespmem:s30+$0x280]  }
0x238: {  	v58 =	vperm.xlane v26, v14;
	v59 =	vperm.xlane v26, v15;
	v17 =	vld [tilespmem:s30+$0x300]  }
0x239: {  	v32 =	vperm.xlane v27, v11;
	v31 =	vperm.xlane v27, v12;
	v60 =	vld [tilespmem:s30+$0x380];
	v0 =	vsub.f32 v0, v38  }
0x23a: {  	v26 =	vperm.xlane v26, v16;
	v27 =	vperm.xlane v27, v16;
	v2 =	vsub.f32 v2, v63  }
0x23b: {  	v3 =	vsub.f32 v3, v32;
	v4 =	vsub.f32 v4, v31;
	v0 =	vmul.f32 v0, v53  }
0x23c: {  	v5 =	vsub.f32 v5, v50;
	v6 =	vsub.f32 v6, v51;
	v2 =	vmul.f32 v2, v54  }
0x23d: {  	v17 =	vsub.f32 v17, v52;
	v3 =	vmul.f32 v3, v55;
	v0 =	vmul.f32 v0, v18  }
0x23e: {  	v42 =	vsub.f32 v60, v27;
	v4 =	vmul.f32 v4, v56;
	v2 =	vmul.f32 v2, v18  }
0x23f: {  	v5 =	vmul.f32 v5, v57;
	v3 =	vmul.f32 v3, v18;
	v0 =	vadd.f32 v0, v22  }
0x240: {  	v6 =	vmul.f32 v6, v58;
	v4 =	vmul.f32 v4, v18;
	v2 =	vadd.f32 v2, v22  }
0x241: {  	v17 =	vmul.f32 v17, v59;
	v5 =	vmul.f32 v5, v18;
	v3 =	vadd.f32 v3, v22;
	[tilespmem:s0+$0x0] =	vst v0  }
0x242: {  	v0 =	vadd.f32 v4, v22;
	v4 =	vmul.f32 v6, v18;
	v6 =	vmul.f32 v42, v26;
	[tilespmem:s0+$0x40] =	vst v2  }
0x243: {  	v2 =	vadd.f32 v5, v22;
	v5 =	vmul.f32 v17, v18;
	[tilespmem:s0+$0x80] =	vst v3  }
0x244: {  	v3 =	vadd.f32 v4, v22;
	v4 =	vmul.f32 v6, v18;
	[tilespmem:s0+$0xC0] =	vst v0  }
0x245: {  	v0 =	vadd.f32 v5, v22;
	[tilespmem:s0+$0x100] =	vst v2  }
0x246: {  	v2 =	vadd.f32 v4, v22;
	[tilespmem:s0+$0x140] =	vst v3  }
0x247: {  	[tilespmem:s0+$0x180] =	vst v0  }
0x248: {  	[tilespmem:s0+$0x1C0] =	vst v2  }
0x249: {  	v0 =	vld [tilespmem:s30+$0x10]  }
0x24a: {  	v2 =	vld [tilespmem:s30+$0x90]  }
0x24b: {  	v3 =	vld [tilespmem:s30+$0x110]  }
0x24c: {  	v4 =	vld [tilespmem:s30+$0x190]  }
0x24d: {  	v5 =	vld [tilespmem:s30+$0x210]  }
0x24e: {  	v6 =	vld [tilespmem:s30+$0x290]  }
0x24f: {  	v17 =	vld [tilespmem:s30+$0x310]  }
0x250: {  	v61 =	vld [tilespmem:s30+$0x390];
	v0 =	vsub.f32 v0, v38  }
0x251: {  	v2 =	vsub.f32 v2, v63  }
0x252: {  	v3 =	vsub.f32 v3, v32;
	v4 =	vsub.f32 v4, v31;
	v0 =	vmul.f32 v0, v53  }
0x253: {  	v5 =	vsub.f32 v5, v50;
	v6 =	vsub.f32 v6, v51;
	v2 =	vmul.f32 v2, v54  }
0x254: {  	v17 =	vsub.f32 v17, v52;
	v3 =	vmul.f32 v3, v55;
	v0 =	vmul.f32 v0, v19  }
0x255: {  	v42 =	vsub.f32 v61, v27;
	v4 =	vmul.f32 v4, v56;
	v2 =	vmul.f32 v2, v19  }
0x256: {  	v5 =	vmul.f32 v5, v57;
	v3 =	vmul.f32 v3, v19;
	v0 =	vadd.f32 v0, v23  }
0x257: {  	v6 =	vmul.f32 v6, v58;
	v4 =	vmul.f32 v4, v19;
	v2 =	vadd.f32 v2, v23  }
0x258: {  	v17 =	vmul.f32 v17, v59;
	v5 =	vmul.f32 v5, v19;
	v3 =	vadd.f32 v3, v23;
	[tilespmem:s0+$0x10] =	vst v0  }
0x259: {  	v0 =	vadd.f32 v4, v23;
	v4 =	vmul.f32 v6, v19;
	v6 =	vmul.f32 v42, v26;
	[tilespmem:s0+$0x50] =	vst v2  }
0x25a: {  	v2 =	vadd.f32 v5, v23;
	v5 =	vmul.f32 v17, v19;
	[tilespmem:s0+$0x90] =	vst v3  }
0x25b: {  	v3 =	vadd.f32 v4, v23;
	v4 =	vmul.f32 v6, v19;
	[tilespmem:s0+$0xD0] =	vst v0  }
0x25c: {  	v0 =	vadd.f32 v5, v23;
	[tilespmem:s0+$0x110] =	vst v2  }
0x25d: {  	v2 =	vadd.f32 v4, v23;
	[tilespmem:s0+$0x150] =	vst v3  }
0x25e: {  	[tilespmem:s0+$0x190] =	vst v0  }
0x25f: {  	[tilespmem:s0+$0x1D0] =	vst v2  }
0x260: {  	v0 =	vld [tilespmem:s30+$0x20]  }
0x261: {  	v2 =	vld [tilespmem:s30+$0xA0]  }
0x262: {  	v3 =	vld [tilespmem:s30+$0x120]  }
0x263: {  	v4 =	vld [tilespmem:s30+$0x1A0]  }
0x264: {  	v5 =	vld [tilespmem:s30+$0x220]  }
0x265: {  	v6 =	vld [tilespmem:s30+$0x2A0]  }
0x266: {  	v17 =	vld [tilespmem:s30+$0x320]  }
0x267: {  	v62 =	vld [tilespmem:s30+$0x3A0];
	v0 =	vsub.f32 v0, v38  }
0x268: {  	v2 =	vsub.f32 v2, v63  }
0x269: {  	v3 =	vsub.f32 v3, v32;
	v4 =	vsub.f32 v4, v31;
	v0 =	vmul.f32 v0, v53  }
0x26a: {  	v5 =	vsub.f32 v5, v50;
	v6 =	vsub.f32 v6, v51;
	v2 =	vmul.f32 v2, v54  }
0x26b: {  	v17 =	vsub.f32 v17, v52;
	v3 =	vmul.f32 v3, v55;
	v0 =	vmul.f32 v0, v20  }
0x26c: {  	v42 =	vsub.f32 v62, v27;
	v4 =	vmul.f32 v4, v56;
	v2 =	vmul.f32 v2, v20  }
0x26d: {  	v5 =	vmul.f32 v5, v57;
	v3 =	vmul.f32 v3, v20;
	v0 =	vadd.f32 v0, v24  }
0x26e: {  	v6 =	vmul.f32 v6, v58;
	v4 =	vmul.f32 v4, v20;
	v2 =	vadd.f32 v2, v24  }
0x26f: {  	v17 =	vmul.f32 v17, v59;
	v5 =	vmul.f32 v5, v20;
	v3 =	vadd.f32 v3, v24;
	[tilespmem:s0+$0x20] =	vst v0  }
0x270: {  	v0 =	vadd.f32 v4, v24;
	v4 =	vmul.f32 v6, v20;
	v6 =	vmul.f32 v42, v26;
	[tilespmem:s0+$0x60] =	vst v2  }
0x271: {  	v2 =	vadd.f32 v5, v24;
	v5 =	vmul.f32 v17, v20;
	[tilespmem:s0+$0xA0] =	vst v3  }
0x272: {  	v3 =	vadd.f32 v4, v24;
	v4 =	vmul.f32 v6, v20;
	[tilespmem:s0+$0xE0] =	vst v0  }
0x273: {  	v0 =	vadd.f32 v5, v24;
	[tilespmem:s0+$0x120] =	vst v2  }
0x274: {  	v2 =	vadd.f32 v4, v24;
	[tilespmem:s0+$0x160] =	vst v3  }
0x275: {  	[tilespmem:s0+$0x1A0] =	vst v0  }
0x276: {  	[tilespmem:s0+$0x1E0] =	vst v2  }
0x277: {  	v0 =	vld [tilespmem:s30+$0x30]  }
0x278: {  	v2 =	vld [tilespmem:s30+$0xB0]  }
0x279: {  	v3 =	vld [tilespmem:s30+$0x130]  }
0x27a: {  	v4 =	vld [tilespmem:s30+$0x1B0]  }
0x27b: {  	v5 =	vld [tilespmem:s30+$0x230]  }
0x27c: {  	v6 =	vld [tilespmem:s30+$0x2B0]  }
0x27d: {  	v17 =	vld [tilespmem:s30+$0x330];
	v0 =	vsub.f32 v0, v38  }
0x27e: {  	v2 =	vsub.f32 v2, v63;
	v3 =	vsub.f32 v3, v32  }
0x27f: {  	v63 =	vld [tilespmem:s30+$0x3B0];
	v4 =	vsub.f32 v4, v31;
	v0 =	vmul.f32 v0, v53  }
0x280: {  	v5 =	vsub.f32 v5, v50;
	v2 =	vmul.f32 v2, v54;
	v3 =	vmul.f32 v3, v55  }
0x281: {  	v6 =	vsub.f32 v6, v51;
	v4 =	vmul.f32 v4, v56;
	v0 =	vmul.f32 v0, v21  }
0x282: {  	v17 =	vsub.f32 v17, v52;
	v5 =	vmul.f32 v5, v57;
	v2 =	vmul.f32 v2, v21  }
0x283: {  	v6 =	vmul.f32 v6, v58;
	v3 =	vmul.f32 v3, v21;
	v0 =	vadd.f32 v0, v25  }
0x284: {  	v4 =	vmul.f32 v4, v21;
	v27 =	vsub.f32 v63, v27;
	v2 =	vadd.f32 v2, v25  }
0x285: {  	v17 =	vmul.f32 v17, v59;
	v5 =	vmul.f32 v5, v21;
	v3 =	vadd.f32 v3, v25;
	[tilespmem:s0+$0x30] =	vst v0  }
0x286: {  	v0 =	vadd.f32 v4, v25;
	v4 =	vmul.f32 v6, v21;
	v6 =	vmul.f32 v27, v26;
	[tilespmem:s0+$0x70] =	vst v2  }
0x287: {  	p0 =	sne.s32 s29, $0x3C0;
	v2 =	vadd.f32 v5, v25;
	v5 =	vmul.f32 v17, v21;
	[tilespmem:s0+$0xB0] =	vst v3  }
.Ltmp5:
0x288: {  	v3 =	vadd.f32 v4, v25;
	v4 =	vmul.f32 v6, v21;
	[tilespmem:s0+$0xF0] =	vst v0;
	(pc) =	sbr.rel @p0 .LBB2_13-.Ltmp5, $4  }
0x289: {  	v0 =	vadd.f32 v5, v25;
	[tilespmem:s0+$0x130] =	vst v2  }
0x28a: {  	v2 =	vadd.f32 v4, v25;
	[tilespmem:s0+$0x170] =	vst v3  }
0x28b: {  	[tilespmem:s0+$0x1B0] =	vst v0  }
0x28c: {  	s29 =	sadd.s32 $0x40, s29;
	s30 =	sadd.s32 $0x800, s30;
	[tilespmem:s0+$0x1F0] =	vst v2;
	s0 =	sadd.s32 $0x400, s0  }
0x28d: {  	s26 =	sadd.s32 $0x1, s26  }
0x28e: {  	p0 =	sne.s32 s26, $0x32  }
.Ltmp6:
0x28f: {  	s0 =	sshll.u32 s28, $0xF;
	(pc) =	sbr.rel @p0 .LBB2_2-.Ltmp6, $4  }
0x290: {  	s0 =	sadd.s32 s9, s0  }
0x291: {  	s0 =	sshrl.u32 s0, $0x3  }
0x292: {  	s0 =	sadd.s32 s7, s0  }
0x293: {  	[hbm4b:s0+s21] =	stream.strided.scatter [tilespmem:s22], [sflag:$0x3], $0x4000, s15, s21, $0x38;
	[tilespmem:$0x1D8C0] =	vst v63  }
0x294: {  	s25 =	sadd.s32 $0x1, s25  }
0x295: {  	p0 =	sne.s32 s25, s10  }
.Ltmp7:
0x296: {  	_ = 	snop;
	(pc) =	sbr.rel @p0 .LBB2_1-.Ltmp7, $4  }
0x297: {  	_ = 	snop  }
0x298: {  	_ =	swait.ge [sflag:s24], $0x4000  }
0x299: {  	[sflag:s24] =	ssyncset.done $0x0  }
0x29a: {  	[sflag:s24] =	ssyncadd.s32 $0xFFFFC000  }
0x29b: {  	_ =	sfence.sel $0x180000  }
0x29c: {  	[bflag:$0x0] =	sbarrier.arrive $0xFFFF  }
0x29d: {  	_ =	strace $0x90000047  }
0x29e: {  	s0 =	stileid.u32;
	[bflag:$0x2] =	sbarrier.arrive $0xFFFF  }
0x29f: {  	p0 =	sne.s32 s0, $0x0;
	s0 =	rddreg [dreg:$0x4]  }
0x2a0: {  	s0 =	sadd.s32 @!p0 $0x100000, s0  }
0x2a1: {  	[sflag:s0] =	ssyncadd.tile.s32 @!p0 $0x1;
	_ =	shalt  }
.Lfunc_end2:
_tile_overlayer_lowered:
.L_overlay_start_2:
0x2a2: {  	(tag) =	ssettag $0x2  }
0x2a3: {  	s0 =	rddreg [dreg:$0x0];
	s2 =	stileid.u32  }
0x2a4: {  	s1 =	rddreg [dreg:$0x1];
	p0 =	sne.s32 s2, $0x0  }
0x2a5: {  	s3 =	rddreg [dreg:$0x2];
	[bflag:$0x3] =	sbarrier.arrive $0xFFFF;
	s2 =	simm.s32 @!p0 $0x1C04  }
0x2a6: {  	[timem:s3], [sflag:s2] =	dma.local @!p0 [hbm:s0], s1  }
0x2a7: {  	s0 =	simm.s32 @!p0 $0x4  }
0x2a8: {  	_ =	swait.ge @!p0 [sflag:s0], s1  }
0x2a9: {  	s1 =	ssub.s32 @!p0 $0x0, s1;
	[sflag:s0] =	ssyncset.done @!p0 $0x0  }
0x2aa: {  	[sflag:s0] =	ssyncadd.s32 @!p0 s1  }
0x2ab: {  	[bflag:$0x3] =	sbarrier.arrive $0xFFFF  }
0x2ac: {  	_ =	shalt  }

// kernel: sparse-core-data-format-call.cloned.1.call-start
scs
called_computation_lowered:
.L_overlay_start_0:
0x0: {  	s2 =	sld [smem:$0x3FD9]  }
0x1: {  	s3 =	sld [smem:$0x3FFE];
	_ =	sdelay $0x1  }
0x2: {  	s1 =	srdreg.scid  }
0x3: {  	s0 =	sand.u32 $0x1, s1  }
0x4: {  	s18 =	sshll.u32 s0, $0xA;
	s2 =	sadd.s32 s3, s2  }
0x5: {  	s2 =	sadd.s32 s2, s18  }
0x6: {  	[smem:$0x3FC2] =	sst s2  }
0x7: {  	_ = 	snop  }
0x8: {  	s2 =	sld [smem:$0x3FD0];
	(tm) =	ssettm $0x1  }
0x9: {  	s19 =	sld [smem:$0x3FFB];
	_ =	sdelay $0x3  }
0xa: {  	_ =	strace s19  }
0xb: {  	s3 =	sld [smem:$0x3FFC];
	_ =	sdelay $0x3  }
0xc: {  	_ =	strace s3  }
0xd: {  	s3 =	sld [smem:$0x3FFD];
	_ =	sdelay $0x3  }
0xe: {  	_ =	strace s3  }
0xf: {  	_ =	strace $0x8FFFFFFF  }
0x10: {  	s20 =	sld [smem:$0x3FDB];
	_ =	sdelay $0x1  }
0x11: {  	s4 =	simm.s32 $_scs_section_size  }
0x12: {  	s5 =	simm.s32 $_size__tile_overlayer_lowered;
	s6 =	simm.s32 $_tile_overlayer_lowered  }
0x13: {  	s23 =	simm.s32 $0x1BFF;
	s22 =	sshll.u32 s6, $0x1;
	s3 =	sadd.s32 s4, s20  }
0x14: {  	s7 =	simm.s32 $0x0;
	s21 =	sshll.u32 s5, $0x1;
	s5 =	sadd.s32 s22, s3  }
0x15: {  	[timem:s7], [sflag:s23] =	dma.local [hbm:s5], s21  }
0x16: {  	_ =	swait.ge [sflag:s23], s21  }
0x17: {  	s4 =	ssub.s32 $0x0, s21;
	[sflag:s23] =	ssyncset.done $0x0  }
0x18: {  	[sflag:s23] =	ssyncadd.s32 s4;
	_ =	sdelay $0x1  }
0x19: {  	s24 =	simm.s32 $0x1B8B  }
0x1a: {  	_ =	swait.ge [sflag:s24], $0x1  }
0x1b: {  	[sflag:s24] =	ssyncset.done $0x0  }
0x1c: {  	s26 =	simm.s32 $0x1B8E;
	s25 =	sld [smem:$0x3FFE];
	[sflag:s24] =	ssyncadd.s32 $0xFFFFFFFF  }
0x1d: {  	s27 =	simm.s32 $execute0_lowered;
	[smem:$0x3FD2] =	sst s26  }
0x1e: {  	s5 =	sshll.u32 s27, $0x1;
	_ =	strace $0x80000049;
	[dreg:$0x1] =	wrdreg $0xFFFFFFFF  }
0x1f: {  	s28 =	simm.s32 $_size_execute0_lowered;
	s3 =	sadd.s32 s3, s5;
	[dreg:$0x0] =	wrdreg $0x0  }
0x20: {  	s5 =	sshll.u32 s28, $0x1;
	[dreg:$0x2] =	wrdreg s3  }
0x21: {  	[dreg:$0x3] =	wrdreg s5  }
0x22: {  	[dreg:$0x4] =	wrdreg $0xC0  }
0x23: {  	_ =	task [dreg:s7], $0x5FFFF  }
0x24: {  	[dreg:$0x1] =	wrdreg $0xFFFFFFFF  }
0x25: {  	[dreg:$0x0] =	wrdreg $0x60  }
0x26: {  	[dreg:$0x2] =	wrdreg s25  }
0x27: {  	[dreg:$0x3] =	wrdreg s2  }
0x28: {  	[dreg:$0x4] =	wrdreg $0x9  }
0x29: {  	_ =	task.clear_ibuf [dreg:s7], $0x5FFFF;
	_ =	strace $0x90000049  }
0x2a: {  	s29 =	simm.s32 $0x9;
	_ =	strace $0x8000004B  }
0x2b: {  	_ =	swait.ge [sflag:s29], $0x1  }
0x2c: {  	[sflag:s29] =	ssyncadd.s32 $0xFFFFFFFF  }
0x2d: {  	_ =	strace $0x9000004B  }
0x2e: {  	_ =	sfence  }
0x2f: {  	s30 =	sld [smem:$0x0];
	_ =	sdelay $0x2  }
0x30: {  	s31 =	sshll.u32 s1, $0xD;
	s1 =	sshrl.u32 s1, $0x2  }
0x31: {  	s3 =	sand.u32 $0x4000, s31;
	s1 =	sadd.s32 s1, s30  }
0x32: {  	s0 =	sor.u32 s3, s0;
	s1 =	sshll.u32 s1, $0x11  }
0x33: {  	s0 =	sor.u32 s1, s0  }
0x34: {  	s0 =	sadd.s32 $0x8F2B, s0  }
0x35: {  	[sflag:s0] =	ssyncadd.remote.s32 $0x1  }
0x36: {  	_ =	sfence.sel $0xFFFF  }
0x37: {  	[dreg:$0x0] =	wrdreg $0xFFFFFFFF;
	(pc) =	sbr.abs _section_cstart, $3  }
0x38: {  	[dreg:$0x1] =	wrdreg $0xFFFFFFFF  }
0x39: {  	_ =	task.clear_ibuf [dreg:s7], $0x2FFFF;
	_ =	strace $0x9FFFFFFF  }
0x3a: {  	(tm) =	ssettm $0x7FFFFFFF  }
0x3b: {  	_ =	shalt  }
tec
execute0_lowered:
.L_overlay_start_1:
0x0: {  	(tag) =	ssettag $0x1  }
0x1: {  	s0 =	srdreg.scid  }
0x2: {  	s1 =	sshll.u32 s0, $0x4  }
0x3: {  	s0 =	stileid.u32;
	s1 =	sand.u32 $0x10, s1  }
0x4: {  	s1 =	sor.u32 s0, s1  }
0x5: {  	s6 =	rddreg [dreg:$0x0];
	s4 =	simm.s32 $0x1;
	s2 =	sshll.u32 s1, $0x7  }
0x6: {  	s7 =	simm.s32 $0x2;
	s12 =	simm.s32 $0x0;
	s1 =	ssub.s32 $0x1000, s2  }
0x7: {  	s8 =	simm.s32 $0x8000;
	s13 =	simm.s32 $0x0;
	s3 =	sand.u32 $0xF80, s1  }
0x8: {  	s9 =	simm.s32 $0x0;
	s5 =	sshrl.u32 s1, $0xC;
	p0 =	sne.s32 s3, $0x0  }
.Ltmp0:
0x9: {  	s1 =	rddreg [dreg:$0x2];
	s4 =	simm.s32 @!p0 $0x0;
	(pc) =	sbr.rel .LBB1_1-.Ltmp0, $4  }
0xa: {  	s11 =	simm.s32 $0x0;
	s3 =	rddreg [dreg:$0x1];
	s5 =	sadd.s32 s4, s5  }
0xb: {  	_ =	strace $0x8000004A;
	s4 =	simm.s32 $0x1;
	s5 =	smul.u32 $0xC8, s5  }
0xc: {  	s6 =	sadd.s32 $0x1400, s6;
	s10 =	smov.u32 s2;
	[sflag:s4] =	ssyncpa.u1 $0x0  }
0xd: {  	p0 =	por $0x0, $0x0;
	[sflag:s7] =	ssyncpa.u1 $0x0;
	s7 =	sor.u32 $0x1, s5  }
.LBB1_4:
0xe: {  	s16 =	sshll.u32 s13, $0x3;
	s17 =	sand.u32 $0x78, s13  }
0xf: {  	s30 =	sand.u32 $0x7E00, s13;
	s12 =	sshll.u32 s12, $0xF;
	s16 =	sand.u32 $0xC00, s16  }
0x10: {  	[tilespmem:s15+$0x810 ss:$0x81] =	vst.msk $0xffff, v2;
	s31 =	sand.u32 $0x7, s13;
	s16 =	sor.u32 s17, s16;
	s17 =	sadd.s32 s3, s30  }
0x11: {  	[tilespmem:s15+$0x1020 ss:$0x81] =	vst.msk $0xffff, v0;
	s13 =	sshll.u32 s31, $0x12;
	s12 =	sadd.s32 s12, s17;
	s16 =	sshrl.u32 s16, $0x3  }
0x12: {  	[tilespmem:s15+$0x0 ss:$0x81] =	vst.msk $0xffff, v1;
	s13 =	sor.u32 $0x400, s13;
	s12 =	sadd.s32 s16, s12  }
0x13: {  	[hbm4b:s12+s13] =	stream.strided.scatter [tilespmem:s14], [sflag:$0x2], $0x2000, s8, s13, $0x20;
	[tilespmem:$0x8080] =	vst v63  }
.LBB1_5:
0x14: {  	s14 =	sadd.s32 $0x1, s9  }
0x15: {  	s12 =	sadd.s32 $0x1000, s10;
	s16 =	smov.u32 s10;
	p2 =	sgt.s32 s14, $0xC7  }
0x16: {  	s16 =	smov.u32 @p2 s12  }
0x17: {  	s14 =	simm.s32 @p2 $0x0;
	p2 =	sgt.s32 s16, $0xFFF  }
0x18: {  	s16 =	smov.u32 @p2 s2;
	p2 =	sne.s32 s11, s7  }
.Ltmp1:
0x19: {  	p1 =	slt.u32 s11, $0x2;
	(pc) =	sbr.rel @!p2 .LBB1_6-.Ltmp1, $4  }
0x1a: {  	s15 =	simm.s32 @!p1 $0x2  }
0x1b: {  	s13 =	smov.u32 s10;
	p0 =	por !p0, !p0;
	_ =	swait.ge @!p1 [sflag:s15], $0x2000  }
0x1c: {  	s12 =	smov.u32 s9;
	[sflag:s15] =	ssyncset.done @!p1 $0x0;
	s9 =	smov.u32 s14  }
0x1d: {  	s11 =	sadd.s32 $0x1, s11;
	[sflag:s15] =	ssyncadd.s32 @!p1 $0xFFFFE000;
	s10 =	smov.u32 s16  }
.LBB1_1:
0x1e: {  	p1 =	sge.u32 s11, s5  }
0x1f: {  	s14 =	sand.u32 @!p1 $0x1FFFFFF, s9  }
0x20: {  	s15 =	smulhi.u32 @!p1 $0x147AE15, s14;
	_ =	sdelay $0x1  }
0x21: {  	s15 =	smul.u32 @!p1 $0xC8, s15  }
0x22: {  	s16 =	sxor.u32 @!p1 $0xFFFFFFFF, s11;
	s17 =	smul.u32 @!p1 $0xC80, s10  }
0x23: {  	s31 =	sadd.s32 $0xFFFFFFFF, s11;
	s16 =	sshll.u32 @!p1 s16, $0xD;
	s14 =	ssub.s32 @!p1 s14, s15  }
0x24: {  	s15 =	sand.u32 @!p1 $0x2000, s16;
	s16 =	sadd.s32 @!p1 s6, s17;
	s14 =	sshll.u32 @!p1 s14, $0x4  }
0x25: {  	s17 =	simm.s32 @!p1 $0x6400;
	s14 =	sadd.s32 @!p1 s14, s16;
	s16 =	simm.s32 @!p1 $0x40  }
0x26: {  	[tilespmem:s15], [sflag:$0x1] =	stream.strided.gather @!p1 [hbm4b:s14+s16], $0x2000, s17, s16, $0x38;
	[tilespmem:$0x8080] =	vst v63  }
0x27: {  	p1 =	sge.u32 s31, s5  }
.Ltmp2:
0x28: {  	_ = 	snop;
	(pc) =	sbr.rel @p1 .LBB1_5-.Ltmp2, $1  }
0x29: {  	_ =	sdelay $0x3  }
0x2a: {  	s14 =	simm.s32 $0x1  }
0x2b: {  	_ =	swait.ge [sflag:s4], $0x2000;
	s14 =	simm.s32 @!p0 $0x0  }
0x2c: {  	[sflag:s4] =	ssyncset.done $0x0;
	s15 =	sshll.u32 s14, $0xD  }
0x2d: {  	[sflag:s4] =	ssyncadd.s32 $0xFFFFE000;
	s18 =	sor.u32 $0x20, s15  }
0x2e: {  	s14 =	smul.u32 $0x8100, s14;
	v3 =	vld [tilespmem:s18+$0x10]  }
0x2f: {  	s30 =	sand.u32 $0x1, s11;
	v2 =	vld [tilespmem:s18+$0xFFFFFFF0]  }
0x30: {  	s15 =	smul.u32 $0x8100, s30;
	s14 =	sshrl.u32 s14, $0x2;
	v0 =	vld [tilespmem:s18+$0x0]  }
0x31: {  	v1 =	vld [tilespmem:s18+$0xFFFFFFE0];
	s16 =	sor.u32 $0x4000, s14  }
0x32: {  	s31 =	sshrl.u32 s15, $0x2;
	s15 =	sadd.s32 $0x0, s16  }
0x33: {  	s17 =	simm.s32 $0x4;
	s18 =	sadd.s32 $0x40, s18;
	s14 =	sor.u32 $0x4000, s31;
	[tilespmem:s15+$0x1830 ss:$0x81] =	vst.msk $0xffff, v3  }
.LBB1_3:
0x34: {  	v3 =	vld [tilespmem:s18+$0x10];
	p1 =	sne.s32 s17, $0x1FC;
	[tilespmem:s15+$0x810 ss:$0x81] =	vst.msk $0xffff, v2;
	s19 =	smov.u32 s17;
	s17 =	sadd.s32 $0x4, s17  }
.Ltmp3:
0x35: {  	v2 =	vld [tilespmem:s18+$0xFFFFFFF0];
	[tilespmem:s15+$0x1020 ss:$0x81] =	vst.msk $0xffff, v0;
	(pc) =	sbr.rel @p1 .LBB1_3-.Ltmp3, $4  }
0x36: {  	v0 =	vld [tilespmem:s18+$0x0];
	[tilespmem:s15+$0x0 ss:$0x81] =	vst.msk $0xffff, v1  }
0x37: {  	s15 =	sshra.s32 s19, $0x2;
	v1 =	vld [tilespmem:s18+$0xFFFFFFE0]  }
0x38: {  	s15 =	sadd.s32 s15, s16  }
0x39: {  	s18 =	sadd.s32 $0x40, s18;
	[tilespmem:s15+$0x1830 ss:$0x81] =	vst.msk $0xffff, v3  }
.Ltmp4:
0x3a: {  	_ = 	snop;
	(pc) =	sbr.rel .LBB1_4-.Ltmp4, $1  }
0x3b: {  	_ =	sdelay $0x3  }
.LBB1_6:
0x3c: {  	_ =	sfence.sel $0x180000  }
0x3d: {  	s2 =	simm.s32 $0x1;
	[bflag:$0x0] =	sbarrier.arrive $0xFFFF  }
0x3e: {  	s31 =	simm.s32 $0x2;
	[sflag:s2] =	ssyncpa.u1 $0x1  }
0x3f: {  	[sflag:s31] =	ssyncpa.u1 $0x1  }
0x40: {  	p0 =	sne.s32 s0, $0x0;
	_ =	strace $0x9000004A  }
0x41: {  	s0 =	sadd.s32 @!p0 $0x100000, s1;
	[bflag:$0x2] =	sbarrier.arrive $0xFFFF  }
0x42: {  	[sflag:s0] =	ssyncadd.tile.s32 @!p0 $0x1;
	_ =	shalt  }
.Lfunc_end1:
_tile_overlayer_lowered:
.L_overlay_start_2:
0x43: {  	(tag) =	ssettag $0x2  }
0x44: {  	s0 =	rddreg [dreg:$0x0];
	s2 =	stileid.u32  }
0x45: {  	s1 =	rddreg [dreg:$0x1];
	p0 =	sne.s32 s2, $0x0  }
0x46: {  	s3 =	rddreg [dreg:$0x2];
	[bflag:$0x3] =	sbarrier.arrive $0xFFFF;
	s2 =	simm.s32 @!p0 $0x1C01  }
0x47: {  	[timem:s3], [sflag:s2] =	dma.local @!p0 [hbm:s0], s1  }
0x48: {  	s0 =	simm.s32 @!p0 $0x1  }
0x49: {  	_ =	swait.ge @!p0 [sflag:s0], s1  }
0x4a: {  	s1 =	ssub.s32 @!p0 $0x0, s1;
	[sflag:s0] =	ssyncset.done @!p0 $0x0  }
0x4b: {  	[sflag:s0] =	ssyncadd.s32 @!p0 s1  }
0x4c: {  	[bflag:$0x3] =	sbarrier.arrive $0xFFFF  }
0x4d: {  	_ =	shalt  }

</sc_bundles>
